<compile_context>
chip_gen: v7x
topology: tpu7x:2x2x1
jax: 0.10.2.dev20260603
libtpu: 0.0.44.dev20260713+nightly
codegen_flags: <defaults>
</compile_context>

<pallas_src>
import jax
import jax.numpy as jnp
from jax import lax
from jax.experimental import pallas as pl
from jax.experimental.pallas import tpu as pltpu
from jax.experimental.pallas import tpu_sc as plsc

N = 10000
F_IN = 256
H1 = 32
E = 160000
NUM_PROTS = 100

NC = 2
NS = 16
NW = NC * NS
NPAD = 10240
SLICE = NPAD // NS
EPW = 5120
EPAD = NW * EPW
CH = 128
K = EPW // CH
NBL = 5
GRP = K // NBL
RB = 1000



def _sc_deg_body(dst_hbm, zeros_hbm, out_hbm, dstb_v, acc_v, tmp_v, part_s):
    c = lax.axis_index("c")
    s = lax.axis_index("s")
    wid = s * NC + c
    pltpu.sync_copy(dst_hbm.at[wid], dstb_v)
    pltpu.sync_copy(zeros_hbm, acc_v)
    ones = jnp.ones((16,), jnp.float32)

    def step(i, carry):
        d = dstb_v[pl.ds(i * 16, 16)]
        plsc.addupdate_scatter(acc_v, [d], ones)
        return carry

    lax.fori_loop(0, EPW // 16, step, 0)
    pltpu.sync_copy(acc_v, part_s.at[s])
    plsc.subcore_barrier()
    for k2 in range(NS):
        pltpu.sync_copy(part_s.at[k2, pl.ds(s * SLICE, SLICE)],
                        tmp_v.at[pl.ds(k2 * SLICE, SLICE)])

    def csum(j, carry):
        o = j * 16
        v = tmp_v[pl.ds(o, 16)]
        for k2 in range(1, NS):
            v = v + tmp_v[pl.ds(k2 * SLICE + o, 16)]
        acc_v[pl.ds(o, 16)] = v
        return carry

    lax.fori_loop(0, SLICE // 16, csum, 0)
    pltpu.sync_copy(acc_v.at[pl.ds(0, SLICE)], out_hbm.at[c, pl.ds(s * SLICE, SLICE)])


def _sc_l2_body(src_hbm, dst_hbm, g2_hbm, zeros_hbm, out_hbm,
                srcb_v, dstb_v, g2_v, acc_v, tmp_v, part_s):
    c = lax.axis_index("c")
    s = lax.axis_index("s")
    wid = s * NC + c
    pltpu.sync_copy(src_hbm.at[wid], srcb_v)
    pltpu.sync_copy(dst_hbm.at[wid], dstb_v)
    pltpu.sync_copy(g2_hbm, g2_v)
    pltpu.sync_copy(zeros_hbm, acc_v)

    def step(i, carry):
        sv = srcb_v[pl.ds(i * 16, 16)]
        d = dstb_v[pl.ds(i * 16, 16)]
        v = plsc.load_gather(g2_v, [sv])
        plsc.addupdate_scatter(acc_v, [d], v)
        return carry

    lax.fori_loop(0, EPW // 16, step, 0)
    pltpu.sync_copy(acc_v, part_s.at[s])
    plsc.subcore_barrier()
    for k2 in range(NS):
        pltpu.sync_copy(part_s.at[k2, pl.ds(s * SLICE, SLICE)],
                        tmp_v.at[pl.ds(k2 * SLICE, SLICE)])

    def csum(j, carry):
        o = j * 16
        v = tmp_v[pl.ds(o, 16)]
        for k2 in range(1, NS):
            v = v + tmp_v[pl.ds(k2 * SLICE + o, 16)]
        acc_v[pl.ds(o, 16)] = v
        return carry

    lax.fori_loop(0, SLICE // 16, csum, 0)
    pltpu.sync_copy(acc_v.at[pl.ds(0, SLICE)], out_hbm.at[c, pl.ds(s * SLICE, SLICE)])


def _sc_edge_body(tab_hbm, src_hbm, dst_hbm, zeros_hbm, out_hbm,
                  srcb, dstb, rows, stage, acc_s, tab_s, semA, semB):
    c = lax.axis_index("c")
    s = lax.axis_index("s")
    wid = s * NC + c
    pltpu.sync_copy(src_hbm.at[wid], srcb)
    pltpu.sync_copy(dst_hbm.at[wid], dstb)
    pltpu.sync_copy(tab_hbm.at[pl.ds(s * SLICE, SLICE)], stage)
    pltpu.sync_copy(stage, tab_s.at[pl.ds(s * SLICE, SLICE)])
    pltpu.sync_copy(zeros_hbm, stage)
    pltpu.sync_copy(stage, acc_s.at[pl.ds(s * SLICE, SLICE)])
    plsc.subcore_barrier()

    def issue(g, half, sem):
        base = g * NBL
        for b in range(NBL):
            pltpu.async_copy(tab_s.at[srcb.at[base + b]], rows.at[half, b], sem)

    def wait_n(half, sem):
        for b in range(NBL):
            pltpu.make_async_copy(tab_hbm.at[srcb.at[0]], rows.at[half, b], sem).wait()

    def scat(g, half):
        base = g * NBL
        for b in range(NBL):
            pltpu.sync_copy(rows.at[half, b], acc_s.at[dstb.at[base + b]], add=True)

    issue(0, 0, semA)

    def dbl(gg, carry):
        g0 = 2 * gg
        issue(g0 + 1, 1, semB)
        wait_n(0, semA)
        scat(g0, 0)

        @pl.when(g0 + 2 < GRP)
        def _():
            issue(g0 + 2, 0, semA)

        wait_n(1, semB)
        scat(g0 + 1, 1)
        return carry

    lax.fori_loop(0, GRP // 2, dbl, 0)
    plsc.subcore_barrier()
    pltpu.sync_copy(acc_s.at[pl.ds(s * SLICE, SLICE)], stage)
    pltpu.sync_copy(stage, out_hbm.at[c, pl.ds(s * SLICE, SLICE)])



def _tc_b0_body(x_ref, w_ref, h_ref):
    h_ref[...] = jnp.dot(x_ref[...], w_ref[...], preferred_element_type=jnp.float32)


def _tc_b1_body(h_ref, degp_ref, vmask_ref, g1_ref, dinv_ref):
    deg = degp_ref[0] + degp_ref[1]
    dinv = jnp.where(deg > 0.0, lax.rsqrt(deg), 0.0) * vmask_ref[...]
    g1_ref[...] = h_ref[...] * dinv[:, None]
    dinv_ref[...] = dinv


def _tc_d_body(p_ref, dinv_ref, b1_ref, w3_ref, g2_ref):
    acc = p_ref[0] + p_ref[1]
    dinv = dinv_ref[...]
    h = jnp.maximum(acc * dinv[:, None] + b1_ref[...], 0.0)
    g2_ref[...] = dinv * jnp.sum(h * w3_ref[...], axis=1)


def _tc_f_body(q_ref, dinv_ref, b3_ref, out_ref):
    out_ref[...] = dinv_ref[...] * (q_ref[0, :] + q_ref[1, :]) + b3_ref[...]



def kernel(x, edge_index, batch, edge_attr, W1, b1, W3, b3):
    f32 = jnp.float32
    src = edge_index[0]
    dst = edge_index[1]
    pad_e = EPAD - E
    srcp = jnp.concatenate([src, jnp.full((pad_e,), N, jnp.int32)])
    dstp = jnp.concatenate([dst, jnp.full((pad_e,), N, jnp.int32)])
    src2 = srcp.reshape(NW, EPW)
    dst2 = dstp.reshape(NW, EPW)
    src3 = srcp.reshape(NW, K, CH)
    dst3 = dstp.reshape(NW, K, CH)
    vmask = jnp.zeros((NPAD,), f32).at[:N].set(1.0)
    zeros_n = jnp.zeros((NPAD,), f32)
    zeros_h1 = jnp.zeros((SLICE, H1), f32)

    mesh = plsc.VectorSubcoreMesh(core_axis_name="c", subcore_axis_name="s")
    sc_params = pltpu.CompilerParams(use_tc_tiling_on_sc=False, needs_layout_passes=False)

    degp = pl.kernel(
        _sc_deg_body,
        out_type=jax.ShapeDtypeStruct((NC, NPAD), f32),
        mesh=mesh,
        compiler_params=sc_params,
        scratch_types=[
            pltpu.VMEM((EPW,), jnp.int32),
            pltpu.VMEM((NPAD,), f32),
            pltpu.VMEM((NS * SLICE,), f32),
            pltpu.VMEM_SHARED((NS, NPAD), f32),
        ],
    )(dst2, zeros_n)

    h1 = pl.pallas_call(
        _tc_b0_body,
        grid=(N // RB,),
        in_specs=[
            pl.BlockSpec((RB, F_IN), lambda i: (i, 0)),
            pl.BlockSpec((F_IN, H1), lambda i: (0, 0)),
        ],
        out_specs=pl.BlockSpec((RB, H1), lambda i: (i, 0)),
        out_shape=jax.ShapeDtypeStruct((N, H1), f32),
    )(x, W1)

    h1p = jnp.pad(h1, ((0, NPAD - N), (0, 0)))
    g1, dinv = pl.pallas_call(
        _tc_b1_body,
        in_specs=[
            pl.BlockSpec((NPAD, H1), lambda: (0, 0)),
            pl.BlockSpec((NC, NPAD), lambda: (0, 0)),
            pl.BlockSpec((NPAD,), lambda: (0,)),
        ],
        out_specs=[
            pl.BlockSpec((NPAD, H1), lambda: (0, 0)),
            pl.BlockSpec((NPAD,), lambda: (0,)),
        ],
        out_shape=[
            jax.ShapeDtypeStruct((NPAD, H1), f32),
            jax.ShapeDtypeStruct((NPAD,), f32),
        ],
    )(h1p, degp, vmask)

    p = pl.kernel(
        _sc_edge_body,
        out_type=jax.ShapeDtypeStruct((NC, NPAD, H1), f32),
        mesh=mesh,
        compiler_params=sc_params,
        scratch_types=[
            pltpu.VMEM((K, CH), jnp.int32),
            pltpu.VMEM((K, CH), jnp.int32),
            pltpu.VMEM((2, NBL, CH, H1), f32),
            pltpu.VMEM((SLICE, H1), f32),
            pltpu.VMEM_SHARED((NPAD, H1), f32),
            pltpu.VMEM_SHARED((NPAD, H1), f32),
            pltpu.SemaphoreType.DMA,
            pltpu.SemaphoreType.DMA,
        ],
    )(g1, src3, dst3, zeros_h1)

    g2 = pl.pallas_call(
        _tc_d_body,
        out_shape=jax.ShapeDtypeStruct((NPAD,), f32),
    )(p, dinv, b1.reshape(1, H1), W3.reshape(1, H1))

    q = pl.kernel(
        _sc_l2_body,
        out_type=jax.ShapeDtypeStruct((NC, NPAD), f32),
        mesh=mesh,
        compiler_params=sc_params,
        scratch_types=[
            pltpu.VMEM((EPW,), jnp.int32),
            pltpu.VMEM((EPW,), jnp.int32),
            pltpu.VMEM((NPAD,), f32),
            pltpu.VMEM((NPAD,), f32),
            pltpu.VMEM((NS * SLICE,), f32),
            pltpu.VMEM_SHARED((NS, NPAD), f32),
        ],
    )(src2, dst2, g2, zeros_n)

    out_full = pl.pallas_call(
        _tc_f_body,
        out_shape=jax.ShapeDtypeStruct((NPAD,), f32),
    )(q, dinv, jnp.broadcast_to(b3, (NPAD,)))

    return out_full[:N].reshape(-1, NUM_PROTS)

# --- scband reference (transcript-rebuilt; emitter-appended) ---
"""Pipeline reference for scband-quick-template-simple-net-83476984365156 (READ-ONLY COPY).

The authoritative reference and input builder live on the scoring server;
editing this copy changes nothing except your own understanding.
"""

import jax, jax.numpy as jnp
import numpy as np

N = 10000
E = 160000
F_IN = 256
H1 = 32
NUM_PROTS = 100


def setup_inputs(seed: int = 0) -> dict:
    key = jax.random.key(seed)
    ks = jax.random.split(key, 8)
    x = jax.random.normal(ks[0], (N, F_IN), dtype=jnp.float32)
    edge_index = jax.random.randint(ks[1], (2, E), 0, N, dtype=jnp.int32)
    batch = jnp.zeros((N,), dtype=jnp.int32)
    edge_attr = jax.random.normal(ks[2], (E, 16), dtype=jnp.float32)
    W1 = jax.random.normal(ks[3], (F_IN, H1), dtype=jnp.float32) * 0.05
    b1 = jnp.zeros((H1,), dtype=jnp.float32)
    W3 = jax.random.normal(ks[4], (H1, 1), dtype=jnp.float32) * 0.05
    b3 = jnp.zeros((1,), dtype=jnp.float32)
    return {"x": x, "edge_index": edge_index, "batch": batch, "edge_attr": edge_attr,
            "W1": W1, "b1": b1, "W3": W3, "b3": b3}


def _gcn_conv(x, W, b, src, dst, n):
    # PyG GCNConv (cached=False, add_self_loops=False):
    # h = x @ W; symmetric normalization deg^{-1/2}[src]*deg^{-1/2}[dst];
    # out[dst] += norm * h[src]; out += bias
    h = x @ W
    ones = jnp.ones((src.shape[0],), dtype=h.dtype)
    deg = jnp.zeros((n,), dtype=h.dtype).at[dst].add(ones)
    deg_inv_sqrt = jnp.where(deg > 0, 1.0 / jnp.sqrt(jnp.where(deg > 0, deg, 1.0)), 0.0)
    norm = deg_inv_sqrt[src] * deg_inv_sqrt[dst]
    msg = h[src] * norm[:, None]
    out = jnp.zeros_like(h).at[dst].add(msg)
    return out + b


def reference(x, edge_index, batch, edge_attr, W1, b1, W3, b3):
    src = edge_index[0]
    dst = edge_index[1]
    n = x.shape[0]
    h = jax.nn.relu(_gcn_conv(x, W1, b1, src, dst, n))
    h = _gcn_conv(h, W3, b3, src, dst, n)
    return h.reshape(-1, NUM_PROTS)

if __name__ == "__main__":
    import jax
    _d = setup_inputs()
    print(jax.jit(kernel)(*tuple(_d.values())))

</pallas_src>

<mosaic_0001>
#map = affine_map<(d0, d1) -> (0, 0)>
#map1 = affine_map<(d0, d1) -> (0)>
module attributes {stable_mosaic.version = 14 : i64} {
  func.func @_sc_l2_body(%arg0: i32, %arg1: i32, %arg2: memref<32x5120xi32, #tpu.memory_space<hbm>>, %arg3: memref<32x5120xi32, #tpu.memory_space<hbm>>, %arg4: memref<10240xf32, #tpu.memory_space<hbm>>, %arg5: memref<10240xf32, #tpu.memory_space<hbm>>, %arg6: memref<2x10240xf32, #tpu.memory_space<hbm>>, %arg7: memref<5120xi32, #tpu.memory_space<vmem>>, %arg8: memref<5120xi32, #tpu.memory_space<vmem>>, %arg9: memref<10240xf32, #tpu.memory_space<vmem>>, %arg10: memref<10240xf32, #tpu.memory_space<vmem>>, %arg11: memref<10240xf32, #tpu.memory_space<vmem>>, %arg12: memref<16x10240xf32, #tpu.memory_space<vmem_shared>>) attributes {dimension_semantics = [#tpu.dimension_semantics<core_parallel>, #tpu.dimension_semantics<subcore_parallel>], iteration_bounds = array<i64: 2, 16>, scalar_prefetch = 0 : i64, scratch_operands = 6 : i64, tpu.core_type = #tpu.core_type<sc_vector_subcore>, window_params = [{transform_indices = #map}, {transform_indices = #map}, {transform_indices = #map1}, {transform_indices = #map1}, {transform_indices = #map}]} {
    %mul3A = arith.constant 2 : i32
    %mul3A_0 = arith.muli %arg1, %mul3A : i32
    %add3A = arith.addi %mul3A_0, %arg0 : i32
    "tpu.region"() ({
      %run_scoped3A_61 = tpu.sem_alloc : memref<!tpu.dma_semaphore, #tpu.memory_space<semaphore_mem>>
      %dma_start3A = arith.constant 0 : i32
      %dma_start3A_62 = tpu.memref_slice %arg2[%add3A, %dma_start3A] : memref<32x5120xi32, #tpu.memory_space<hbm>> -> memref<1x5120xi32, #tpu.memory_space<hbm>>
      %dma_start3A_63 = tpu.memref_squeeze %dma_start3A_62 : memref<1x5120xi32, #tpu.memory_space<hbm>> -> memref<5120xi32, #tpu.memory_space<hbm>>
      %dma_start3A_64 = arith.constant 0 : i32
      %dma_start3A_65 = tpu.memref_slice %arg2[%add3A, %dma_start3A_64] : memref<32x5120xi32, #tpu.memory_space<hbm>> -> memref<1x5120xi32, #tpu.memory_space<hbm>>
      %dma_start3A_66 = tpu.memref_squeeze %dma_start3A_65 : memref<1x5120xi32, #tpu.memory_space<hbm>> -> memref<5120xi32, #tpu.memory_space<hbm>>
      tpu.enqueue_dma source(%dma_start3A_66 : memref<5120xi32, #tpu.memory_space<hbm>>) target(%arg7 : memref<5120xi32, #tpu.memory_space<vmem>>) target_semaphore(%run_scoped3A_61 : memref<!tpu.dma_semaphore, #tpu.memory_space<semaphore_mem>>)
      %dma_wait3A = arith.constant 0 : i32
      %dma_wait3A_67 = tpu.memref_slice %arg2[%add3A, %dma_wait3A] : memref<32x5120xi32, #tpu.memory_space<hbm>> -> memref<1x5120xi32, #tpu.memory_space<hbm>>
      %dma_wait3A_68 = tpu.memref_squeeze %dma_wait3A_67 : memref<1x5120xi32, #tpu.memory_space<hbm>> -> memref<5120xi32, #tpu.memory_space<hbm>>
      %dma_wait3A_69 = arith.constant 0 : i32
      %dma_wait3A_70 = tpu.memref_slice %arg2[%add3A, %dma_wait3A_69] : memref<32x5120xi32, #tpu.memory_space<hbm>> -> memref<1x5120xi32, #tpu.memory_space<hbm>>
      %dma_wait3A_71 = tpu.memref_squeeze %dma_wait3A_70 : memref<1x5120xi32, #tpu.memory_space<hbm>> -> memref<5120xi32, #tpu.memory_space<hbm>>
      tpu.wait_dma2 semaphore(%run_scoped3A_61 : memref<!tpu.dma_semaphore, #tpu.memory_space<semaphore_mem>>) src(%dma_wait3A_71 : memref<5120xi32, #tpu.memory_space<hbm>>) dst(%arg7 : memref<5120xi32, #tpu.memory_space<vmem>>)
      tpu.yield
    }) : () -> ()
    "tpu.region"() ({
      %run_scoped3A_61 = tpu.sem_alloc : memref<!tpu.dma_semaphore, #tpu.memory_space<semaphore_mem>>
      %dma_start3A = arith.constant 0 : i32
      %dma_start3A_62 = tpu.memref_slice %arg3[%add3A, %dma_start3A] : memref<32x5120xi32, #tpu.memory_space<hbm>> -> memref<1x5120xi32, #tpu.memory_space<hbm>>
      %dma_start3A_63 = tpu.memref_squeeze %dma_start3A_62 : memref<1x5120xi32, #tpu.memory_space<hbm>> -> memref<5120xi32, #tpu.memory_space<hbm>>
      %dma_start3A_64 = arith.constant 0 : i32
      %dma_start3A_65 = tpu.memref_slice %arg3[%add3A, %dma_start3A_64] : memref<32x5120xi32, #tpu.memory_space<hbm>> -> memref<1x5120xi32, #tpu.memory_space<hbm>>
      %dma_start3A_66 = tpu.memref_squeeze %dma_start3A_65 : memref<1x5120xi32, #tpu.memory_space<hbm>> -> memref<5120xi32, #tpu.memory_space<hbm>>
      tpu.enqueue_dma source(%dma_start3A_66 : memref<5120xi32, #tpu.memory_space<hbm>>) target(%arg8 : memref<5120xi32, #tpu.memory_space<vmem>>) target_semaphore(%run_scoped3A_61 : memref<!tpu.dma_semaphore, #tpu.memory_space<semaphore_mem>>)
      %dma_wait3A = arith.constant 0 : i32
      %dma_wait3A_67 = tpu.memref_slice %arg3[%add3A, %dma_wait3A] : memref<32x5120xi32, #tpu.memory_space<hbm>> -> memref<1x5120xi32, #tpu.memory_space<hbm>>
      %dma_wait3A_68 = tpu.memref_squeeze %dma_wait3A_67 : memref<1x5120xi32, #tpu.memory_space<hbm>> -> memref<5120xi32, #tpu.memory_space<hbm>>
      %dma_wait3A_69 = arith.constant 0 : i32
      %dma_wait3A_70 = tpu.memref_slice %arg3[%add3A, %dma_wait3A_69] : memref<32x5120xi32, #tpu.memory_space<hbm>> -> memref<1x5120xi32, #tpu.memory_space<hbm>>
      %dma_wait3A_71 = tpu.memref_squeeze %dma_wait3A_70 : memref<1x5120xi32, #tpu.memory_space<hbm>> -> memref<5120xi32, #tpu.memory_space<hbm>>
      tpu.wait_dma2 semaphore(%run_scoped3A_61 : memref<!tpu.dma_semaphore, #tpu.memory_space<semaphore_mem>>) src(%dma_wait3A_71 : memref<5120xi32, #tpu.memory_space<hbm>>) dst(%arg8 : memref<5120xi32, #tpu.memory_space<vmem>>)
      tpu.yield
    }) : () -> ()
    "tpu.region"() ({
      %run_scoped3A_61 = tpu.sem_alloc : memref<!tpu.dma_semaphore, #tpu.memory_space<semaphore_mem>>
      tpu.enqueue_dma source(%arg4 : memref<10240xf32, #tpu.memory_space<hbm>>) target(%arg9 : memref<10240xf32, #tpu.memory_space<vmem>>) target_semaphore(%run_scoped3A_61 : memref<!tpu.dma_semaphore, #tpu.memory_space<semaphore_mem>>)
      tpu.wait_dma2 semaphore(%run_scoped3A_61 : memref<!tpu.dma_semaphore, #tpu.memory_space<semaphore_mem>>) src(%arg4 : memref<10240xf32, #tpu.memory_space<hbm>>) dst(%arg9 : memref<10240xf32, #tpu.memory_space<vmem>>)
      tpu.yield
    }) : () -> ()
    "tpu.region"() ({
      %run_scoped3A_61 = tpu.sem_alloc : memref<!tpu.dma_semaphore, #tpu.memory_space<semaphore_mem>>
      tpu.enqueue_dma source(%arg5 : memref<10240xf32, #tpu.memory_space<hbm>>) target(%arg10 : memref<10240xf32, #tpu.memory_space<vmem>>) target_semaphore(%run_scoped3A_61 : memref<!tpu.dma_semaphore, #tpu.memory_space<semaphore_mem>>)
      tpu.wait_dma2 semaphore(%run_scoped3A_61 : memref<!tpu.dma_semaphore, #tpu.memory_space<semaphore_mem>>) src(%arg5 : memref<10240xf32, #tpu.memory_space<hbm>>) dst(%arg10 : memref<10240xf32, #tpu.memory_space<vmem>>)
      tpu.yield
    }) : () -> ()
    %scan3A = arith.constant 0 : i32
    %scan3A_1 = arith.constant 0 : i32
    %scan3A_2 = arith.constant 320 : i32
    %scan3A_3 = arith.addi %scan3A_1, %scan3A_2 : i32
    %scan3A_4 = arith.constant 1 : i32
    scf.for %scan3A_61 = %scan3A_1 to %scan3A_3 step %scan3A_4  : i32 {
      %mul3A_62 = arith.constant 16 : i32
      %mul3A_63 = arith.muli %scan3A_61, %mul3A_62 : i32
      %get3A = arith.index_cast %mul3A_63 : i32 to index
      %get3A_64 = tpu.vector_load %arg7[%get3A] {strides = array<i32>} : memref<5120xi32, #tpu.memory_space<vmem>>, vector<16xi32>,
      %mul3A_65 = arith.constant 16 : i32
      %mul3A_66 = arith.muli %scan3A_61, %mul3A_65 : i32
      %get3A_67 = arith.index_cast %mul3A_66 : i32 to index
      %get3A_68 = tpu.vector_load %arg8[%get3A_67] {strides = array<i32>} : memref<5120xi32, #tpu.memory_space<vmem>>, vector<16xi32>,
      %gather3A = tpu.vector_load_idx %arg9[%get3A_64] : memref<10240xf32, #tpu.memory_space<vmem>>[vector<16xi32>], vector<16xf32>,
      tpu.vector_store_idx %arg10[%get3A_68], %gather3A {add = true} : memref<10240xf32, #tpu.memory_space<vmem>>[vector<16xi32>], vector<16xf32>,
    }
    %scan3A_5 = arith.constant 320 : i32
    "tpu.region"() ({
      %run_scoped3A_61 = tpu.sem_alloc : memref<!tpu.dma_semaphore, #tpu.memory_space<semaphore_mem>>
      %dma_start3A = arith.constant 0 : i32
      %dma_start3A_62 = tpu.memref_slice %arg12[%arg1, %dma_start3A] : memref<16x10240xf32, #tpu.memory_space<vmem_shared>> -> memref<1x10240xf32, #tpu.memory_space<vmem_shared>>
      %dma_start3A_63 = tpu.memref_squeeze %dma_start3A_62 : memref<1x10240xf32, #tpu.memory_space<vmem_shared>> -> memref<10240xf32, #tpu.memory_space<vmem_shared>>
      %dma_start3A_64 = arith.constant 0 : i32
      %dma_start3A_65 = tpu.memref_slice %arg12[%arg1, %dma_start3A_64] : memref<16x10240xf32, #tpu.memory_space<vmem_shared>> -> memref<1x10240xf32, #tpu.memory_space<vmem_shared>>
      %dma_start3A_66 = tpu.memref_squeeze %dma_start3A_65 : memref<1x10240xf32, #tpu.memory_space<vmem_shared>> -> memref<10240xf32, #tpu.memory_space<vmem_shared>>
      tpu.enqueue_dma source(%arg10 : memref<10240xf32, #tpu.memory_space<vmem>>) target(%dma_start3A_66 : memref<10240xf32, #tpu.memory_space<vmem_shared>>) target_semaphore(%run_scoped3A_61 : memref<!tpu.dma_semaphore, #tpu.memory_space<semaphore_mem>>)
      %dma_wait3A = arith.constant 0 : i32
      %dma_wait3A_67 = tpu.memref_slice %arg12[%arg1, %dma_wait3A] : memref<16x10240xf32, #tpu.memory_space<vmem_shared>> -> memref<1x10240xf32, #tpu.memory_space<vmem_shared>>
      %dma_wait3A_68 = tpu.memref_squeeze %dma_wait3A_67 : memref<1x10240xf32, #tpu.memory_space<vmem_shared>> -> memref<10240xf32, #tpu.memory_space<vmem_shared>>
      %dma_wait3A_69 = arith.constant 0 : i32
      %dma_wait3A_70 = tpu.memref_slice %arg12[%arg1, %dma_wait3A_69] : memref<16x10240xf32, #tpu.memory_space<vmem_shared>> -> memref<1x10240xf32, #tpu.memory_space<vmem_shared>>
      %dma_wait3A_71 = tpu.memref_squeeze %dma_wait3A_70 : memref<1x10240xf32, #tpu.memory_space<vmem_shared>> -> memref<10240xf32, #tpu.memory_space<vmem_shared>>
      tpu.wait_dma2 semaphore(%run_scoped3A_61 : memref<!tpu.dma_semaphore, #tpu.memory_space<semaphore_mem>>) src(%arg10 : memref<10240xf32, #tpu.memory_space<vmem>>) dst(%dma_wait3A_71 : memref<10240xf32, #tpu.memory_space<vmem_shared>>)
      tpu.yield
    }) : () -> ()
    %barrier3A = arith.constant 0 : index
    tpu.barrier barrier_id(%barrier3A)
    %mul3A_6 = arith.constant 640 : i32
    %mul3A_7 = arith.muli %arg1, %mul3A_6 : i32
    %run_scoped3A = arith.constant 0 : i32
    "tpu.region"() ({
      %run_scoped3A_61 = tpu.sem_alloc : memref<!tpu.dma_semaphore, #tpu.memory_space<semaphore_mem>>
      %dma_start3A = arith.constant 0 : i32
      %dma_start3A_62 = tpu.memref_slice %arg11[%dma_start3A] : memref<10240xf32, #tpu.memory_space<vmem>> -> memref<640xf32, #tpu.memory_space<vmem>>
      %dma_start3A_63 = tpu.memref_slice %arg12[%run_scoped3A, %mul3A_7] : memref<16x10240xf32, #tpu.memory_space<vmem_shared>> -> memref<1x640xf32, #tpu.memory_space<vmem_shared>>
      %dma_start3A_64 = tpu.memref_squeeze %dma_start3A_63 : memref<1x640xf32, #tpu.memory_space<vmem_shared>> -> memref<640xf32, #tpu.memory_space<vmem_shared>>
      %dma_start3A_65 = arith.constant 0 : i32
      %dma_start3A_66 = tpu.memref_slice %arg11[%dma_start3A_65] : memref<10240xf32, #tpu.memory_space<vmem>> -> memref<640xf32, #tpu.memory_space<vmem>>
      %dma_start3A_67 = tpu.memref_slice %arg12[%run_scoped3A, %mul3A_7] : memref<16x10240xf32, #tpu.memory_space<vmem_shared>> -> memref<1x640xf32, #tpu.memory_space<vmem_shared>>
      %dma_start3A_68 = tpu.memref_squeeze %dma_start3A_67 : memref<1x640xf32, #tpu.memory_space<vmem_shared>> -> memref<640xf32, #tpu.memory_space<vmem_shared>>
      tpu.enqueue_dma source(%dma_start3A_68 : memref<640xf32, #tpu.memory_space<vmem_shared>>) target(%dma_start3A_66 : memref<640xf32, #tpu.memory_space<vmem>>) target_semaphore(%run_scoped3A_61 : memref<!tpu.dma_semaphore, #tpu.memory_space<semaphore_mem>>)
      %dma_wait3A = arith.constant 0 : i32
      %dma_wait3A_69 = tpu.memref_slice %arg11[%dma_wait3A] : memref<10240xf32, #tpu.memory_space<vmem>> -> memref<640xf32, #tpu.memory_space<vmem>>
      %dma_wait3A_70 = tpu.memref_slice %arg12[%run_scoped3A, %mul3A_7] : memref<16x10240xf32, #tpu.memory_space<vmem_shared>> -> memref<1x640xf32, #tpu.memory_space<vmem_shared>>
      %dma_wait3A_71 = tpu.memref_squeeze %dma_wait3A_70 : memref<1x640xf32, #tpu.memory_space<vmem_shared>> -> memref<640xf32, #tpu.memory_space<vmem_shared>>
      %dma_wait3A_72 = arith.constant 0 : i32
      %dma_wait3A_73 = tpu.memref_slice %arg11[%dma_wait3A_72] : memref<10240xf32, #tpu.memory_space<vmem>> -> memref<640xf32, #tpu.memory_space<vmem>>
      %dma_wait3A_74 = tpu.memref_slice %arg12[%run_scoped3A, %mul3A_7] : memref<16x10240xf32, #tpu.memory_space<vmem_shared>> -> memref<1x640xf32, #tpu.memory_space<vmem_shared>>
      %dma_wait3A_75 = tpu.memref_squeeze %dma_wait3A_74 : memref<1x640xf32, #tpu.memory_space<vmem_shared>> -> memref<640xf32, #tpu.memory_space<vmem_shared>>
      tpu.wait_dma2 semaphore(%run_scoped3A_61 : memref<!tpu.dma_semaphore, #tpu.memory_space<semaphore_mem>>) src(%dma_wait3A_75 : memref<640xf32, #tpu.memory_space<vmem_shared>>) dst(%dma_wait3A_73 : memref<640xf32, #tpu.memory_space<vmem>>)
      tpu.yield
    }) : () -> ()
    %mul3A_8 = arith.constant 640 : i32
    %mul3A_9 = arith.muli %arg1, %mul3A_8 : i32
    %run_scoped3A_10 = arith.constant 1 : i32
    "tpu.region"() ({
      %run_scoped3A_61 = tpu.sem_alloc : memref<!tpu.dma_semaphore, #tpu.memory_space<semaphore_mem>>
      %dma_start3A = arith.constant 640 : i32
      %dma_start3A_62 = tpu.memref_slice %arg11[%dma_start3A] : memref<10240xf32, #tpu.memory_space<vmem>> -> memref<640xf32, #tpu.memory_space<vmem>>
      %dma_start3A_63 = tpu.memref_slice %arg12[%run_scoped3A_10, %mul3A_9] : memref<16x10240xf32, #tpu.memory_space<vmem_shared>> -> memref<1x640xf32, #tpu.memory_space<vmem_shared>>
      %dma_start3A_64 = tpu.memref_squeeze %dma_start3A_63 : memref<1x640xf32, #tpu.memory_space<vmem_shared>> -> memref<640xf32, #tpu.memory_space<vmem_shared>>
      %dma_start3A_65 = arith.constant 640 : i32
      %dma_start3A_66 = tpu.memref_slice %arg11[%dma_start3A_65] : memref<10240xf32, #tpu.memory_space<vmem>> -> memref<640xf32, #tpu.memory_space<vmem>>
      %dma_start3A_67 = tpu.memref_slice %arg12[%run_scoped3A_10, %mul3A_9] : memref<16x10240xf32, #tpu.memory_space<vmem_shared>> -> memref<1x640xf32, #tpu.memory_space<vmem_shared>>
      %dma_start3A_68 = tpu.memref_squeeze %dma_start3A_67 : memref<1x640xf32, #tpu.memory_space<vmem_shared>> -> memref<640xf32, #tpu.memory_space<vmem_shared>>
      tpu.enqueue_dma source(%dma_start3A_68 : memref<640xf32, #tpu.memory_space<vmem_shared>>) target(%dma_start3A_66 : memref<640xf32, #tpu.memory_space<vmem>>) target_semaphore(%run_scoped3A_61 : memref<!tpu.dma_semaphore, #tpu.memory_space<semaphore_mem>>)
      %dma_wait3A = arith.constant 640 : i32
      %dma_wait3A_69 = tpu.memref_slice %arg11[%dma_wait3A] : memref<10240xf32, #tpu.memory_space<vmem>> -> memref<640xf32, #tpu.memory_space<vmem>>
      %dma_wait3A_70 = tpu.memref_slice %arg12[%run_scoped3A_10, %mul3A_9] : memref<16x10240xf32, #tpu.memory_space<vmem_shared>> -> memref<1x640xf32, #tpu.memory_space<vmem_shared>>
      %dma_wait3A_71 = tpu.memref_squeeze %dma_wait3A_70 : memref<1x640xf32, #tpu.memory_space<vmem_shared>> -> memref<640xf32, #tpu.memory_space<vmem_shared>>
      %dma_wait3A_72 = arith.constant 640 : i32
      %dma_wait3A_73 = tpu.memref_slice %arg11[%dma_wait3A_72] : memref<10240xf32, #tpu.memory_space<vmem>> -> memref<640xf32, #tpu.memory_space<vmem>>
      %dma_wait3A_74 = tpu.memref_slice %arg12[%run_scoped3A_10, %mul3A_9] : memref<16x10240xf32, #tpu.memory_space<vmem_shared>> -> memref<1x640xf32, #tpu.memory_space<vmem_shared>>
      %dma_wait3A_75 = tpu.memref_squeeze %dma_wait3A_74 : memref<1x640xf32, #tpu.memory_space<vmem_shared>> -> memref<640xf32, #tpu.memory_space<vmem_shared>>
      tpu.wait_dma2 semaphore(%run_scoped3A_61 : memref<!tpu.dma_semaphore, #tpu.memory_space<semaphore_mem>>) src(%dma_wait3A_75 : memref<640xf32, #tpu.memory_space<vmem_shared>>) dst(%dma_wait3A_73 : memref<640xf32, #tpu.memory_space<vmem>>)
      tpu.yield
    }) : () -> ()
    %mul3A_11 = arith.constant 640 : i32
    %mul3A_12 = arith.muli %arg1, %mul3A_11 : i32
    %run_scoped3A_13 = arith.constant 2 : i32
    "tpu.region"() ({
      %run_scoped3A_61 = tpu.sem_alloc : memref<!tpu.dma_semaphore, #tpu.memory_space<semaphore_mem>>
      %dma_start3A = arith.constant 1280 : i32
      %dma_start3A_62 = tpu.memref_slice %arg11[%dma_start3A] : memref<10240xf32, #tpu.memory_space<vmem>> -> memref<640xf32, #tpu.memory_space<vmem>>
      %dma_start3A_63 = tpu.memref_slice %arg12[%run_scoped3A_13, %mul3A_12] : memref<16x10240xf32, #tpu.memory_space<vmem_shared>> -> memref<1x640xf32, #tpu.memory_space<vmem_shared>>
      %dma_start3A_64 = tpu.memref_squeeze %dma_start3A_63 : memref<1x640xf32, #tpu.memory_space<vmem_shared>> -> memref<640xf32, #tpu.memory_space<vmem_shared>>
      %dma_start3A_65 = arith.constant 1280 : i32
      %dma_start3A_66 = tpu.memref_slice %arg11[%dma_start3A_65] : memref<10240xf32, #tpu.memory_space<vmem>> -> memref<640xf32, #tpu.memory_space<vmem>>
      %dma_start3A_67 = tpu.memref_slice %arg12[%run_scoped3A_13, %mul3A_12] : memref<16x10240xf32, #tpu.memory_space<vmem_shared>> -> memref<1x640xf32, #tpu.memory_space<vmem_shared>>
      %dma_start3A_68 = tpu.memref_squeeze %dma_start3A_67 : memref<1x640xf32, #tpu.memory_space<vmem_shared>> -> memref<640xf32, #tpu.memory_space<vmem_shared>>
      tpu.enqueue_dma source(%dma_start3A_68 : memref<640xf32, #tpu.memory_space<vmem_shared>>) target(%dma_start3A_66 : memref<640xf32, #tpu.memory_space<vmem>>) target_semaphore(%run_scoped3A_61 : memref<!tpu.dma_semaphore, #tpu.memory_space<semaphore_mem>>)
      %dma_wait3A = arith.constant 1280 : i32
      %dma_wait3A_69 = tpu.memref_slice %arg11[%dma_wait3A] : memref<10240xf32, #tpu.memory_space<vmem>> -> memref<640xf32, #tpu.memory_space<vmem>>
      %dma_wait3A_70 = tpu.memref_slice %arg12[%run_scoped3A_13, %mul3A_12] : memref<16x10240xf32, #tpu.memory_space<vmem_shared>> -> memref<1x640xf32, #tpu.memory_space<vmem_shared>>
      %dma_wait3A_71 = tpu.memref_squeeze %dma_wait3A_70 : memref<1x640xf32, #tpu.memory_space<vmem_shared>> -> memref<640xf32, #tpu.memory_space<vmem_shared>>
      %dma_wait3A_72 = arith.constant 1280 : i32
      %dma_wait3A_73 = tpu.memref_slice %arg11[%dma_wait3A_72] : memref<10240xf32, #tpu.memory_space<vmem>> -> memref<640xf32, #tpu.memory_space<vmem>>
      %dma_wait3A_74 = tpu.memref_slice %arg12[%run_scoped3A_13, %mul3A_12] : memref<16x10240xf32, #tpu.memory_space<vmem_shared>> -> memref<1x640xf32, #tpu.memory_space<vmem_shared>>
      %dma_wait3A_75 = tpu.memref_squeeze %dma_wait3A_74 : memref<1x640xf32, #tpu.memory_space<vmem_shared>> -> memref<640xf32, #tpu.memory_space<vmem_shared>>
      tpu.wait_dma2 semaphore(%run_scoped3A_61 : memref<!tpu.dma_semaphore, #tpu.memory_space<semaphore_mem>>) src(%dma_wait3A_75 : memref<640xf32, #tpu.memory_space<vmem_shared>>) dst(%dma_wait3A_73 : memref<640xf32, #tpu.memory_space<vmem>>)
      tpu.yield
    }) : () -> ()
    %mul3A_14 = arith.constant 640 : i32
    %mul3A_15 = arith.muli %arg1, %mul3A_14 : i32
    %run_scoped3A_16 = arith.constant 3 : i32
    "tpu.region"() ({
      %run_scoped3A_61 = tpu.sem_alloc : memref<!tpu.dma_semaphore, #tpu.memory_space<semaphore_mem>>
      %dma_start3A = arith.constant 1920 : i32
      %dma_start3A_62 = tpu.memref_slice %arg11[%dma_start3A] : memref<10240xf32, #tpu.memory_space<vmem>> -> memref<640xf32, #tpu.memory_space<vmem>>
      %dma_start3A_63 = tpu.memref_slice %arg12[%run_scoped3A_16, %mul3A_15] : memref<16x10240xf32, #tpu.memory_space<vmem_shared>> -> memref<1x640xf32, #tpu.memory_space<vmem_shared>>
      %dma_start3A_64 = tpu.memref_squeeze %dma_start3A_63 : memref<1x640xf32, #tpu.memory_space<vmem_shared>> -> memref<640xf32, #tpu.memory_space<vmem_shared>>
      %dma_start3A_65 = arith.constant 1920 : i32
      %dma_start3A_66 = tpu.memref_slice %arg11[%dma_start3A_65] : memref<10240xf32, #tpu.memory_space<vmem>> -> memref<640xf32, #tpu.memory_space<vmem>>
      %dma_start3A_67 = tpu.memref_slice %arg12[%run_scoped3A_16, %mul3A_15] : memref<16x10240xf32, #tpu.memory_space<vmem_shared>> -> memref<1x640xf32, #tpu.memory_space<vmem_shared>>
      %dma_start3A_68 = tpu.memref_squeeze %dma_start3A_67 : memref<1x640xf32, #tpu.memory_space<vmem_shared>> -> memref<640xf32, #tpu.memory_space<vmem_shared>>
      tpu.enqueue_dma source(%dma_start3A_68 : memref<640xf32, #tpu.memory_space<vmem_shared>>) target(%dma_start3A_66 : memref<640xf32, #tpu.memory_space<vmem>>) target_semaphore(%run_scoped3A_61 : memref<!tpu.dma_semaphore, #tpu.memory_space<semaphore_mem>>)
      %dma_wait3A = arith.constant 1920 : i32
      %dma_wait3A_69 = tpu.memref_slice %arg11[%dma_wait3A] : memref<10240xf32, #tpu.memory_space<vmem>> -> memref<640xf32, #tpu.memory_space<vmem>>
      %dma_wait3A_70 = tpu.memref_slice %arg12[%run_scoped3A_16, %mul3A_15] : memref<16x10240xf32, #tpu.memory_space<vmem_shared>> -> memref<1x640xf32, #tpu.memory_space<vmem_shared>>
      %dma_wait3A_71 = tpu.memref_squeeze %dma_wait3A_70 : memref<1x640xf32, #tpu.memory_space<vmem_shared>> -> memref<640xf32, #tpu.memory_space<vmem_shared>>
      %dma_wait3A_72 = arith.constant 1920 : i32
      %dma_wait3A_73 = tpu.memref_slice %arg11[%dma_wait3A_72] : memref<10240xf32, #tpu.memory_space<vmem>> -> memref<640xf32, #tpu.memory_space<vmem>>
      %dma_wait3A_74 = tpu.memref_slice %arg12[%run_scoped3A_16, %mul3A_15] : memref<16x10240xf32, #tpu.memory_space<vmem_shared>> -> memref<1x640xf32, #tpu.memory_space<vmem_shared>>
      %dma_wait3A_75 = tpu.memref_squeeze %dma_wait3A_74 : memref<1x640xf32, #tpu.memory_space<vmem_shared>> -> memref<640xf32, #tpu.memory_space<vmem_shared>>
      tpu.wait_dma2 semaphore(%run_scoped3A_61 : memref<!tpu.dma_semaphore, #tpu.memory_space<semaphore_mem>>) src(%dma_wait3A_75 : memref<640xf32, #tpu.memory_space<vmem_shared>>) dst(%dma_wait3A_73 : memref<640xf32, #tpu.memory_space<vmem>>)
      tpu.yield
    }) : () -> ()
    %mul3A_17 = arith.constant 640 : i32
    %mul3A_18 = arith.muli %arg1, %mul3A_17 : i32
    %run_scoped3A_19 = arith.constant 4 : i32
    "tpu.region"() ({
      %run_scoped3A_61 = tpu.sem_alloc : memref<!tpu.dma_semaphore, #tpu.memory_space<semaphore_mem>>
      %dma_start3A = arith.constant 2560 : i32
      %dma_start3A_62 = tpu.memref_slice %arg11[%dma_start3A] : memref<10240xf32, #tpu.memory_space<vmem>> -> memref<640xf32, #tpu.memory_space<vmem>>
      %dma_start3A_63 = tpu.memref_slice %arg12[%run_scoped3A_19, %mul3A_18] : memref<16x10240xf32, #tpu.memory_space<vmem_shared>> -> memref<1x640xf32, #tpu.memory_space<vmem_shared>>
      %dma_start3A_64 = tpu.memref_squeeze %dma_start3A_63 : memref<1x640xf32, #tpu.memory_space<vmem_shared>> -> memref<640xf32, #tpu.memory_space<vmem_shared>>
      %dma_start3A_65 = arith.constant 2560 : i32
      %dma_start3A_66 = tpu.memref_slice %arg11[%dma_start3A_65] : memref<10240xf32, #tpu.memory_space<vmem>> -> memref<640xf32, #tpu.memory_space<vmem>>
      %dma_start3A_67 = tpu.memref_slice %arg12[%run_scoped3A_19, %mul3A_18] : memref<16x10240xf32, #tpu.memory_space<vmem_shared>> -> memref<1x640xf32, #tpu.memory_space<vmem_shared>>
      %dma_start3A_68 = tpu.memref_squeeze %dma_start3A_67 : memref<1x640xf32, #tpu.memory_space<vmem_shared>> -> memref<640xf32, #tpu.memory_space<vmem_shared>>
      tpu.enqueue_dma source(%dma_start3A_68 : memref<640xf32, #tpu.memory_space<vmem_shared>>) target(%dma_start3A_66 : memref<640xf32, #tpu.memory_space<vmem>>) target_semaphore(%run_scoped3A_61 : memref<!tpu.dma_semaphore, #tpu.memory_space<semaphore_mem>>)
      %dma_wait3A = arith.constant 2560 : i32
      %dma_wait3A_69 = tpu.memref_slice %arg11[%dma_wait3A] : memref<10240xf32, #tpu.memory_space<vmem>> -> memref<640xf32, #tpu.memory_space<vmem>>
      %dma_wait3A_70 = tpu.memref_slice %arg12[%run_scoped3A_19, %mul3A_18] : memref<16x10240xf32, #tpu.memory_space<vmem_shared>> -> memref<1x640xf32, #tpu.memory_space<vmem_shared>>
      %dma_wait3A_71 = tpu.memref_squeeze %dma_wait3A_70 : memref<1x640xf32, #tpu.memory_space<vmem_shared>> -> memref<640xf32, #tpu.memory_space<vmem_shared>>
      %dma_wait3A_72 = arith.constant 2560 : i32
      %dma_wait3A_73 = tpu.memref_slice %arg11[%dma_wait3A_72] : memref<10240xf32, #tpu.memory_space<vmem>> -> memref<640xf32, #tpu.memory_space<vmem>>
      %dma_wait3A_74 = tpu.memref_slice %arg12[%run_scoped3A_19, %mul3A_18] : memref<16x10240xf32, #tpu.memory_space<vmem_shared>> -> memref<1x640xf32, #tpu.memory_space<vmem_shared>>
      %dma_wait3A_75 = tpu.memref_squeeze %dma_wait3A_74 : memref<1x640xf32, #tpu.memory_space<vmem_shared>> -> memref<640xf32, #tpu.memory_space<vmem_shared>>
      tpu.wait_dma2 semaphore(%run_scoped3A_61 : memref<!tpu.dma_semaphore, #tpu.memory_space<semaphore_mem>>) src(%dma_wait3A_75 : memref<640xf32, #tpu.memory_space<vmem_shared>>) dst(%dma_wait3A_73 : memref<640xf32, #tpu.memory_space<vmem>>)
      tpu.yield
    }) : () -> ()
    %mul3A_20 = arith.constant 640 : i32
    %mul3A_21 = arith.muli %arg1, %mul3A_20 : i32
    %run_scoped3A_22 = arith.constant 5 : i32
    "tpu.region"() ({
      %run_scoped3A_61 = tpu.sem_alloc : memref<!tpu.dma_semaphore, #tpu.memory_space<semaphore_mem>>
      %dma_start3A = arith.constant 3200 : i32
      %dma_start3A_62 = tpu.memref_slice %arg11[%dma_start3A] : memref<10240xf32, #tpu.memory_space<vmem>> -> memref<640xf32, #tpu.memory_space<vmem>>
      %dma_start3A_63 = tpu.memref_slice %arg12[%run_scoped3A_22, %mul3A_21] : memref<16x10240xf32, #tpu.memory_space<vmem_shared>> -> memref<1x640xf32, #tpu.memory_space<vmem_shared>>
      %dma_start3A_64 = tpu.memref_squeeze %dma_start3A_63 : memref<1x640xf32, #tpu.memory_space<vmem_shared>> -> memref<640xf32, #tpu.memory_space<vmem_shared>>
      %dma_start3A_65 = arith.constant 3200 : i32
      %dma_start3A_66 = tpu.memref_slice %arg11[%dma_start3A_65] : memref<10240xf32, #tpu.memory_space<vmem>> -> memref<640xf32, #tpu.memory_space<vmem>>
      %dma_start3A_67 = tpu.memref_slice %arg12[%run_scoped3A_22, %mul3A_21] : memref<16x10240xf32, #tpu.memory_space<vmem_shared>> -> memref<1x640xf32, #tpu.memory_space<vmem_shared>>
      %dma_start3A_68 = tpu.memref_squeeze %dma_start3A_67 : memref<1x640xf32, #tpu.memory_space<vmem_shared>> -> memref<640xf32, #tpu.memory_space<vmem_shared>>
      tpu.enqueue_dma source(%dma_start3A_68 : memref<640xf32, #tpu.memory_space<vmem_shared>>) target(%dma_start3A_66 : memref<640xf32, #tpu.memory_space<vmem>>) target_semaphore(%run_scoped3A_61 : memref<!tpu.dma_semaphore, #tpu.memory_space<semaphore_mem>>)
      %dma_wait3A = arith.constant 3200 : i32
      %dma_wait3A_69 = tpu.memref_slice %arg11[%dma_wait3A] : memref<10240xf32, #tpu.memory_space<vmem>> -> memref<640xf32, #tpu.memory_space<vmem>>
      %dma_wait3A_70 = tpu.memref_slice %arg12[%run_scoped3A_22, %mul3A_21] : memref<16x10240xf32, #tpu.memory_space<vmem_shared>> -> memref<1x640xf32, #tpu.memory_space<vmem_shared>>
      %dma_wait3A_71 = tpu.memref_squeeze %dma_wait3A_70 : memref<1x640xf32, #tpu.memory_space<vmem_shared>> -> memref<640xf32, #tpu.memory_space<vmem_shared>>
      %dma_wait3A_72 = arith.constant 3200 : i32
      %dma_wait3A_73 = tpu.memref_slice %arg11[%dma_wait3A_72] : memref<10240xf32, #tpu.memory_space<vmem>> -> memref<640xf32, #tpu.memory_space<vmem>>
      %dma_wait3A_74 = tpu.memref_slice %arg12[%run_scoped3A_22, %mul3A_21] : memref<16x10240xf32, #tpu.memory_space<vmem_shared>> -> memref<1x640xf32, #tpu.memory_space<vmem_shared>>
      %dma_wait3A_75 = tpu.memref_squeeze %dma_wait3A_74 : memref<1x640xf32, #tpu.memory_space<vmem_shared>> -> memref<640xf32, #tpu.memory_space<vmem_shared>>
      tpu.wait_dma2 semaphore(%run_scoped3A_61 : memref<!tpu.dma_semaphore, #tpu.memory_space<semaphore_mem>>) src(%dma_wait3A_75 : memref<640xf32, #tpu.memory_space<vmem_shared>>) dst(%dma_wait3A_73 : memref<640xf32, #tpu.memory_space<vmem>>)
      tpu.yield
    }) : () -> ()
    %mul3A_23 = arith.constant 640 : i32
    %mul3A_24 = arith.muli %arg1, %mul3A_23 : i32
    %run_scoped3A_25 = arith.constant 6 : i32
    "tpu.region"() ({
      %run_scoped3A_61 = tpu.sem_alloc : memref<!tpu.dma_semaphore, #tpu.memory_space<semaphore_mem>>
      %dma_start3A = arith.constant 3840 : i32
      %dma_start3A_62 = tpu.memref_slice %arg11[%dma_start3A] : memref<10240xf32, #tpu.memory_space<vmem>> -> memref<640xf32, #tpu.memory_space<vmem>>
      %dma_start3A_63 = tpu.memref_slice %arg12[%run_scoped3A_25, %mul3A_24] : memref<16x10240xf32, #tpu.memory_space<vmem_shared>> -> memref<1x640xf32, #tpu.memory_space<vmem_shared>>
      %dma_start3A_64 = tpu.memref_squeeze %dma_start3A_63 : memref<1x640xf32, #tpu.memory_space<vmem_shared>> -> memref<640xf32, #tpu.memory_space<vmem_shared>>
      %dma_start3A_65 = arith.constant 3840 : i32
      %dma_start3A_66 = tpu.memref_slice %arg11[%dma_start3A_65] : memref<10240xf32, #tpu.memory_space<vmem>> -> memref<640xf32, #tpu.memory_space<vmem>>
      %dma_start3A_67 = tpu.memref_slice %arg12[%run_scoped3A_25, %mul3A_24] : memref<16x10240xf32, #tpu.memory_space<vmem_shared>> -> memref<1x640xf32, #tpu.memory_space<vmem_shared>>
      %dma_start3A_68 = tpu.memref_squeeze %dma_start3A_67 : memref<1x640xf32, #tpu.memory_space<vmem_shared>> -> memref<640xf32, #tpu.memory_space<vmem_shared>>
      tpu.enqueue_dma source(%dma_start3A_68 : memref<640xf32, #tpu.memory_space<vmem_shared>>) target(%dma_start3A_66 : memref<640xf32, #tpu.memory_space<vmem>>) target_semaphore(%run_scoped3A_61 : memref<!tpu.dma_semaphore, #tpu.memory_space<semaphore_mem>>)
      %dma_wait3A = arith.constant 3840 : i32
      %dma_wait3A_69 = tpu.memref_slice %arg11[%dma_wait3A] : memref<10240xf32, #tpu.memory_space<vmem>> -> memref<640xf32, #tpu.memory_space<vmem>>
      %dma_wait3A_70 = tpu.memref_slice %arg12[%run_scoped3A_25, %mul3A_24] : memref<16x10240xf32, #tpu.memory_space<vmem_shared>> -> memref<1x640xf32, #tpu.memory_space<vmem_shared>>
      %dma_wait3A_71 = tpu.memref_squeeze %dma_wait3A_70 : memref<1x640xf32, #tpu.memory_space<vmem_shared>> -> memref<640xf32, #tpu.memory_space<vmem_shared>>
      %dma_wait3A_72 = arith.constant 3840 : i32
      %dma_wait3A_73 = tpu.memref_slice %arg11[%dma_wait3A_72] : memref<10240xf32, #tpu.memory_space<vmem>> -> memref<640xf32, #tpu.memory_space<vmem>>
      %dma_wait3A_74 = tpu.memref_slice %arg12[%run_scoped3A_25, %mul3A_24] : memref<16x10240xf32, #tpu.memory_space<vmem_shared>> -> memref<1x640xf32, #tpu.memory_space<vmem_shared>>
      %dma_wait3A_75 = tpu.memref_squeeze %dma_wait3A_74 : memref<1x640xf32, #tpu.memory_space<vmem_shared>> -> memref<640xf32, #tpu.memory_space<vmem_shared>>
      tpu.wait_dma2 semaphore(%run_scoped3A_61 : memref<!tpu.dma_semaphore, #tpu.memory_space<semaphore_mem>>) src(%dma_wait3A_75 : memref<640xf32, #tpu.memory_space<vmem_shared>>) dst(%dma_wait3A_73 : memref<640xf32, #tpu.memory_space<vmem>>)
      tpu.yield
    }) : () -> ()
    %mul3A_26 = arith.constant 640 : i32
    %mul3A_27 = arith.muli %arg1, %mul3A_26 : i32
    %run_scoped3A_28 = arith.constant 7 : i32
    "tpu.region"() ({
      %run_scoped3A_61 = tpu.sem_alloc : memref<!tpu.dma_semaphore, #tpu.memory_space<semaphore_mem>>
      %dma_start3A = arith.constant 4480 : i32
      %dma_start3A_62 = tpu.memref_slice %arg11[%dma_start3A] : memref<10240xf32, #tpu.memory_space<vmem>> -> memref<640xf32, #tpu.memory_space<vmem>>
      %dma_start3A_63 = tpu.memref_slice %arg12[%run_scoped3A_28, %mul3A_27] : memref<16x10240xf32, #tpu.memory_space<vmem_shared>> -> memref<1x640xf32, #tpu.memory_space<vmem_shared>>
      %dma_start3A_64 = tpu.memref_squeeze %dma_start3A_63 : memref<1x640xf32, #tpu.memory_space<vmem_shared>> -> memref<640xf32, #tpu.memory_space<vmem_shared>>
      %dma_start3A_65 = arith.constant 4480 : i32
      %dma_start3A_66 = tpu.memref_slice %arg11[%dma_start3A_65] : memref<10240xf32, #tpu.memory_space<vmem>> -> memref<640xf32, #tpu.memory_space<vmem>>
      %dma_start3A_67 = tpu.memref_slice %arg12[%run_scoped3A_28, %mul3A_27] : memref<16x10240xf32, #tpu.memory_space<vmem_shared>> -> memref<1x640xf32, #tpu.memory_space<vmem_shared>>
      %dma_start3A_68 = tpu.memref_squeeze %dma_start3A_67 : memref<1x640xf32, #tpu.memory_space<vmem_shared>> -> memref<640xf32, #tpu.memory_space<vmem_shared>>
      tpu.enqueue_dma source(%dma_start3A_68 : memref<640xf32, #tpu.memory_space<vmem_shared>>) target(%dma_start3A_66 : memref<640xf32, #tpu.memory_space<vmem>>) target_semaphore(%run_scoped3A_61 : memref<!tpu.dma_semaphore, #tpu.memory_space<semaphore_mem>>)
      %dma_wait3A = arith.constant 4480 : i32
      %dma_wait3A_69 = tpu.memref_slice %arg11[%dma_wait3A] : memref<10240xf32, #tpu.memory_space<vmem>> -> memref<640xf32, #tpu.memory_space<vmem>>
      %dma_wait3A_70 = tpu.memref_slice %arg12[%run_scoped3A_28, %mul3A_27] : memref<16x10240xf32, #tpu.memory_space<vmem_shared>> -> memref<1x640xf32, #tpu.memory_space<vmem_shared>>
      %dma_wait3A_71 = tpu.memref_squeeze %dma_wait3A_70 : memref<1x640xf32, #tpu.memory_space<vmem_shared>> -> memref<640xf32, #tpu.memory_space<vmem_shared>>
      %dma_wait3A_72 = arith.constant 4480 : i32
      %dma_wait3A_73 = tpu.memref_slice %arg11[%dma_wait3A_72] : memref<10240xf32, #tpu.memory_space<vmem>> -> memref<640xf32, #tpu.memory_space<vmem>>
      %dma_wait3A_74 = tpu.memref_slice %arg12[%run_scoped3A_28, %mul3A_27] : memref<16x10240xf32, #tpu.memory_space<vmem_shared>> -> memref<1x640xf32, #tpu.memory_space<vmem_shared>>
      %dma_wait3A_75 = tpu.memref_squeeze %dma_wait3A_74 : memref<1x640xf32, #tpu.memory_space<vmem_shared>> -> memref<640xf32, #tpu.memory_space<vmem_shared>>
      tpu.wait_dma2 semaphore(%run_scoped3A_61 : memref<!tpu.dma_semaphore, #tpu.memory_space<semaphore_mem>>) src(%dma_wait3A_75 : memref<640xf32, #tpu.memory_space<vmem_shared>>) dst(%dma_wait3A_73 : memref<640xf32, #tpu.memory_space<vmem>>)
      tpu.yield
    }) : () -> ()
    %mul3A_29 = arith.constant 640 : i32
    %mul3A_30 = arith.muli %arg1, %mul3A_29 : i32
    %run_scoped3A_31 = arith.constant 8 : i32
    "tpu.region"() ({
      %run_scoped3A_61 = tpu.sem_alloc : memref<!tpu.dma_semaphore, #tpu.memory_space<semaphore_mem>>
      %dma_start3A = arith.constant 5120 : i32
      %dma_start3A_62 = tpu.memref_slice %arg11[%dma_start3A] : memref<10240xf32, #tpu.memory_space<vmem>> -> memref<640xf32, #tpu.memory_space<vmem>>
      %dma_start3A_63 = tpu.memref_slice %arg12[%run_scoped3A_31, %mul3A_30] : memref<16x10240xf32, #tpu.memory_space<vmem_shared>> -> memref<1x640xf32, #tpu.memory_space<vmem_shared>>
      %dma_start3A_64 = tpu.memref_squeeze %dma_start3A_63 : memref<1x640xf32, #tpu.memory_space<vmem_shared>> -> memref<640xf32, #tpu.memory_space<vmem_shared>>
      %dma_start3A_65 = arith.constant 5120 : i32
      %dma_start3A_66 = tpu.memref_slice %arg11[%dma_start3A_65] : memref<10240xf32, #tpu.memory_space<vmem>> -> memref<640xf32, #tpu.memory_space<vmem>>
      %dma_start3A_67 = tpu.memref_slice %arg12[%run_scoped3A_31, %mul3A_30] : memref<16x10240xf32, #tpu.memory_space<vmem_shared>> -> memref<1x640xf32, #tpu.memory_space<vmem_shared>>
      %dma_start3A_68 = tpu.memref_squeeze %dma_start3A_67 : memref<1x640xf32, #tpu.memory_space<vmem_shared>> -> memref<640xf32, #tpu.memory_space<vmem_shared>>
      tpu.enqueue_dma source(%dma_start3A_68 : memref<640xf32, #tpu.memory_space<vmem_shared>>) target(%dma_start3A_66 : memref<640xf32, #tpu.memory_space<vmem>>) target_semaphore(%run_scoped3A_61 : memref<!tpu.dma_semaphore, #tpu.memory_space<semaphore_mem>>)
      %dma_wait3A = arith.constant 5120 : i32
      %dma_wait3A_69 = tpu.memref_slice %arg11[%dma_wait3A] : memref<10240xf32, #tpu.memory_space<vmem>> -> memref<640xf32, #tpu.memory_space<vmem>>
      %dma_wait3A_70 = tpu.memref_slice %arg12[%run_scoped3A_31, %mul3A_30] : memref<16x10240xf32, #tpu.memory_space<vmem_shared>> -> memref<1x640xf32, #tpu.memory_space<vmem_shared>>
      %dma_wait3A_71 = tpu.memref_squeeze %dma_wait3A_70 : memref<1x640xf32, #tpu.memory_space<vmem_shared>> -> memref<640xf32, #tpu.memory_space<vmem_shared>>
      %dma_wait3A_72 = arith.constant 5120 : i32
      %dma_wait3A_73 = tpu.memref_slice %arg11[%dma_wait3A_72] : memref<10240xf32, #tpu.memory_space<vmem>> -> memref<640xf32, #tpu.memory_space<vmem>>
      %dma_wait3A_74 = tpu.memref_slice %arg12[%run_scoped3A_31, %mul3A_30] : memref<16x10240xf32, #tpu.memory_space<vmem_shared>> -> memref<1x640xf32, #tpu.memory_space<vmem_shared>>
      %dma_wait3A_75 = tpu.memref_squeeze %dma_wait3A_74 : memref<1x640xf32, #tpu.memory_space<vmem_shared>> -> memref<640xf32, #tpu.memory_space<vmem_shared>>
      tpu.wait_dma2 semaphore(%run_scoped3A_61 : memref<!tpu.dma_semaphore, #tpu.memory_space<semaphore_mem>>) src(%dma_wait3A_75 : memref<640xf32, #tpu.memory_space<vmem_shared>>) dst(%dma_wait3A_73 : memref<640xf32, #tpu.memory_space<vmem>>)
      tpu.yield
    }) : () -> ()
    %mul3A_32 = arith.constant 640 : i32
    %mul3A_33 = arith.muli %arg1, %mul3A_32 : i32
    %run_scoped3A_34 = arith.constant 9 : i32
    "tpu.region"() ({
      %run_scoped3A_61 = tpu.sem_alloc : memref<!tpu.dma_semaphore, #tpu.memory_space<semaphore_mem>>
      %dma_start3A = arith.constant 5760 : i32
      %dma_start3A_62 = tpu.memref_slice %arg11[%dma_start3A] : memref<10240xf32, #tpu.memory_space<vmem>> -> memref<640xf32, #tpu.memory_space<vmem>>
      %dma_start3A_63 = tpu.memref_slice %arg12[%run_scoped3A_34, %mul3A_33] : memref<16x10240xf32, #tpu.memory_space<vmem_shared>> -> memref<1x640xf32, #tpu.memory_space<vmem_shared>>
      %dma_start3A_64 = tpu.memref_squeeze %dma_start3A_63 : memref<1x640xf32, #tpu.memory_space<vmem_shared>> -> memref<640xf32, #tpu.memory_space<vmem_shared>>
      %dma_start3A_65 = arith.constant 5760 : i32
      %dma_start3A_66 = tpu.memref_slice %arg11[%dma_start3A_65] : memref<10240xf32, #tpu.memory_space<vmem>> -> memref<640xf32, #tpu.memory_space<vmem>>
      %dma_start3A_67 = tpu.memref_slice %arg12[%run_scoped3A_34, %mul3A_33] : memref<16x10240xf32, #tpu.memory_space<vmem_shared>> -> memref<1x640xf32, #tpu.memory_space<vmem_shared>>
      %dma_start3A_68 = tpu.memref_squeeze %dma_start3A_67 : memref<1x640xf32, #tpu.memory_space<vmem_shared>> -> memref<640xf32, #tpu.memory_space<vmem_shared>>
      tpu.enqueue_dma source(%dma_start3A_68 : memref<640xf32, #tpu.memory_space<vmem_shared>>) target(%dma_start3A_66 : memref<640xf32, #tpu.memory_space<vmem>>) target_semaphore(%run_scoped3A_61 : memref<!tpu.dma_semaphore, #tpu.memory_space<semaphore_mem>>)
      %dma_wait3A = arith.constant 5760 : i32
      %dma_wait3A_69 = tpu.memref_slice %arg11[%dma_wait3A] : memref<10240xf32, #tpu.memory_space<vmem>> -> memref<640xf32, #tpu.memory_space<vmem>>
      %dma_wait3A_70 = tpu.memref_slice %arg12[%run_scoped3A_34, %mul3A_33] : memref<16x10240xf32, #tpu.memory_space<vmem_shared>> -> memref<1x640xf32, #tpu.memory_space<vmem_shared>>
      %dma_wait3A_71 = tpu.memref_squeeze %dma_wait3A_70 : memref<1x640xf32, #tpu.memory_space<vmem_shared>> -> memref<640xf32, #tpu.memory_space<vmem_shared>>
      %dma_wait3A_72 = arith.constant 5760 : i32
      %dma_wait3A_73 = tpu.memref_slice %arg11[%dma_wait3A_72] : memref<10240xf32, #tpu.memory_space<vmem>> -> memref<640xf32, #tpu.memory_space<vmem>>
      %dma_wait3A_74 = tpu.memref_slice %arg12[%run_scoped3A_34, %mul3A_33] : memref<16x10240xf32, #tpu.memory_space<vmem_shared>> -> memref<1x640xf32, #tpu.memory_space<vmem_shared>>
      %dma_wait3A_75 = tpu.memref_squeeze %dma_wait3A_74 : memref<1x640xf32, #tpu.memory_space<vmem_shared>> -> memref<640xf32, #tpu.memory_space<vmem_shared>>
      tpu.wait_dma2 semaphore(%run_scoped3A_61 : memref<!tpu.dma_semaphore, #tpu.memory_space<semaphore_mem>>) src(%dma_wait3A_75 : memref<640xf32, #tpu.memory_space<vmem_shared>>) dst(%dma_wait3A_73 : memref<640xf32, #tpu.memory_space<vmem>>)
      tpu.yield
    }) : () -> ()
    %mul3A_35 = arith.constant 640 : i32
    %mul3A_36 = arith.muli %arg1, %mul3A_35 : i32
    %run_scoped3A_37 = arith.constant 10 : i32
    "tpu.region"() ({
      %run_scoped3A_61 = tpu.sem_alloc : memref<!tpu.dma_semaphore, #tpu.memory_space<semaphore_mem>>
      %dma_start3A = arith.constant 6400 : i32
      %dma_start3A_62 = tpu.memref_slice %arg11[%dma_start3A] : memref<10240xf32, #tpu.memory_space<vmem>> -> memref<640xf32, #tpu.memory_space<vmem>>
      %dma_start3A_63 = tpu.memref_slice %arg12[%run_scoped3A_37, %mul3A_36] : memref<16x10240xf32, #tpu.memory_space<vmem_shared>> -> memref<1x640xf32, #tpu.memory_space<vmem_shared>>
      %dma_start3A_64 = tpu.memref_squeeze %dma_start3A_63 : memref<1x640xf32, #tpu.memory_space<vmem_shared>> -> memref<640xf32, #tpu.memory_space<vmem_shared>>
      %dma_start3A_65 = arith.constant 6400 : i32
      %dma_start3A_66 = tpu.memref_slice %arg11[%dma_start3A_65] : memref<10240xf32, #tpu.memory_space<vmem>> -> memref<640xf32, #tpu.memory_space<vmem>>
      %dma_start3A_67 = tpu.memref_slice %arg12[%run_scoped3A_37, %mul3A_36] : memref<16x10240xf32, #tpu.memory_space<vmem_shared>> -> memref<1x640xf32, #tpu.memory_space<vmem_shared>>
      %dma_start3A_68 = tpu.memref_squeeze %dma_start3A_67 : memref<1x640xf32, #tpu.memory_space<vmem_shared>> -> memref<640xf32, #tpu.memory_space<vmem_shared>>
      tpu.enqueue_dma source(%dma_start3A_68 : memref<640xf32, #tpu.memory_space<vmem_shared>>) target(%dma_start3A_66 : memref<640xf32, #tpu.memory_space<vmem>>) target_semaphore(%run_scoped3A_61 : memref<!tpu.dma_semaphore, #tpu.memory_space<semaphore_mem>>)
      %dma_wait3A = arith.constant 6400 : i32
      %dma_wait3A_69 = tpu.memref_slice %arg11[%dma_wait3A] : memref<10240xf32, #tpu.memory_space<vmem>> -> memref<640xf32, #tpu.memory_space<vmem>>
      %dma_wait3A_70 = tpu.memref_slice %arg12[%run_scoped3A_37, %mul3A_36] : memref<16x10240xf32, #tpu.memory_space<vmem_shared>> -> memref<1x640xf32, #tpu.memory_space<vmem_shared>>
      %dma_wait3A_71 = tpu.memref_squeeze %dma_wait3A_70 : memref<1x640xf32, #tpu.memory_space<vmem_shared>> -> memref<640xf32, #tpu.memory_space<vmem_shared>>
      %dma_wait3A_72 = arith.constant 6400 : i32
      %dma_wait3A_73 = tpu.memref_slice %arg11[%dma_wait3A_72] : memref<10240xf32, #tpu.memory_space<vmem>> -> memref<640xf32, #tpu.memory_space<vmem>>
      %dma_wait3A_74 = tpu.memref_slice %arg12[%run_scoped3A_37, %mul3A_36] : memref<16x10240xf32, #tpu.memory_space<vmem_shared>> -> memref<1x640xf32, #tpu.memory_space<vmem_shared>>
      %dma_wait3A_75 = tpu.memref_squeeze %dma_wait3A_74 : memref<1x640xf32, #tpu.memory_space<vmem_shared>> -> memref<640xf32, #tpu.memory_space<vmem_shared>>
      tpu.wait_dma2 semaphore(%run_scoped3A_61 : memref<!tpu.dma_semaphore, #tpu.memory_space<semaphore_mem>>) src(%dma_wait3A_75 : memref<640xf32, #tpu.memory_space<vmem_shared>>) dst(%dma_wait3A_73 : memref<640xf32, #tpu.memory_space<vmem>>)
      tpu.yield
    }) : () -> ()
    %mul3A_38 = arith.constant 640 : i32
    %mul3A_39 = arith.muli %arg1, %mul3A_38 : i32
    %run_scoped3A_40 = arith.constant 11 : i32
    "tpu.region"() ({
      %run_scoped3A_61 = tpu.sem_alloc : memref<!tpu.dma_semaphore, #tpu.memory_space<semaphore_mem>>
      %dma_start3A = arith.constant 7040 : i32
      %dma_start3A_62 = tpu.memref_slice %arg11[%dma_start3A] : memref<10240xf32, #tpu.memory_space<vmem>> -> memref<640xf32, #tpu.memory_space<vmem>>
      %dma_start3A_63 = tpu.memref_slice %arg12[%run_scoped3A_40, %mul3A_39] : memref<16x10240xf32, #tpu.memory_space<vmem_shared>> -> memref<1x640xf32, #tpu.memory_space<vmem_shared>>
      %dma_start3A_64 = tpu.memref_squeeze %dma_start3A_63 : memref<1x640xf32, #tpu.memory_space<vmem_shared>> -> memref<640xf32, #tpu.memory_space<vmem_shared>>
      %dma_start3A_65 = arith.constant 7040 : i32
      %dma_start3A_66 = tpu.memref_slice %arg11[%dma_start3A_65] : memref<10240xf32, #tpu.memory_space<vmem>> -> memref<640xf32, #tpu.memory_space<vmem>>
      %dma_start3A_67 = tpu.memref_slice %arg12[%run_scoped3A_40, %mul3A_39] : memref<16x10240xf32, #tpu.memory_space<vmem_shared>> -> memref<1x640xf32, #tpu.memory_space<vmem_shared>>
      %dma_start3A_68 = tpu.memref_squeeze %dma_start3A_67 : memref<1x640xf32, #tpu.memory_space<vmem_shared>> -> memref<640xf32, #tpu.memory_space<vmem_shared>>
      tpu.enqueue_dma source(%dma_start3A_68 : memref<640xf32, #tpu.memory_space<vmem_shared>>) target(%dma_start3A_66 : memref<640xf32, #tpu.memory_space<vmem>>) target_semaphore(%run_scoped3A_61 : memref<!tpu.dma_semaphore, #tpu.memory_space<semaphore_mem>>)
      %dma_wait3A = arith.constant 7040 : i32
      %dma_wait3A_69 = tpu.memref_slice %arg11[%dma_wait3A] : memref<10240xf32, #tpu.memory_space<vmem>> -> memref<640xf32, #tpu.memory_space<vmem>>
      %dma_wait3A_70 = tpu.memref_slice %arg12[%run_scoped3A_40, %mul3A_39] : memref<16x10240xf32, #tpu.memory_space<vmem_shared>> -> memref<1x640xf32, #tpu.memory_space<vmem_shared>>
      %dma_wait3A_71 = tpu.memref_squeeze %dma_wait3A_70 : memref<1x640xf32, #tpu.memory_space<vmem_shared>> -> memref<640xf32, #tpu.memory_space<vmem_shared>>
      %dma_wait3A_72 = arith.constant 7040 : i32
      %dma_wait3A_73 = tpu.memref_slice %arg11[%dma_wait3A_72] : memref<10240xf32, #tpu.memory_space<vmem>> -> memref<640xf32, #tpu.memory_space<vmem>>
      %dma_wait3A_74 = tpu.memref_slice %arg12[%run_scoped3A_40, %mul3A_39] : memref<16x10240xf32, #tpu.memory_space<vmem_shared>> -> memref<1x640xf32, #tpu.memory_space<vmem_shared>>
      %dma_wait3A_75 = tpu.memref_squeeze %dma_wait3A_74 : memref<1x640xf32, #tpu.memory_space<vmem_shared>> -> memref<640xf32, #tpu.memory_space<vmem_shared>>
      tpu.wait_dma2 semaphore(%run_scoped3A_61 : memref<!tpu.dma_semaphore, #tpu.memory_space<semaphore_mem>>) src(%dma_wait3A_75 : memref<640xf32, #tpu.memory_space<vmem_shared>>) dst(%dma_wait3A_73 : memref<640xf32, #tpu.memory_space<vmem>>)
      tpu.yield
    }) : () -> ()
    %mul3A_41 = arith.constant 640 : i32
    %mul3A_42 = arith.muli %arg1, %mul3A_41 : i32
    %run_scoped3A_43 = arith.constant 12 : i32
    "tpu.region"() ({
      %run_scoped3A_61 = tpu.sem_alloc : memref<!tpu.dma_semaphore, #tpu.memory_space<semaphore_mem>>
      %dma_start3A = arith.constant 7680 : i32
      %dma_start3A_62 = tpu.memref_slice %arg11[%dma_start3A] : memref<10240xf32, #tpu.memory_space<vmem>> -> memref<640xf32, #tpu.memory_space<vmem>>
      %dma_start3A_63 = tpu.memref_slice %arg12[%run_scoped3A_43, %mul3A_42] : memref<16x10240xf32, #tpu.memory_space<vmem_shared>> -> memref<1x640xf32, #tpu.memory_space<vmem_shared>>
      %dma_start3A_64 = tpu.memref_squeeze %dma_start3A_63 : memref<1x640xf32, #tpu.memory_space<vmem_shared>> -> memref<640xf32, #tpu.memory_space<vmem_shared>>
      %dma_start3A_65 = arith.constant 7680 : i32
      %dma_start3A_66 = tpu.memref_slice %arg11[%dma_start3A_65] : memref<10240xf32, #tpu.memory_space<vmem>> -> memref<640xf32, #tpu.memory_space<vmem>>
      %dma_start3A_67 = tpu.memref_slice %arg12[%run_scoped3A_43, %mul3A_42] : memref<16x10240xf32, #tpu.memory_space<vmem_shared>> -> memref<1x640xf32, #tpu.memory_space<vmem_shared>>
      %dma_start3A_68 = tpu.memref_squeeze %dma_start3A_67 : memref<1x640xf32, #tpu.memory_space<vmem_shared>> -> memref<640xf32, #tpu.memory_space<vmem_shared>>
      tpu.enqueue_dma source(%dma_start3A_68 : memref<640xf32, #tpu.memory_space<vmem_shared>>) target(%dma_start3A_66 : memref<640xf32, #tpu.memory_space<vmem>>) target_semaphore(%run_scoped3A_61 : memref<!tpu.dma_semaphore, #tpu.memory_space<semaphore_mem>>)
      %dma_wait3A = arith.constant 7680 : i32
      %dma_wait3A_69 = tpu.memref_slice %arg11[%dma_wait3A] : memref<10240xf32, #tpu.memory_space<vmem>> -> memref<640xf32, #tpu.memory_space<vmem>>
      %dma_wait3A_70 = tpu.memref_slice %arg12[%run_scoped3A_43, %mul3A_42] : memref<16x10240xf32, #tpu.memory_space<vmem_shared>> -> memref<1x640xf32, #tpu.memory_space<vmem_shared>>
      %dma_wait3A_71 = tpu.memref_squeeze %dma_wait3A_70 : memref<1x640xf32, #tpu.memory_space<vmem_shared>> -> memref<640xf32, #tpu.memory_space<vmem_shared>>
      %dma_wait3A_72 = arith.constant 7680 : i32
      %dma_wait3A_73 = tpu.memref_slice %arg11[%dma_wait3A_72] : memref<10240xf32, #tpu.memory_space<vmem>> -> memref<640xf32, #tpu.memory_space<vmem>>
      %dma_wait3A_74 = tpu.memref_slice %arg12[%run_scoped3A_43, %mul3A_42] : memref<16x10240xf32, #tpu.memory_space<vmem_shared>> -> memref<1x640xf32, #tpu.memory_space<vmem_shared>>
      %dma_wait3A_75 = tpu.memref_squeeze %dma_wait3A_74 : memref<1x640xf32, #tpu.memory_space<vmem_shared>> -> memref<640xf32, #tpu.memory_space<vmem_shared>>
      tpu.wait_dma2 semaphore(%run_scoped3A_61 : memref<!tpu.dma_semaphore, #tpu.memory_space<semaphore_mem>>) src(%dma_wait3A_75 : memref<640xf32, #tpu.memory_space<vmem_shared>>) dst(%dma_wait3A_73 : memref<640xf32, #tpu.memory_space<vmem>>)
      tpu.yield
    }) : () -> ()
    %mul3A_44 = arith.constant 640 : i32
    %mul3A_45 = arith.muli %arg1, %mul3A_44 : i32
    %run_scoped3A_46 = arith.constant 13 : i32
    "tpu.region"() ({
      %run_scoped3A_61 = tpu.sem_alloc : memref<!tpu.dma_semaphore, #tpu.memory_space<semaphore_mem>>
      %dma_start3A = arith.constant 8320 : i32
      %dma_start3A_62 = tpu.memref_slice %arg11[%dma_start3A] : memref<10240xf32, #tpu.memory_space<vmem>> -> memref<640xf32, #tpu.memory_space<vmem>>
      %dma_start3A_63 = tpu.memref_slice %arg12[%run_scoped3A_46, %mul3A_45] : memref<16x10240xf32, #tpu.memory_space<vmem_shared>> -> memref<1x640xf32, #tpu.memory_space<vmem_shared>>
      %dma_start3A_64 = tpu.memref_squeeze %dma_start3A_63 : memref<1x640xf32, #tpu.memory_space<vmem_shared>> -> memref<640xf32, #tpu.memory_space<vmem_shared>>
      %dma_start3A_65 = arith.constant 8320 : i32
      %dma_start3A_66 = tpu.memref_slice %arg11[%dma_start3A_65] : memref<10240xf32, #tpu.memory_space<vmem>> -> memref<640xf32, #tpu.memory_space<vmem>>
      %dma_start3A_67 = tpu.memref_slice %arg12[%run_scoped3A_46, %mul3A_45] : memref<16x10240xf32, #tpu.memory_space<vmem_shared>> -> memref<1x640xf32, #tpu.memory_space<vmem_shared>>
      %dma_start3A_68 = tpu.memref_squeeze %dma_start3A_67 : memref<1x640xf32, #tpu.memory_space<vmem_shared>> -> memref<640xf32, #tpu.memory_space<vmem_shared>>
      tpu.enqueue_dma source(%dma_start3A_68 : memref<640xf32, #tpu.memory_space<vmem_shared>>) target(%dma_start3A_66 : memref<640xf32, #tpu.memory_space<vmem>>) target_semaphore(%run_scoped3A_61 : memref<!tpu.dma_semaphore, #tpu.memory_space<semaphore_mem>>)
      %dma_wait3A = arith.constant 8320 : i32
      %dma_wait3A_69 = tpu.memref_slice %arg11[%dma_wait3A] : memref<10240xf32, #tpu.memory_space<vmem>> -> memref<640xf32, #tpu.memory_space<vmem>>
      %dma_wait3A_70 = tpu.memref_slice %arg12[%run_scoped3A_46, %mul3A_45] : memref<16x10240xf32, #tpu.memory_space<vmem_shared>> -> memref<1x640xf32, #tpu.memory_space<vmem_shared>>
      %dma_wait3A_71 = tpu.memref_squeeze %dma_wait3A_70 : memref<1x640xf32, #tpu.memory_space<vmem_shared>> -> memref<640xf32, #tpu.memory_space<vmem_shared>>
      %dma_wait3A_72 = arith.constant 8320 : i32
      %dma_wait3A_73 = tpu.memref_slice %arg11[%dma_wait3A_72] : memref<10240xf32, #tpu.memory_space<vmem>> -> memref<640xf32, #tpu.memory_space<vmem>>
      %dma_wait3A_74 = tpu.memref_slice %arg12[%run_scoped3A_46, %mul3A_45] : memref<16x10240xf32, #tpu.memory_space<vmem_shared>> -> memref<1x640xf32, #tpu.memory_space<vmem_shared>>
      %dma_wait3A_75 = tpu.memref_squeeze %dma_wait3A_74 : memref<1x640xf32, #tpu.memory_space<vmem_shared>> -> memref<640xf32, #tpu.memory_space<vmem_shared>>
      tpu.wait_dma2 semaphore(%run_scoped3A_61 : memref<!tpu.dma_semaphore, #tpu.memory_space<semaphore_mem>>) src(%dma_wait3A_75 : memref<640xf32, #tpu.memory_space<vmem_shared>>) dst(%dma_wait3A_73 : memref<640xf32, #tpu.memory_space<vmem>>)
      tpu.yield
    }) : () -> ()
    %mul3A_47 = arith.constant 640 : i32
    %mul3A_48 = arith.muli %arg1, %mul3A_47 : i32
    %run_scoped3A_49 = arith.constant 14 : i32
    "tpu.region"() ({
      %run_scoped3A_61 = tpu.sem_alloc : memref<!tpu.dma_semaphore, #tpu.memory_space<semaphore_mem>>
      %dma_start3A = arith.constant 8960 : i32
      %dma_start3A_62 = tpu.memref_slice %arg11[%dma_start3A] : memref<10240xf32, #tpu.memory_space<vmem>> -> memref<640xf32, #tpu.memory_space<vmem>>
      %dma_start3A_63 = tpu.memref_slice %arg12[%run_scoped3A_49, %mul3A_48] : memref<16x10240xf32, #tpu.memory_space<vmem_shared>> -> memref<1x640xf32, #tpu.memory_space<vmem_shared>>
      %dma_start3A_64 = tpu.memref_squeeze %dma_start3A_63 : memref<1x640xf32, #tpu.memory_space<vmem_shared>> -> memref<640xf32, #tpu.memory_space<vmem_shared>>
      %dma_start3A_65 = arith.constant 8960 : i32
      %dma_start3A_66 = tpu.memref_slice %arg11[%dma_start3A_65] : memref<10240xf32, #tpu.memory_space<vmem>> -> memref<640xf32, #tpu.memory_space<vmem>>
      %dma_start3A_67 = tpu.memref_slice %arg12[%run_scoped3A_49, %mul3A_48] : memref<16x10240xf32, #tpu.memory_space<vmem_shared>> -> memref<1x640xf32, #tpu.memory_space<vmem_shared>>
      %dma_start3A_68 = tpu.memref_squeeze %dma_start3A_67 : memref<1x640xf32, #tpu.memory_space<vmem_shared>> -> memref<640xf32, #tpu.memory_space<vmem_shared>>
      tpu.enqueue_dma source(%dma_start3A_68 : memref<640xf32, #tpu.memory_space<vmem_shared>>) target(%dma_start3A_66 : memref<640xf32, #tpu.memory_space<vmem>>) target_semaphore(%run_scoped3A_61 : memref<!tpu.dma_semaphore, #tpu.memory_space<semaphore_mem>>)
      %dma_wait3A = arith.constant 8960 : i32
      %dma_wait3A_69 = tpu.memref_slice %arg11[%dma_wait3A] : memref<10240xf32, #tpu.memory_space<vmem>> -> memref<640xf32, #tpu.memory_space<vmem>>
      %dma_wait3A_70 = tpu.memref_slice %arg12[%run_scoped3A_49, %mul3A_48] : memref<16x10240xf32, #tpu.memory_space<vmem_shared>> -> memref<1x640xf32, #tpu.memory_space<vmem_shared>>
      %dma_wait3A_71 = tpu.memref_squeeze %dma_wait3A_70 : memref<1x640xf32, #tpu.memory_space<vmem_shared>> -> memref<640xf32, #tpu.memory_space<vmem_shared>>
      %dma_wait3A_72 = arith.constant 8960 : i32
      %dma_wait3A_73 = tpu.memref_slice %arg11[%dma_wait3A_72] : memref<10240xf32, #tpu.memory_space<vmem>> -> memref<640xf32, #tpu.memory_space<vmem>>
      %dma_wait3A_74 = tpu.memref_slice %arg12[%run_scoped3A_49, %mul3A_48] : memref<16x10240xf32, #tpu.memory_space<vmem_shared>> -> memref<1x640xf32, #tpu.memory_space<vmem_shared>>
      %dma_wait3A_75 = tpu.memref_squeeze %dma_wait3A_74 : memref<1x640xf32, #tpu.memory_space<vmem_shared>> -> memref<640xf32, #tpu.memory_space<vmem_shared>>
      tpu.wait_dma2 semaphore(%run_scoped3A_61 : memref<!tpu.dma_semaphore, #tpu.memory_space<semaphore_mem>>) src(%dma_wait3A_75 : memref<640xf32, #tpu.memory_space<vmem_shared>>) dst(%dma_wait3A_73 : memref<640xf32, #tpu.memory_space<vmem>>)
      tpu.yield
    }) : () -> ()
    %mul3A_50 = arith.constant 640 : i32
    %mul3A_51 = arith.muli %arg1, %mul3A_50 : i32
    %run_scoped3A_52 = arith.constant 15 : i32
    "tpu.region"() ({
      %run_scoped3A_61 = tpu.sem_alloc : memref<!tpu.dma_semaphore, #tpu.memory_space<semaphore_mem>>
      %dma_start3A = arith.constant 9600 : i32
      %dma_start3A_62 = tpu.memref_slice %arg11[%dma_start3A] : memref<10240xf32, #tpu.memory_space<vmem>> -> memref<640xf32, #tpu.memory_space<vmem>>
      %dma_start3A_63 = tpu.memref_slice %arg12[%run_scoped3A_52, %mul3A_51] : memref<16x10240xf32, #tpu.memory_space<vmem_shared>> -> memref<1x640xf32, #tpu.memory_space<vmem_shared>>
      %dma_start3A_64 = tpu.memref_squeeze %dma_start3A_63 : memref<1x640xf32, #tpu.memory_space<vmem_shared>> -> memref<640xf32, #tpu.memory_space<vmem_shared>>
      %dma_start3A_65 = arith.constant 9600 : i32
      %dma_start3A_66 = tpu.memref_slice %arg11[%dma_start3A_65] : memref<10240xf32, #tpu.memory_space<vmem>> -> memref<640xf32, #tpu.memory_space<vmem>>
      %dma_start3A_67 = tpu.memref_slice %arg12[%run_scoped3A_52, %mul3A_51] : memref<16x10240xf32, #tpu.memory_space<vmem_shared>> -> memref<1x640xf32, #tpu.memory_space<vmem_shared>>
      %dma_start3A_68 = tpu.memref_squeeze %dma_start3A_67 : memref<1x640xf32, #tpu.memory_space<vmem_shared>> -> memref<640xf32, #tpu.memory_space<vmem_shared>>
      tpu.enqueue_dma source(%dma_start3A_68 : memref<640xf32, #tpu.memory_space<vmem_shared>>) target(%dma_start3A_66 : memref<640xf32, #tpu.memory_space<vmem>>) target_semaphore(%run_scoped3A_61 : memref<!tpu.dma_semaphore, #tpu.memory_space<semaphore_mem>>)
      %dma_wait3A = arith.constant 9600 : i32
      %dma_wait3A_69 = tpu.memref_slice %arg11[%dma_wait3A] : memref<10240xf32, #tpu.memory_space<vmem>> -> memref<640xf32, #tpu.memory_space<vmem>>
      %dma_wait3A_70 = tpu.memref_slice %arg12[%run_scoped3A_52, %mul3A_51] : memref<16x10240xf32, #tpu.memory_space<vmem_shared>> -> memref<1x640xf32, #tpu.memory_space<vmem_shared>>
      %dma_wait3A_71 = tpu.memref_squeeze %dma_wait3A_70 : memref<1x640xf32, #tpu.memory_space<vmem_shared>> -> memref<640xf32, #tpu.memory_space<vmem_shared>>
      %dma_wait3A_72 = arith.constant 9600 : i32
      %dma_wait3A_73 = tpu.memref_slice %arg11[%dma_wait3A_72] : memref<10240xf32, #tpu.memory_space<vmem>> -> memref<640xf32, #tpu.memory_space<vmem>>
      %dma_wait3A_74 = tpu.memref_slice %arg12[%run_scoped3A_52, %mul3A_51] : memref<16x10240xf32, #tpu.memory_space<vmem_shared>> -> memref<1x640xf32, #tpu.memory_space<vmem_shared>>
      %dma_wait3A_75 = tpu.memref_squeeze %dma_wait3A_74 : memref<1x640xf32, #tpu.memory_space<vmem_shared>> -> memref<640xf32, #tpu.memory_space<vmem_shared>>
      tpu.wait_dma2 semaphore(%run_scoped3A_61 : memref<!tpu.dma_semaphore, #tpu.memory_space<semaphore_mem>>) src(%dma_wait3A_75 : memref<640xf32, #tpu.memory_space<vmem_shared>>) dst(%dma_wait3A_73 : memref<640xf32, #tpu.memory_space<vmem>>)
      tpu.yield
    }) : () -> ()
    %scan3A_53 = arith.constant 0 : i32
    %scan3A_54 = arith.constant 0 : i32
    %scan3A_55 = arith.constant 40 : i32
    %scan3A_56 = arith.addi %scan3A_54, %scan3A_55 : i32
    %scan3A_57 = arith.constant 1 : i32
    scf.for %scan3A_61 = %scan3A_54 to %scan3A_56 step %scan3A_57  : i32 {
      %mul3A_62 = arith.constant 16 : i32
      %mul3A_63 = arith.muli %scan3A_61, %mul3A_62 : i32
      %get3A = arith.index_cast %mul3A_63 : i32 to index
      %get3A_64 = tpu.vector_load %arg11[%get3A] {strides = array<i32>} : memref<10240xf32, #tpu.memory_space<vmem>>, vector<16xf32>,
      %add3A_65 = arith.constant 640 : i32
      %add3A_66 = arith.addi %add3A_65, %mul3A_63 : i32
      %get3A_67 = arith.index_cast %add3A_66 : i32 to index
      %get3A_68 = tpu.vector_load %arg11[%get3A_67] {strides = array<i32>} : memref<10240xf32, #tpu.memory_space<vmem>>, vector<16xf32>,
      %add3A_69 = arith.addf %get3A_64, %get3A_68 : vector<16xf32>
      %add3A_70 = arith.constant 1280 : i32
      %add3A_71 = arith.addi %add3A_70, %mul3A_63 : i32
      %get3A_72 = arith.index_cast %add3A_71 : i32 to index
      %get3A_73 = tpu.vector_load %arg11[%get3A_72] {strides = array<i32>} : memref<10240xf32, #tpu.memory_space<vmem>>, vector<16xf32>,
      %add3A_74 = arith.addf %add3A_69, %get3A_73 : vector<16xf32>
      %add3A_75 = arith.constant 1920 : i32
      %add3A_76 = arith.addi %add3A_75, %mul3A_63 : i32
      %get3A_77 = arith.index_cast %add3A_76 : i32 to index
      %get3A_78 = tpu.vector_load %arg11[%get3A_77] {strides = array<i32>} : memref<10240xf32, #tpu.memory_space<vmem>>, vector<16xf32>,
      %add3A_79 = arith.addf %add3A_74, %get3A_78 : vector<16xf32>
      %add3A_80 = arith.constant 2560 : i32
      %add3A_81 = arith.addi %add3A_80, %mul3A_63 : i32
      %get3A_82 = arith.index_cast %add3A_81 : i32 to index
      %get3A_83 = tpu.vector_load %arg11[%get3A_82] {strides = array<i32>} : memref<10240xf32, #tpu.memory_space<vmem>>, vector<16xf32>,
      %add3A_84 = arith.addf %add3A_79, %get3A_83 : vector<16xf32>
      %add3A_85 = arith.constant 3200 : i32
      %add3A_86 = arith.addi %add3A_85, %mul3A_63 : i32
      %get3A_87 = arith.index_cast %add3A_86 : i32 to index
      %get3A_88 = tpu.vector_load %arg11[%get3A_87] {strides = array<i32>} : memref<10240xf32, #tpu.memory_space<vmem>>, vector<16xf32>,
      %add3A_89 = arith.addf %add3A_84, %get3A_88 : vector<16xf32>
      %add3A_90 = arith.constant 3840 : i32
      %add3A_91 = arith.addi %add3A_90, %mul3A_63 : i32
      %get3A_92 = arith.index_cast %add3A_91 : i32 to index
      %get3A_93 = tpu.vector_load %arg11[%get3A_92] {strides = array<i32>} : memref<10240xf32, #tpu.memory_space<vmem>>, vector<16xf32>,
      %add3A_94 = arith.addf %add3A_89, %get3A_93 : vector<16xf32>
      %add3A_95 = arith.constant 4480 : i32
      %add3A_96 = arith.addi %add3A_95, %mul3A_63 : i32
      %get3A_97 = arith.index_cast %add3A_96 : i32 to index
      %get3A_98 = tpu.vector_load %arg11[%get3A_97] {strides = array<i32>} : memref<10240xf32, #tpu.memory_space<vmem>>, vector<16xf32>,
      %add3A_99 = arith.addf %add3A_94, %get3A_98 : vector<16xf32>
      %add3A_100 = arith.constant 5120 : i32
      %add3A_101 = arith.addi %add3A_100, %mul3A_63 : i32
      %get3A_102 = arith.index_cast %add3A_101 : i32 to index
      %get3A_103 = tpu.vector_load %arg11[%get3A_102] {strides = array<i32>} : memref<10240xf32, #tpu.memory_space<vmem>>, vector<16xf32>,
      %add3A_104 = arith.addf %add3A_99, %get3A_103 : vector<16xf32>
      %add3A_105 = arith.constant 5760 : i32
      %add3A_106 = arith.addi %add3A_105, %mul3A_63 : i32
      %get3A_107 = arith.index_cast %add3A_106 : i32 to index
      %get3A_108 = tpu.vector_load %arg11[%get3A_107] {strides = array<i32>} : memref<10240xf32, #tpu.memory_space<vmem>>, vector<16xf32>,
      %add3A_109 = arith.addf %add3A_104, %get3A_108 : vector<16xf32>
      %add3A_110 = arith.constant 6400 : i32
      %add3A_111 = arith.addi %add3A_110, %mul3A_63 : i32
      %get3A_112 = arith.index_cast %add3A_111 : i32 to index
      %get3A_113 = tpu.vector_load %arg11[%get3A_112] {strides = array<i32>} : memref<10240xf32, #tpu.memory_space<vmem>>, vector<16xf32>,
      %add3A_114 = arith.addf %add3A_109, %get3A_113 : vector<16xf32>
      %add3A_115 = arith.constant 7040 : i32
      %add3A_116 = arith.addi %add3A_115, %mul3A_63 : i32
      %get3A_117 = arith.index_cast %add3A_116 : i32 to index
      %get3A_118 = tpu.vector_load %arg11[%get3A_117] {strides = array<i32>} : memref<10240xf32, #tpu.memory_space<vmem>>, vector<16xf32>,
      %add3A_119 = arith.addf %add3A_114, %get3A_118 : vector<16xf32>
      %add3A_120 = arith.constant 7680 : i32
      %add3A_121 = arith.addi %add3A_120, %mul3A_63 : i32
      %get3A_122 = arith.index_cast %add3A_121 : i32 to index
      %get3A_123 = tpu.vector_load %arg11[%get3A_122] {strides = array<i32>} : memref<10240xf32, #tpu.memory_space<vmem>>, vector<16xf32>,
      %add3A_124 = arith.addf %add3A_119, %get3A_123 : vector<16xf32>
      %add3A_125 = arith.constant 8320 : i32
      %add3A_126 = arith.addi %add3A_125, %mul3A_63 : i32
      %get3A_127 = arith.index_cast %add3A_126 : i32 to index
      %get3A_128 = tpu.vector_load %arg11[%get3A_127] {strides = array<i32>} : memref<10240xf32, #tpu.memory_space<vmem>>, vector<16xf32>,
      %add3A_129 = arith.addf %add3A_124, %get3A_128 : vector<16xf32>
      %add3A_130 = arith.constant 8960 : i32
      %add3A_131 = arith.addi %add3A_130, %mul3A_63 : i32
      %get3A_132 = arith.index_cast %add3A_131 : i32 to index
      %get3A_133 = tpu.vector_load %arg11[%get3A_132] {strides = array<i32>} : memref<10240xf32, #tpu.memory_space<vmem>>, vector<16xf32>,
      %add3A_134 = arith.addf %add3A_129, %get3A_133 : vector<16xf32>
      %add3A_135 = arith.constant 9600 : i32
      %add3A_136 = arith.addi %add3A_135, %mul3A_63 : i32
      %get3A_137 = arith.index_cast %add3A_136 : i32 to index
      %get3A_138 = tpu.vector_load %arg11[%get3A_137] {strides = array<i32>} : memref<10240xf32, #tpu.memory_space<vmem>>, vector<16xf32>,
      %add3A_139 = arith.addf %add3A_134, %get3A_138 : vector<16xf32>
      %swap3A = arith.index_cast %mul3A_63 : i32 to index
      %swap3A_140 = tpu.vector_load %arg10[%swap3A] {strides = array<i32>} : memref<10240xf32, #tpu.memory_space<vmem>>, vector<16xf32>,
      tpu.vector_store %arg10[%swap3A], %add3A_139 {strides = array<i32>} : memref<10240xf32, #tpu.memory_space<vmem>>, vector<16xf32>,
    }
    %scan3A_58 = arith.constant 40 : i32
    %mul3A_59 = arith.constant 640 : i32
    %mul3A_60 = arith.muli %arg1, %mul3A_59 : i32
    "tpu.region"() ({
      %run_scoped3A_61 = tpu.sem_alloc : memref<!tpu.dma_semaphore, #tpu.memory_space<semaphore_mem>>
      %dma_start3A = arith.constant 0 : i32
      %dma_start3A_62 = tpu.memref_slice %arg10[%dma_start3A] : memref<10240xf32, #tpu.memory_space<vmem>> -> memref<640xf32, #tpu.memory_space<vmem>>
      %dma_start3A_63 = tpu.memref_slice %arg6[%arg0, %mul3A_60] : memref<2x10240xf32, #tpu.memory_space<hbm>> -> memref<1x640xf32, #tpu.memory_space<hbm>>
      %dma_start3A_64 = tpu.memref_squeeze %dma_start3A_63 : memref<1x640xf32, #tpu.memory_space<hbm>> -> memref<640xf32, #tpu.memory_space<hbm>>
      %dma_start3A_65 = tpu.memref_slice %arg6[%arg0, %mul3A_60] : memref<2x10240xf32, #tpu.memory_space<hbm>> -> memref<1x640xf32, #tpu.memory_space<hbm>>
      %dma_start3A_66 = tpu.memref_squeeze %dma_start3A_65 : memref<1x640xf32, #tpu.memory_space<hbm>> -> memref<640xf32, #tpu.memory_space<hbm>>
      %dma_start3A_67 = arith.constant 0 : i32
      %dma_start3A_68 = tpu.memref_slice %arg10[%dma_start3A_67] : memref<10240xf32, #tpu.memory_space<vmem>> -> memref<640xf32, #tpu.memory_space<vmem>>
      tpu.enqueue_dma source(%dma_start3A_68 : memref<640xf32, #tpu.memory_space<vmem>>) target(%dma_start3A_66 : memref<640xf32, #tpu.memory_space<hbm>>) target_semaphore(%run_scoped3A_61 : memref<!tpu.dma_semaphore, #tpu.memory_space<semaphore_mem>>)
      %dma_wait3A = arith.constant 0 : i32
      %dma_wait3A_69 = tpu.memref_slice %arg10[%dma_wait3A] : memref<10240xf32, #tpu.memory_space<vmem>> -> memref<640xf32, #tpu.memory_space<vmem>>
      %dma_wait3A_70 = tpu.memref_slice %arg6[%arg0, %mul3A_60] : memref<2x10240xf32, #tpu.memory_space<hbm>> -> memref<1x640xf32, #tpu.memory_space<hbm>>
      %dma_wait3A_71 = tpu.memref_squeeze %dma_wait3A_70 : memref<1x640xf32, #tpu.memory_space<hbm>> -> memref<640xf32, #tpu.memory_space<hbm>>
      %dma_wait3A_72 = tpu.memref_slice %arg6[%arg0, %mul3A_60] : memref<2x10240xf32, #tpu.memory_space<hbm>> -> memref<1x640xf32, #tpu.memory_space<hbm>>
      %dma_wait3A_73 = tpu.memref_squeeze %dma_wait3A_72 : memref<1x640xf32, #tpu.memory_space<hbm>> -> memref<640xf32, #tpu.memory_space<hbm>>
      %dma_wait3A_74 = arith.constant 0 : i32
      %dma_wait3A_75 = tpu.memref_slice %arg10[%dma_wait3A_74] : memref<10240xf32, #tpu.memory_space<vmem>> -> memref<640xf32, #tpu.memory_space<vmem>>
      tpu.wait_dma2 semaphore(%run_scoped3A_61 : memref<!tpu.dma_semaphore, #tpu.memory_space<semaphore_mem>>) src(%dma_wait3A_75 : memref<640xf32, #tpu.memory_space<vmem>>) dst(%dma_wait3A_73 : memref<640xf32, #tpu.memory_space<hbm>>)
      tpu.yield
    }) : () -> ()
    return
  }
}

#map = affine_map<(d0, d1) -> (0, 0)>
#map1 = affine_map<(d0, d1) -> (0)>
module attributes {stable_mosaic.version = 14 : i64} {
  func.func @_sc_deg_body(%arg0: i32, %arg1: i32, %arg2: memref<32x5120xi32, #tpu.memory_space<hbm>>, %arg3: memref<10240xf32, #tpu.memory_space<hbm>>, %arg4: memref<2x10240xf32, #tpu.memory_space<hbm>>, %arg5: memref<5120xi32, #tpu.memory_space<vmem>>, %arg6: memref<10240xf32, #tpu.memory_space<vmem>>, %arg7: memref<10240xf32, #tpu.memory_space<vmem>>, %arg8: memref<16x10240xf32, #tpu.memory_space<vmem_shared>>) attributes {dimension_semantics = [#tpu.dimension_semantics<core_parallel>, #tpu.dimension_semantics<subcore_parallel>], iteration_bounds = array<i64: 2, 16>, scalar_prefetch = 0 : i64, scratch_operands = 4 : i64, tpu.core_type = #tpu.core_type<sc_vector_subcore>, window_params = [{transform_indices = #map}, {transform_indices = #map1}, {transform_indices = #map}]} {
    %mul3A = arith.constant 2 : i32
    %mul3A_0 = arith.muli %arg1, %mul3A : i32
    %add3A = arith.addi %mul3A_0, %arg0 : i32
    "tpu.region"() ({
      %run_scoped3A_62 = tpu.sem_alloc : memref<!tpu.dma_semaphore, #tpu.memory_space<semaphore_mem>>
      %dma_start3A = arith.constant 0 : i32
      %dma_start3A_63 = tpu.memref_slice %arg2[%add3A, %dma_start3A] : memref<32x5120xi32, #tpu.memory_space<hbm>> -> memref<1x5120xi32, #tpu.memory_space<hbm>>
      %dma_start3A_64 = tpu.memref_squeeze %dma_start3A_63 : memref<1x5120xi32, #tpu.memory_space<hbm>> -> memref<5120xi32, #tpu.memory_space<hbm>>
      %dma_start3A_65 = arith.constant 0 : i32
      %dma_start3A_66 = tpu.memref_slice %arg2[%add3A, %dma_start3A_65] : memref<32x5120xi32, #tpu.memory_space<hbm>> -> memref<1x5120xi32, #tpu.memory_space<hbm>>
      %dma_start3A_67 = tpu.memref_squeeze %dma_start3A_66 : memref<1x5120xi32, #tpu.memory_space<hbm>> -> memref<5120xi32, #tpu.memory_space<hbm>>
      tpu.enqueue_dma source(%dma_start3A_67 : memref<5120xi32, #tpu.memory_space<hbm>>) target(%arg5 : memref<5120xi32, #tpu.memory_space<vmem>>) target_semaphore(%run_scoped3A_62 : memref<!tpu.dma_semaphore, #tpu.memory_space<semaphore_mem>>)
      %dma_wait3A = arith.constant 0 : i32
      %dma_wait3A_68 = tpu.memref_slice %arg2[%add3A, %dma_wait3A] : memref<32x5120xi32, #tpu.memory_space<hbm>> -> memref<1x5120xi32, #tpu.memory_space<hbm>>
      %dma_wait3A_69 = tpu.memref_squeeze %dma_wait3A_68 : memref<1x5120xi32, #tpu.memory_space<hbm>> -> memref<5120xi32, #tpu.memory_space<hbm>>
      %dma_wait3A_70 = arith.constant 0 : i32
      %dma_wait3A_71 = tpu.memref_slice %arg2[%add3A, %dma_wait3A_70] : memref<32x5120xi32, #tpu.memory_space<hbm>> -> memref<1x5120xi32, #tpu.memory_space<hbm>>
      %dma_wait3A_72 = tpu.memref_squeeze %dma_wait3A_71 : memref<1x5120xi32, #tpu.memory_space<hbm>> -> memref<5120xi32, #tpu.memory_space<hbm>>
      tpu.wait_dma2 semaphore(%run_scoped3A_62 : memref<!tpu.dma_semaphore, #tpu.memory_space<semaphore_mem>>) src(%dma_wait3A_72 : memref<5120xi32, #tpu.memory_space<hbm>>) dst(%arg5 : memref<5120xi32, #tpu.memory_space<vmem>>)
      tpu.yield
    }) : () -> ()
    "tpu.region"() ({
      %run_scoped3A_62 = tpu.sem_alloc : memref<!tpu.dma_semaphore, #tpu.memory_space<semaphore_mem>>
      tpu.enqueue_dma source(%arg3 : memref<10240xf32, #tpu.memory_space<hbm>>) target(%arg6 : memref<10240xf32, #tpu.memory_space<vmem>>) target_semaphore(%run_scoped3A_62 : memref<!tpu.dma_semaphore, #tpu.memory_space<semaphore_mem>>)
      tpu.wait_dma2 semaphore(%run_scoped3A_62 : memref<!tpu.dma_semaphore, #tpu.memory_space<semaphore_mem>>) src(%arg3 : memref<10240xf32, #tpu.memory_space<hbm>>) dst(%arg6 : memref<10240xf32, #tpu.memory_space<vmem>>)
      tpu.yield
    }) : () -> ()
    %broadcast_in_dim3A = arith.constant 1.000000e+00 : f32
    %broadcast_in_dim3A_1 = vector.broadcast %broadcast_in_dim3A : f32 to vector<16xf32>
    %scan3A = arith.constant 0 : i32
    %scan3A_2 = arith.constant 0 : i32
    %scan3A_3 = arith.constant 320 : i32
    %scan3A_4 = arith.addi %scan3A_2, %scan3A_3 : i32
    %scan3A_5 = arith.constant 1 : i32
    scf.for %scan3A_62 = %scan3A_2 to %scan3A_4 step %scan3A_5  : i32 {
      %mul3A_63 = arith.constant 16 : i32
      %mul3A_64 = arith.muli %scan3A_62, %mul3A_63 : i32
      %get3A = arith.index_cast %mul3A_64 : i32 to index
      %get3A_65 = tpu.vector_load %arg5[%get3A] {strides = array<i32>} : memref<5120xi32, #tpu.memory_space<vmem>>, vector<16xi32>,
      tpu.vector_store_idx %arg6[%get3A_65], %broadcast_in_dim3A_1 {add = true} : memref<10240xf32, #tpu.memory_space<vmem>>[vector<16xi32>], vector<16xf32>,
    }
    %scan3A_6 = arith.constant 320 : i32
    "tpu.region"() ({
      %run_scoped3A_62 = tpu.sem_alloc : memref<!tpu.dma_semaphore, #tpu.memory_space<semaphore_mem>>
      %dma_start3A = arith.constant 0 : i32
      %dma_start3A_63 = tpu.memref_slice %arg8[%arg1, %dma_start3A] : memref<16x10240xf32, #tpu.memory_space<vmem_shared>> -> memref<1x10240xf32, #tpu.memory_space<vmem_shared>>
      %dma_start3A_64 = tpu.memref_squeeze %dma_start3A_63 : memref<1x10240xf32, #tpu.memory_space<vmem_shared>> -> memref<10240xf32, #tpu.memory_space<vmem_shared>>
      %dma_start3A_65 = arith.constant 0 : i32
      %dma_start3A_66 = tpu.memref_slice %arg8[%arg1, %dma_start3A_65] : memref<16x10240xf32, #tpu.memory_space<vmem_shared>> -> memref<1x10240xf32, #tpu.memory_space<vmem_shared>>
      %dma_start3A_67 = tpu.memref_squeeze %dma_start3A_66 : memref<1x10240xf32, #tpu.memory_space<vmem_shared>> -> memref<10240xf32, #tpu.memory_space<vmem_shared>>
      tpu.enqueue_dma source(%arg6 : memref<10240xf32, #tpu.memory_space<vmem>>) target(%dma_start3A_67 : memref<10240xf32, #tpu.memory_space<vmem_shared>>) target_semaphore(%run_scoped3A_62 : memref<!tpu.dma_semaphore, #tpu.memory_space<semaphore_mem>>)
      %dma_wait3A = arith.constant 0 : i32
      %dma_wait3A_68 = tpu.memref_slice %arg8[%arg1, %dma_wait3A] : memref<16x10240xf32, #tpu.memory_space<vmem_shared>> -> memref<1x10240xf32, #tpu.memory_space<vmem_shared>>
      %dma_wait3A_69 = tpu.memref_squeeze %dma_wait3A_68 : memref<1x10240xf32, #tpu.memory_space<vmem_shared>> -> memref<10240xf32, #tpu.memory_space<vmem_shared>>
      %dma_wait3A_70 = arith.constant 0 : i32
      %dma_wait3A_71 = tpu.memref_slice %arg8[%arg1, %dma_wait3A_70] : memref<16x10240xf32, #tpu.memory_space<vmem_shared>> -> memref<1x10240xf32, #tpu.memory_space<vmem_shared>>
      %dma_wait3A_72 = tpu.memref_squeeze %dma_wait3A_71 : memref<1x10240xf32, #tpu.memory_space<vmem_shared>> -> memref<10240xf32, #tpu.memory_space<vmem_shared>>
      tpu.wait_dma2 semaphore(%run_scoped3A_62 : memref<!tpu.dma_semaphore, #tpu.memory_space<semaphore_mem>>) src(%arg6 : memref<10240xf32, #tpu.memory_space<vmem>>) dst(%dma_wait3A_72 : memref<10240xf32, #tpu.memory_space<vmem_shared>>)
      tpu.yield
    }) : () -> ()
    %barrier3A = arith.constant 0 : index
    tpu.barrier barrier_id(%barrier3A)
    %mul3A_7 = arith.constant 640 : i32
    %mul3A_8 = arith.muli %arg1, %mul3A_7 : i32
    %run_scoped3A = arith.constant 0 : i32
    "tpu.region"() ({
      %run_scoped3A_62 = tpu.sem_alloc : memref<!tpu.dma_semaphore, #tpu.memory_space<semaphore_mem>>
      %dma_start3A = arith.constant 0 : i32
      %dma_start3A_63 = tpu.memref_slice %arg7[%dma_start3A] : memref<10240xf32, #tpu.memory_space<vmem>> -> memref<640xf32, #tpu.memory_space<vmem>>
      %dma_start3A_64 = tpu.memref_slice %arg8[%run_scoped3A, %mul3A_8] : memref<16x10240xf32, #tpu.memory_space<vmem_shared>> -> memref<1x640xf32, #tpu.memory_space<vmem_shared>>
      %dma_start3A_65 = tpu.memref_squeeze %dma_start3A_64 : memref<1x640xf32, #tpu.memory_space<vmem_shared>> -> memref<640xf32, #tpu.memory_space<vmem_shared>>
      %dma_start3A_66 = arith.constant 0 : i32
      %dma_start3A_67 = tpu.memref_slice %arg7[%dma_start3A_66] : memref<10240xf32, #tpu.memory_space<vmem>> -> memref<640xf32, #tpu.memory_space<vmem>>
      %dma_start3A_68 = tpu.memref_slice %arg8[%run_scoped3A, %mul3A_8] : memref<16x10240xf32, #tpu.memory_space<vmem_shared>> -> memref<1x640xf32, #tpu.memory_space<vmem_shared>>
      %dma_start3A_69 = tpu.memref_squeeze %dma_start3A_68 : memref<1x640xf32, #tpu.memory_space<vmem_shared>> -> memref<640xf32, #tpu.memory_space<vmem_shared>>
      tpu.enqueue_dma source(%dma_start3A_69 : memref<640xf32, #tpu.memory_space<vmem_shared>>) target(%dma_start3A_67 : memref<640xf32, #tpu.memory_space<vmem>>) target_semaphore(%run_scoped3A_62 : memref<!tpu.dma_semaphore, #tpu.memory_space<semaphore_mem>>)
      %dma_wait3A = arith.constant 0 : i32
      %dma_wait3A_70 = tpu.memref_slice %arg7[%dma_wait3A] : memref<10240xf32, #tpu.memory_space<vmem>> -> memref<640xf32, #tpu.memory_space<vmem>>
      %dma_wait3A_71 = tpu.memref_slice %arg8[%run_scoped3A, %mul3A_8] : memref<16x10240xf32, #tpu.memory_space<vmem_shared>> -> memref<1x640xf32, #tpu.memory_space<vmem_shared>>
      %dma_wait3A_72 = tpu.memref_squeeze %dma_wait3A_71 : memref<1x640xf32, #tpu.memory_space<vmem_shared>> -> memref<640xf32, #tpu.memory_space<vmem_shared>>
      %dma_wait3A_73 = arith.constant 0 : i32
      %dma_wait3A_74 = tpu.memref_slice %arg7[%dma_wait3A_73] : memref<10240xf32, #tpu.memory_space<vmem>> -> memref<640xf32, #tpu.memory_space<vmem>>
      %dma_wait3A_75 = tpu.memref_slice %arg8[%run_scoped3A, %mul3A_8] : memref<16x10240xf32, #tpu.memory_space<vmem_shared>> -> memref<1x640xf32, #tpu.memory_space<vmem_shared>>
      %dma_wait3A_76 = tpu.memref_squeeze %dma_wait3A_75 : memref<1x640xf32, #tpu.memory_space<vmem_shared>> -> memref<640xf32, #tpu.memory_space<vmem_shared>>
      tpu.wait_dma2 semaphore(%run_scoped3A_62 : memref<!tpu.dma_semaphore, #tpu.memory_space<semaphore_mem>>) src(%dma_wait3A_76 : memref<640xf32, #tpu.memory_space<vmem_shared>>) dst(%dma_wait3A_74 : memref<640xf32, #tpu.memory_space<vmem>>)
      tpu.yield
    }) : () -> ()
    %mul3A_9 = arith.constant 640 : i32
    %mul3A_10 = arith.muli %arg1, %mul3A_9 : i32
    %run_scoped3A_11 = arith.constant 1 : i32
    "tpu.region"() ({
      %run_scoped3A_62 = tpu.sem_alloc : memref<!tpu.dma_semaphore, #tpu.memory_space<semaphore_mem>>
      %dma_start3A = arith.constant 640 : i32
      %dma_start3A_63 = tpu.memref_slice %arg7[%dma_start3A] : memref<10240xf32, #tpu.memory_space<vmem>> -> memref<640xf32, #tpu.memory_space<vmem>>
      %dma_start3A_64 = tpu.memref_slice %arg8[%run_scoped3A_11, %mul3A_10] : memref<16x10240xf32, #tpu.memory_space<vmem_shared>> -> memref<1x640xf32, #tpu.memory_space<vmem_shared>>
      %dma_start3A_65 = tpu.memref_squeeze %dma_start3A_64 : memref<1x640xf32, #tpu.memory_space<vmem_shared>> -> memref<640xf32, #tpu.memory_space<vmem_shared>>
      %dma_start3A_66 = arith.constant 640 : i32
      %dma_start3A_67 = tpu.memref_slice %arg7[%dma_start3A_66] : memref<10240xf32, #tpu.memory_space<vmem>> -> memref<640xf32, #tpu.memory_space<vmem>>
      %dma_start3A_68 = tpu.memref_slice %arg8[%run_scoped3A_11, %mul3A_10] : memref<16x10240xf32, #tpu.memory_space<vmem_shared>> -> memref<1x640xf32, #tpu.memory_space<vmem_shared>>
      %dma_start3A_69 = tpu.memref_squeeze %dma_start3A_68 : memref<1x640xf32, #tpu.memory_space<vmem_shared>> -> memref<640xf32, #tpu.memory_space<vmem_shared>>
      tpu.enqueue_dma source(%dma_start3A_69 : memref<640xf32, #tpu.memory_space<vmem_shared>>) target(%dma_start3A_67 : memref<640xf32, #tpu.memory_space<vmem>>) target_semaphore(%run_scoped3A_62 : memref<!tpu.dma_semaphore, #tpu.memory_space<semaphore_mem>>)
      %dma_wait3A = arith.constant 640 : i32
      %dma_wait3A_70 = tpu.memref_slice %arg7[%dma_wait3A] : memref<10240xf32, #tpu.memory_space<vmem>> -> memref<640xf32, #tpu.memory_space<vmem>>
      %dma_wait3A_71 = tpu.memref_slice %arg8[%run_scoped3A_11, %mul3A_10] : memref<16x10240xf32, #tpu.memory_space<vmem_shared>> -> memref<1x640xf32, #tpu.memory_space<vmem_shared>>
      %dma_wait3A_72 = tpu.memref_squeeze %dma_wait3A_71 : memref<1x640xf32, #tpu.memory_space<vmem_shared>> -> memref<640xf32, #tpu.memory_space<vmem_shared>>
      %dma_wait3A_73 = arith.constant 640 : i32
      %dma_wait3A_74 = tpu.memref_slice %arg7[%dma_wait3A_73] : memref<10240xf32, #tpu.memory_space<vmem>> -> memref<640xf32, #tpu.memory_space<vmem>>
      %dma_wait3A_75 = tpu.memref_slice %arg8[%run_scoped3A_11, %mul3A_10] : memref<16x10240xf32, #tpu.memory_space<vmem_shared>> -> memref<1x640xf32, #tpu.memory_space<vmem_shared>>
      %dma_wait3A_76 = tpu.memref_squeeze %dma_wait3A_75 : memref<1x640xf32, #tpu.memory_space<vmem_shared>> -> memref<640xf32, #tpu.memory_space<vmem_shared>>
      tpu.wait_dma2 semaphore(%run_scoped3A_62 : memref<!tpu.dma_semaphore, #tpu.memory_space<semaphore_mem>>) src(%dma_wait3A_76 : memref<640xf32, #tpu.memory_space<vmem_shared>>) dst(%dma_wait3A_74 : memref<640xf32, #tpu.memory_space<vmem>>)
      tpu.yield
    }) : () -> ()
    %mul3A_12 = arith.constant 640 : i32
    %mul3A_13 = arith.muli %arg1, %mul3A_12 : i32
    %run_scoped3A_14 = arith.constant 2 : i32
    "tpu.region"() ({
      %run_scoped3A_62 = tpu.sem_alloc : memref<!tpu.dma_semaphore, #tpu.memory_space<semaphore_mem>>
      %dma_start3A = arith.constant 1280 : i32
      %dma_start3A_63 = tpu.memref_slice %arg7[%dma_start3A] : memref<10240xf32, #tpu.memory_space<vmem>> -> memref<640xf32, #tpu.memory_space<vmem>>
      %dma_start3A_64 = tpu.memref_slice %arg8[%run_scoped3A_14, %mul3A_13] : memref<16x10240xf32, #tpu.memory_space<vmem_shared>> -> memref<1x640xf32, #tpu.memory_space<vmem_shared>>
      %dma_start3A_65 = tpu.memref_squeeze %dma_start3A_64 : memref<1x640xf32, #tpu.memory_space<vmem_shared>> -> memref<640xf32, #tpu.memory_space<vmem_shared>>
      %dma_start3A_66 = arith.constant 1280 : i32
      %dma_start3A_67 = tpu.memref_slice %arg7[%dma_start3A_66] : memref<10240xf32, #tpu.memory_space<vmem>> -> memref<640xf32, #tpu.memory_space<vmem>>
      %dma_start3A_68 = tpu.memref_slice %arg8[%run_scoped3A_14, %mul3A_13] : memref<16x10240xf32, #tpu.memory_space<vmem_shared>> -> memref<1x640xf32, #tpu.memory_space<vmem_shared>>
      %dma_start3A_69 = tpu.memref_squeeze %dma_start3A_68 : memref<1x640xf32, #tpu.memory_space<vmem_shared>> -> memref<640xf32, #tpu.memory_space<vmem_shared>>
      tpu.enqueue_dma source(%dma_start3A_69 : memref<640xf32, #tpu.memory_space<vmem_shared>>) target(%dma_start3A_67 : memref<640xf32, #tpu.memory_space<vmem>>) target_semaphore(%run_scoped3A_62 : memref<!tpu.dma_semaphore, #tpu.memory_space<semaphore_mem>>)
      %dma_wait3A = arith.constant 1280 : i32
      %dma_wait3A_70 = tpu.memref_slice %arg7[%dma_wait3A] : memref<10240xf32, #tpu.memory_space<vmem>> -> memref<640xf32, #tpu.memory_space<vmem>>
      %dma_wait3A_71 = tpu.memref_slice %arg8[%run_scoped3A_14, %mul3A_13] : memref<16x10240xf32, #tpu.memory_space<vmem_shared>> -> memref<1x640xf32, #tpu.memory_space<vmem_shared>>
      %dma_wait3A_72 = tpu.memref_squeeze %dma_wait3A_71 : memref<1x640xf32, #tpu.memory_space<vmem_shared>> -> memref<640xf32, #tpu.memory_space<vmem_shared>>
      %dma_wait3A_73 = arith.constant 1280 : i32
      %dma_wait3A_74 = tpu.memref_slice %arg7[%dma_wait3A_73] : memref<10240xf32, #tpu.memory_space<vmem>> -> memref<640xf32, #tpu.memory_space<vmem>>
      %dma_wait3A_75 = tpu.memref_slice %arg8[%run_scoped3A_14, %mul3A_13] : memref<16x10240xf32, #tpu.memory_space<vmem_shared>> -> memref<1x640xf32, #tpu.memory_space<vmem_shared>>
      %dma_wait3A_76 = tpu.memref_squeeze %dma_wait3A_75 : memref<1x640xf32, #tpu.memory_space<vmem_shared>> -> memref<640xf32, #tpu.memory_space<vmem_shared>>
      tpu.wait_dma2 semaphore(%run_scoped3A_62 : memref<!tpu.dma_semaphore, #tpu.memory_space<semaphore_mem>>) src(%dma_wait3A_76 : memref<640xf32, #tpu.memory_space<vmem_shared>>) dst(%dma_wait3A_74 : memref<640xf32, #tpu.memory_space<vmem>>)
      tpu.yield
    }) : () -> ()
    %mul3A_15 = arith.constant 640 : i32
    %mul3A_16 = arith.muli %arg1, %mul3A_15 : i32
    %run_scoped3A_17 = arith.constant 3 : i32
    "tpu.region"() ({
      %run_scoped3A_62 = tpu.sem_alloc : memref<!tpu.dma_semaphore, #tpu.memory_space<semaphore_mem>>
      %dma_start3A = arith.constant 1920 : i32
      %dma_start3A_63 = tpu.memref_slice %arg7[%dma_start3A] : memref<10240xf32, #tpu.memory_space<vmem>> -> memref<640xf32, #tpu.memory_space<vmem>>
      %dma_start3A_64 = tpu.memref_slice %arg8[%run_scoped3A_17, %mul3A_16] : memref<16x10240xf32, #tpu.memory_space<vmem_shared>> -> memref<1x640xf32, #tpu.memory_space<vmem_shared>>
      %dma_start3A_65 = tpu.memref_squeeze %dma_start3A_64 : memref<1x640xf32, #tpu.memory_space<vmem_shared>> -> memref<640xf32, #tpu.memory_space<vmem_shared>>
      %dma_start3A_66 = arith.constant 1920 : i32
      %dma_start3A_67 = tpu.memref_slice %arg7[%dma_start3A_66] : memref<10240xf32, #tpu.memory_space<vmem>> -> memref<640xf32, #tpu.memory_space<vmem>>
      %dma_start3A_68 = tpu.memref_slice %arg8[%run_scoped3A_17, %mul3A_16] : memref<16x10240xf32, #tpu.memory_space<vmem_shared>> -> memref<1x640xf32, #tpu.memory_space<vmem_shared>>
      %dma_start3A_69 = tpu.memref_squeeze %dma_start3A_68 : memref<1x640xf32, #tpu.memory_space<vmem_shared>> -> memref<640xf32, #tpu.memory_space<vmem_shared>>
      tpu.enqueue_dma source(%dma_start3A_69 : memref<640xf32, #tpu.memory_space<vmem_shared>>) target(%dma_start3A_67 : memref<640xf32, #tpu.memory_space<vmem>>) target_semaphore(%run_scoped3A_62 : memref<!tpu.dma_semaphore, #tpu.memory_space<semaphore_mem>>)
      %dma_wait3A = arith.constant 1920 : i32
      %dma_wait3A_70 = tpu.memref_slice %arg7[%dma_wait3A] : memref<10240xf32, #tpu.memory_space<vmem>> -> memref<640xf32, #tpu.memory_space<vmem>>
      %dma_wait3A_71 = tpu.memref_slice %arg8[%run_scoped3A_17, %mul3A_16] : memref<16x10240xf32, #tpu.memory_space<vmem_shared>> -> memref<1x640xf32, #tpu.memory_space<vmem_shared>>
      %dma_wait3A_72 = tpu.memref_squeeze %dma_wait3A_71 : memref<1x640xf32, #tpu.memory_space<vmem_shared>> -> memref<640xf32, #tpu.memory_space<vmem_shared>>
      %dma_wait3A_73 = arith.constant 1920 : i32
      %dma_wait3A_74 = tpu.memref_slice %arg7[%dma_wait3A_73] : memref<10240xf32, #tpu.memory_space<vmem>> -> memref<640xf32, #tpu.memory_space<vmem>>
      %dma_wait3A_75 = tpu.memref_slice %arg8[%run_scoped3A_17, %mul3A_16] : memref<16x10240xf32, #tpu.memory_space<vmem_shared>> -> memref<1x640xf32, #tpu.memory_space<vmem_shared>>
      %dma_wait3A_76 = tpu.memref_squeeze %dma_wait3A_75 : memref<1x640xf32, #tpu.memory_space<vmem_shared>> -> memref<640xf32, #tpu.memory_space<vmem_shared>>
      tpu.wait_dma2 semaphore(%run_scoped3A_62 : memref<!tpu.dma_semaphore, #tpu.memory_space<semaphore_mem>>) src(%dma_wait3A_76 : memref<640xf32, #tpu.memory_space<vmem_shared>>) dst(%dma_wait3A_74 : memref<640xf32, #tpu.memory_space<vmem>>)
      tpu.yield
    }) : () -> ()
    %mul3A_18 = arith.constant 640 : i32
    %mul3A_19 = arith.muli %arg1, %mul3A_18 : i32
    %run_scoped3A_20 = arith.constant 4 : i32
    "tpu.region"() ({
      %run_scoped3A_62 = tpu.sem_alloc : memref<!tpu.dma_semaphore, #tpu.memory_space<semaphore_mem>>
      %dma_start3A = arith.constant 2560 : i32
      %dma_start3A_63 = tpu.memref_slice %arg7[%dma_start3A] : memref<10240xf32, #tpu.memory_space<vmem>> -> memref<640xf32, #tpu.memory_space<vmem>>
      %dma_start3A_64 = tpu.memref_slice %arg8[%run_scoped3A_20, %mul3A_19] : memref<16x10240xf32, #tpu.memory_space<vmem_shared>> -> memref<1x640xf32, #tpu.memory_space<vmem_shared>>
      %dma_start3A_65 = tpu.memref_squeeze %dma_start3A_64 : memref<1x640xf32, #tpu.memory_space<vmem_shared>> -> memref<640xf32, #tpu.memory_space<vmem_shared>>
      %dma_start3A_66 = arith.constant 2560 : i32
      %dma_start3A_67 = tpu.memref_slice %arg7[%dma_start3A_66] : memref<10240xf32, #tpu.memory_space<vmem>> -> memref<640xf32, #tpu.memory_space<vmem>>
      %dma_start3A_68 = tpu.memref_slice %arg8[%run_scoped3A_20, %mul3A_19] : memref<16x10240xf32, #tpu.memory_space<vmem_shared>> -> memref<1x640xf32, #tpu.memory_space<vmem_shared>>
      %dma_start3A_69 = tpu.memref_squeeze %dma_start3A_68 : memref<1x640xf32, #tpu.memory_space<vmem_shared>> -> memref<640xf32, #tpu.memory_space<vmem_shared>>
      tpu.enqueue_dma source(%dma_start3A_69 : memref<640xf32, #tpu.memory_space<vmem_shared>>) target(%dma_start3A_67 : memref<640xf32, #tpu.memory_space<vmem>>) target_semaphore(%run_scoped3A_62 : memref<!tpu.dma_semaphore, #tpu.memory_space<semaphore_mem>>)
      %dma_wait3A = arith.constant 2560 : i32
      %dma_wait3A_70 = tpu.memref_slice %arg7[%dma_wait3A] : memref<10240xf32, #tpu.memory_space<vmem>> -> memref<640xf32, #tpu.memory_space<vmem>>
      %dma_wait3A_71 = tpu.memref_slice %arg8[%run_scoped3A_20, %mul3A_19] : memref<16x10240xf32, #tpu.memory_space<vmem_shared>> -> memref<1x640xf32, #tpu.memory_space<vmem_shared>>
      %dma_wait3A_72 = tpu.memref_squeeze %dma_wait3A_71 : memref<1x640xf32, #tpu.memory_space<vmem_shared>> -> memref<640xf32, #tpu.memory_space<vmem_shared>>
      %dma_wait3A_73 = arith.constant 2560 : i32
      %dma_wait3A_74 = tpu.memref_slice %arg7[%dma_wait3A_73] : memref<10240xf32, #tpu.memory_space<vmem>> -> memref<640xf32, #tpu.memory_space<vmem>>
      %dma_wait3A_75 = tpu.memref_slice %arg8[%run_scoped3A_20, %mul3A_19] : memref<16x10240xf32, #tpu.memory_space<vmem_shared>> -> memref<1x640xf32, #tpu.memory_space<vmem_shared>>
      %dma_wait3A_76 = tpu.memref_squeeze %dma_wait3A_75 : memref<1x640xf32, #tpu.memory_space<vmem_shared>> -> memref<640xf32, #tpu.memory_space<vmem_shared>>
      tpu.wait_dma2 semaphore(%run_scoped3A_62 : memref<!tpu.dma_semaphore, #tpu.memory_space<semaphore_mem>>) src(%dma_wait3A_76 : memref<640xf32, #tpu.memory_space<vmem_shared>>) dst(%dma_wait3A_74 : memref<640xf32, #tpu.memory_space<vmem>>)
      tpu.yield
    }) : () -> ()
    %mul3A_21 = arith.constant 640 : i32
    %mul3A_22 = arith.muli %arg1, %mul3A_21 : i32
    %run_scoped3A_23 = arith.constant 5 : i32
    "tpu.region"() ({
      %run_scoped3A_62 = tpu.sem_alloc : memref<!tpu.dma_semaphore, #tpu.memory_space<semaphore_mem>>
      %dma_start3A = arith.constant 3200 : i32
      %dma_start3A_63 = tpu.memref_slice %arg7[%dma_start3A] : memref<10240xf32, #tpu.memory_space<vmem>> -> memref<640xf32, #tpu.memory_space<vmem>>
      %dma_start3A_64 = tpu.memref_slice %arg8[%run_scoped3A_23, %mul3A_22] : memref<16x10240xf32, #tpu.memory_space<vmem_shared>> -> memref<1x640xf32, #tpu.memory_space<vmem_shared>>
      %dma_start3A_65 = tpu.memref_squeeze %dma_start3A_64 : memref<1x640xf32, #tpu.memory_space<vmem_shared>> -> memref<640xf32, #tpu.memory_space<vmem_shared>>
      %dma_start3A_66 = arith.constant 3200 : i32
      %dma_start3A_67 = tpu.memref_slice %arg7[%dma_start3A_66] : memref<10240xf32, #tpu.memory_space<vmem>> -> memref<640xf32, #tpu.memory_space<vmem>>
      %dma_start3A_68 = tpu.memref_slice %arg8[%run_scoped3A_23, %mul3A_22] : memref<16x10240xf32, #tpu.memory_space<vmem_shared>> -> memref<1x640xf32, #tpu.memory_space<vmem_shared>>
      %dma_start3A_69 = tpu.memref_squeeze %dma_start3A_68 : memref<1x640xf32, #tpu.memory_space<vmem_shared>> -> memref<640xf32, #tpu.memory_space<vmem_shared>>
      tpu.enqueue_dma source(%dma_start3A_69 : memref<640xf32, #tpu.memory_space<vmem_shared>>) target(%dma_start3A_67 : memref<640xf32, #tpu.memory_space<vmem>>) target_semaphore(%run_scoped3A_62 : memref<!tpu.dma_semaphore, #tpu.memory_space<semaphore_mem>>)
      %dma_wait3A = arith.constant 3200 : i32
      %dma_wait3A_70 = tpu.memref_slice %arg7[%dma_wait3A] : memref<10240xf32, #tpu.memory_space<vmem>> -> memref<640xf32, #tpu.memory_space<vmem>>
      %dma_wait3A_71 = tpu.memref_slice %arg8[%run_scoped3A_23, %mul3A_22] : memref<16x10240xf32, #tpu.memory_space<vmem_shared>> -> memref<1x640xf32, #tpu.memory_space<vmem_shared>>
      %dma_wait3A_72 = tpu.memref_squeeze %dma_wait3A_71 : memref<1x640xf32, #tpu.memory_space<vmem_shared>> -> memref<640xf32, #tpu.memory_space<vmem_shared>>
      %dma_wait3A_73 = arith.constant 3200 : i32
      %dma_wait3A_74 = tpu.memref_slice %arg7[%dma_wait3A_73] : memref<10240xf32, #tpu.memory_space<vmem>> -> memref<640xf32, #tpu.memory_space<vmem>>
      %dma_wait3A_75 = tpu.memref_slice %arg8[%run_scoped3A_23, %mul3A_22] : memref<16x10240xf32, #tpu.memory_space<vmem_shared>> -> memref<1x640xf32, #tpu.memory_space<vmem_shared>>
      %dma_wait3A_76 = tpu.memref_squeeze %dma_wait3A_75 : memref<1x640xf32, #tpu.memory_space<vmem_shared>> -> memref<640xf32, #tpu.memory_space<vmem_shared>>
      tpu.wait_dma2 semaphore(%run_scoped3A_62 : memref<!tpu.dma_semaphore, #tpu.memory_space<semaphore_mem>>) src(%dma_wait3A_76 : memref<640xf32, #tpu.memory_space<vmem_shared>>) dst(%dma_wait3A_74 : memref<640xf32, #tpu.memory_space<vmem>>)
      tpu.yield
    }) : () -> ()
    %mul3A_24 = arith.constant 640 : i32
    %mul3A_25 = arith.muli %arg1, %mul3A_24 : i32
    %run_scoped3A_26 = arith.constant 6 : i32
    "tpu.region"() ({
      %run_scoped3A_62 = tpu.sem_alloc : memref<!tpu.dma_semaphore, #tpu.memory_space<semaphore_mem>>
      %dma_start3A = arith.constant 3840 : i32
      %dma_start3A_63 = tpu.memref_slice %arg7[%dma_start3A] : memref<10240xf32, #tpu.memory_space<vmem>> -> memref<640xf32, #tpu.memory_space<vmem>>
      %dma_start3A_64 = tpu.memref_slice %arg8[%run_scoped3A_26, %mul3A_25] : memref<16x10240xf32, #tpu.memory_space<vmem_shared>> -> memref<1x640xf32, #tpu.memory_space<vmem_shared>>
      %dma_start3A_65 = tpu.memref_squeeze %dma_start3A_64 : memref<1x640xf32, #tpu.memory_space<vmem_shared>> -> memref<640xf32, #tpu.memory_space<vmem_shared>>
      %dma_start3A_66 = arith.constant 3840 : i32
      %dma_start3A_67 = tpu.memref_slice %arg7[%dma_start3A_66] : memref<10240xf32, #tpu.memory_space<vmem>> -> memref<640xf32, #tpu.memory_space<vmem>>
      %dma_start3A_68 = tpu.memref_slice %arg8[%run_scoped3A_26, %mul3A_25] : memref<16x10240xf32, #tpu.memory_space<vmem_shared>> -> memref<1x640xf32, #tpu.memory_space<vmem_shared>>
      %dma_start3A_69 = tpu.memref_squeeze %dma_start3A_68 : memref<1x640xf32, #tpu.memory_space<vmem_shared>> -> memref<640xf32, #tpu.memory_space<vmem_shared>>
      tpu.enqueue_dma source(%dma_start3A_69 : memref<640xf32, #tpu.memory_space<vmem_shared>>) target(%dma_start3A_67 : memref<640xf32, #tpu.memory_space<vmem>>) target_semaphore(%run_scoped3A_62 : memref<!tpu.dma_semaphore, #tpu.memory_space<semaphore_mem>>)
      %dma_wait3A = arith.constant 3840 : i32
      %dma_wait3A_70 = tpu.memref_slice %arg7[%dma_wait3A] : memref<10240xf32, #tpu.memory_space<vmem>> -> memref<640xf32, #tpu.memory_space<vmem>>
      %dma_wait3A_71 = tpu.memref_slice %arg8[%run_scoped3A_26, %mul3A_25] : memref<16x10240xf32, #tpu.memory_space<vmem_shared>> -> memref<1x640xf32, #tpu.memory_space<vmem_shared>>
      %dma_wait3A_72 = tpu.memref_squeeze %dma_wait3A_71 : memref<1x640xf32, #tpu.memory_space<vmem_shared>> -> memref<640xf32, #tpu.memory_space<vmem_shared>>
      %dma_wait3A_73 = arith.constant 3840 : i32
      %dma_wait3A_74 = tpu.memref_slice %arg7[%dma_wait3A_73] : memref<10240xf32, #tpu.memory_space<vmem>> -> memref<640xf32, #tpu.memory_space<vmem>>
      %dma_wait3A_75 = tpu.memref_slice %arg8[%run_scoped3A_26, %mul3A_25] : memref<16x10240xf32, #tpu.memory_space<vmem_shared>> -> memref<1x640xf32, #tpu.memory_space<vmem_shared>>
      %dma_wait3A_76 = tpu.memref_squeeze %dma_wait3A_75 : memref<1x640xf32, #tpu.memory_space<vmem_shared>> -> memref<640xf32, #tpu.memory_space<vmem_shared>>
      tpu.wait_dma2 semaphore(%run_scoped3A_62 : memref<!tpu.dma_semaphore, #tpu.memory_space<semaphore_mem>>) src(%dma_wait3A_76 : memref<640xf32, #tpu.memory_space<vmem_shared>>) dst(%dma_wait3A_74 : memref<640xf32, #tpu.memory_space<vmem>>)
      tpu.yield
    }) : () -> ()
    %mul3A_27 = arith.constant 640 : i32
    %mul3A_28 = arith.muli %arg1, %mul3A_27 : i32
    %run_scoped3A_29 = arith.constant 7 : i32
    "tpu.region"() ({
      %run_scoped3A_62 = tpu.sem_alloc : memref<!tpu.dma_semaphore, #tpu.memory_space<semaphore_mem>>
      %dma_start3A = arith.constant 4480 : i32
      %dma_start3A_63 = tpu.memref_slice %arg7[%dma_start3A] : memref<10240xf32, #tpu.memory_space<vmem>> -> memref<640xf32, #tpu.memory_space<vmem>>
      %dma_start3A_64 = tpu.memref_slice %arg8[%run_scoped3A_29, %mul3A_28] : memref<16x10240xf32, #tpu.memory_space<vmem_shared>> -> memref<1x640xf32, #tpu.memory_space<vmem_shared>>
      %dma_start3A_65 = tpu.memref_squeeze %dma_start3A_64 : memref<1x640xf32, #tpu.memory_space<vmem_shared>> -> memref<640xf32, #tpu.memory_space<vmem_shared>>
      %dma_start3A_66 = arith.constant 4480 : i32
      %dma_start3A_67 = tpu.memref_slice %arg7[%dma_start3A_66] : memref<10240xf32, #tpu.memory_space<vmem>> -> memref<640xf32, #tpu.memory_space<vmem>>
      %dma_start3A_68 = tpu.memref_slice %arg8[%run_scoped3A_29, %mul3A_28] : memref<16x10240xf32, #tpu.memory_space<vmem_shared>> -> memref<1x640xf32, #tpu.memory_space<vmem_shared>>
      %dma_start3A_69 = tpu.memref_squeeze %dma_start3A_68 : memref<1x640xf32, #tpu.memory_space<vmem_shared>> -> memref<640xf32, #tpu.memory_space<vmem_shared>>
      tpu.enqueue_dma source(%dma_start3A_69 : memref<640xf32, #tpu.memory_space<vmem_shared>>) target(%dma_start3A_67 : memref<640xf32, #tpu.memory_space<vmem>>) target_semaphore(%run_scoped3A_62 : memref<!tpu.dma_semaphore, #tpu.memory_space<semaphore_mem>>)
      %dma_wait3A = arith.constant 4480 : i32
      %dma_wait3A_70 = tpu.memref_slice %arg7[%dma_wait3A] : memref<10240xf32, #tpu.memory_space<vmem>> -> memref<640xf32, #tpu.memory_space<vmem>>
      %dma_wait3A_71 = tpu.memref_slice %arg8[%run_scoped3A_29, %mul3A_28] : memref<16x10240xf32, #tpu.memory_space<vmem_shared>> -> memref<1x640xf32, #tpu.memory_space<vmem_shared>>
      %dma_wait3A_72 = tpu.memref_squeeze %dma_wait3A_71 : memref<1x640xf32, #tpu.memory_space<vmem_shared>> -> memref<640xf32, #tpu.memory_space<vmem_shared>>
      %dma_wait3A_73 = arith.constant 4480 : i32
      %dma_wait3A_74 = tpu.memref_slice %arg7[%dma_wait3A_73] : memref<10240xf32, #tpu.memory_space<vmem>> -> memref<640xf32, #tpu.memory_space<vmem>>
      %dma_wait3A_75 = tpu.memref_slice %arg8[%run_scoped3A_29, %mul3A_28] : memref<16x10240xf32, #tpu.memory_space<vmem_shared>> -> memref<1x640xf32, #tpu.memory_space<vmem_shared>>
      %dma_wait3A_76 = tpu.memref_squeeze %dma_wait3A_75 : memref<1x640xf32, #tpu.memory_space<vmem_shared>> -> memref<640xf32, #tpu.memory_space<vmem_shared>>
      tpu.wait_dma2 semaphore(%run_scoped3A_62 : memref<!tpu.dma_semaphore, #tpu.memory_space<semaphore_mem>>) src(%dma_wait3A_76 : memref<640xf32, #tpu.memory_space<vmem_shared>>) dst(%dma_wait3A_74 : memref<640xf32, #tpu.memory_space<vmem>>)
      tpu.yield
    }) : () -> ()
    %mul3A_30 = arith.constant 640 : i32
    %mul3A_31 = arith.muli %arg1, %mul3A_30 : i32
    %run_scoped3A_32 = arith.constant 8 : i32
    "tpu.region"() ({
      %run_scoped3A_62 = tpu.sem_alloc : memref<!tpu.dma_semaphore, #tpu.memory_space<semaphore_mem>>
      %dma_start3A = arith.constant 5120 : i32
      %dma_start3A_63 = tpu.memref_slice %arg7[%dma_start3A] : memref<10240xf32, #tpu.memory_space<vmem>> -> memref<640xf32, #tpu.memory_space<vmem>>
      %dma_start3A_64 = tpu.memref_slice %arg8[%run_scoped3A_32, %mul3A_31] : memref<16x10240xf32, #tpu.memory_space<vmem_shared>> -> memref<1x640xf32, #tpu.memory_space<vmem_shared>>
      %dma_start3A_65 = tpu.memref_squeeze %dma_start3A_64 : memref<1x640xf32, #tpu.memory_space<vmem_shared>> -> memref<640xf32, #tpu.memory_space<vmem_shared>>
      %dma_start3A_66 = arith.constant 5120 : i32
      %dma_start3A_67 = tpu.memref_slice %arg7[%dma_start3A_66] : memref<10240xf32, #tpu.memory_space<vmem>> -> memref<640xf32, #tpu.memory_space<vmem>>
      %dma_start3A_68 = tpu.memref_slice %arg8[%run_scoped3A_32, %mul3A_31] : memref<16x10240xf32, #tpu.memory_space<vmem_shared>> -> memref<1x640xf32, #tpu.memory_space<vmem_shared>>
      %dma_start3A_69 = tpu.memref_squeeze %dma_start3A_68 : memref<1x640xf32, #tpu.memory_space<vmem_shared>> -> memref<640xf32, #tpu.memory_space<vmem_shared>>
      tpu.enqueue_dma source(%dma_start3A_69 : memref<640xf32, #tpu.memory_space<vmem_shared>>) target(%dma_start3A_67 : memref<640xf32, #tpu.memory_space<vmem>>) target_semaphore(%run_scoped3A_62 : memref<!tpu.dma_semaphore, #tpu.memory_space<semaphore_mem>>)
      %dma_wait3A = arith.constant 5120 : i32
      %dma_wait3A_70 = tpu.memref_slice %arg7[%dma_wait3A] : memref<10240xf32, #tpu.memory_space<vmem>> -> memref<640xf32, #tpu.memory_space<vmem>>
      %dma_wait3A_71 = tpu.memref_slice %arg8[%run_scoped3A_32, %mul3A_31] : memref<16x10240xf32, #tpu.memory_space<vmem_shared>> -> memref<1x640xf32, #tpu.memory_space<vmem_shared>>
      %dma_wait3A_72 = tpu.memref_squeeze %dma_wait3A_71 : memref<1x640xf32, #tpu.memory_space<vmem_shared>> -> memref<640xf32, #tpu.memory_space<vmem_shared>>
      %dma_wait3A_73 = arith.constant 5120 : i32
      %dma_wait3A_74 = tpu.memref_slice %arg7[%dma_wait3A_73] : memref<10240xf32, #tpu.memory_space<vmem>> -> memref<640xf32, #tpu.memory_space<vmem>>
      %dma_wait3A_75 = tpu.memref_slice %arg8[%run_scoped3A_32, %mul3A_31] : memref<16x10240xf32, #tpu.memory_space<vmem_shared>> -> memref<1x640xf32, #tpu.memory_space<vmem_shared>>
      %dma_wait3A_76 = tpu.memref_squeeze %dma_wait3A_75 : memref<1x640xf32, #tpu.memory_space<vmem_shared>> -> memref<640xf32, #tpu.memory_space<vmem_shared>>
      tpu.wait_dma2 semaphore(%run_scoped3A_62 : memref<!tpu.dma_semaphore, #tpu.memory_space<semaphore_mem>>) src(%dma_wait3A_76 : memref<640xf32, #tpu.memory_space<vmem_shared>>) dst(%dma_wait3A_74 : memref<640xf32, #tpu.memory_space<vmem>>)
      tpu.yield
    }) : () -> ()
    %mul3A_33 = arith.constant 640 : i32
    %mul3A_34 = arith.muli %arg1, %mul3A_33 : i32
    %run_scoped3A_35 = arith.constant 9 : i32
    "tpu.region"() ({
      %run_scoped3A_62 = tpu.sem_alloc : memref<!tpu.dma_semaphore, #tpu.memory_space<semaphore_mem>>
      %dma_start3A = arith.constant 5760 : i32
      %dma_start3A_63 = tpu.memref_slice %arg7[%dma_start3A] : memref<10240xf32, #tpu.memory_space<vmem>> -> memref<640xf32, #tpu.memory_space<vmem>>
      %dma_start3A_64 = tpu.memref_slice %arg8[%run_scoped3A_35, %mul3A_34] : memref<16x10240xf32, #tpu.memory_space<vmem_shared>> -> memref<1x640xf32, #tpu.memory_space<vmem_shared>>
      %dma_start3A_65 = tpu.memref_squeeze %dma_start3A_64 : memref<1x640xf32, #tpu.memory_space<vmem_shared>> -> memref<640xf32, #tpu.memory_space<vmem_shared>>
      %dma_start3A_66 = arith.constant 5760 : i32
      %dma_start3A_67 = tpu.memref_slice %arg7[%dma_start3A_66] : memref<10240xf32, #tpu.memory_space<vmem>> -> memref<640xf32, #tpu.memory_space<vmem>>
      %dma_start3A_68 = tpu.memref_slice %arg8[%run_scoped3A_35, %mul3A_34] : memref<16x10240xf32, #tpu.memory_space<vmem_shared>> -> memref<1x640xf32, #tpu.memory_space<vmem_shared>>
      %dma_start3A_69 = tpu.memref_squeeze %dma_start3A_68 : memref<1x640xf32, #tpu.memory_space<vmem_shared>> -> memref<640xf32, #tpu.memory_space<vmem_shared>>
      tpu.enqueue_dma source(%dma_start3A_69 : memref<640xf32, #tpu.memory_space<vmem_shared>>) target(%dma_start3A_67 : memref<640xf32, #tpu.memory_space<vmem>>) target_semaphore(%run_scoped3A_62 : memref<!tpu.dma_semaphore, #tpu.memory_space<semaphore_mem>>)
      %dma_wait3A = arith.constant 5760 : i32
      %dma_wait3A_70 = tpu.memref_slice %arg7[%dma_wait3A] : memref<10240xf32, #tpu.memory_space<vmem>> -> memref<640xf32, #tpu.memory_space<vmem>>
      %dma_wait3A_71 = tpu.memref_slice %arg8[%run_scoped3A_35, %mul3A_34] : memref<16x10240xf32, #tpu.memory_space<vmem_shared>> -> memref<1x640xf32, #tpu.memory_space<vmem_shared>>
      %dma_wait3A_72 = tpu.memref_squeeze %dma_wait3A_71 : memref<1x640xf32, #tpu.memory_space<vmem_shared>> -> memref<640xf32, #tpu.memory_space<vmem_shared>>
      %dma_wait3A_73 = arith.constant 5760 : i32
      %dma_wait3A_74 = tpu.memref_slice %arg7[%dma_wait3A_73] : memref<10240xf32, #tpu.memory_space<vmem>> -> memref<640xf32, #tpu.memory_space<vmem>>
      %dma_wait3A_75 = tpu.memref_slice %arg8[%run_scoped3A_35, %mul3A_34] : memref<16x10240xf32, #tpu.memory_space<vmem_shared>> -> memref<1x640xf32, #tpu.memory_space<vmem_shared>>
      %dma_wait3A_76 = tpu.memref_squeeze %dma_wait3A_75 : memref<1x640xf32, #tpu.memory_space<vmem_shared>> -> memref<640xf32, #tpu.memory_space<vmem_shared>>
      tpu.wait_dma2 semaphore(%run_scoped3A_62 : memref<!tpu.dma_semaphore, #tpu.memory_space<semaphore_mem>>) src(%dma_wait3A_76 : memref<640xf32, #tpu.memory_space<vmem_shared>>) dst(%dma_wait3A_74 : memref<640xf32, #tpu.memory_space<vmem>>)
      tpu.yield
    }) : () -> ()
    %mul3A_36 = arith.constant 640 : i32
    %mul3A_37 = arith.muli %arg1, %mul3A_36 : i32
    %run_scoped3A_38 = arith.constant 10 : i32
    "tpu.region"() ({
      %run_scoped3A_62 = tpu.sem_alloc : memref<!tpu.dma_semaphore, #tpu.memory_space<semaphore_mem>>
      %dma_start3A = arith.constant 6400 : i32
      %dma_start3A_63 = tpu.memref_slice %arg7[%dma_start3A] : memref<10240xf32, #tpu.memory_space<vmem>> -> memref<640xf32, #tpu.memory_space<vmem>>
      %dma_start3A_64 = tpu.memref_slice %arg8[%run_scoped3A_38, %mul3A_37] : memref<16x10240xf32, #tpu.memory_space<vmem_shared>> -> memref<1x640xf32, #tpu.memory_space<vmem_shared>>
      %dma_start3A_65 = tpu.memref_squeeze %dma_start3A_64 : memref<1x640xf32, #tpu.memory_space<vmem_shared>> -> memref<640xf32, #tpu.memory_space<vmem_shared>>
      %dma_start3A_66 = arith.constant 6400 : i32
      %dma_start3A_67 = tpu.memref_slice %arg7[%dma_start3A_66] : memref<10240xf32, #tpu.memory_space<vmem>> -> memref<640xf32, #tpu.memory_space<vmem>>
      %dma_start3A_68 = tpu.memref_slice %arg8[%run_scoped3A_38, %mul3A_37] : memref<16x10240xf32, #tpu.memory_space<vmem_shared>> -> memref<1x640xf32, #tpu.memory_space<vmem_shared>>
      %dma_start3A_69 = tpu.memref_squeeze %dma_start3A_68 : memref<1x640xf32, #tpu.memory_space<vmem_shared>> -> memref<640xf32, #tpu.memory_space<vmem_shared>>
      tpu.enqueue_dma source(%dma_start3A_69 : memref<640xf32, #tpu.memory_space<vmem_shared>>) target(%dma_start3A_67 : memref<640xf32, #tpu.memory_space<vmem>>) target_semaphore(%run_scoped3A_62 : memref<!tpu.dma_semaphore, #tpu.memory_space<semaphore_mem>>)
      %dma_wait3A = arith.constant 6400 : i32
      %dma_wait3A_70 = tpu.memref_slice %arg7[%dma_wait3A] : memref<10240xf32, #tpu.memory_space<vmem>> -> memref<640xf32, #tpu.memory_space<vmem>>
      %dma_wait3A_71 = tpu.memref_slice %arg8[%run_scoped3A_38, %mul3A_37] : memref<16x10240xf32, #tpu.memory_space<vmem_shared>> -> memref<1x640xf32, #tpu.memory_space<vmem_shared>>
      %dma_wait3A_72 = tpu.memref_squeeze %dma_wait3A_71 : memref<1x640xf32, #tpu.memory_space<vmem_shared>> -> memref<640xf32, #tpu.memory_space<vmem_shared>>
      %dma_wait3A_73 = arith.constant 6400 : i32
      %dma_wait3A_74 = tpu.memref_slice %arg7[%dma_wait3A_73] : memref<10240xf32, #tpu.memory_space<vmem>> -> memref<640xf32, #tpu.memory_space<vmem>>
      %dma_wait3A_75 = tpu.memref_slice %arg8[%run_scoped3A_38, %mul3A_37] : memref<16x10240xf32, #tpu.memory_space<vmem_shared>> -> memref<1x640xf32, #tpu.memory_space<vmem_shared>>
      %dma_wait3A_76 = tpu.memref_squeeze %dma_wait3A_75 : memref<1x640xf32, #tpu.memory_space<vmem_shared>> -> memref<640xf32, #tpu.memory_space<vmem_shared>>
      tpu.wait_dma2 semaphore(%run_scoped3A_62 : memref<!tpu.dma_semaphore, #tpu.memory_space<semaphore_mem>>) src(%dma_wait3A_76 : memref<640xf32, #tpu.memory_space<vmem_shared>>) dst(%dma_wait3A_74 : memref<640xf32, #tpu.memory_space<vmem>>)
      tpu.yield
    }) : () -> ()
    %mul3A_39 = arith.constant 640 : i32
    %mul3A_40 = arith.muli %arg1, %mul3A_39 : i32
    %run_scoped3A_41 = arith.constant 11 : i32
    "tpu.region"() ({
      %run_scoped3A_62 = tpu.sem_alloc : memref<!tpu.dma_semaphore, #tpu.memory_space<semaphore_mem>>
      %dma_start3A = arith.constant 7040 : i32
      %dma_start3A_63 = tpu.memref_slice %arg7[%dma_start3A] : memref<10240xf32, #tpu.memory_space<vmem>> -> memref<640xf32, #tpu.memory_space<vmem>>
      %dma_start3A_64 = tpu.memref_slice %arg8[%run_scoped3A_41, %mul3A_40] : memref<16x10240xf32, #tpu.memory_space<vmem_shared>> -> memref<1x640xf32, #tpu.memory_space<vmem_shared>>
      %dma_start3A_65 = tpu.memref_squeeze %dma_start3A_64 : memref<1x640xf32, #tpu.memory_space<vmem_shared>> -> memref<640xf32, #tpu.memory_space<vmem_shared>>
      %dma_start3A_66 = arith.constant 7040 : i32
      %dma_start3A_67 = tpu.memref_slice %arg7[%dma_start3A_66] : memref<10240xf32, #tpu.memory_space<vmem>> -> memref<640xf32, #tpu.memory_space<vmem>>
      %dma_start3A_68 = tpu.memref_slice %arg8[%run_scoped3A_41, %mul3A_40] : memref<16x10240xf32, #tpu.memory_space<vmem_shared>> -> memref<1x640xf32, #tpu.memory_space<vmem_shared>>
      %dma_start3A_69 = tpu.memref_squeeze %dma_start3A_68 : memref<1x640xf32, #tpu.memory_space<vmem_shared>> -> memref<640xf32, #tpu.memory_space<vmem_shared>>
      tpu.enqueue_dma source(%dma_start3A_69 : memref<640xf32, #tpu.memory_space<vmem_shared>>) target(%dma_start3A_67 : memref<640xf32, #tpu.memory_space<vmem>>) target_semaphore(%run_scoped3A_62 : memref<!tpu.dma_semaphore, #tpu.memory_space<semaphore_mem>>)
      %dma_wait3A = arith.constant 7040 : i32
      %dma_wait3A_70 = tpu.memref_slice %arg7[%dma_wait3A] : memref<10240xf32, #tpu.memory_space<vmem>> -> memref<640xf32, #tpu.memory_space<vmem>>
      %dma_wait3A_71 = tpu.memref_slice %arg8[%run_scoped3A_41, %mul3A_40] : memref<16x10240xf32, #tpu.memory_space<vmem_shared>> -> memref<1x640xf32, #tpu.memory_space<vmem_shared>>
      %dma_wait3A_72 = tpu.memref_squeeze %dma_wait3A_71 : memref<1x640xf32, #tpu.memory_space<vmem_shared>> -> memref<640xf32, #tpu.memory_space<vmem_shared>>
      %dma_wait3A_73 = arith.constant 7040 : i32
      %dma_wait3A_74 = tpu.memref_slice %arg7[%dma_wait3A_73] : memref<10240xf32, #tpu.memory_space<vmem>> -> memref<640xf32, #tpu.memory_space<vmem>>
      %dma_wait3A_75 = tpu.memref_slice %arg8[%run_scoped3A_41, %mul3A_40] : memref<16x10240xf32, #tpu.memory_space<vmem_shared>> -> memref<1x640xf32, #tpu.memory_space<vmem_shared>>
      %dma_wait3A_76 = tpu.memref_squeeze %dma_wait3A_75 : memref<1x640xf32, #tpu.memory_space<vmem_shared>> -> memref<640xf32, #tpu.memory_space<vmem_shared>>
      tpu.wait_dma2 semaphore(%run_scoped3A_62 : memref<!tpu.dma_semaphore, #tpu.memory_space<semaphore_mem>>) src(%dma_wait3A_76 : memref<640xf32, #tpu.memory_space<vmem_shared>>) dst(%dma_wait3A_74 : memref<640xf32, #tpu.memory_space<vmem>>)
      tpu.yield
    }) : () -> ()
    %mul3A_42 = arith.constant 640 : i32
    %mul3A_43 = arith.muli %arg1, %mul3A_42 : i32
    %run_scoped3A_44 = arith.constant 12 : i32
    "tpu.region"() ({
      %run_scoped3A_62 = tpu.sem_alloc : memref<!tpu.dma_semaphore, #tpu.memory_space<semaphore_mem>>
      %dma_start3A = arith.constant 7680 : i32
      %dma_start3A_63 = tpu.memref_slice %arg7[%dma_start3A] : memref<10240xf32, #tpu.memory_space<vmem>> -> memref<640xf32, #tpu.memory_space<vmem>>
      %dma_start3A_64 = tpu.memref_slice %arg8[%run_scoped3A_44, %mul3A_43] : memref<16x10240xf32, #tpu.memory_space<vmem_shared>> -> memref<1x640xf32, #tpu.memory_space<vmem_shared>>
      %dma_start3A_65 = tpu.memref_squeeze %dma_start3A_64 : memref<1x640xf32, #tpu.memory_space<vmem_shared>> -> memref<640xf32, #tpu.memory_space<vmem_shared>>
      %dma_start3A_66 = arith.constant 7680 : i32
      %dma_start3A_67 = tpu.memref_slice %arg7[%dma_start3A_66] : memref<10240xf32, #tpu.memory_space<vmem>> -> memref<640xf32, #tpu.memory_space<vmem>>
      %dma_start3A_68 = tpu.memref_slice %arg8[%run_scoped3A_44, %mul3A_43] : memref<16x10240xf32, #tpu.memory_space<vmem_shared>> -> memref<1x640xf32, #tpu.memory_space<vmem_shared>>
      %dma_start3A_69 = tpu.memref_squeeze %dma_start3A_68 : memref<1x640xf32, #tpu.memory_space<vmem_shared>> -> memref<640xf32, #tpu.memory_space<vmem_shared>>
      tpu.enqueue_dma source(%dma_start3A_69 : memref<640xf32, #tpu.memory_space<vmem_shared>>) target(%dma_start3A_67 : memref<640xf32, #tpu.memory_space<vmem>>) target_semaphore(%run_scoped3A_62 : memref<!tpu.dma_semaphore, #tpu.memory_space<semaphore_mem>>)
      %dma_wait3A = arith.constant 7680 : i32
      %dma_wait3A_70 = tpu.memref_slice %arg7[%dma_wait3A] : memref<10240xf32, #tpu.memory_space<vmem>> -> memref<640xf32, #tpu.memory_space<vmem>>
      %dma_wait3A_71 = tpu.memref_slice %arg8[%run_scoped3A_44, %mul3A_43] : memref<16x10240xf32, #tpu.memory_space<vmem_shared>> -> memref<1x640xf32, #tpu.memory_space<vmem_shared>>
      %dma_wait3A_72 = tpu.memref_squeeze %dma_wait3A_71 : memref<1x640xf32, #tpu.memory_space<vmem_shared>> -> memref<640xf32, #tpu.memory_space<vmem_shared>>
      %dma_wait3A_73 = arith.constant 7680 : i32
      %dma_wait3A_74 = tpu.memref_slice %arg7[%dma_wait3A_73] : memref<10240xf32, #tpu.memory_space<vmem>> -> memref<640xf32, #tpu.memory_space<vmem>>
      %dma_wait3A_75 = tpu.memref_slice %arg8[%run_scoped3A_44, %mul3A_43] : memref<16x10240xf32, #tpu.memory_space<vmem_shared>> -> memref<1x640xf32, #tpu.memory_space<vmem_shared>>
      %dma_wait3A_76 = tpu.memref_squeeze %dma_wait3A_75 : memref<1x640xf32, #tpu.memory_space<vmem_shared>> -> memref<640xf32, #tpu.memory_space<vmem_shared>>
      tpu.wait_dma2 semaphore(%run_scoped3A_62 : memref<!tpu.dma_semaphore, #tpu.memory_space<semaphore_mem>>) src(%dma_wait3A_76 : memref<640xf32, #tpu.memory_space<vmem_shared>>) dst(%dma_wait3A_74 : memref<640xf32, #tpu.memory_space<vmem>>)
      tpu.yield
    }) : () -> ()
    %mul3A_45 = arith.constant 640 : i32
    %mul3A_46 = arith.muli %arg1, %mul3A_45 : i32
    %run_scoped3A_47 = arith.constant 13 : i32
    "tpu.region"() ({
      %run_scoped3A_62 = tpu.sem_alloc : memref<!tpu.dma_semaphore, #tpu.memory_space<semaphore_mem>>
      %dma_start3A = arith.constant 8320 : i32
      %dma_start3A_63 = tpu.memref_slice %arg7[%dma_start3A] : memref<10240xf32, #tpu.memory_space<vmem>> -> memref<640xf32, #tpu.memory_space<vmem>>
      %dma_start3A_64 = tpu.memref_slice %arg8[%run_scoped3A_47, %mul3A_46] : memref<16x10240xf32, #tpu.memory_space<vmem_shared>> -> memref<1x640xf32, #tpu.memory_space<vmem_shared>>
      %dma_start3A_65 = tpu.memref_squeeze %dma_start3A_64 : memref<1x640xf32, #tpu.memory_space<vmem_shared>> -> memref<640xf32, #tpu.memory_space<vmem_shared>>
      %dma_start3A_66 = arith.constant 8320 : i32
      %dma_start3A_67 = tpu.memref_slice %arg7[%dma_start3A_66] : memref<10240xf32, #tpu.memory_space<vmem>> -> memref<640xf32, #tpu.memory_space<vmem>>
      %dma_start3A_68 = tpu.memref_slice %arg8[%run_scoped3A_47, %mul3A_46] : memref<16x10240xf32, #tpu.memory_space<vmem_shared>> -> memref<1x640xf32, #tpu.memory_space<vmem_shared>>
      %dma_start3A_69 = tpu.memref_squeeze %dma_start3A_68 : memref<1x640xf32, #tpu.memory_space<vmem_shared>> -> memref<640xf32, #tpu.memory_space<vmem_shared>>
      tpu.enqueue_dma source(%dma_start3A_69 : memref<640xf32, #tpu.memory_space<vmem_shared>>) target(%dma_start3A_67 : memref<640xf32, #tpu.memory_space<vmem>>) target_semaphore(%run_scoped3A_62 : memref<!tpu.dma_semaphore, #tpu.memory_space<semaphore_mem>>)
      %dma_wait3A = arith.constant 8320 : i32
      %dma_wait3A_70 = tpu.memref_slice %arg7[%dma_wait3A] : memref<10240xf32, #tpu.memory_space<vmem>> -> memref<640xf32, #tpu.memory_space<vmem>>
      %dma_wait3A_71 = tpu.memref_slice %arg8[%run_scoped3A_47, %mul3A_46] : memref<16x10240xf32, #tpu.memory_space<vmem_shared>> -> memref<1x640xf32, #tpu.memory_space<vmem_shared>>
      %dma_wait3A_72 = tpu.memref_squeeze %dma_wait3A_71 : memref<1x640xf32, #tpu.memory_space<vmem_shared>> -> memref<640xf32, #tpu.memory_space<vmem_shared>>
      %dma_wait3A_73 = arith.constant 8320 : i32
      %dma_wait3A_74 = tpu.memref_slice %arg7[%dma_wait3A_73] : memref<10240xf32, #tpu.memory_space<vmem>> -> memref<640xf32, #tpu.memory_space<vmem>>
      %dma_wait3A_75 = tpu.memref_slice %arg8[%run_scoped3A_47, %mul3A_46] : memref<16x10240xf32, #tpu.memory_space<vmem_shared>> -> memref<1x640xf32, #tpu.memory_space<vmem_shared>>
      %dma_wait3A_76 = tpu.memref_squeeze %dma_wait3A_75 : memref<1x640xf32, #tpu.memory_space<vmem_shared>> -> memref<640xf32, #tpu.memory_space<vmem_shared>>
      tpu.wait_dma2 semaphore(%run_scoped3A_62 : memref<!tpu.dma_semaphore, #tpu.memory_space<semaphore_mem>>) src(%dma_wait3A_76 : memref<640xf32, #tpu.memory_space<vmem_shared>>) dst(%dma_wait3A_74 : memref<640xf32, #tpu.memory_space<vmem>>)
      tpu.yield
    }) : () -> ()
    %mul3A_48 = arith.constant 640 : i32
    %mul3A_49 = arith.muli %arg1, %mul3A_48 : i32
    %run_scoped3A_50 = arith.constant 14 : i32
    "tpu.region"() ({
      %run_scoped3A_62 = tpu.sem_alloc : memref<!tpu.dma_semaphore, #tpu.memory_space<semaphore_mem>>
      %dma_start3A = arith.constant 8960 : i32
      %dma_start3A_63 = tpu.memref_slice %arg7[%dma_start3A] : memref<10240xf32, #tpu.memory_space<vmem>> -> memref<640xf32, #tpu.memory_space<vmem>>
      %dma_start3A_64 = tpu.memref_slice %arg8[%run_scoped3A_50, %mul3A_49] : memref<16x10240xf32, #tpu.memory_space<vmem_shared>> -> memref<1x640xf32, #tpu.memory_space<vmem_shared>>
      %dma_start3A_65 = tpu.memref_squeeze %dma_start3A_64 : memref<1x640xf32, #tpu.memory_space<vmem_shared>> -> memref<640xf32, #tpu.memory_space<vmem_shared>>
      %dma_start3A_66 = arith.constant 8960 : i32
      %dma_start3A_67 = tpu.memref_slice %arg7[%dma_start3A_66] : memref<10240xf32, #tpu.memory_space<vmem>> -> memref<640xf32, #tpu.memory_space<vmem>>
      %dma_start3A_68 = tpu.memref_slice %arg8[%run_scoped3A_50, %mul3A_49] : memref<16x10240xf32, #tpu.memory_space<vmem_shared>> -> memref<1x640xf32, #tpu.memory_space<vmem_shared>>
      %dma_start3A_69 = tpu.memref_squeeze %dma_start3A_68 : memref<1x640xf32, #tpu.memory_space<vmem_shared>> -> memref<640xf32, #tpu.memory_space<vmem_shared>>
      tpu.enqueue_dma source(%dma_start3A_69 : memref<640xf32, #tpu.memory_space<vmem_shared>>) target(%dma_start3A_67 : memref<640xf32, #tpu.memory_space<vmem>>) target_semaphore(%run_scoped3A_62 : memref<!tpu.dma_semaphore, #tpu.memory_space<semaphore_mem>>)
      %dma_wait3A = arith.constant 8960 : i32
      %dma_wait3A_70 = tpu.memref_slice %arg7[%dma_wait3A] : memref<10240xf32, #tpu.memory_space<vmem>> -> memref<640xf32, #tpu.memory_space<vmem>>
      %dma_wait3A_71 = tpu.memref_slice %arg8[%run_scoped3A_50, %mul3A_49] : memref<16x10240xf32, #tpu.memory_space<vmem_shared>> -> memref<1x640xf32, #tpu.memory_space<vmem_shared>>
      %dma_wait3A_72 = tpu.memref_squeeze %dma_wait3A_71 : memref<1x640xf32, #tpu.memory_space<vmem_shared>> -> memref<640xf32, #tpu.memory_space<vmem_shared>>
      %dma_wait3A_73 = arith.constant 8960 : i32
      %dma_wait3A_74 = tpu.memref_slice %arg7[%dma_wait3A_73] : memref<10240xf32, #tpu.memory_space<vmem>> -> memref<640xf32, #tpu.memory_space<vmem>>
      %dma_wait3A_75 = tpu.memref_slice %arg8[%run_scoped3A_50, %mul3A_49] : memref<16x10240xf32, #tpu.memory_space<vmem_shared>> -> memref<1x640xf32, #tpu.memory_space<vmem_shared>>
      %dma_wait3A_76 = tpu.memref_squeeze %dma_wait3A_75 : memref<1x640xf32, #tpu.memory_space<vmem_shared>> -> memref<640xf32, #tpu.memory_space<vmem_shared>>
      tpu.wait_dma2 semaphore(%run_scoped3A_62 : memref<!tpu.dma_semaphore, #tpu.memory_space<semaphore_mem>>) src(%dma_wait3A_76 : memref<640xf32, #tpu.memory_space<vmem_shared>>) dst(%dma_wait3A_74 : memref<640xf32, #tpu.memory_space<vmem>>)
      tpu.yield
    }) : () -> ()
    %mul3A_51 = arith.constant 640 : i32
    %mul3A_52 = arith.muli %arg1, %mul3A_51 : i32
    %run_scoped3A_53 = arith.constant 15 : i32
    "tpu.region"() ({
      %run_scoped3A_62 = tpu.sem_alloc : memref<!tpu.dma_semaphore, #tpu.memory_space<semaphore_mem>>
      %dma_start3A = arith.constant 9600 : i32
      %dma_start3A_63 = tpu.memref_slice %arg7[%dma_start3A] : memref<10240xf32, #tpu.memory_space<vmem>> -> memref<640xf32, #tpu.memory_space<vmem>>
      %dma_start3A_64 = tpu.memref_slice %arg8[%run_scoped3A_53, %mul3A_52] : memref<16x10240xf32, #tpu.memory_space<vmem_shared>> -> memref<1x640xf32, #tpu.memory_space<vmem_shared>>
      %dma_start3A_65 = tpu.memref_squeeze %dma_start3A_64 : memref<1x640xf32, #tpu.memory_space<vmem_shared>> -> memref<640xf32, #tpu.memory_space<vmem_shared>>
      %dma_start3A_66 = arith.constant 9600 : i32
      %dma_start3A_67 = tpu.memref_slice %arg7[%dma_start3A_66] : memref<10240xf32, #tpu.memory_space<vmem>> -> memref<640xf32, #tpu.memory_space<vmem>>
      %dma_start3A_68 = tpu.memref_slice %arg8[%run_scoped3A_53, %mul3A_52] : memref<16x10240xf32, #tpu.memory_space<vmem_shared>> -> memref<1x640xf32, #tpu.memory_space<vmem_shared>>
      %dma_start3A_69 = tpu.memref_squeeze %dma_start3A_68 : memref<1x640xf32, #tpu.memory_space<vmem_shared>> -> memref<640xf32, #tpu.memory_space<vmem_shared>>
      tpu.enqueue_dma source(%dma_start3A_69 : memref<640xf32, #tpu.memory_space<vmem_shared>>) target(%dma_start3A_67 : memref<640xf32, #tpu.memory_space<vmem>>) target_semaphore(%run_scoped3A_62 : memref<!tpu.dma_semaphore, #tpu.memory_space<semaphore_mem>>)
      %dma_wait3A = arith.constant 9600 : i32
      %dma_wait3A_70 = tpu.memref_slice %arg7[%dma_wait3A] : memref<10240xf32, #tpu.memory_space<vmem>> -> memref<640xf32, #tpu.memory_space<vmem>>
      %dma_wait3A_71 = tpu.memref_slice %arg8[%run_scoped3A_53, %mul3A_52] : memref<16x10240xf32, #tpu.memory_space<vmem_shared>> -> memref<1x640xf32, #tpu.memory_space<vmem_shared>>
      %dma_wait3A_72 = tpu.memref_squeeze %dma_wait3A_71 : memref<1x640xf32, #tpu.memory_space<vmem_shared>> -> memref<640xf32, #tpu.memory_space<vmem_shared>>
      %dma_wait3A_73 = arith.constant 9600 : i32
      %dma_wait3A_74 = tpu.memref_slice %arg7[%dma_wait3A_73] : memref<10240xf32, #tpu.memory_space<vmem>> -> memref<640xf32, #tpu.memory_space<vmem>>
      %dma_wait3A_75 = tpu.memref_slice %arg8[%run_scoped3A_53, %mul3A_52] : memref<16x10240xf32, #tpu.memory_space<vmem_shared>> -> memref<1x640xf32, #tpu.memory_space<vmem_shared>>
      %dma_wait3A_76 = tpu.memref_squeeze %dma_wait3A_75 : memref<1x640xf32, #tpu.memory_space<vmem_shared>> -> memref<640xf32, #tpu.memory_space<vmem_shared>>
      tpu.wait_dma2 semaphore(%run_scoped3A_62 : memref<!tpu.dma_semaphore, #tpu.memory_space<semaphore_mem>>) src(%dma_wait3A_76 : memref<640xf32, #tpu.memory_space<vmem_shared>>) dst(%dma_wait3A_74 : memref<640xf32, #tpu.memory_space<vmem>>)
      tpu.yield
    }) : () -> ()
    %scan3A_54 = arith.constant 0 : i32
    %scan3A_55 = arith.constant 0 : i32
    %scan3A_56 = arith.constant 40 : i32
    %scan3A_57 = arith.addi %scan3A_55, %scan3A_56 : i32
    %scan3A_58 = arith.constant 1 : i32
    scf.for %scan3A_62 = %scan3A_55 to %scan3A_57 step %scan3A_58  : i32 {
      %mul3A_63 = arith.constant 16 : i32
      %mul3A_64 = arith.muli %scan3A_62, %mul3A_63 : i32
      %get3A = arith.index_cast %mul3A_64 : i32 to index
      %get3A_65 = tpu.vector_load %arg7[%get3A] {strides = array<i32>} : memref<10240xf32, #tpu.memory_space<vmem>>, vector<16xf32>,
      %add3A_66 = arith.constant 640 : i32
      %add3A_67 = arith.addi %add3A_66, %mul3A_64 : i32
      %get3A_68 = arith.index_cast %add3A_67 : i32 to index
      %get3A_69 = tpu.vector_load %arg7[%get3A_68] {strides = array<i32>} : memref<10240xf32, #tpu.memory_space<vmem>>, vector<16xf32>,
      %add3A_70 = arith.addf %get3A_65, %get3A_69 : vector<16xf32>
      %add3A_71 = arith.constant 1280 : i32
      %add3A_72 = arith.addi %add3A_71, %mul3A_64 : i32
      %get3A_73 = arith.index_cast %add3A_72 : i32 to index
      %get3A_74 = tpu.vector_load %arg7[%get3A_73] {strides = array<i32>} : memref<10240xf32, #tpu.memory_space<vmem>>, vector<16xf32>,
      %add3A_75 = arith.addf %add3A_70, %get3A_74 : vector<16xf32>
      %add3A_76 = arith.constant 1920 : i32
      %add3A_77 = arith.addi %add3A_76, %mul3A_64 : i32
      %get3A_78 = arith.index_cast %add3A_77 : i32 to index
      %get3A_79 = tpu.vector_load %arg7[%get3A_78] {strides = array<i32>} : memref<10240xf32, #tpu.memory_space<vmem>>, vector<16xf32>,
      %add3A_80 = arith.addf %add3A_75, %get3A_79 : vector<16xf32>
      %add3A_81 = arith.constant 2560 : i32
      %add3A_82 = arith.addi %add3A_81, %mul3A_64 : i32
      %get3A_83 = arith.index_cast %add3A_82 : i32 to index
      %get3A_84 = tpu.vector_load %arg7[%get3A_83] {strides = array<i32>} : memref<10240xf32, #tpu.memory_space<vmem>>, vector<16xf32>,
      %add3A_85 = arith.addf %add3A_80, %get3A_84 : vector<16xf32>
      %add3A_86 = arith.constant 3200 : i32
      %add3A_87 = arith.addi %add3A_86, %mul3A_64 : i32
      %get3A_88 = arith.index_cast %add3A_87 : i32 to index
      %get3A_89 = tpu.vector_load %arg7[%get3A_88] {strides = array<i32>} : memref<10240xf32, #tpu.memory_space<vmem>>, vector<16xf32>,
      %add3A_90 = arith.addf %add3A_85, %get3A_89 : vector<16xf32>
      %add3A_91 = arith.constant 3840 : i32
      %add3A_92 = arith.addi %add3A_91, %mul3A_64 : i32
      %get3A_93 = arith.index_cast %add3A_92 : i32 to index
      %get3A_94 = tpu.vector_load %arg7[%get3A_93] {strides = array<i32>} : memref<10240xf32, #tpu.memory_space<vmem>>, vector<16xf32>,
      %add3A_95 = arith.addf %add3A_90, %get3A_94 : vector<16xf32>
      %add3A_96 = arith.constant 4480 : i32
      %add3A_97 = arith.addi %add3A_96, %mul3A_64 : i32
      %get3A_98 = arith.index_cast %add3A_97 : i32 to index
      %get3A_99 = tpu.vector_load %arg7[%get3A_98] {strides = array<i32>} : memref<10240xf32, #tpu.memory_space<vmem>>, vector<16xf32>,
      %add3A_100 = arith.addf %add3A_95, %get3A_99 : vector<16xf32>
      %add3A_101 = arith.constant 5120 : i32
      %add3A_102 = arith.addi %add3A_101, %mul3A_64 : i32
      %get3A_103 = arith.index_cast %add3A_102 : i32 to index
      %get3A_104 = tpu.vector_load %arg7[%get3A_103] {strides = array<i32>} : memref<10240xf32, #tpu.memory_space<vmem>>, vector<16xf32>,
      %add3A_105 = arith.addf %add3A_100, %get3A_104 : vector<16xf32>
      %add3A_106 = arith.constant 5760 : i32
      %add3A_107 = arith.addi %add3A_106, %mul3A_64 : i32
      %get3A_108 = arith.index_cast %add3A_107 : i32 to index
      %get3A_109 = tpu.vector_load %arg7[%get3A_108] {strides = array<i32>} : memref<10240xf32, #tpu.memory_space<vmem>>, vector<16xf32>,
      %add3A_110 = arith.addf %add3A_105, %get3A_109 : vector<16xf32>
      %add3A_111 = arith.constant 6400 : i32
      %add3A_112 = arith.addi %add3A_111, %mul3A_64 : i32
      %get3A_113 = arith.index_cast %add3A_112 : i32 to index
      %get3A_114 = tpu.vector_load %arg7[%get3A_113] {strides = array<i32>} : memref<10240xf32, #tpu.memory_space<vmem>>, vector<16xf32>,
      %add3A_115 = arith.addf %add3A_110, %get3A_114 : vector<16xf32>
      %add3A_116 = arith.constant 7040 : i32
      %add3A_117 = arith.addi %add3A_116, %mul3A_64 : i32
      %get3A_118 = arith.index_cast %add3A_117 : i32 to index
      %get3A_119 = tpu.vector_load %arg7[%get3A_118] {strides = array<i32>} : memref<10240xf32, #tpu.memory_space<vmem>>, vector<16xf32>,
      %add3A_120 = arith.addf %add3A_115, %get3A_119 : vector<16xf32>
      %add3A_121 = arith.constant 7680 : i32
      %add3A_122 = arith.addi %add3A_121, %mul3A_64 : i32
      %get3A_123 = arith.index_cast %add3A_122 : i32 to index
      %get3A_124 = tpu.vector_load %arg7[%get3A_123] {strides = array<i32>} : memref<10240xf32, #tpu.memory_space<vmem>>, vector<16xf32>,
      %add3A_125 = arith.addf %add3A_120, %get3A_124 : vector<16xf32>
      %add3A_126 = arith.constant 8320 : i32
      %add3A_127 = arith.addi %add3A_126, %mul3A_64 : i32
      %get3A_128 = arith.index_cast %add3A_127 : i32 to index
      %get3A_129 = tpu.vector_load %arg7[%get3A_128] {strides = array<i32>} : memref<10240xf32, #tpu.memory_space<vmem>>, vector<16xf32>,
      %add3A_130 = arith.addf %add3A_125, %get3A_129 : vector<16xf32>
      %add3A_131 = arith.constant 8960 : i32
      %add3A_132 = arith.addi %add3A_131, %mul3A_64 : i32
      %get3A_133 = arith.index_cast %add3A_132 : i32 to index
      %get3A_134 = tpu.vector_load %arg7[%get3A_133] {strides = array<i32>} : memref<10240xf32, #tpu.memory_space<vmem>>, vector<16xf32>,
      %add3A_135 = arith.addf %add3A_130, %get3A_134 : vector<16xf32>
      %add3A_136 = arith.constant 9600 : i32
      %add3A_137 = arith.addi %add3A_136, %mul3A_64 : i32
      %get3A_138 = arith.index_cast %add3A_137 : i32 to index
      %get3A_139 = tpu.vector_load %arg7[%get3A_138] {strides = array<i32>} : memref<10240xf32, #tpu.memory_space<vmem>>, vector<16xf32>,
      %add3A_140 = arith.addf %add3A_135, %get3A_139 : vector<16xf32>
      %swap3A = arith.index_cast %mul3A_64 : i32 to index
      %swap3A_141 = tpu.vector_load %arg6[%swap3A] {strides = array<i32>} : memref<10240xf32, #tpu.memory_space<vmem>>, vector<16xf32>,
      tpu.vector_store %arg6[%swap3A], %add3A_140 {strides = array<i32>} : memref<10240xf32, #tpu.memory_space<vmem>>, vector<16xf32>,
    }
    %scan3A_59 = arith.constant 40 : i32
    %mul3A_60 = arith.constant 640 : i32
    %mul3A_61 = arith.muli %arg1, %mul3A_60 : i32
    "tpu.region"() ({
      %run_scoped3A_62 = tpu.sem_alloc : memref<!tpu.dma_semaphore, #tpu.memory_space<semaphore_mem>>
      %dma_start3A = arith.constant 0 : i32
      %dma_start3A_63 = tpu.memref_slice %arg6[%dma_start3A] : memref<10240xf32, #tpu.memory_space<vmem>> -> memref<640xf32, #tpu.memory_space<vmem>>
      %dma_start3A_64 = tpu.memref_slice %arg4[%arg0, %mul3A_61] : memref<2x10240xf32, #tpu.memory_space<hbm>> -> memref<1x640xf32, #tpu.memory_space<hbm>>
      %dma_start3A_65 = tpu.memref_squeeze %dma_start3A_64 : memref<1x640xf32, #tpu.memory_space<hbm>> -> memref<640xf32, #tpu.memory_space<hbm>>
      %dma_start3A_66 = tpu.memref_slice %arg4[%arg0, %mul3A_61] : memref<2x10240xf32, #tpu.memory_space<hbm>> -> memref<1x640xf32, #tpu.memory_space<hbm>>
      %dma_start3A_67 = tpu.memref_squeeze %dma_start3A_66 : memref<1x640xf32, #tpu.memory_space<hbm>> -> memref<640xf32, #tpu.memory_space<hbm>>
      %dma_start3A_68 = arith.constant 0 : i32
      %dma_start3A_69 = tpu.memref_slice %arg6[%dma_start3A_68] : memref<10240xf32, #tpu.memory_space<vmem>> -> memref<640xf32, #tpu.memory_space<vmem>>
      tpu.enqueue_dma source(%dma_start3A_69 : memref<640xf32, #tpu.memory_space<vmem>>) target(%dma_start3A_67 : memref<640xf32, #tpu.memory_space<hbm>>) target_semaphore(%run_scoped3A_62 : memref<!tpu.dma_semaphore, #tpu.memory_space<semaphore_mem>>)
      %dma_wait3A = arith.constant 0 : i32
      %dma_wait3A_70 = tpu.memref_slice %arg6[%dma_wait3A] : memref<10240xf32, #tpu.memory_space<vmem>> -> memref<640xf32, #tpu.memory_space<vmem>>
      %dma_wait3A_71 = tpu.memref_slice %arg4[%arg0, %mul3A_61] : memref<2x10240xf32, #tpu.memory_space<hbm>> -> memref<1x640xf32, #tpu.memory_space<hbm>>
      %dma_wait3A_72 = tpu.memref_squeeze %dma_wait3A_71 : memref<1x640xf32, #tpu.memory_space<hbm>> -> memref<640xf32, #tpu.memory_space<hbm>>
      %dma_wait3A_73 = tpu.memref_slice %arg4[%arg0, %mul3A_61] : memref<2x10240xf32, #tpu.memory_space<hbm>> -> memref<1x640xf32, #tpu.memory_space<hbm>>
      %dma_wait3A_74 = tpu.memref_squeeze %dma_wait3A_73 : memref<1x640xf32, #tpu.memory_space<hbm>> -> memref<640xf32, #tpu.memory_space<hbm>>
      %dma_wait3A_75 = arith.constant 0 : i32
      %dma_wait3A_76 = tpu.memref_slice %arg6[%dma_wait3A_75] : memref<10240xf32, #tpu.memory_space<vmem>> -> memref<640xf32, #tpu.memory_space<vmem>>
      tpu.wait_dma2 semaphore(%run_scoped3A_62 : memref<!tpu.dma_semaphore, #tpu.memory_space<semaphore_mem>>) src(%dma_wait3A_76 : memref<640xf32, #tpu.memory_space<vmem>>) dst(%dma_wait3A_74 : memref<640xf32, #tpu.memory_space<hbm>>)
      tpu.yield
    }) : () -> ()
    return
  }
}

#map = affine_map<(d0, d1) -> (0, 0)>
#map1 = affine_map<(d0, d1) -> (0, 0, 0)>
module attributes {stable_mosaic.version = 14 : i64} {
  func.func @_sc_edge_body(%arg0: i32, %arg1: i32, %arg2: memref<10240x32xf32, #tpu.memory_space<hbm>>, %arg3: memref<32x40x128xi32, #tpu.memory_space<hbm>>, %arg4: memref<32x40x128xi32, #tpu.memory_space<hbm>>, %arg5: memref<640x32xf32, #tpu.memory_space<hbm>>, %arg6: memref<2x10240x32xf32, #tpu.memory_space<hbm>>, %arg7: memref<40x128xi32, #tpu.memory_space<vmem>>, %arg8: memref<40x128xi32, #tpu.memory_space<vmem>>, %arg9: memref<2x5x128x32xf32, #tpu.memory_space<vmem>>, %arg10: memref<640x32xf32, #tpu.memory_space<vmem>>, %arg11: memref<10240x32xf32, #tpu.memory_space<vmem_shared>>, %arg12: memref<10240x32xf32, #tpu.memory_space<vmem_shared>>, %arg13: memref<!tpu.dma_semaphore, #tpu.memory_space<semaphore_mem>>, %arg14: memref<!tpu.dma_semaphore, #tpu.memory_space<semaphore_mem>>) attributes {dimension_semantics = [#tpu.dimension_semantics<core_parallel>, #tpu.dimension_semantics<subcore_parallel>], iteration_bounds = array<i64: 2, 16>, scalar_prefetch = 0 : i64, scratch_operands = 8 : i64, tpu.core_type = #tpu.core_type<sc_vector_subcore>, window_params = [{transform_indices = #map}, {transform_indices = #map1}, {transform_indices = #map1}, {transform_indices = #map}, {transform_indices = #map1}]} {
    %mul3A = arith.constant 2 : i32
    %mul3A_0 = arith.muli %arg1, %mul3A : i32
    %add3A = arith.addi %mul3A_0, %arg0 : i32
    "tpu.region"() ({
      %run_scoped3A = tpu.sem_alloc : memref<!tpu.dma_semaphore, #tpu.memory_space<semaphore_mem>>
      %dma_start3A_81 = arith.constant 0 : i32
      %dma_start3A_82 = arith.constant 0 : i32
      %dma_start3A_83 = tpu.memref_slice %arg3[%add3A, %dma_start3A_81, %dma_start3A_82] : memref<32x40x128xi32, #tpu.memory_space<hbm>> -> memref<1x40x128xi32, #tpu.memory_space<hbm>>
      %dma_start3A_84 = tpu.memref_squeeze %dma_start3A_83 : memref<1x40x128xi32, #tpu.memory_space<hbm>> -> memref<40x128xi32, #tpu.memory_space<hbm>>
      %dma_start3A_85 = arith.constant 0 : i32
      %dma_start3A_86 = arith.constant 0 : i32
      %dma_start3A_87 = tpu.memref_slice %arg3[%add3A, %dma_start3A_85, %dma_start3A_86] : memref<32x40x128xi32, #tpu.memory_space<hbm>> -> memref<1x40x128xi32, #tpu.memory_space<hbm>>
      %dma_start3A_88 = tpu.memref_squeeze %dma_start3A_87 : memref<1x40x128xi32, #tpu.memory_space<hbm>> -> memref<40x128xi32, #tpu.memory_space<hbm>>
      tpu.enqueue_dma source(%dma_start3A_88 : memref<40x128xi32, #tpu.memory_space<hbm>>) target(%arg7 : memref<40x128xi32, #tpu.memory_space<vmem>>) target_semaphore(%run_scoped3A : memref<!tpu.dma_semaphore, #tpu.memory_space<semaphore_mem>>)
      %dma_wait3A = arith.constant 0 : i32
      %dma_wait3A_89 = arith.constant 0 : i32
      %dma_wait3A_90 = tpu.memref_slice %arg3[%add3A, %dma_wait3A, %dma_wait3A_89] : memref<32x40x128xi32, #tpu.memory_space<hbm>> -> memref<1x40x128xi32, #tpu.memory_space<hbm>>
      %dma_wait3A_91 = tpu.memref_squeeze %dma_wait3A_90 : memref<1x40x128xi32, #tpu.memory_space<hbm>> -> memref<40x128xi32, #tpu.memory_space<hbm>>
      %dma_wait3A_92 = arith.constant 0 : i32
      %dma_wait3A_93 = arith.constant 0 : i32
      %dma_wait3A_94 = tpu.memref_slice %arg3[%add3A, %dma_wait3A_92, %dma_wait3A_93] : memref<32x40x128xi32, #tpu.memory_space<hbm>> -> memref<1x40x128xi32, #tpu.memory_space<hbm>>
      %dma_wait3A_95 = tpu.memref_squeeze %dma_wait3A_94 : memref<1x40x128xi32, #tpu.memory_space<hbm>> -> memref<40x128xi32, #tpu.memory_space<hbm>>
      tpu.wait_dma2 semaphore(%run_scoped3A : memref<!tpu.dma_semaphore, #tpu.memory_space<semaphore_mem>>) src(%dma_wait3A_95 : memref<40x128xi32, #tpu.memory_space<hbm>>) dst(%arg7 : memref<40x128xi32, #tpu.memory_space<vmem>>)
      tpu.yield
    }) : () -> ()
    "tpu.region"() ({
      %run_scoped3A = tpu.sem_alloc : memref<!tpu.dma_semaphore, #tpu.memory_space<semaphore_mem>>
      %dma_start3A_81 = arith.constant 0 : i32
      %dma_start3A_82 = arith.constant 0 : i32
      %dma_start3A_83 = tpu.memref_slice %arg4[%add3A, %dma_start3A_81, %dma_start3A_82] : memref<32x40x128xi32, #tpu.memory_space<hbm>> -> memref<1x40x128xi32, #tpu.memory_space<hbm>>
      %dma_start3A_84 = tpu.memref_squeeze %dma_start3A_83 : memref<1x40x128xi32, #tpu.memory_space<hbm>> -> memref<40x128xi32, #tpu.memory_space<hbm>>
      %dma_start3A_85 = arith.constant 0 : i32
      %dma_start3A_86 = arith.constant 0 : i32
      %dma_start3A_87 = tpu.memref_slice %arg4[%add3A, %dma_start3A_85, %dma_start3A_86] : memref<32x40x128xi32, #tpu.memory_space<hbm>> -> memref<1x40x128xi32, #tpu.memory_space<hbm>>
      %dma_start3A_88 = tpu.memref_squeeze %dma_start3A_87 : memref<1x40x128xi32, #tpu.memory_space<hbm>> -> memref<40x128xi32, #tpu.memory_space<hbm>>
      tpu.enqueue_dma source(%dma_start3A_88 : memref<40x128xi32, #tpu.memory_space<hbm>>) target(%arg8 : memref<40x128xi32, #tpu.memory_space<vmem>>) target_semaphore(%run_scoped3A : memref<!tpu.dma_semaphore, #tpu.memory_space<semaphore_mem>>)
      %dma_wait3A = arith.constant 0 : i32
      %dma_wait3A_89 = arith.constant 0 : i32
      %dma_wait3A_90 = tpu.memref_slice %arg4[%add3A, %dma_wait3A, %dma_wait3A_89] : memref<32x40x128xi32, #tpu.memory_space<hbm>> -> memref<1x40x128xi32, #tpu.memory_space<hbm>>
      %dma_wait3A_91 = tpu.memref_squeeze %dma_wait3A_90 : memref<1x40x128xi32, #tpu.memory_space<hbm>> -> memref<40x128xi32, #tpu.memory_space<hbm>>
      %dma_wait3A_92 = arith.constant 0 : i32
      %dma_wait3A_93 = arith.constant 0 : i32
      %dma_wait3A_94 = tpu.memref_slice %arg4[%add3A, %dma_wait3A_92, %dma_wait3A_93] : memref<32x40x128xi32, #tpu.memory_space<hbm>> -> memref<1x40x128xi32, #tpu.memory_space<hbm>>
      %dma_wait3A_95 = tpu.memref_squeeze %dma_wait3A_94 : memref<1x40x128xi32, #tpu.memory_space<hbm>> -> memref<40x128xi32, #tpu.memory_space<hbm>>
      tpu.wait_dma2 semaphore(%run_scoped3A : memref<!tpu.dma_semaphore, #tpu.memory_space<semaphore_mem>>) src(%dma_wait3A_95 : memref<40x128xi32, #tpu.memory_space<hbm>>) dst(%arg8 : memref<40x128xi32, #tpu.memory_space<vmem>>)
      tpu.yield
    }) : () -> ()
    %mul3A_1 = arith.constant 640 : i32
    %mul3A_2 = arith.muli %arg1, %mul3A_1 : i32
    "tpu.region"() ({
      %run_scoped3A = tpu.sem_alloc : memref<!tpu.dma_semaphore, #tpu.memory_space<semaphore_mem>>
      %dma_start3A_81 = arith.constant 0 : i32
      %dma_start3A_82 = tpu.memref_slice %arg2[%mul3A_2, %dma_start3A_81] : memref<10240x32xf32, #tpu.memory_space<hbm>> -> memref<640x32xf32, #tpu.memory_space<hbm>>
      %dma_start3A_83 = arith.constant 0 : i32
      %dma_start3A_84 = tpu.memref_slice %arg2[%mul3A_2, %dma_start3A_83] : memref<10240x32xf32, #tpu.memory_space<hbm>> -> memref<640x32xf32, #tpu.memory_space<hbm>>
      tpu.enqueue_dma source(%dma_start3A_84 : memref<640x32xf32, #tpu.memory_space<hbm>>) target(%arg10 : memref<640x32xf32, #tpu.memory_space<vmem>>) target_semaphore(%run_scoped3A : memref<!tpu.dma_semaphore, #tpu.memory_space<semaphore_mem>>)
      %dma_wait3A = arith.constant 0 : i32
      %dma_wait3A_85 = tpu.memref_slice %arg2[%mul3A_2, %dma_wait3A] : memref<10240x32xf32, #tpu.memory_space<hbm>> -> memref<640x32xf32, #tpu.memory_space<hbm>>
      %dma_wait3A_86 = arith.constant 0 : i32
      %dma_wait3A_87 = tpu.memref_slice %arg2[%mul3A_2, %dma_wait3A_86] : memref<10240x32xf32, #tpu.memory_space<hbm>> -> memref<640x32xf32, #tpu.memory_space<hbm>>
      tpu.wait_dma2 semaphore(%run_scoped3A : memref<!tpu.dma_semaphore, #tpu.memory_space<semaphore_mem>>) src(%dma_wait3A_87 : memref<640x32xf32, #tpu.memory_space<hbm>>) dst(%arg10 : memref<640x32xf32, #tpu.memory_space<vmem>>)
      tpu.yield
    }) : () -> ()
    %mul3A_3 = arith.constant 640 : i32
    %mul3A_4 = arith.muli %arg1, %mul3A_3 : i32
    "tpu.region"() ({
      %run_scoped3A = tpu.sem_alloc : memref<!tpu.dma_semaphore, #tpu.memory_space<semaphore_mem>>
      %dma_start3A_81 = arith.constant 0 : i32
      %dma_start3A_82 = tpu.memref_slice %arg12[%mul3A_4, %dma_start3A_81] : memref<10240x32xf32, #tpu.memory_space<vmem_shared>> -> memref<640x32xf32, #tpu.memory_space<vmem_shared>>
      %dma_start3A_83 = arith.constant 0 : i32
      %dma_start3A_84 = tpu.memref_slice %arg12[%mul3A_4, %dma_start3A_83] : memref<10240x32xf32, #tpu.memory_space<vmem_shared>> -> memref<640x32xf32, #tpu.memory_space<vmem_shared>>
      tpu.enqueue_dma source(%arg10 : memref<640x32xf32, #tpu.memory_space<vmem>>) target(%dma_start3A_84 : memref<640x32xf32, #tpu.memory_space<vmem_shared>>) target_semaphore(%run_scoped3A : memref<!tpu.dma_semaphore, #tpu.memory_space<semaphore_mem>>)
      %dma_wait3A = arith.constant 0 : i32
      %dma_wait3A_85 = tpu.memref_slice %arg12[%mul3A_4, %dma_wait3A] : memref<10240x32xf32, #tpu.memory_space<vmem_shared>> -> memref<640x32xf32, #tpu.memory_space<vmem_shared>>
      %dma_wait3A_86 = arith.constant 0 : i32
      %dma_wait3A_87 = tpu.memref_slice %arg12[%mul3A_4, %dma_wait3A_86] : memref<10240x32xf32, #tpu.memory_space<vmem_shared>> -> memref<640x32xf32, #tpu.memory_space<vmem_shared>>
      tpu.wait_dma2 semaphore(%run_scoped3A : memref<!tpu.dma_semaphore, #tpu.memory_space<semaphore_mem>>) src(%arg10 : memref<640x32xf32, #tpu.memory_space<vmem>>) dst(%dma_wait3A_87 : memref<640x32xf32, #tpu.memory_space<vmem_shared>>)
      tpu.yield
    }) : () -> ()
    "tpu.region"() ({
      %run_scoped3A = tpu.sem_alloc : memref<!tpu.dma_semaphore, #tpu.memory_space<semaphore_mem>>
      tpu.enqueue_dma source(%arg5 : memref<640x32xf32, #tpu.memory_space<hbm>>) target(%arg10 : memref<640x32xf32, #tpu.memory_space<vmem>>) target_semaphore(%run_scoped3A : memref<!tpu.dma_semaphore, #tpu.memory_space<semaphore_mem>>)
      tpu.wait_dma2 semaphore(%run_scoped3A : memref<!tpu.dma_semaphore, #tpu.memory_space<semaphore_mem>>) src(%arg5 : memref<640x32xf32, #tpu.memory_space<hbm>>) dst(%arg10 : memref<640x32xf32, #tpu.memory_space<vmem>>)
      tpu.yield
    }) : () -> ()
    %mul3A_5 = arith.constant 640 : i32
    %mul3A_6 = arith.muli %arg1, %mul3A_5 : i32
    "tpu.region"() ({
      %run_scoped3A = tpu.sem_alloc : memref<!tpu.dma_semaphore, #tpu.memory_space<semaphore_mem>>
      %dma_start3A_81 = arith.constant 0 : i32
      %dma_start3A_82 = tpu.memref_slice %arg11[%mul3A_6, %dma_start3A_81] : memref<10240x32xf32, #tpu.memory_space<vmem_shared>> -> memref<640x32xf32, #tpu.memory_space<vmem_shared>>
      %dma_start3A_83 = arith.constant 0 : i32
      %dma_start3A_84 = tpu.memref_slice %arg11[%mul3A_6, %dma_start3A_83] : memref<10240x32xf32, #tpu.memory_space<vmem_shared>> -> memref<640x32xf32, #tpu.memory_space<vmem_shared>>
      tpu.enqueue_dma source(%arg10 : memref<640x32xf32, #tpu.memory_space<vmem>>) target(%dma_start3A_84 : memref<640x32xf32, #tpu.memory_space<vmem_shared>>) target_semaphore(%run_scoped3A : memref<!tpu.dma_semaphore, #tpu.memory_space<semaphore_mem>>)
      %dma_wait3A = arith.constant 0 : i32
      %dma_wait3A_85 = tpu.memref_slice %arg11[%mul3A_6, %dma_wait3A] : memref<10240x32xf32, #tpu.memory_space<vmem_shared>> -> memref<640x32xf32, #tpu.memory_space<vmem_shared>>
      %dma_wait3A_86 = arith.constant 0 : i32
      %dma_wait3A_87 = tpu.memref_slice %arg11[%mul3A_6, %dma_wait3A_86] : memref<10240x32xf32, #tpu.memory_space<vmem_shared>> -> memref<640x32xf32, #tpu.memory_space<vmem_shared>>
      tpu.wait_dma2 semaphore(%run_scoped3A : memref<!tpu.dma_semaphore, #tpu.memory_space<semaphore_mem>>) src(%arg10 : memref<640x32xf32, #tpu.memory_space<vmem>>) dst(%dma_wait3A_87 : memref<640x32xf32, #tpu.memory_space<vmem_shared>>)
      tpu.yield
    }) : () -> ()
    %barrier3A = arith.constant 0 : index
    tpu.barrier barrier_id(%barrier3A)
    %dma_start3A = arith.constant 0 : i32
    %dma_start3A_7 = arith.constant 0 : i32
    %dma_start3A_8 = arith.constant 0 : i32
    %dma_start3A_9 = arith.constant 0 : i32
    %dma_start3A_10 = arith.constant 0 : i32
    %dma_start3A_11 = tpu.memref_slice %arg9[%dma_start3A_7, %dma_start3A_8, %dma_start3A_9, %dma_start3A_10] : memref<2x5x128x32xf32, #tpu.memory_space<vmem>> -> memref<1x1x128x32xf32, #tpu.memory_space<vmem>>
    %dma_start3A_12 = tpu.memref_squeeze %dma_start3A_11 : memref<1x1x128x32xf32, #tpu.memory_space<vmem>> -> memref<128x32xf32, #tpu.memory_space<vmem>>
    %dma_start3A_13 = arith.constant 0 : i32
    %dma_start3A_14 = tpu.memref_slice %arg7[%dma_start3A, %dma_start3A_13] : memref<40x128xi32, #tpu.memory_space<vmem>> -> memref<1x128xi32, #tpu.memory_space<vmem>>
    %dma_start3A_15 = tpu.memref_squeeze %dma_start3A_14 : memref<1x128xi32, #tpu.memory_space<vmem>> -> memref<128xi32, #tpu.memory_space<vmem>>
    %dma_start3A_16 = arith.constant 0 : i32
    %dma_start3A_17 = arith.constant 0 : i32
    %dma_start3A_18 = tpu.memref_slice %arg12[%dma_start3A_16, %dma_start3A_17] : memref<10240x32xf32, #tpu.memory_space<vmem_shared>> -> memref<10240x32xf32, #tpu.memory_space<vmem_shared>>
    tpu.enqueue_indirect_dma source(%dma_start3A_18 : memref<10240x32xf32, #tpu.memory_space<vmem_shared>>) target(%dma_start3A_12 : memref<128x32xf32, #tpu.memory_space<vmem>>) offsets(%dma_start3A_15 : memref<128xi32, #tpu.memory_space<vmem>>) semaphore(%arg13 : memref<!tpu.dma_semaphore, #tpu.memory_space<semaphore_mem>>)
    %dma_start3A_19 = arith.constant 1 : i32
    %dma_start3A_20 = arith.constant 0 : i32
    %dma_start3A_21 = arith.constant 1 : i32
    %dma_start3A_22 = arith.constant 0 : i32
    %dma_start3A_23 = arith.constant 0 : i32
    %dma_start3A_24 = tpu.memref_slice %arg9[%dma_start3A_20, %dma_start3A_21, %dma_start3A_22, %dma_start3A_23] : memref<2x5x128x32xf32, #tpu.memory_space<vmem>> -> memref<1x1x128x32xf32, #tpu.memory_space<vmem>>
    %dma_start3A_25 = tpu.memref_squeeze %dma_start3A_24 : memref<1x1x128x32xf32, #tpu.memory_space<vmem>> -> memref<128x32xf32, #tpu.memory_space<vmem>>
    %dma_start3A_26 = arith.constant 0 : i32
    %dma_start3A_27 = tpu.memref_slice %arg7[%dma_start3A_19, %dma_start3A_26] : memref<40x128xi32, #tpu.memory_space<vmem>> -> memref<1x128xi32, #tpu.memory_space<vmem>>
    %dma_start3A_28 = tpu.memref_squeeze %dma_start3A_27 : memref<1x128xi32, #tpu.memory_space<vmem>> -> memref<128xi32, #tpu.memory_space<vmem>>
    %dma_start3A_29 = arith.constant 0 : i32
    %dma_start3A_30 = arith.constant 0 : i32
    %dma_start3A_31 = tpu.memref_slice %arg12[%dma_start3A_29, %dma_start3A_30] : memref<10240x32xf32, #tpu.memory_space<vmem_shared>> -> memref<10240x32xf32, #tpu.memory_space<vmem_shared>>
    tpu.enqueue_indirect_dma source(%dma_start3A_31 : memref<10240x32xf32, #tpu.memory_space<vmem_shared>>) target(%dma_start3A_25 : memref<128x32xf32, #tpu.memory_space<vmem>>) offsets(%dma_start3A_28 : memref<128xi32, #tpu.memory_space<vmem>>) semaphore(%arg13 : memref<!tpu.dma_semaphore, #tpu.memory_space<semaphore_mem>>)
    %dma_start3A_32 = arith.constant 2 : i32
    %dma_start3A_33 = arith.constant 0 : i32
    %dma_start3A_34 = arith.constant 2 : i32
    %dma_start3A_35 = arith.constant 0 : i32
    %dma_start3A_36 = arith.constant 0 : i32
    %dma_start3A_37 = tpu.memref_slice %arg9[%dma_start3A_33, %dma_start3A_34, %dma_start3A_35, %dma_start3A_36] : memref<2x5x128x32xf32, #tpu.memory_space<vmem>> -> memref<1x1x128x32xf32, #tpu.memory_space<vmem>>
    %dma_start3A_38 = tpu.memref_squeeze %dma_start3A_37 : memref<1x1x128x32xf32, #tpu.memory_space<vmem>> -> memref<128x32xf32, #tpu.memory_space<vmem>>
    %dma_start3A_39 = arith.constant 0 : i32
    %dma_start3A_40 = tpu.memref_slice %arg7[%dma_start3A_32, %dma_start3A_39] : memref<40x128xi32, #tpu.memory_space<vmem>> -> memref<1x128xi32, #tpu.memory_space<vmem>>
    %dma_start3A_41 = tpu.memref_squeeze %dma_start3A_40 : memref<1x128xi32, #tpu.memory_space<vmem>> -> memref<128xi32, #tpu.memory_space<vmem>>
    %dma_start3A_42 = arith.constant 0 : i32
    %dma_start3A_43 = arith.constant 0 : i32
    %dma_start3A_44 = tpu.memref_slice %arg12[%dma_start3A_42, %dma_start3A_43] : memref<10240x32xf32, #tpu.memory_space<vmem_shared>> -> memref<10240x32xf32, #tpu.memory_space<vmem_shared>>
    tpu.enqueue_indirect_dma source(%dma_start3A_44 : memref<10240x32xf32, #tpu.memory_space<vmem_shared>>) target(%dma_start3A_38 : memref<128x32xf32, #tpu.memory_space<vmem>>) offsets(%dma_start3A_41 : memref<128xi32, #tpu.memory_space<vmem>>) semaphore(%arg13 : memref<!tpu.dma_semaphore, #tpu.memory_space<semaphore_mem>>)
    %dma_start3A_45 = arith.constant 3 : i32
    %dma_start3A_46 = arith.constant 0 : i32
    %dma_start3A_47 = arith.constant 3 : i32
    %dma_start3A_48 = arith.constant 0 : i32
    %dma_start3A_49 = arith.constant 0 : i32
    %dma_start3A_50 = tpu.memref_slice %arg9[%dma_start3A_46, %dma_start3A_47, %dma_start3A_48, %dma_start3A_49] : memref<2x5x128x32xf32, #tpu.memory_space<vmem>> -> memref<1x1x128x32xf32, #tpu.memory_space<vmem>>
    %dma_start3A_51 = tpu.memref_squeeze %dma_start3A_50 : memref<1x1x128x32xf32, #tpu.memory_space<vmem>> -> memref<128x32xf32, #tpu.memory_space<vmem>>
    %dma_start3A_52 = arith.constant 0 : i32
    %dma_start3A_53 = tpu.memref_slice %arg7[%dma_start3A_45, %dma_start3A_52] : memref<40x128xi32, #tpu.memory_space<vmem>> -> memref<1x128xi32, #tpu.memory_space<vmem>>
    %dma_start3A_54 = tpu.memref_squeeze %dma_start3A_53 : memref<1x128xi32, #tpu.memory_space<vmem>> -> memref<128xi32, #tpu.memory_space<vmem>>
    %dma_start3A_55 = arith.constant 0 : i32
    %dma_start3A_56 = arith.constant 0 : i32
    %dma_start3A_57 = tpu.memref_slice %arg12[%dma_start3A_55, %dma_start3A_56] : memref<10240x32xf32, #tpu.memory_space<vmem_shared>> -> memref<10240x32xf32, #tpu.memory_space<vmem_shared>>
    tpu.enqueue_indirect_dma source(%dma_start3A_57 : memref<10240x32xf32, #tpu.memory_space<vmem_shared>>) target(%dma_start3A_51 : memref<128x32xf32, #tpu.memory_space<vmem>>) offsets(%dma_start3A_54 : memref<128xi32, #tpu.memory_space<vmem>>) semaphore(%arg13 : memref<!tpu.dma_semaphore, #tpu.memory_space<semaphore_mem>>)
    %dma_start3A_58 = arith.constant 4 : i32
    %dma_start3A_59 = arith.constant 0 : i32
    %dma_start3A_60 = arith.constant 4 : i32
    %dma_start3A_61 = arith.constant 0 : i32
    %dma_start3A_62 = arith.constant 0 : i32
    %dma_start3A_63 = tpu.memref_slice %arg9[%dma_start3A_59, %dma_start3A_60, %dma_start3A_61, %dma_start3A_62] : memref<2x5x128x32xf32, #tpu.memory_space<vmem>> -> memref<1x1x128x32xf32, #tpu.memory_space<vmem>>
    %dma_start3A_64 = tpu.memref_squeeze %dma_start3A_63 : memref<1x1x128x32xf32, #tpu.memory_space<vmem>> -> memref<128x32xf32, #tpu.memory_space<vmem>>
    %dma_start3A_65 = arith.constant 0 : i32
    %dma_start3A_66 = tpu.memref_slice %arg7[%dma_start3A_58, %dma_start3A_65] : memref<40x128xi32, #tpu.memory_space<vmem>> -> memref<1x128xi32, #tpu.memory_space<vmem>>
    %dma_start3A_67 = tpu.memref_squeeze %dma_start3A_66 : memref<1x128xi32, #tpu.memory_space<vmem>> -> memref<128xi32, #tpu.memory_space<vmem>>
    %dma_start3A_68 = arith.constant 0 : i32
    %dma_start3A_69 = arith.constant 0 : i32
    %dma_start3A_70 = tpu.memref_slice %arg12[%dma_start3A_68, %dma_start3A_69] : memref<10240x32xf32, #tpu.memory_space<vmem_shared>> -> memref<10240x32xf32, #tpu.memory_space<vmem_shared>>
    tpu.enqueue_indirect_dma source(%dma_start3A_70 : memref<10240x32xf32, #tpu.memory_space<vmem_shared>>) target(%dma_start3A_64 : memref<128x32xf32, #tpu.memory_space<vmem>>) offsets(%dma_start3A_67 : memref<128xi32, #tpu.memory_space<vmem>>) semaphore(%arg13 : memref<!tpu.dma_semaphore, #tpu.memory_space<semaphore_mem>>)
    %scan3A = arith.constant 0 : i32
    %scan3A_71 = arith.constant 0 : i32
    %scan3A_72 = arith.constant 4 : i32
    %scan3A_73 = arith.addi %scan3A_71, %scan3A_72 : i32
    %scan3A_74 = arith.constant 1 : i32
    scf.for %scan3A_81 = %scan3A_71 to %scan3A_73 step %scan3A_74  : i32 {
      %mul3A_82 = arith.constant 2 : i32
      %mul3A_83 = arith.muli %mul3A_82, %scan3A_81 : i32
      %add3A_84 = arith.constant 1 : i32
      %add3A_85 = arith.addi %mul3A_83, %add3A_84 : i32
      %mul3A_86 = arith.constant 5 : i32
      %mul3A_87 = arith.muli %add3A_85, %mul3A_86 : i32
      %add3A_88 = arith.constant 0 : i32
      %add3A_89 = arith.addi %mul3A_87, %add3A_88 : i32
      %dma_start3A_90 = arith.constant 1 : i32
      %dma_start3A_91 = arith.constant 0 : i32
      %dma_start3A_92 = arith.constant 0 : i32
      %dma_start3A_93 = arith.constant 0 : i32
      %dma_start3A_94 = tpu.memref_slice %arg9[%dma_start3A_90, %dma_start3A_91, %dma_start3A_92, %dma_start3A_93] : memref<2x5x128x32xf32, #tpu.memory_space<vmem>> -> memref<1x1x128x32xf32, #tpu.memory_space<vmem>>
      %dma_start3A_95 = tpu.memref_squeeze %dma_start3A_94 : memref<1x1x128x32xf32, #tpu.memory_space<vmem>> -> memref<128x32xf32, #tpu.memory_space<vmem>>
      %dma_start3A_96 = arith.constant 0 : i32
      %dma_start3A_97 = tpu.memref_slice %arg7[%add3A_89, %dma_start3A_96] : memref<40x128xi32, #tpu.memory_space<vmem>> -> memref<1x128xi32, #tpu.memory_space<vmem>>
      %dma_start3A_98 = tpu.memref_squeeze %dma_start3A_97 : memref<1x128xi32, #tpu.memory_space<vmem>> -> memref<128xi32, #tpu.memory_space<vmem>>
      %dma_start3A_99 = arith.constant 0 : i32
      %dma_start3A_100 = arith.constant 0 : i32
      %dma_start3A_101 = tpu.memref_slice %arg12[%dma_start3A_99, %dma_start3A_100] : memref<10240x32xf32, #tpu.memory_space<vmem_shared>> -> memref<10240x32xf32, #tpu.memory_space<vmem_shared>>
      tpu.enqueue_indirect_dma source(%dma_start3A_101 : memref<10240x32xf32, #tpu.memory_space<vmem_shared>>) target(%dma_start3A_95 : memref<128x32xf32, #tpu.memory_space<vmem>>) offsets(%dma_start3A_98 : memref<128xi32, #tpu.memory_space<vmem>>) semaphore(%arg14 : memref<!tpu.dma_semaphore, #tpu.memory_space<semaphore_mem>>)
      %add3A_102 = arith.constant 1 : i32
      %add3A_103 = arith.addi %mul3A_87, %add3A_102 : i32
      %dma_start3A_104 = arith.constant 1 : i32
      %dma_start3A_105 = arith.constant 1 : i32
      %dma_start3A_106 = arith.constant 0 : i32
      %dma_start3A_107 = arith.constant 0 : i32
      %dma_start3A_108 = tpu.memref_slice %arg9[%dma_start3A_104, %dma_start3A_105, %dma_start3A_106, %dma_start3A_107] : memref<2x5x128x32xf32, #tpu.memory_space<vmem>> -> memref<1x1x128x32xf32, #tpu.memory_space<vmem>>
      %dma_start3A_109 = tpu.memref_squeeze %dma_start3A_108 : memref<1x1x128x32xf32, #tpu.memory_space<vmem>> -> memref<128x32xf32, #tpu.memory_space<vmem>>
      %dma_start3A_110 = arith.constant 0 : i32
      %dma_start3A_111 = tpu.memref_slice %arg7[%add3A_103, %dma_start3A_110] : memref<40x128xi32, #tpu.memory_space<vmem>> -> memref<1x128xi32, #tpu.memory_space<vmem>>
      %dma_start3A_112 = tpu.memref_squeeze %dma_start3A_111 : memref<1x128xi32, #tpu.memory_space<vmem>> -> memref<128xi32, #tpu.memory_space<vmem>>
      %dma_start3A_113 = arith.constant 0 : i32
      %dma_start3A_114 = arith.constant 0 : i32
      %dma_start3A_115 = tpu.memref_slice %arg12[%dma_start3A_113, %dma_start3A_114] : memref<10240x32xf32, #tpu.memory_space<vmem_shared>> -> memref<10240x32xf32, #tpu.memory_space<vmem_shared>>
      tpu.enqueue_indirect_dma source(%dma_start3A_115 : memref<10240x32xf32, #tpu.memory_space<vmem_shared>>) target(%dma_start3A_109 : memref<128x32xf32, #tpu.memory_space<vmem>>) offsets(%dma_start3A_112 : memref<128xi32, #tpu.memory_space<vmem>>) semaphore(%arg14 : memref<!tpu.dma_semaphore, #tpu.memory_space<semaphore_mem>>)
      %add3A_116 = arith.constant 2 : i32
      %add3A_117 = arith.addi %mul3A_87, %add3A_116 : i32
      %dma_start3A_118 = arith.constant 1 : i32
      %dma_start3A_119 = arith.constant 2 : i32
      %dma_start3A_120 = arith.constant 0 : i32
      %dma_start3A_121 = arith.constant 0 : i32
      %dma_start3A_122 = tpu.memref_slice %arg9[%dma_start3A_118, %dma_start3A_119, %dma_start3A_120, %dma_start3A_121] : memref<2x5x128x32xf32, #tpu.memory_space<vmem>> -> memref<1x1x128x32xf32, #tpu.memory_space<vmem>>
      %dma_start3A_123 = tpu.memref_squeeze %dma_start3A_122 : memref<1x1x128x32xf32, #tpu.memory_space<vmem>> -> memref<128x32xf32, #tpu.memory_space<vmem>>
      %dma_start3A_124 = arith.constant 0 : i32
      %dma_start3A_125 = tpu.memref_slice %arg7[%add3A_117, %dma_start3A_124] : memref<40x128xi32, #tpu.memory_space<vmem>> -> memref<1x128xi32, #tpu.memory_space<vmem>>
      %dma_start3A_126 = tpu.memref_squeeze %dma_start3A_125 : memref<1x128xi32, #tpu.memory_space<vmem>> -> memref<128xi32, #tpu.memory_space<vmem>>
      %dma_start3A_127 = arith.constant 0 : i32
      %dma_start3A_128 = arith.constant 0 : i32
      %dma_start3A_129 = tpu.memref_slice %arg12[%dma_start3A_127, %dma_start3A_128] : memref<10240x32xf32, #tpu.memory_space<vmem_shared>> -> memref<10240x32xf32, #tpu.memory_space<vmem_shared>>
      tpu.enqueue_indirect_dma source(%dma_start3A_129 : memref<10240x32xf32, #tpu.memory_space<vmem_shared>>) target(%dma_start3A_123 : memref<128x32xf32, #tpu.memory_space<vmem>>) offsets(%dma_start3A_126 : memref<128xi32, #tpu.memory_space<vmem>>) semaphore(%arg14 : memref<!tpu.dma_semaphore, #tpu.memory_space<semaphore_mem>>)
      %add3A_130 = arith.constant 3 : i32
      %add3A_131 = arith.addi %mul3A_87, %add3A_130 : i32
      %dma_start3A_132 = arith.constant 1 : i32
      %dma_start3A_133 = arith.constant 3 : i32
      %dma_start3A_134 = arith.constant 0 : i32
      %dma_start3A_135 = arith.constant 0 : i32
      %dma_start3A_136 = tpu.memref_slice %arg9[%dma_start3A_132, %dma_start3A_133, %dma_start3A_134, %dma_start3A_135] : memref<2x5x128x32xf32, #tpu.memory_space<vmem>> -> memref<1x1x128x32xf32, #tpu.memory_space<vmem>>
      %dma_start3A_137 = tpu.memref_squeeze %dma_start3A_136 : memref<1x1x128x32xf32, #tpu.memory_space<vmem>> -> memref<128x32xf32, #tpu.memory_space<vmem>>
      %dma_start3A_138 = arith.constant 0 : i32
      %dma_start3A_139 = tpu.memref_slice %arg7[%add3A_131, %dma_start3A_138] : memref<40x128xi32, #tpu.memory_space<vmem>> -> memref<1x128xi32, #tpu.memory_space<vmem>>
      %dma_start3A_140 = tpu.memref_squeeze %dma_start3A_139 : memref<1x128xi32, #tpu.memory_space<vmem>> -> memref<128xi32, #tpu.memory_space<vmem>>
      %dma_start3A_141 = arith.constant 0 : i32
      %dma_start3A_142 = arith.constant 0 : i32
      %dma_start3A_143 = tpu.memref_slice %arg12[%dma_start3A_141, %dma_start3A_142] : memref<10240x32xf32, #tpu.memory_space<vmem_shared>> -> memref<10240x32xf32, #tpu.memory_space<vmem_shared>>
      tpu.enqueue_indirect_dma source(%dma_start3A_143 : memref<10240x32xf32, #tpu.memory_space<vmem_shared>>) target(%dma_start3A_137 : memref<128x32xf32, #tpu.memory_space<vmem>>) offsets(%dma_start3A_140 : memref<128xi32, #tpu.memory_space<vmem>>) semaphore(%arg14 : memref<!tpu.dma_semaphore, #tpu.memory_space<semaphore_mem>>)
      %add3A_144 = arith.constant 4 : i32
      %add3A_145 = arith.addi %mul3A_87, %add3A_144 : i32
      %dma_start3A_146 = arith.constant 1 : i32
      %dma_start3A_147 = arith.constant 4 : i32
      %dma_start3A_148 = arith.constant 0 : i32
      %dma_start3A_149 = arith.constant 0 : i32
      %dma_start3A_150 = tpu.memref_slice %arg9[%dma_start3A_146, %dma_start3A_147, %dma_start3A_148, %dma_start3A_149] : memref<2x5x128x32xf32, #tpu.memory_space<vmem>> -> memref<1x1x128x32xf32, #tpu.memory_space<vmem>>
      %dma_start3A_151 = tpu.memref_squeeze %dma_start3A_150 : memref<1x1x128x32xf32, #tpu.memory_space<vmem>> -> memref<128x32xf32, #tpu.memory_space<vmem>>
      %dma_start3A_152 = arith.constant 0 : i32
      %dma_start3A_153 = tpu.memref_slice %arg7[%add3A_145, %dma_start3A_152] : memref<40x128xi32, #tpu.memory_space<vmem>> -> memref<1x128xi32, #tpu.memory_space<vmem>>
      %dma_start3A_154 = tpu.memref_squeeze %dma_start3A_153 : memref<1x128xi32, #tpu.memory_space<vmem>> -> memref<128xi32, #tpu.memory_space<vmem>>
      %dma_start3A_155 = arith.constant 0 : i32
      %dma_start3A_156 = arith.constant 0 : i32
      %dma_start3A_157 = tpu.memref_slice %arg12[%dma_start3A_155, %dma_start3A_156] : memref<10240x32xf32, #tpu.memory_space<vmem_shared>> -> memref<10240x32xf32, #tpu.memory_space<vmem_shared>>
      tpu.enqueue_indirect_dma source(%dma_start3A_157 : memref<10240x32xf32, #tpu.memory_space<vmem_shared>>) target(%dma_start3A_151 : memref<128x32xf32, #tpu.memory_space<vmem>>) offsets(%dma_start3A_154 : memref<128xi32, #tpu.memory_space<vmem>>) semaphore(%arg14 : memref<!tpu.dma_semaphore, #tpu.memory_space<semaphore_mem>>)
      %dma_wait3A = arith.constant 0 : i32
      %dma_wait3A_158 = arith.constant 0 : i32
      %dma_wait3A_159 = arith.constant 0 : i32
      %dma_wait3A_160 = arith.constant 0 : i32
      %dma_wait3A_161 = arith.constant 0 : i32
      %dma_wait3A_162 = tpu.memref_slice %arg9[%dma_wait3A_158, %dma_wait3A_159, %dma_wait3A_160, %dma_wait3A_161] : memref<2x5x128x32xf32, #tpu.memory_space<vmem>> -> memref<1x1x128x32xf32, #tpu.memory_space<vmem>>
      %dma_wait3A_163 = tpu.memref_squeeze %dma_wait3A_162 : memref<1x1x128x32xf32, #tpu.memory_space<vmem>> -> memref<128x32xf32, #tpu.memory_space<vmem>>
      %dma_wait3A_164 = arith.constant 0 : i32
      %dma_wait3A_165 = tpu.memref_slice %arg7[%dma_wait3A, %dma_wait3A_164] : memref<40x128xi32, #tpu.memory_space<vmem>> -> memref<1x128xi32, #tpu.memory_space<vmem>>
      %dma_wait3A_166 = tpu.memref_squeeze %dma_wait3A_165 : memref<1x128xi32, #tpu.memory_space<vmem>> -> memref<128xi32, #tpu.memory_space<vmem>>
      %dma_wait3A_167 = arith.constant 0 : i32
      %dma_wait3A_168 = arith.constant 0 : i32
      %dma_wait3A_169 = tpu.memref_slice %arg2[%dma_wait3A_167, %dma_wait3A_168] : memref<10240x32xf32, #tpu.memory_space<hbm>> -> memref<10240x32xf32, #tpu.memory_space<hbm>>
      tpu.wait_indirect_dma semaphore(%arg13 : memref<!tpu.dma_semaphore, #tpu.memory_space<semaphore_mem>>) src(%dma_wait3A_169 : memref<10240x32xf32, #tpu.memory_space<hbm>>) dst(%dma_wait3A_163 : memref<128x32xf32, #tpu.memory_space<vmem>>)
      %dma_wait3A_170 = arith.constant 0 : i32
      %dma_wait3A_171 = arith.constant 0 : i32
      %dma_wait3A_172 = arith.constant 1 : i32
      %dma_wait3A_173 = arith.constant 0 : i32
      %dma_wait3A_174 = arith.constant 0 : i32
      %dma_wait3A_175 = tpu.memref_slice %arg9[%dma_wait3A_171, %dma_wait3A_172, %dma_wait3A_173, %dma_wait3A_174] : memref<2x5x128x32xf32, #tpu.memory_space<vmem>> -> memref<1x1x128x32xf32, #tpu.memory_space<vmem>>
      %dma_wait3A_176 = tpu.memref_squeeze %dma_wait3A_175 : memref<1x1x128x32xf32, #tpu.memory_space<vmem>> -> memref<128x32xf32, #tpu.memory_space<vmem>>
      %dma_wait3A_177 = arith.constant 0 : i32
      %dma_wait3A_178 = tpu.memref_slice %arg7[%dma_wait3A_170, %dma_wait3A_177] : memref<40x128xi32, #tpu.memory_space<vmem>> -> memref<1x128xi32, #tpu.memory_space<vmem>>
      %dma_wait3A_179 = tpu.memref_squeeze %dma_wait3A_178 : memref<1x128xi32, #tpu.memory_space<vmem>> -> memref<128xi32, #tpu.memory_space<vmem>>
      %dma_wait3A_180 = arith.constant 0 : i32
      %dma_wait3A_181 = arith.constant 0 : i32
      %dma_wait3A_182 = tpu.memref_slice %arg2[%dma_wait3A_180, %dma_wait3A_181] : memref<10240x32xf32, #tpu.memory_space<hbm>> -> memref<10240x32xf32, #tpu.memory_space<hbm>>
      tpu.wait_indirect_dma semaphore(%arg13 : memref<!tpu.dma_semaphore, #tpu.memory_space<semaphore_mem>>) src(%dma_wait3A_182 : memref<10240x32xf32, #tpu.memory_space<hbm>>) dst(%dma_wait3A_176 : memref<128x32xf32, #tpu.memory_space<vmem>>)
      %dma_wait3A_183 = arith.constant 0 : i32
      %dma_wait3A_184 = arith.constant 0 : i32
      %dma_wait3A_185 = arith.constant 2 : i32
      %dma_wait3A_186 = arith.constant 0 : i32
      %dma_wait3A_187 = arith.constant 0 : i32
      %dma_wait3A_188 = tpu.memref_slice %arg9[%dma_wait3A_184, %dma_wait3A_185, %dma_wait3A_186, %dma_wait3A_187] : memref<2x5x128x32xf32, #tpu.memory_space<vmem>> -> memref<1x1x128x32xf32, #tpu.memory_space<vmem>>
      %dma_wait3A_189 = tpu.memref_squeeze %dma_wait3A_188 : memref<1x1x128x32xf32, #tpu.memory_space<vmem>> -> memref<128x32xf32, #tpu.memory_space<vmem>>
      %dma_wait3A_190 = arith.constant 0 : i32
      %dma_wait3A_191 = tpu.memref_slice %arg7[%dma_wait3A_183, %dma_wait3A_190] : memref<40x128xi32, #tpu.memory_space<vmem>> -> memref<1x128xi32, #tpu.memory_space<vmem>>
      %dma_wait3A_192 = tpu.memref_squeeze %dma_wait3A_191 : memref<1x128xi32, #tpu.memory_space<vmem>> -> memref<128xi32, #tpu.memory_space<vmem>>
      %dma_wait3A_193 = arith.constant 0 : i32
      %dma_wait3A_194 = arith.constant 0 : i32
      %dma_wait3A_195 = tpu.memref_slice %arg2[%dma_wait3A_193, %dma_wait3A_194] : memref<10240x32xf32, #tpu.memory_space<hbm>> -> memref<10240x32xf32, #tpu.memory_space<hbm>>
      tpu.wait_indirect_dma semaphore(%arg13 : memref<!tpu.dma_semaphore, #tpu.memory_space<semaphore_mem>>) src(%dma_wait3A_195 : memref<10240x32xf32, #tpu.memory_space<hbm>>) dst(%dma_wait3A_189 : memref<128x32xf32, #tpu.memory_space<vmem>>)
      %dma_wait3A_196 = arith.constant 0 : i32
      %dma_wait3A_197 = arith.constant 0 : i32
      %dma_wait3A_198 = arith.constant 3 : i32
      %dma_wait3A_199 = arith.constant 0 : i32
      %dma_wait3A_200 = arith.constant 0 : i32
      %dma_wait3A_201 = tpu.memref_slice %arg9[%dma_wait3A_197, %dma_wait3A_198, %dma_wait3A_199, %dma_wait3A_200] : memref<2x5x128x32xf32, #tpu.memory_space<vmem>> -> memref<1x1x128x32xf32, #tpu.memory_space<vmem>>
      %dma_wait3A_202 = tpu.memref_squeeze %dma_wait3A_201 : memref<1x1x128x32xf32, #tpu.memory_space<vmem>> -> memref<128x32xf32, #tpu.memory_space<vmem>>
      %dma_wait3A_203 = arith.constant 0 : i32
      %dma_wait3A_204 = tpu.memref_slice %arg7[%dma_wait3A_196, %dma_wait3A_203] : memref<40x128xi32, #tpu.memory_space<vmem>> -> memref<1x128xi32, #tpu.memory_space<vmem>>
      %dma_wait3A_205 = tpu.memref_squeeze %dma_wait3A_204 : memref<1x128xi32, #tpu.memory_space<vmem>> -> memref<128xi32, #tpu.memory_space<vmem>>
      %dma_wait3A_206 = arith.constant 0 : i32
      %dma_wait3A_207 = arith.constant 0 : i32
      %dma_wait3A_208 = tpu.memref_slice %arg2[%dma_wait3A_206, %dma_wait3A_207] : memref<10240x32xf32, #tpu.memory_space<hbm>> -> memref<10240x32xf32, #tpu.memory_space<hbm>>
      tpu.wait_indirect_dma semaphore(%arg13 : memref<!tpu.dma_semaphore, #tpu.memory_space<semaphore_mem>>) src(%dma_wait3A_208 : memref<10240x32xf32, #tpu.memory_space<hbm>>) dst(%dma_wait3A_202 : memref<128x32xf32, #tpu.memory_space<vmem>>)
      %dma_wait3A_209 = arith.constant 0 : i32
      %dma_wait3A_210 = arith.constant 0 : i32
      %dma_wait3A_211 = arith.constant 4 : i32
      %dma_wait3A_212 = arith.constant 0 : i32
      %dma_wait3A_213 = arith.constant 0 : i32
      %dma_wait3A_214 = tpu.memref_slice %arg9[%dma_wait3A_210, %dma_wait3A_211, %dma_wait3A_212, %dma_wait3A_213] : memref<2x5x128x32xf32, #tpu.memory_space<vmem>> -> memref<1x1x128x32xf32, #tpu.memory_space<vmem>>
      %dma_wait3A_215 = tpu.memref_squeeze %dma_wait3A_214 : memref<1x1x128x32xf32, #tpu.memory_space<vmem>> -> memref<128x32xf32, #tpu.memory_space<vmem>>
      %dma_wait3A_216 = arith.constant 0 : i32
      %dma_wait3A_217 = tpu.memref_slice %arg7[%dma_wait3A_209, %dma_wait3A_216] : memref<40x128xi32, #tpu.memory_space<vmem>> -> memref<1x128xi32, #tpu.memory_space<vmem>>
      %dma_wait3A_218 = tpu.memref_squeeze %dma_wait3A_217 : memref<1x128xi32, #tpu.memory_space<vmem>> -> memref<128xi32, #tpu.memory_space<vmem>>
      %dma_wait3A_219 = arith.constant 0 : i32
      %dma_wait3A_220 = arith.constant 0 : i32
      %dma_wait3A_221 = tpu.memref_slice %arg2[%dma_wait3A_219, %dma_wait3A_220] : memref<10240x32xf32, #tpu.memory_space<hbm>> -> memref<10240x32xf32, #tpu.memory_space<hbm>>
      tpu.wait_indirect_dma semaphore(%arg13 : memref<!tpu.dma_semaphore, #tpu.memory_space<semaphore_mem>>) src(%dma_wait3A_221 : memref<10240x32xf32, #tpu.memory_space<hbm>>) dst(%dma_wait3A_215 : memref<128x32xf32, #tpu.memory_space<vmem>>)
      %mul3A_222 = arith.constant 5 : i32
      %mul3A_223 = arith.muli %mul3A_83, %mul3A_222 : i32
      %add3A_224 = arith.constant 0 : i32
      %add3A_225 = arith.addi %mul3A_223, %add3A_224 : i32
      %run_scoped3A = arith.constant 0 : i32
      %run_scoped3A_226 = arith.constant 0 : i32
      "tpu.region"() ({
        %run_scoped3A_336 = tpu.sem_alloc : memref<!tpu.dma_semaphore, #tpu.memory_space<semaphore_mem>>
        %dma_start3A_337 = arith.constant 0 : i32
        %dma_start3A_338 = arith.constant 0 : i32
        %dma_start3A_339 = tpu.memref_slice %arg9[%run_scoped3A, %run_scoped3A_226, %dma_start3A_337, %dma_start3A_338] : memref<2x5x128x32xf32, #tpu.memory_space<vmem>> -> memref<1x1x128x32xf32, #tpu.memory_space<vmem>>
        %dma_start3A_340 = tpu.memref_squeeze %dma_start3A_339 : memref<1x1x128x32xf32, #tpu.memory_space<vmem>> -> memref<128x32xf32, #tpu.memory_space<vmem>>
        %dma_start3A_341 = arith.constant 0 : i32
        %dma_start3A_342 = tpu.memref_slice %arg8[%add3A_225, %dma_start3A_341] : memref<40x128xi32, #tpu.memory_space<vmem>> -> memref<1x128xi32, #tpu.memory_space<vmem>>
        %dma_start3A_343 = tpu.memref_squeeze %dma_start3A_342 : memref<1x128xi32, #tpu.memory_space<vmem>> -> memref<128xi32, #tpu.memory_space<vmem>>
        %dma_start3A_344 = arith.constant 0 : i32
        %dma_start3A_345 = arith.constant 0 : i32
        %dma_start3A_346 = tpu.memref_slice %arg11[%dma_start3A_344, %dma_start3A_345] : memref<10240x32xf32, #tpu.memory_space<vmem_shared>> -> memref<10240x32xf32, #tpu.memory_space<vmem_shared>>
        tpu.enqueue_indirect_dma source(%dma_start3A_340 : memref<128x32xf32, #tpu.memory_space<vmem>>) target(%dma_start3A_346 : memref<10240x32xf32, #tpu.memory_space<vmem_shared>>) offsets(%dma_start3A_343 : memref<128xi32, #tpu.memory_space<vmem>>) semaphore(%run_scoped3A_336 : memref<!tpu.dma_semaphore, #tpu.memory_space<semaphore_mem>>) {add = true}
        %dma_wait3A_347 = arith.constant 0 : i32
        %dma_wait3A_348 = arith.constant 0 : i32
        %dma_wait3A_349 = tpu.memref_slice %arg9[%run_scoped3A, %run_scoped3A_226, %dma_wait3A_347, %dma_wait3A_348] : memref<2x5x128x32xf32, #tpu.memory_space<vmem>> -> memref<1x1x128x32xf32, #tpu.memory_space<vmem>>
        %dma_wait3A_350 = tpu.memref_squeeze %dma_wait3A_349 : memref<1x1x128x32xf32, #tpu.memory_space<vmem>> -> memref<128x32xf32, #tpu.memory_space<vmem>>
        %dma_wait3A_351 = arith.constant 0 : i32
        %dma_wait3A_352 = tpu.memref_slice %arg8[%add3A_225, %dma_wait3A_351] : memref<40x128xi32, #tpu.memory_space<vmem>> -> memref<1x128xi32, #tpu.memory_space<vmem>>
        %dma_wait3A_353 = tpu.memref_squeeze %dma_wait3A_352 : memref<1x128xi32, #tpu.memory_space<vmem>> -> memref<128xi32, #tpu.memory_space<vmem>>
        %dma_wait3A_354 = arith.constant 0 : i32
        %dma_wait3A_355 = arith.constant 0 : i32
        %dma_wait3A_356 = tpu.memref_slice %arg11[%dma_wait3A_354, %dma_wait3A_355] : memref<10240x32xf32, #tpu.memory_space<vmem_shared>> -> memref<10240x32xf32, #tpu.memory_space<vmem_shared>>
        tpu.wait_indirect_dma semaphore(%run_scoped3A_336 : memref<!tpu.dma_semaphore, #tpu.memory_space<semaphore_mem>>) src(%dma_wait3A_350 : memref<128x32xf32, #tpu.memory_space<vmem>>) dst(%dma_wait3A_356 : memref<10240x32xf32, #tpu.memory_space<vmem_shared>>)
        tpu.yield
      }) : () -> ()
      %add3A_227 = arith.constant 1 : i32
      %add3A_228 = arith.addi %mul3A_223, %add3A_227 : i32
      %run_scoped3A_229 = arith.constant 0 : i32
      %run_scoped3A_230 = arith.constant 1 : i32
      "tpu.region"() ({
        %run_scoped3A_336 = tpu.sem_alloc : memref<!tpu.dma_semaphore, #tpu.memory_space<semaphore_mem>>
        %dma_start3A_337 = arith.constant 0 : i32
        %dma_start3A_338 = arith.constant 0 : i32
        %dma_start3A_339 = tpu.memref_slice %arg9[%run_scoped3A_229, %run_scoped3A_230, %dma_start3A_337, %dma_start3A_338] : memref<2x5x128x32xf32, #tpu.memory_space<vmem>> -> memref<1x1x128x32xf32, #tpu.memory_space<vmem>>
        %dma_start3A_340 = tpu.memref_squeeze %dma_start3A_339 : memref<1x1x128x32xf32, #tpu.memory_space<vmem>> -> memref<128x32xf32, #tpu.memory_space<vmem>>
        %dma_start3A_341 = arith.constant 0 : i32
        %dma_start3A_342 = tpu.memref_slice %arg8[%add3A_228, %dma_start3A_341] : memref<40x128xi32, #tpu.memory_space<vmem>> -> memref<1x128xi32, #tpu.memory_space<vmem>>
        %dma_start3A_343 = tpu.memref_squeeze %dma_start3A_342 : memref<1x128xi32, #tpu.memory_space<vmem>> -> memref<128xi32, #tpu.memory_space<vmem>>
        %dma_start3A_344 = arith.constant 0 : i32
        %dma_start3A_345 = arith.constant 0 : i32
        %dma_start3A_346 = tpu.memref_slice %arg11[%dma_start3A_344, %dma_start3A_345] : memref<10240x32xf32, #tpu.memory_space<vmem_shared>> -> memref<10240x32xf32, #tpu.memory_space<vmem_shared>>
        tpu.enqueue_indirect_dma source(%dma_start3A_340 : memref<128x32xf32, #tpu.memory_space<vmem>>) target(%dma_start3A_346 : memref<10240x32xf32, #tpu.memory_space<vmem_shared>>) offsets(%dma_start3A_343 : memref<128xi32, #tpu.memory_space<vmem>>) semaphore(%run_scoped3A_336 : memref<!tpu.dma_semaphore, #tpu.memory_space<semaphore_mem>>) {add = true}
        %dma_wait3A_347 = arith.constant 0 : i32
        %dma_wait3A_348 = arith.constant 0 : i32
        %dma_wait3A_349 = tpu.memref_slice %arg9[%run_scoped3A_229, %run_scoped3A_230, %dma_wait3A_347, %dma_wait3A_348] : memref<2x5x128x32xf32, #tpu.memory_space<vmem>> -> memref<1x1x128x32xf32, #tpu.memory_space<vmem>>
        %dma_wait3A_350 = tpu.memref_squeeze %dma_wait3A_349 : memref<1x1x128x32xf32, #tpu.memory_space<vmem>> -> memref<128x32xf32, #tpu.memory_space<vmem>>
        %dma_wait3A_351 = arith.constant 0 : i32
        %dma_wait3A_352 = tpu.memref_slice %arg8[%add3A_228, %dma_wait3A_351] : memref<40x128xi32, #tpu.memory_space<vmem>> -> memref<1x128xi32, #tpu.memory_space<vmem>>
        %dma_wait3A_353 = tpu.memref_squeeze %dma_wait3A_352 : memref<1x128xi32, #tpu.memory_space<vmem>> -> memref<128xi32, #tpu.memory_space<vmem>>
        %dma_wait3A_354 = arith.constant 0 : i32
        %dma_wait3A_355 = arith.constant 0 : i32
        %dma_wait3A_356 = tpu.memref_slice %arg11[%dma_wait3A_354, %dma_wait3A_355] : memref<10240x32xf32, #tpu.memory_space<vmem_shared>> -> memref<10240x32xf32, #tpu.memory_space<vmem_shared>>
        tpu.wait_indirect_dma semaphore(%run_scoped3A_336 : memref<!tpu.dma_semaphore, #tpu.memory_space<semaphore_mem>>) src(%dma_wait3A_350 : memref<128x32xf32, #tpu.memory_space<vmem>>) dst(%dma_wait3A_356 : memref<10240x32xf32, #tpu.memory_space<vmem_shared>>)
        tpu.yield
      }) : () -> ()
      %add3A_231 = arith.constant 2 : i32
      %add3A_232 = arith.addi %mul3A_223, %add3A_231 : i32
      %run_scoped3A_233 = arith.constant 0 : i32
      %run_scoped3A_234 = arith.constant 2 : i32
      "tpu.region"() ({
        %run_scoped3A_336 = tpu.sem_alloc : memref<!tpu.dma_semaphore, #tpu.memory_space<semaphore_mem>>
        %dma_start3A_337 = arith.constant 0 : i32
        %dma_start3A_338 = arith.constant 0 : i32
        %dma_start3A_339 = tpu.memref_slice %arg9[%run_scoped3A_233, %run_scoped3A_234, %dma_start3A_337, %dma_start3A_338] : memref<2x5x128x32xf32, #tpu.memory_space<vmem>> -> memref<1x1x128x32xf32, #tpu.memory_space<vmem>>
        %dma_start3A_340 = tpu.memref_squeeze %dma_start3A_339 : memref<1x1x128x32xf32, #tpu.memory_space<vmem>> -> memref<128x32xf32, #tpu.memory_space<vmem>>
        %dma_start3A_341 = arith.constant 0 : i32
        %dma_start3A_342 = tpu.memref_slice %arg8[%add3A_232, %dma_start3A_341] : memref<40x128xi32, #tpu.memory_space<vmem>> -> memref<1x128xi32, #tpu.memory_space<vmem>>
        %dma_start3A_343 = tpu.memref_squeeze %dma_start3A_342 : memref<1x128xi32, #tpu.memory_space<vmem>> -> memref<128xi32, #tpu.memory_space<vmem>>
        %dma_start3A_344 = arith.constant 0 : i32
        %dma_start3A_345 = arith.constant 0 : i32
        %dma_start3A_346 = tpu.memref_slice %arg11[%dma_start3A_344, %dma_start3A_345] : memref<10240x32xf32, #tpu.memory_space<vmem_shared>> -> memref<10240x32xf32, #tpu.memory_space<vmem_shared>>
        tpu.enqueue_indirect_dma source(%dma_start3A_340 : memref<128x32xf32, #tpu.memory_space<vmem>>) target(%dma_start3A_346 : memref<10240x32xf32, #tpu.memory_space<vmem_shared>>) offsets(%dma_start3A_343 : memref<128xi32, #tpu.memory_space<vmem>>) semaphore(%run_scoped3A_336 : memref<!tpu.dma_semaphore, #tpu.memory_space<semaphore_mem>>) {add = true}
        %dma_wait3A_347 = arith.constant 0 : i32
        %dma_wait3A_348 = arith.constant 0 : i32
        %dma_wait3A_349 = tpu.memref_slice %arg9[%run_scoped3A_233, %run_scoped3A_234, %dma_wait3A_347, %dma_wait3A_348] : memref<2x5x128x32xf32, #tpu.memory_space<vmem>> -> memref<1x1x128x32xf32, #tpu.memory_space<vmem>>
        %dma_wait3A_350 = tpu.memref_squeeze %dma_wait3A_349 : memref<1x1x128x32xf32, #tpu.memory_space<vmem>> -> memref<128x32xf32, #tpu.memory_space<vmem>>
        %dma_wait3A_351 = arith.constant 0 : i32
        %dma_wait3A_352 = tpu.memref_slice %arg8[%add3A_232, %dma_wait3A_351] : memref<40x128xi32, #tpu.memory_space<vmem>> -> memref<1x128xi32, #tpu.memory_space<vmem>>
        %dma_wait3A_353 = tpu.memref_squeeze %dma_wait3A_352 : memref<1x128xi32, #tpu.memory_space<vmem>> -> memref<128xi32, #tpu.memory_space<vmem>>
        %dma_wait3A_354 = arith.constant 0 : i32
        %dma_wait3A_355 = arith.constant 0 : i32
        %dma_wait3A_356 = tpu.memref_slice %arg11[%dma_wait3A_354, %dma_wait3A_355] : memref<10240x32xf32, #tpu.memory_space<vmem_shared>> -> memref<10240x32xf32, #tpu.memory_space<vmem_shared>>
        tpu.wait_indirect_dma semaphore(%run_scoped3A_336 : memref<!tpu.dma_semaphore, #tpu.memory_space<semaphore_mem>>) src(%dma_wait3A_350 : memref<128x32xf32, #tpu.memory_space<vmem>>) dst(%dma_wait3A_356 : memref<10240x32xf32, #tpu.memory_space<vmem_shared>>)
        tpu.yield
      }) : () -> ()
      %add3A_235 = arith.constant 3 : i32
      %add3A_236 = arith.addi %mul3A_223, %add3A_235 : i32
      %run_scoped3A_237 = arith.constant 0 : i32
      %run_scoped3A_238 = arith.constant 3 : i32
      "tpu.region"() ({
        %run_scoped3A_336 = tpu.sem_alloc : memref<!tpu.dma_semaphore, #tpu.memory_space<semaphore_mem>>
        %dma_start3A_337 = arith.constant 0 : i32
        %dma_start3A_338 = arith.constant 0 : i32
        %dma_start3A_339 = tpu.memref_slice %arg9[%run_scoped3A_237, %run_scoped3A_238, %dma_start3A_337, %dma_start3A_338] : memref<2x5x128x32xf32, #tpu.memory_space<vmem>> -> memref<1x1x128x32xf32, #tpu.memory_space<vmem>>
        %dma_start3A_340 = tpu.memref_squeeze %dma_start3A_339 : memref<1x1x128x32xf32, #tpu.memory_space<vmem>> -> memref<128x32xf32, #tpu.memory_space<vmem>>
        %dma_start3A_341 = arith.constant 0 : i32
        %dma_start3A_342 = tpu.memref_slice %arg8[%add3A_236, %dma_start3A_341] : memref<40x128xi32, #tpu.memory_space<vmem>> -> memref<1x128xi32, #tpu.memory_space<vmem>>
        %dma_start3A_343 = tpu.memref_squeeze %dma_start3A_342 : memref<1x128xi32, #tpu.memory_space<vmem>> -> memref<128xi32, #tpu.memory_space<vmem>>
        %dma_start3A_344 = arith.constant 0 : i32
        %dma_start3A_345 = arith.constant 0 : i32
        %dma_start3A_346 = tpu.memref_slice %arg11[%dma_start3A_344, %dma_start3A_345] : memref<10240x32xf32, #tpu.memory_space<vmem_shared>> -> memref<10240x32xf32, #tpu.memory_space<vmem_shared>>
        tpu.enqueue_indirect_dma source(%dma_start3A_340 : memref<128x32xf32, #tpu.memory_space<vmem>>) target(%dma_start3A_346 : memref<10240x32xf32, #tpu.memory_space<vmem_shared>>) offsets(%dma_start3A_343 : memref<128xi32, #tpu.memory_space<vmem>>) semaphore(%run_scoped3A_336 : memref<!tpu.dma_semaphore, #tpu.memory_space<semaphore_mem>>) {add = true}
        %dma_wait3A_347 = arith.constant 0 : i32
        %dma_wait3A_348 = arith.constant 0 : i32
        %dma_wait3A_349 = tpu.memref_slice %arg9[%run_scoped3A_237, %run_scoped3A_238, %dma_wait3A_347, %dma_wait3A_348] : memref<2x5x128x32xf32, #tpu.memory_space<vmem>> -> memref<1x1x128x32xf32, #tpu.memory_space<vmem>>
        %dma_wait3A_350 = tpu.memref_squeeze %dma_wait3A_349 : memref<1x1x128x32xf32, #tpu.memory_space<vmem>> -> memref<128x32xf32, #tpu.memory_space<vmem>>
        %dma_wait3A_351 = arith.constant 0 : i32
        %dma_wait3A_352 = tpu.memref_slice %arg8[%add3A_236, %dma_wait3A_351] : memref<40x128xi32, #tpu.memory_space<vmem>> -> memref<1x128xi32, #tpu.memory_space<vmem>>
        %dma_wait3A_353 = tpu.memref_squeeze %dma_wait3A_352 : memref<1x128xi32, #tpu.memory_space<vmem>> -> memref<128xi32, #tpu.memory_space<vmem>>
        %dma_wait3A_354 = arith.constant 0 : i32
        %dma_wait3A_355 = arith.constant 0 : i32
        %dma_wait3A_356 = tpu.memref_slice %arg11[%dma_wait3A_354, %dma_wait3A_355] : memref<10240x32xf32, #tpu.memory_space<vmem_shared>> -> memref<10240x32xf32, #tpu.memory_space<vmem_shared>>
        tpu.wait_indirect_dma semaphore(%run_scoped3A_336 : memref<!tpu.dma_semaphore, #tpu.memory_space<semaphore_mem>>) src(%dma_wait3A_350 : memref<128x32xf32, #tpu.memory_space<vmem>>) dst(%dma_wait3A_356 : memref<10240x32xf32, #tpu.memory_space<vmem_shared>>)
        tpu.yield
      }) : () -> ()
      %add3A_239 = arith.constant 4 : i32
      %add3A_240 = arith.addi %mul3A_223, %add3A_239 : i32
      %run_scoped3A_241 = arith.constant 0 : i32
      %run_scoped3A_242 = arith.constant 4 : i32
      "tpu.region"() ({
        %run_scoped3A_336 = tpu.sem_alloc : memref<!tpu.dma_semaphore, #tpu.memory_space<semaphore_mem>>
        %dma_start3A_337 = arith.constant 0 : i32
        %dma_start3A_338 = arith.constant 0 : i32
        %dma_start3A_339 = tpu.memref_slice %arg9[%run_scoped3A_241, %run_scoped3A_242, %dma_start3A_337, %dma_start3A_338] : memref<2x5x128x32xf32, #tpu.memory_space<vmem>> -> memref<1x1x128x32xf32, #tpu.memory_space<vmem>>
        %dma_start3A_340 = tpu.memref_squeeze %dma_start3A_339 : memref<1x1x128x32xf32, #tpu.memory_space<vmem>> -> memref<128x32xf32, #tpu.memory_space<vmem>>
        %dma_start3A_341 = arith.constant 0 : i32
        %dma_start3A_342 = tpu.memref_slice %arg8[%add3A_240, %dma_start3A_341] : memref<40x128xi32, #tpu.memory_space<vmem>> -> memref<1x128xi32, #tpu.memory_space<vmem>>
        %dma_start3A_343 = tpu.memref_squeeze %dma_start3A_342 : memref<1x128xi32, #tpu.memory_space<vmem>> -> memref<128xi32, #tpu.memory_space<vmem>>
        %dma_start3A_344 = arith.constant 0 : i32
        %dma_start3A_345 = arith.constant 0 : i32
        %dma_start3A_346 = tpu.memref_slice %arg11[%dma_start3A_344, %dma_start3A_345] : memref<10240x32xf32, #tpu.memory_space<vmem_shared>> -> memref<10240x32xf32, #tpu.memory_space<vmem_shared>>
        tpu.enqueue_indirect_dma source(%dma_start3A_340 : memref<128x32xf32, #tpu.memory_space<vmem>>) target(%dma_start3A_346 : memref<10240x32xf32, #tpu.memory_space<vmem_shared>>) offsets(%dma_start3A_343 : memref<128xi32, #tpu.memory_space<vmem>>) semaphore(%run_scoped3A_336 : memref<!tpu.dma_semaphore, #tpu.memory_space<semaphore_mem>>) {add = true}
        %dma_wait3A_347 = arith.constant 0 : i32
        %dma_wait3A_348 = arith.constant 0 : i32
        %dma_wait3A_349 = tpu.memref_slice %arg9[%run_scoped3A_241, %run_scoped3A_242, %dma_wait3A_347, %dma_wait3A_348] : memref<2x5x128x32xf32, #tpu.memory_space<vmem>> -> memref<1x1x128x32xf32, #tpu.memory_space<vmem>>
        %dma_wait3A_350 = tpu.memref_squeeze %dma_wait3A_349 : memref<1x1x128x32xf32, #tpu.memory_space<vmem>> -> memref<128x32xf32, #tpu.memory_space<vmem>>
        %dma_wait3A_351 = arith.constant 0 : i32
        %dma_wait3A_352 = tpu.memref_slice %arg8[%add3A_240, %dma_wait3A_351] : memref<40x128xi32, #tpu.memory_space<vmem>> -> memref<1x128xi32, #tpu.memory_space<vmem>>
        %dma_wait3A_353 = tpu.memref_squeeze %dma_wait3A_352 : memref<1x128xi32, #tpu.memory_space<vmem>> -> memref<128xi32, #tpu.memory_space<vmem>>
        %dma_wait3A_354 = arith.constant 0 : i32
        %dma_wait3A_355 = arith.constant 0 : i32
        %dma_wait3A_356 = tpu.memref_slice %arg11[%dma_wait3A_354, %dma_wait3A_355] : memref<10240x32xf32, #tpu.memory_space<vmem_shared>> -> memref<10240x32xf32, #tpu.memory_space<vmem_shared>>
        tpu.wait_indirect_dma semaphore(%run_scoped3A_336 : memref<!tpu.dma_semaphore, #tpu.memory_space<semaphore_mem>>) src(%dma_wait3A_350 : memref<128x32xf32, #tpu.memory_space<vmem>>) dst(%dma_wait3A_356 : memref<10240x32xf32, #tpu.memory_space<vmem_shared>>)
        tpu.yield
      }) : () -> ()
      %add3A_243 = arith.constant 2 : i32
      %add3A_244 = arith.addi %mul3A_83, %add3A_243 : i32
      %lt3A = arith.constant 8 : i32
      %lt3A_245 = arith.cmpi slt, %add3A_244, %lt3A : i32
      %convert_element_type3A = arith.extui %lt3A_245 : i1 to i32
      %cond3A = arith.constant 0 : i32
      %cond3A_246 = arith.cmpi ne, %convert_element_type3A, %cond3A : i32
      scf.if %cond3A_246 {
        %add3A_336 = arith.constant 2 : i32
        %add3A_337 = arith.addi %mul3A_83, %add3A_336 : i32
        %mul3A_338 = arith.constant 5 : i32
        %mul3A_339 = arith.muli %add3A_337, %mul3A_338 : i32
        %add3A_340 = arith.constant 0 : i32
        %add3A_341 = arith.addi %mul3A_339, %add3A_340 : i32
        %dma_start3A_342 = arith.constant 0 : i32
        %dma_start3A_343 = arith.constant 0 : i32
        %dma_start3A_344 = arith.constant 0 : i32
        %dma_start3A_345 = arith.constant 0 : i32
        %dma_start3A_346 = tpu.memref_slice %arg9[%dma_start3A_342, %dma_start3A_343, %dma_start3A_344, %dma_start3A_345] : memref<2x5x128x32xf32, #tpu.memory_space<vmem>> -> memref<1x1x128x32xf32, #tpu.memory_space<vmem>>
        %dma_start3A_347 = tpu.memref_squeeze %dma_start3A_346 : memref<1x1x128x32xf32, #tpu.memory_space<vmem>> -> memref<128x32xf32, #tpu.memory_space<vmem>>
        %dma_start3A_348 = arith.constant 0 : i32
        %dma_start3A_349 = tpu.memref_slice %arg7[%add3A_341, %dma_start3A_348] : memref<40x128xi32, #tpu.memory_space<vmem>> -> memref<1x128xi32, #tpu.memory_space<vmem>>
        %dma_start3A_350 = tpu.memref_squeeze %dma_start3A_349 : memref<1x128xi32, #tpu.memory_space<vmem>> -> memref<128xi32, #tpu.memory_space<vmem>>
        %dma_start3A_351 = arith.constant 0 : i32
        %dma_start3A_352 = arith.constant 0 : i32
        %dma_start3A_353 = tpu.memref_slice %arg12[%dma_start3A_351, %dma_start3A_352] : memref<10240x32xf32, #tpu.memory_space<vmem_shared>> -> memref<10240x32xf32, #tpu.memory_space<vmem_shared>>
        tpu.enqueue_indirect_dma source(%dma_start3A_353 : memref<10240x32xf32, #tpu.memory_space<vmem_shared>>) target(%dma_start3A_347 : memref<128x32xf32, #tpu.memory_space<vmem>>) offsets(%dma_start3A_350 : memref<128xi32, #tpu.memory_space<vmem>>) semaphore(%arg13 : memref<!tpu.dma_semaphore, #tpu.memory_space<semaphore_mem>>)
        %add3A_354 = arith.constant 1 : i32
        %add3A_355 = arith.addi %mul3A_339, %add3A_354 : i32
        %dma_start3A_356 = arith.constant 0 : i32
        %dma_start3A_357 = arith.constant 1 : i32
        %dma_start3A_358 = arith.constant 0 : i32
        %dma_start3A_359 = arith.constant 0 : i32
        %dma_start3A_360 = tpu.memref_slice %arg9[%dma_start3A_356, %dma_start3A_357, %dma_start3A_358, %dma_start3A_359] : memref<2x5x128x32xf32, #tpu.memory_space<vmem>> -> memref<1x1x128x32xf32, #tpu.memory_space<vmem>>
        %dma_start3A_361 = tpu.memref_squeeze %dma_start3A_360 : memref<1x1x128x32xf32, #tpu.memory_space<vmem>> -> memref<128x32xf32, #tpu.memory_space<vmem>>
        %dma_start3A_362 = arith.constant 0 : i32
        %dma_start3A_363 = tpu.memref_slice %arg7[%add3A_355, %dma_start3A_362] : memref<40x128xi32, #tpu.memory_space<vmem>> -> memref<1x128xi32, #tpu.memory_space<vmem>>
        %dma_start3A_364 = tpu.memref_squeeze %dma_start3A_363 : memref<1x128xi32, #tpu.memory_space<vmem>> -> memref<128xi32, #tpu.memory_space<vmem>>
        %dma_start3A_365 = arith.constant 0 : i32
        %dma_start3A_366 = arith.constant 0 : i32
        %dma_start3A_367 = tpu.memref_slice %arg12[%dma_start3A_365, %dma_start3A_366] : memref<10240x32xf32, #tpu.memory_space<vmem_shared>> -> memref<10240x32xf32, #tpu.memory_space<vmem_shared>>
        tpu.enqueue_indirect_dma source(%dma_start3A_367 : memref<10240x32xf32, #tpu.memory_space<vmem_shared>>) target(%dma_start3A_361 : memref<128x32xf32, #tpu.memory_space<vmem>>) offsets(%dma_start3A_364 : memref<128xi32, #tpu.memory_space<vmem>>) semaphore(%arg13 : memref<!tpu.dma_semaphore, #tpu.memory_space<semaphore_mem>>)
        %add3A_368 = arith.constant 2 : i32
        %add3A_369 = arith.addi %mul3A_339, %add3A_368 : i32
        %dma_start3A_370 = arith.constant 0 : i32
        %dma_start3A_371 = arith.constant 2 : i32
        %dma_start3A_372 = arith.constant 0 : i32
        %dma_start3A_373 = arith.constant 0 : i32
        %dma_start3A_374 = tpu.memref_slice %arg9[%dma_start3A_370, %dma_start3A_371, %dma_start3A_372, %dma_start3A_373] : memref<2x5x128x32xf32, #tpu.memory_space<vmem>> -> memref<1x1x128x32xf32, #tpu.memory_space<vmem>>
        %dma_start3A_375 = tpu.memref_squeeze %dma_start3A_374 : memref<1x1x128x32xf32, #tpu.memory_space<vmem>> -> memref<128x32xf32, #tpu.memory_space<vmem>>
        %dma_start3A_376 = arith.constant 0 : i32
        %dma_start3A_377 = tpu.memref_slice %arg7[%add3A_369, %dma_start3A_376] : memref<40x128xi32, #tpu.memory_space<vmem>> -> memref<1x128xi32, #tpu.memory_space<vmem>>
        %dma_start3A_378 = tpu.memref_squeeze %dma_start3A_377 : memref<1x128xi32, #tpu.memory_space<vmem>> -> memref<128xi32, #tpu.memory_space<vmem>>
        %dma_start3A_379 = arith.constant 0 : i32
        %dma_start3A_380 = arith.constant 0 : i32
        %dma_start3A_381 = tpu.memref_slice %arg12[%dma_start3A_379, %dma_start3A_380] : memref<10240x32xf32, #tpu.memory_space<vmem_shared>> -> memref<10240x32xf32, #tpu.memory_space<vmem_shared>>
        tpu.enqueue_indirect_dma source(%dma_start3A_381 : memref<10240x32xf32, #tpu.memory_space<vmem_shared>>) target(%dma_start3A_375 : memref<128x32xf32, #tpu.memory_space<vmem>>) offsets(%dma_start3A_378 : memref<128xi32, #tpu.memory_space<vmem>>) semaphore(%arg13 : memref<!tpu.dma_semaphore, #tpu.memory_space<semaphore_mem>>)
        %add3A_382 = arith.constant 3 : i32
        %add3A_383 = arith.addi %mul3A_339, %add3A_382 : i32
        %dma_start3A_384 = arith.constant 0 : i32
        %dma_start3A_385 = arith.constant 3 : i32
        %dma_start3A_386 = arith.constant 0 : i32
        %dma_start3A_387 = arith.constant 0 : i32
        %dma_start3A_388 = tpu.memref_slice %arg9[%dma_start3A_384, %dma_start3A_385, %dma_start3A_386, %dma_start3A_387] : memref<2x5x128x32xf32, #tpu.memory_space<vmem>> -> memref<1x1x128x32xf32, #tpu.memory_space<vmem>>
        %dma_start3A_389 = tpu.memref_squeeze %dma_start3A_388 : memref<1x1x128x32xf32, #tpu.memory_space<vmem>> -> memref<128x32xf32, #tpu.memory_space<vmem>>
        %dma_start3A_390 = arith.constant 0 : i32
        %dma_start3A_391 = tpu.memref_slice %arg7[%add3A_383, %dma_start3A_390] : memref<40x128xi32, #tpu.memory_space<vmem>> -> memref<1x128xi32, #tpu.memory_space<vmem>>
        %dma_start3A_392 = tpu.memref_squeeze %dma_start3A_391 : memref<1x128xi32, #tpu.memory_space<vmem>> -> memref<128xi32, #tpu.memory_space<vmem>>
        %dma_start3A_393 = arith.constant 0 : i32
        %dma_start3A_394 = arith.constant 0 : i32
        %dma_start3A_395 = tpu.memref_slice %arg12[%dma_start3A_393, %dma_start3A_394] : memref<10240x32xf32, #tpu.memory_space<vmem_shared>> -> memref<10240x32xf32, #tpu.memory_space<vmem_shared>>
        tpu.enqueue_indirect_dma source(%dma_start3A_395 : memref<10240x32xf32, #tpu.memory_space<vmem_shared>>) target(%dma_start3A_389 : memref<128x32xf32, #tpu.memory_space<vmem>>) offsets(%dma_start3A_392 : memref<128xi32, #tpu.memory_space<vmem>>) semaphore(%arg13 : memref<!tpu.dma_semaphore, #tpu.memory_space<semaphore_mem>>)
        %add3A_396 = arith.constant 4 : i32
        %add3A_397 = arith.addi %mul3A_339, %add3A_396 : i32
        %dma_start3A_398 = arith.constant 0 : i32
        %dma_start3A_399 = arith.constant 4 : i32
        %dma_start3A_400 = arith.constant 0 : i32
        %dma_start3A_401 = arith.constant 0 : i32
        %dma_start3A_402 = tpu.memref_slice %arg9[%dma_start3A_398, %dma_start3A_399, %dma_start3A_400, %dma_start3A_401] : memref<2x5x128x32xf32, #tpu.memory_space<vmem>> -> memref<1x1x128x32xf32, #tpu.memory_space<vmem>>
        %dma_start3A_403 = tpu.memref_squeeze %dma_start3A_402 : memref<1x1x128x32xf32, #tpu.memory_space<vmem>> -> memref<128x32xf32, #tpu.memory_space<vmem>>
        %dma_start3A_404 = arith.constant 0 : i32
        %dma_start3A_405 = tpu.memref_slice %arg7[%add3A_397, %dma_start3A_404] : memref<40x128xi32, #tpu.memory_space<vmem>> -> memref<1x128xi32, #tpu.memory_space<vmem>>
        %dma_start3A_406 = tpu.memref_squeeze %dma_start3A_405 : memref<1x128xi32, #tpu.memory_space<vmem>> -> memref<128xi32, #tpu.memory_space<vmem>>
        %dma_start3A_407 = arith.constant 0 : i32
        %dma_start3A_408 = arith.constant 0 : i32
        %dma_start3A_409 = tpu.memref_slice %arg12[%dma_start3A_407, %dma_start3A_408] : memref<10240x32xf32, #tpu.memory_space<vmem_shared>> -> memref<10240x32xf32, #tpu.memory_space<vmem_shared>>
        tpu.enqueue_indirect_dma source(%dma_start3A_409 : memref<10240x32xf32, #tpu.memory_space<vmem_shared>>) target(%dma_start3A_403 : memref<128x32xf32, #tpu.memory_space<vmem>>) offsets(%dma_start3A_406 : memref<128xi32, #tpu.memory_space<vmem>>) semaphore(%arg13 : memref<!tpu.dma_semaphore, #tpu.memory_space<semaphore_mem>>)
      } else {
      }
      %dma_wait3A_247 = arith.constant 0 : i32
      %dma_wait3A_248 = arith.constant 1 : i32
      %dma_wait3A_249 = arith.constant 0 : i32
      %dma_wait3A_250 = arith.constant 0 : i32
      %dma_wait3A_251 = arith.constant 0 : i32
      %dma_wait3A_252 = tpu.memref_slice %arg9[%dma_wait3A_248, %dma_wait3A_249, %dma_wait3A_250, %dma_wait3A_251] : memref<2x5x128x32xf32, #tpu.memory_space<vmem>> -> memref<1x1x128x32xf32, #tpu.memory_space<vmem>>
      %dma_wait3A_253 = tpu.memref_squeeze %dma_wait3A_252 : memref<1x1x128x32xf32, #tpu.memory_space<vmem>> -> memref<128x32xf32, #tpu.memory_space<vmem>>
      %dma_wait3A_254 = arith.constant 0 : i32
      %dma_wait3A_255 = tpu.memref_slice %arg7[%dma_wait3A_247, %dma_wait3A_254] : memref<40x128xi32, #tpu.memory_space<vmem>> -> memref<1x128xi32, #tpu.memory_space<vmem>>
      %dma_wait3A_256 = tpu.memref_squeeze %dma_wait3A_255 : memref<1x128xi32, #tpu.memory_space<vmem>> -> memref<128xi32, #tpu.memory_space<vmem>>
      %dma_wait3A_257 = arith.constant 0 : i32
      %dma_wait3A_258 = arith.constant 0 : i32
      %dma_wait3A_259 = tpu.memref_slice %arg2[%dma_wait3A_257, %dma_wait3A_258] : memref<10240x32xf32, #tpu.memory_space<hbm>> -> memref<10240x32xf32, #tpu.memory_space<hbm>>
      tpu.wait_indirect_dma semaphore(%arg14 : memref<!tpu.dma_semaphore, #tpu.memory_space<semaphore_mem>>) src(%dma_wait3A_259 : memref<10240x32xf32, #tpu.memory_space<hbm>>) dst(%dma_wait3A_253 : memref<128x32xf32, #tpu.memory_space<vmem>>)
      %dma_wait3A_260 = arith.constant 0 : i32
      %dma_wait3A_261 = arith.constant 1 : i32
      %dma_wait3A_262 = arith.constant 1 : i32
      %dma_wait3A_263 = arith.constant 0 : i32
      %dma_wait3A_264 = arith.constant 0 : i32
      %dma_wait3A_265 = tpu.memref_slice %arg9[%dma_wait3A_261, %dma_wait3A_262, %dma_wait3A_263, %dma_wait3A_264] : memref<2x5x128x32xf32, #tpu.memory_space<vmem>> -> memref<1x1x128x32xf32, #tpu.memory_space<vmem>>
      %dma_wait3A_266 = tpu.memref_squeeze %dma_wait3A_265 : memref<1x1x128x32xf32, #tpu.memory_space<vmem>> -> memref<128x32xf32, #tpu.memory_space<vmem>>
      %dma_wait3A_267 = arith.constant 0 : i32
      %dma_wait3A_268 = tpu.memref_slice %arg7[%dma_wait3A_260, %dma_wait3A_267] : memref<40x128xi32, #tpu.memory_space<vmem>> -> memref<1x128xi32, #tpu.memory_space<vmem>>
      %dma_wait3A_269 = tpu.memref_squeeze %dma_wait3A_268 : memref<1x128xi32, #tpu.memory_space<vmem>> -> memref<128xi32, #tpu.memory_space<vmem>>
      %dma_wait3A_270 = arith.constant 0 : i32
      %dma_wait3A_271 = arith.constant 0 : i32
      %dma_wait3A_272 = tpu.memref_slice %arg2[%dma_wait3A_270, %dma_wait3A_271] : memref<10240x32xf32, #tpu.memory_space<hbm>> -> memref<10240x32xf32, #tpu.memory_space<hbm>>
      tpu.wait_indirect_dma semaphore(%arg14 : memref<!tpu.dma_semaphore, #tpu.memory_space<semaphore_mem>>) src(%dma_wait3A_272 : memref<10240x32xf32, #tpu.memory_space<hbm>>) dst(%dma_wait3A_266 : memref<128x32xf32, #tpu.memory_space<vmem>>)
      %dma_wait3A_273 = arith.constant 0 : i32
      %dma_wait3A_274 = arith.constant 1 : i32
      %dma_wait3A_275 = arith.constant 2 : i32
      %dma_wait3A_276 = arith.constant 0 : i32
      %dma_wait3A_277 = arith.constant 0 : i32
      %dma_wait3A_278 = tpu.memref_slice %arg9[%dma_wait3A_274, %dma_wait3A_275, %dma_wait3A_276, %dma_wait3A_277] : memref<2x5x128x32xf32, #tpu.memory_space<vmem>> -> memref<1x1x128x32xf32, #tpu.memory_space<vmem>>
      %dma_wait3A_279 = tpu.memref_squeeze %dma_wait3A_278 : memref<1x1x128x32xf32, #tpu.memory_space<vmem>> -> memref<128x32xf32, #tpu.memory_space<vmem>>
      %dma_wait3A_280 = arith.constant 0 : i32
      %dma_wait3A_281 = tpu.memref_slice %arg7[%dma_wait3A_273, %dma_wait3A_280] : memref<40x128xi32, #tpu.memory_space<vmem>> -> memref<1x128xi32, #tpu.memory_space<vmem>>
      %dma_wait3A_282 = tpu.memref_squeeze %dma_wait3A_281 : memref<1x128xi32, #tpu.memory_space<vmem>> -> memref<128xi32, #tpu.memory_space<vmem>>
      %dma_wait3A_283 = arith.constant 0 : i32
      %dma_wait3A_284 = arith.constant 0 : i32
      %dma_wait3A_285 = tpu.memref_slice %arg2[%dma_wait3A_283, %dma_wait3A_284] : memref<10240x32xf32, #tpu.memory_space<hbm>> -> memref<10240x32xf32, #tpu.memory_space<hbm>>
      tpu.wait_indirect_dma semaphore(%arg14 : memref<!tpu.dma_semaphore, #tpu.memory_space<semaphore_mem>>) src(%dma_wait3A_285 : memref<10240x32xf32, #tpu.memory_space<hbm>>) dst(%dma_wait3A_279 : memref<128x32xf32, #tpu.memory_space<vmem>>)
      %dma_wait3A_286 = arith.constant 0 : i32
      %dma_wait3A_287 = arith.constant 1 : i32
      %dma_wait3A_288 = arith.constant 3 : i32
      %dma_wait3A_289 = arith.constant 0 : i32
      %dma_wait3A_290 = arith.constant 0 : i32
      %dma_wait3A_291 = tpu.memref_slice %arg9[%dma_wait3A_287, %dma_wait3A_288, %dma_wait3A_289, %dma_wait3A_290] : memref<2x5x128x32xf32, #tpu.memory_space<vmem>> -> memref<1x1x128x32xf32, #tpu.memory_space<vmem>>
      %dma_wait3A_292 = tpu.memref_squeeze %dma_wait3A_291 : memref<1x1x128x32xf32, #tpu.memory_space<vmem>> -> memref<128x32xf32, #tpu.memory_space<vmem>>
      %dma_wait3A_293 = arith.constant 0 : i32
      %dma_wait3A_294 = tpu.memref_slice %arg7[%dma_wait3A_286, %dma_wait3A_293] : memref<40x128xi32, #tpu.memory_space<vmem>> -> memref<1x128xi32, #tpu.memory_space<vmem>>
      %dma_wait3A_295 = tpu.memref_squeeze %dma_wait3A_294 : memref<1x128xi32, #tpu.memory_space<vmem>> -> memref<128xi32, #tpu.memory_space<vmem>>
      %dma_wait3A_296 = arith.constant 0 : i32
      %dma_wait3A_297 = arith.constant 0 : i32
      %dma_wait3A_298 = tpu.memref_slice %arg2[%dma_wait3A_296, %dma_wait3A_297] : memref<10240x32xf32, #tpu.memory_space<hbm>> -> memref<10240x32xf32, #tpu.memory_space<hbm>>
      tpu.wait_indirect_dma semaphore(%arg14 : memref<!tpu.dma_semaphore, #tpu.memory_space<semaphore_mem>>) src(%dma_wait3A_298 : memref<10240x32xf32, #tpu.memory_space<hbm>>) dst(%dma_wait3A_292 : memref<128x32xf32, #tpu.memory_space<vmem>>)
      %dma_wait3A_299 = arith.constant 0 : i32
      %dma_wait3A_300 = arith.constant 1 : i32
      %dma_wait3A_301 = arith.constant 4 : i32
      %dma_wait3A_302 = arith.constant 0 : i32
      %dma_wait3A_303 = arith.constant 0 : i32
      %dma_wait3A_304 = tpu.memref_slice %arg9[%dma_wait3A_300, %dma_wait3A_301, %dma_wait3A_302, %dma_wait3A_303] : memref<2x5x128x32xf32, #tpu.memory_space<vmem>> -> memref<1x1x128x32xf32, #tpu.memory_space<vmem>>
      %dma_wait3A_305 = tpu.memref_squeeze %dma_wait3A_304 : memref<1x1x128x32xf32, #tpu.memory_space<vmem>> -> memref<128x32xf32, #tpu.memory_space<vmem>>
      %dma_wait3A_306 = arith.constant 0 : i32
      %dma_wait3A_307 = tpu.memref_slice %arg7[%dma_wait3A_299, %dma_wait3A_306] : memref<40x128xi32, #tpu.memory_space<vmem>> -> memref<1x128xi32, #tpu.memory_space<vmem>>
      %dma_wait3A_308 = tpu.memref_squeeze %dma_wait3A_307 : memref<1x128xi32, #tpu.memory_space<vmem>> -> memref<128xi32, #tpu.memory_space<vmem>>
      %dma_wait3A_309 = arith.constant 0 : i32
      %dma_wait3A_310 = arith.constant 0 : i32
      %dma_wait3A_311 = tpu.memref_slice %arg2[%dma_wait3A_309, %dma_wait3A_310] : memref<10240x32xf32, #tpu.memory_space<hbm>> -> memref<10240x32xf32, #tpu.memory_space<hbm>>
      tpu.wait_indirect_dma semaphore(%arg14 : memref<!tpu.dma_semaphore, #tpu.memory_space<semaphore_mem>>) src(%dma_wait3A_311 : memref<10240x32xf32, #tpu.memory_space<hbm>>) dst(%dma_wait3A_305 : memref<128x32xf32, #tpu.memory_space<vmem>>)
      %add3A_312 = arith.constant 1 : i32
      %add3A_313 = arith.addi %mul3A_83, %add3A_312 : i32
      %mul3A_314 = arith.constant 5 : i32
      %mul3A_315 = arith.muli %add3A_313, %mul3A_314 : i32
      %add3A_316 = arith.constant 0 : i32
      %add3A_317 = arith.addi %mul3A_315, %add3A_316 : i32
      %run_scoped3A_318 = arith.constant 1 : i32
      %run_scoped3A_319 = arith.constant 0 : i32
      "tpu.region"() ({
        %run_scoped3A_336 = tpu.sem_alloc : memref<!tpu.dma_semaphore, #tpu.memory_space<semaphore_mem>>
        %dma_start3A_337 = arith.constant 0 : i32
        %dma_start3A_338 = arith.constant 0 : i32
        %dma_start3A_339 = tpu.memref_slice %arg9[%run_scoped3A_318, %run_scoped3A_319, %dma_start3A_337, %dma_start3A_338] : memref<2x5x128x32xf32, #tpu.memory_space<vmem>> -> memref<1x1x128x32xf32, #tpu.memory_space<vmem>>
        %dma_start3A_340 = tpu.memref_squeeze %dma_start3A_339 : memref<1x1x128x32xf32, #tpu.memory_space<vmem>> -> memref<128x32xf32, #tpu.memory_space<vmem>>
        %dma_start3A_341 = arith.constant 0 : i32
        %dma_start3A_342 = tpu.memref_slice %arg8[%add3A_317, %dma_start3A_341] : memref<40x128xi32, #tpu.memory_space<vmem>> -> memref<1x128xi32, #tpu.memory_space<vmem>>
        %dma_start3A_343 = tpu.memref_squeeze %dma_start3A_342 : memref<1x128xi32, #tpu.memory_space<vmem>> -> memref<128xi32, #tpu.memory_space<vmem>>
        %dma_start3A_344 = arith.constant 0 : i32
        %dma_start3A_345 = arith.constant 0 : i32
        %dma_start3A_346 = tpu.memref_slice %arg11[%dma_start3A_344, %dma_start3A_345] : memref<10240x32xf32, #tpu.memory_space<vmem_shared>> -> memref<10240x32xf32, #tpu.memory_space<vmem_shared>>
        tpu.enqueue_indirect_dma source(%dma_start3A_340 : memref<128x32xf32, #tpu.memory_space<vmem>>) target(%dma_start3A_346 : memref<10240x32xf32, #tpu.memory_space<vmem_shared>>) offsets(%dma_start3A_343 : memref<128xi32, #tpu.memory_space<vmem>>) semaphore(%run_scoped3A_336 : memref<!tpu.dma_semaphore, #tpu.memory_space<semaphore_mem>>) {add = true}
        %dma_wait3A_347 = arith.constant 0 : i32
        %dma_wait3A_348 = arith.constant 0 : i32
        %dma_wait3A_349 = tpu.memref_slice %arg9[%run_scoped3A_318, %run_scoped3A_319, %dma_wait3A_347, %dma_wait3A_348] : memref<2x5x128x32xf32, #tpu.memory_space<vmem>> -> memref<1x1x128x32xf32, #tpu.memory_space<vmem>>
        %dma_wait3A_350 = tpu.memref_squeeze %dma_wait3A_349 : memref<1x1x128x32xf32, #tpu.memory_space<vmem>> -> memref<128x32xf32, #tpu.memory_space<vmem>>
        %dma_wait3A_351 = arith.constant 0 : i32
        %dma_wait3A_352 = tpu.memref_slice %arg8[%add3A_317, %dma_wait3A_351] : memref<40x128xi32, #tpu.memory_space<vmem>> -> memref<1x128xi32, #tpu.memory_space<vmem>>
        %dma_wait3A_353 = tpu.memref_squeeze %dma_wait3A_352 : memref<1x128xi32, #tpu.memory_space<vmem>> -> memref<128xi32, #tpu.memory_space<vmem>>
        %dma_wait3A_354 = arith.constant 0 : i32
        %dma_wait3A_355 = arith.constant 0 : i32
        %dma_wait3A_356 = tpu.memref_slice %arg11[%dma_wait3A_354, %dma_wait3A_355] : memref<10240x32xf32, #tpu.memory_space<vmem_shared>> -> memref<10240x32xf32, #tpu.memory_space<vmem_shared>>
        tpu.wait_indirect_dma semaphore(%run_scoped3A_336 : memref<!tpu.dma_semaphore, #tpu.memory_space<semaphore_mem>>) src(%dma_wait3A_350 : memref<128x32xf32, #tpu.memory_space<vmem>>) dst(%dma_wait3A_356 : memref<10240x32xf32, #tpu.memory_space<vmem_shared>>)
        tpu.yield
      }) : () -> ()
      %add3A_320 = arith.constant 1 : i32
      %add3A_321 = arith.addi %mul3A_315, %add3A_320 : i32
      %run_scoped3A_322 = arith.constant 1 : i32
      %run_scoped3A_323 = arith.constant 1 : i32
      "tpu.region"() ({
        %run_scoped3A_336 = tpu.sem_alloc : memref<!tpu.dma_semaphore, #tpu.memory_space<semaphore_mem>>
        %dma_start3A_337 = arith.constant 0 : i32
        %dma_start3A_338 = arith.constant 0 : i32
        %dma_start3A_339 = tpu.memref_slice %arg9[%run_scoped3A_322, %run_scoped3A_323, %dma_start3A_337, %dma_start3A_338] : memref<2x5x128x32xf32, #tpu.memory_space<vmem>> -> memref<1x1x128x32xf32, #tpu.memory_space<vmem>>
        %dma_start3A_340 = tpu.memref_squeeze %dma_start3A_339 : memref<1x1x128x32xf32, #tpu.memory_space<vmem>> -> memref<128x32xf32, #tpu.memory_space<vmem>>
        %dma_start3A_341 = arith.constant 0 : i32
        %dma_start3A_342 = tpu.memref_slice %arg8[%add3A_321, %dma_start3A_341] : memref<40x128xi32, #tpu.memory_space<vmem>> -> memref<1x128xi32, #tpu.memory_space<vmem>>
        %dma_start3A_343 = tpu.memref_squeeze %dma_start3A_342 : memref<1x128xi32, #tpu.memory_space<vmem>> -> memref<128xi32, #tpu.memory_space<vmem>>
        %dma_start3A_344 = arith.constant 0 : i32
        %dma_start3A_345 = arith.constant 0 : i32
        %dma_start3A_346 = tpu.memref_slice %arg11[%dma_start3A_344, %dma_start3A_345] : memref<10240x32xf32, #tpu.memory_space<vmem_shared>> -> memref<10240x32xf32, #tpu.memory_space<vmem_shared>>
        tpu.enqueue_indirect_dma source(%dma_start3A_340 : memref<128x32xf32, #tpu.memory_space<vmem>>) target(%dma_start3A_346 : memref<10240x32xf32, #tpu.memory_space<vmem_shared>>) offsets(%dma_start3A_343 : memref<128xi32, #tpu.memory_space<vmem>>) semaphore(%run_scoped3A_336 : memref<!tpu.dma_semaphore, #tpu.memory_space<semaphore_mem>>) {add = true}
        %dma_wait3A_347 = arith.constant 0 : i32
        %dma_wait3A_348 = arith.constant 0 : i32
        %dma_wait3A_349 = tpu.memref_slice %arg9[%run_scoped3A_322, %run_scoped3A_323, %dma_wait3A_347, %dma_wait3A_348] : memref<2x5x128x32xf32, #tpu.memory_space<vmem>> -> memref<1x1x128x32xf32, #tpu.memory_space<vmem>>
        %dma_wait3A_350 = tpu.memref_squeeze %dma_wait3A_349 : memref<1x1x128x32xf32, #tpu.memory_space<vmem>> -> memref<128x32xf32, #tpu.memory_space<vmem>>
        %dma_wait3A_351 = arith.constant 0 : i32
        %dma_wait3A_352 = tpu.memref_slice %arg8[%add3A_321, %dma_wait3A_351] : memref<40x128xi32, #tpu.memory_space<vmem>> -> memref<1x128xi32, #tpu.memory_space<vmem>>
        %dma_wait3A_353 = tpu.memref_squeeze %dma_wait3A_352 : memref<1x128xi32, #tpu.memory_space<vmem>> -> memref<128xi32, #tpu.memory_space<vmem>>
        %dma_wait3A_354 = arith.constant 0 : i32
        %dma_wait3A_355 = arith.constant 0 : i32
        %dma_wait3A_356 = tpu.memref_slice %arg11[%dma_wait3A_354, %dma_wait3A_355] : memref<10240x32xf32, #tpu.memory_space<vmem_shared>> -> memref<10240x32xf32, #tpu.memory_space<vmem_shared>>
        tpu.wait_indirect_dma semaphore(%run_scoped3A_336 : memref<!tpu.dma_semaphore, #tpu.memory_space<semaphore_mem>>) src(%dma_wait3A_350 : memref<128x32xf32, #tpu.memory_space<vmem>>) dst(%dma_wait3A_356 : memref<10240x32xf32, #tpu.memory_space<vmem_shared>>)
        tpu.yield
      }) : () -> ()
      %add3A_324 = arith.constant 2 : i32
      %add3A_325 = arith.addi %mul3A_315, %add3A_324 : i32
      %run_scoped3A_326 = arith.constant 1 : i32
      %run_scoped3A_327 = arith.constant 2 : i32
      "tpu.region"() ({
        %run_scoped3A_336 = tpu.sem_alloc : memref<!tpu.dma_semaphore, #tpu.memory_space<semaphore_mem>>
        %dma_start3A_337 = arith.constant 0 : i32
        %dma_start3A_338 = arith.constant 0 : i32
        %dma_start3A_339 = tpu.memref_slice %arg9[%run_scoped3A_326, %run_scoped3A_327, %dma_start3A_337, %dma_start3A_338] : memref<2x5x128x32xf32, #tpu.memory_space<vmem>> -> memref<1x1x128x32xf32, #tpu.memory_space<vmem>>
        %dma_start3A_340 = tpu.memref_squeeze %dma_start3A_339 : memref<1x1x128x32xf32, #tpu.memory_space<vmem>> -> memref<128x32xf32, #tpu.memory_space<vmem>>
        %dma_start3A_341 = arith.constant 0 : i32
        %dma_start3A_342 = tpu.memref_slice %arg8[%add3A_325, %dma_start3A_341] : memref<40x128xi32, #tpu.memory_space<vmem>> -> memref<1x128xi32, #tpu.memory_space<vmem>>
        %dma_start3A_343 = tpu.memref_squeeze %dma_start3A_342 : memref<1x128xi32, #tpu.memory_space<vmem>> -> memref<128xi32, #tpu.memory_space<vmem>>
        %dma_start3A_344 = arith.constant 0 : i32
        %dma_start3A_345 = arith.constant 0 : i32
        %dma_start3A_346 = tpu.memref_slice %arg11[%dma_start3A_344, %dma_start3A_345] : memref<10240x32xf32, #tpu.memory_space<vmem_shared>> -> memref<10240x32xf32, #tpu.memory_space<vmem_shared>>
        tpu.enqueue_indirect_dma source(%dma_start3A_340 : memref<128x32xf32, #tpu.memory_space<vmem>>) target(%dma_start3A_346 : memref<10240x32xf32, #tpu.memory_space<vmem_shared>>) offsets(%dma_start3A_343 : memref<128xi32, #tpu.memory_space<vmem>>) semaphore(%run_scoped3A_336 : memref<!tpu.dma_semaphore, #tpu.memory_space<semaphore_mem>>) {add = true}
        %dma_wait3A_347 = arith.constant 0 : i32
        %dma_wait3A_348 = arith.constant 0 : i32
        %dma_wait3A_349 = tpu.memref_slice %arg9[%run_scoped3A_326, %run_scoped3A_327, %dma_wait3A_347, %dma_wait3A_348] : memref<2x5x128x32xf32, #tpu.memory_space<vmem>> -> memref<1x1x128x32xf32, #tpu.memory_space<vmem>>
        %dma_wait3A_350 = tpu.memref_squeeze %dma_wait3A_349 : memref<1x1x128x32xf32, #tpu.memory_space<vmem>> -> memref<128x32xf32, #tpu.memory_space<vmem>>
        %dma_wait3A_351 = arith.constant 0 : i32
        %dma_wait3A_352 = tpu.memref_slice %arg8[%add3A_325, %dma_wait3A_351] : memref<40x128xi32, #tpu.memory_space<vmem>> -> memref<1x128xi32, #tpu.memory_space<vmem>>
        %dma_wait3A_353 = tpu.memref_squeeze %dma_wait3A_352 : memref<1x128xi32, #tpu.memory_space<vmem>> -> memref<128xi32, #tpu.memory_space<vmem>>
        %dma_wait3A_354 = arith.constant 0 : i32
        %dma_wait3A_355 = arith.constant 0 : i32
        %dma_wait3A_356 = tpu.memref_slice %arg11[%dma_wait3A_354, %dma_wait3A_355] : memref<10240x32xf32, #tpu.memory_space<vmem_shared>> -> memref<10240x32xf32, #tpu.memory_space<vmem_shared>>
        tpu.wait_indirect_dma semaphore(%run_scoped3A_336 : memref<!tpu.dma_semaphore, #tpu.memory_space<semaphore_mem>>) src(%dma_wait3A_350 : memref<128x32xf32, #tpu.memory_space<vmem>>) dst(%dma_wait3A_356 : memref<10240x32xf32, #tpu.memory_space<vmem_shared>>)
        tpu.yield
      }) : () -> ()
      %add3A_328 = arith.constant 3 : i32
      %add3A_329 = arith.addi %mul3A_315, %add3A_328 : i32
      %run_scoped3A_330 = arith.constant 1 : i32
      %run_scoped3A_331 = arith.constant 3 : i32
      "tpu.region"() ({
        %run_scoped3A_336 = tpu.sem_alloc : memref<!tpu.dma_semaphore, #tpu.memory_space<semaphore_mem>>
        %dma_start3A_337 = arith.constant 0 : i32
        %dma_start3A_338 = arith.constant 0 : i32
        %dma_start3A_339 = tpu.memref_slice %arg9[%run_scoped3A_330, %run_scoped3A_331, %dma_start3A_337, %dma_start3A_338] : memref<2x5x128x32xf32, #tpu.memory_space<vmem>> -> memref<1x1x128x32xf32, #tpu.memory_space<vmem>>
        %dma_start3A_340 = tpu.memref_squeeze %dma_start3A_339 : memref<1x1x128x32xf32, #tpu.memory_space<vmem>> -> memref<128x32xf32, #tpu.memory_space<vmem>>
        %dma_start3A_341 = arith.constant 0 : i32
        %dma_start3A_342 = tpu.memref_slice %arg8[%add3A_329, %dma_start3A_341] : memref<40x128xi32, #tpu.memory_space<vmem>> -> memref<1x128xi32, #tpu.memory_space<vmem>>
        %dma_start3A_343 = tpu.memref_squeeze %dma_start3A_342 : memref<1x128xi32, #tpu.memory_space<vmem>> -> memref<128xi32, #tpu.memory_space<vmem>>
        %dma_start3A_344 = arith.constant 0 : i32
        %dma_start3A_345 = arith.constant 0 : i32
        %dma_start3A_346 = tpu.memref_slice %arg11[%dma_start3A_344, %dma_start3A_345] : memref<10240x32xf32, #tpu.memory_space<vmem_shared>> -> memref<10240x32xf32, #tpu.memory_space<vmem_shared>>
        tpu.enqueue_indirect_dma source(%dma_start3A_340 : memref<128x32xf32, #tpu.memory_space<vmem>>) target(%dma_start3A_346 : memref<10240x32xf32, #tpu.memory_space<vmem_shared>>) offsets(%dma_start3A_343 : memref<128xi32, #tpu.memory_space<vmem>>) semaphore(%run_scoped3A_336 : memref<!tpu.dma_semaphore, #tpu.memory_space<semaphore_mem>>) {add = true}
        %dma_wait3A_347 = arith.constant 0 : i32
        %dma_wait3A_348 = arith.constant 0 : i32
        %dma_wait3A_349 = tpu.memref_slice %arg9[%run_scoped3A_330, %run_scoped3A_331, %dma_wait3A_347, %dma_wait3A_348] : memref<2x5x128x32xf32, #tpu.memory_space<vmem>> -> memref<1x1x128x32xf32, #tpu.memory_space<vmem>>
        %dma_wait3A_350 = tpu.memref_squeeze %dma_wait3A_349 : memref<1x1x128x32xf32, #tpu.memory_space<vmem>> -> memref<128x32xf32, #tpu.memory_space<vmem>>
        %dma_wait3A_351 = arith.constant 0 : i32
        %dma_wait3A_352 = tpu.memref_slice %arg8[%add3A_329, %dma_wait3A_351] : memref<40x128xi32, #tpu.memory_space<vmem>> -> memref<1x128xi32, #tpu.memory_space<vmem>>
        %dma_wait3A_353 = tpu.memref_squeeze %dma_wait3A_352 : memref<1x128xi32, #tpu.memory_space<vmem>> -> memref<128xi32, #tpu.memory_space<vmem>>
        %dma_wait3A_354 = arith.constant 0 : i32
        %dma_wait3A_355 = arith.constant 0 : i32
        %dma_wait3A_356 = tpu.memref_slice %arg11[%dma_wait3A_354, %dma_wait3A_355] : memref<10240x32xf32, #tpu.memory_space<vmem_shared>> -> memref<10240x32xf32, #tpu.memory_space<vmem_shared>>
        tpu.wait_indirect_dma semaphore(%run_scoped3A_336 : memref<!tpu.dma_semaphore, #tpu.memory_space<semaphore_mem>>) src(%dma_wait3A_350 : memref<128x32xf32, #tpu.memory_space<vmem>>) dst(%dma_wait3A_356 : memref<10240x32xf32, #tpu.memory_space<vmem_shared>>)
        tpu.yield
      }) : () -> ()
      %add3A_332 = arith.constant 4 : i32
      %add3A_333 = arith.addi %mul3A_315, %add3A_332 : i32
      %run_scoped3A_334 = arith.constant 1 : i32
      %run_scoped3A_335 = arith.constant 4 : i32
      "tpu.region"() ({
        %run_scoped3A_336 = tpu.sem_alloc : memref<!tpu.dma_semaphore, #tpu.memory_space<semaphore_mem>>
        %dma_start3A_337 = arith.constant 0 : i32
        %dma_start3A_338 = arith.constant 0 : i32
        %dma_start3A_339 = tpu.memref_slice %arg9[%run_scoped3A_334, %run_scoped3A_335, %dma_start3A_337, %dma_start3A_338] : memref<2x5x128x32xf32, #tpu.memory_space<vmem>> -> memref<1x1x128x32xf32, #tpu.memory_space<vmem>>
        %dma_start3A_340 = tpu.memref_squeeze %dma_start3A_339 : memref<1x1x128x32xf32, #tpu.memory_space<vmem>> -> memref<128x32xf32, #tpu.memory_space<vmem>>
        %dma_start3A_341 = arith.constant 0 : i32
        %dma_start3A_342 = tpu.memref_slice %arg8[%add3A_333, %dma_start3A_341] : memref<40x128xi32, #tpu.memory_space<vmem>> -> memref<1x128xi32, #tpu.memory_space<vmem>>
        %dma_start3A_343 = tpu.memref_squeeze %dma_start3A_342 : memref<1x128xi32, #tpu.memory_space<vmem>> -> memref<128xi32, #tpu.memory_space<vmem>>
        %dma_start3A_344 = arith.constant 0 : i32
        %dma_start3A_345 = arith.constant 0 : i32
        %dma_start3A_346 = tpu.memref_slice %arg11[%dma_start3A_344, %dma_start3A_345] : memref<10240x32xf32, #tpu.memory_space<vmem_shared>> -> memref<10240x32xf32, #tpu.memory_space<vmem_shared>>
        tpu.enqueue_indirect_dma source(%dma_start3A_340 : memref<128x32xf32, #tpu.memory_space<vmem>>) target(%dma_start3A_346 : memref<10240x32xf32, #tpu.memory_space<vmem_shared>>) offsets(%dma_start3A_343 : memref<128xi32, #tpu.memory_space<vmem>>) semaphore(%run_scoped3A_336 : memref<!tpu.dma_semaphore, #tpu.memory_space<semaphore_mem>>) {add = true}
        %dma_wait3A_347 = arith.constant 0 : i32
        %dma_wait3A_348 = arith.constant 0 : i32
        %dma_wait3A_349 = tpu.memref_slice %arg9[%run_scoped3A_334, %run_scoped3A_335, %dma_wait3A_347, %dma_wait3A_348] : memref<2x5x128x32xf32, #tpu.memory_space<vmem>> -> memref<1x1x128x32xf32, #tpu.memory_space<vmem>>
        %dma_wait3A_350 = tpu.memref_squeeze %dma_wait3A_349 : memref<1x1x128x32xf32, #tpu.memory_space<vmem>> -> memref<128x32xf32, #tpu.memory_space<vmem>>
        %dma_wait3A_351 = arith.constant 0 : i32
        %dma_wait3A_352 = tpu.memref_slice %arg8[%add3A_333, %dma_wait3A_351] : memref<40x128xi32, #tpu.memory_space<vmem>> -> memref<1x128xi32, #tpu.memory_space<vmem>>
        %dma_wait3A_353 = tpu.memref_squeeze %dma_wait3A_352 : memref<1x128xi32, #tpu.memory_space<vmem>> -> memref<128xi32, #tpu.memory_space<vmem>>
        %dma_wait3A_354 = arith.constant 0 : i32
        %dma_wait3A_355 = arith.constant 0 : i32
        %dma_wait3A_356 = tpu.memref_slice %arg11[%dma_wait3A_354, %dma_wait3A_355] : memref<10240x32xf32, #tpu.memory_space<vmem_shared>> -> memref<10240x32xf32, #tpu.memory_space<vmem_shared>>
        tpu.wait_indirect_dma semaphore(%run_scoped3A_336 : memref<!tpu.dma_semaphore, #tpu.memory_space<semaphore_mem>>) src(%dma_wait3A_350 : memref<128x32xf32, #tpu.memory_space<vmem>>) dst(%dma_wait3A_356 : memref<10240x32xf32, #tpu.memory_space<vmem_shared>>)
        tpu.yield
      }) : () -> ()
    }
    %scan3A_75 = arith.constant 4 : i32
    %barrier3A_76 = arith.constant 0 : index
    tpu.barrier barrier_id(%barrier3A_76)
    %mul3A_77 = arith.constant 640 : i32
    %mul3A_78 = arith.muli %arg1, %mul3A_77 : i32
    "tpu.region"() ({
      %run_scoped3A = tpu.sem_alloc : memref<!tpu.dma_semaphore, #tpu.memory_space<semaphore_mem>>
      %dma_start3A_81 = arith.constant 0 : i32
      %dma_start3A_82 = tpu.memref_slice %arg11[%mul3A_78, %dma_start3A_81] : memref<10240x32xf32, #tpu.memory_space<vmem_shared>> -> memref<640x32xf32, #tpu.memory_space<vmem_shared>>
      %dma_start3A_83 = arith.constant 0 : i32
      %dma_start3A_84 = tpu.memref_slice %arg11[%mul3A_78, %dma_start3A_83] : memref<10240x32xf32, #tpu.memory_space<vmem_shared>> -> memref<640x32xf32, #tpu.memory_space<vmem_shared>>
      tpu.enqueue_dma source(%dma_start3A_84 : memref<640x32xf32, #tpu.memory_space<vmem_shared>>) target(%arg10 : memref<640x32xf32, #tpu.memory_space<vmem>>) target_semaphore(%run_scoped3A : memref<!tpu.dma_semaphore, #tpu.memory_space<semaphore_mem>>)
      %dma_wait3A = arith.constant 0 : i32
      %dma_wait3A_85 = tpu.memref_slice %arg11[%mul3A_78, %dma_wait3A] : memref<10240x32xf32, #tpu.memory_space<vmem_shared>> -> memref<640x32xf32, #tpu.memory_space<vmem_shared>>
      %dma_wait3A_86 = arith.constant 0 : i32
      %dma_wait3A_87 = tpu.memref_slice %arg11[%mul3A_78, %dma_wait3A_86] : memref<10240x32xf32, #tpu.memory_space<vmem_shared>> -> memref<640x32xf32, #tpu.memory_space<vmem_shared>>
      tpu.wait_dma2 semaphore(%run_scoped3A : memref<!tpu.dma_semaphore, #tpu.memory_space<semaphore_mem>>) src(%dma_wait3A_87 : memref<640x32xf32, #tpu.memory_space<vmem_shared>>) dst(%arg10 : memref<640x32xf32, #tpu.memory_space<vmem>>)
      tpu.yield
    }) : () -> ()
    %mul3A_79 = arith.constant 640 : i32
    %mul3A_80 = arith.muli %arg1, %mul3A_79 : i32
    "tpu.region"() ({
      %run_scoped3A = tpu.sem_alloc : memref<!tpu.dma_semaphore, #tpu.memory_space<semaphore_mem>>
      %dma_start3A_81 = arith.constant 0 : i32
      %dma_start3A_82 = tpu.memref_slice %arg6[%arg0, %mul3A_80, %dma_start3A_81] : memref<2x10240x32xf32, #tpu.memory_space<hbm>> -> memref<1x640x32xf32, #tpu.memory_space<hbm>>
      %dma_start3A_83 = tpu.memref_squeeze %dma_start3A_82 : memref<1x640x32xf32, #tpu.memory_space<hbm>> -> memref<640x32xf32, #tpu.memory_space<hbm>>
      %dma_start3A_84 = arith.constant 0 : i32
      %dma_start3A_85 = tpu.memref_slice %arg6[%arg0, %mul3A_80, %dma_start3A_84] : memref<2x10240x32xf32, #tpu.memory_space<hbm>> -> memref<1x640x32xf32, #tpu.memory_space<hbm>>
      %dma_start3A_86 = tpu.memref_squeeze %dma_start3A_85 : memref<1x640x32xf32, #tpu.memory_space<hbm>> -> memref<640x32xf32, #tpu.memory_space<hbm>>
      tpu.enqueue_dma source(%arg10 : memref<640x32xf32, #tpu.memory_space<vmem>>) target(%dma_start3A_86 : memref<640x32xf32, #tpu.memory_space<hbm>>) target_semaphore(%run_scoped3A : memref<!tpu.dma_semaphore, #tpu.memory_space<semaphore_mem>>)
      %dma_wait3A = arith.constant 0 : i32
      %dma_wait3A_87 = tpu.memref_slice %arg6[%arg0, %mul3A_80, %dma_wait3A] : memref<2x10240x32xf32, #tpu.memory_space<hbm>> -> memref<1x640x32xf32, #tpu.memory_space<hbm>>
      %dma_wait3A_88 = tpu.memref_squeeze %dma_wait3A_87 : memref<1x640x32xf32, #tpu.memory_space<hbm>> -> memref<640x32xf32, #tpu.memory_space<hbm>>
      %dma_wait3A_89 = arith.constant 0 : i32
      %dma_wait3A_90 = tpu.memref_slice %arg6[%arg0, %mul3A_80, %dma_wait3A_89] : memref<2x10240x32xf32, #tpu.memory_space<hbm>> -> memref<1x640x32xf32, #tpu.memory_space<hbm>>
      %dma_wait3A_91 = tpu.memref_squeeze %dma_wait3A_90 : memref<1x640x32xf32, #tpu.memory_space<hbm>> -> memref<640x32xf32, #tpu.memory_space<hbm>>
      tpu.wait_dma2 semaphore(%run_scoped3A : memref<!tpu.dma_semaphore, #tpu.memory_space<semaphore_mem>>) src(%arg10 : memref<640x32xf32, #tpu.memory_space<vmem>>) dst(%dma_wait3A_91 : memref<640x32xf32, #tpu.memory_space<hbm>>)
      tpu.yield
    }) : () -> ()
    return
  }
}

module attributes {stable_mosaic.version = 14 : i64} {
  func.func @_tc_b0_body(%arg0: i32, %arg1: memref<1000x256xf32, #tpu.memory_space<vmem>>, %arg2: memref<256x32xf32, #tpu.memory_space<vmem>>, %arg3: memref<1000x32xf32, #tpu.memory_space<vmem>>) attributes {dimension_semantics = [#tpu.dimension_semantics<arbitrary>], iteration_bounds = array<i64: 10>, scalar_prefetch = 0 : i64, scratch_operands = 0 : i64, tpu.core_type = #tpu.core_type<tc>, window_params = [{transform_indices = @transform_0, window_bounds = array<i64: 1000, 256>}, {pipeline_mode = #tpu.pipeline_mode<synchronous>, transform_indices = @transform_1, window_bounds = array<i64: 256, 32>}, {transform_indices = @transform_2, window_bounds = array<i64: 1000, 32>}]} {
    %get3A = arith.constant 0 : index
    %get3A_0 = arith.constant 0 : index
    %get3A_1 = vector.load %arg1[%get3A, %get3A_0] : memref<1000x256xf32, #tpu.memory_space<vmem>>, vector<1000x256xf32>
    %get3A_2 = arith.constant 0 : index
    %get3A_3 = arith.constant 0 : index
    %get3A_4 = vector.load %arg2[%get3A_2, %get3A_3] : memref<256x32xf32, #tpu.memory_space<vmem>>, vector<256x32xf32>
    %dot_general3A = arith.constant dense<0.000000e+00> : vector<1000x32xf32>
    %dot_general3A_5 = tpu.matmul %get3A_1, %get3A_4, %dot_general3A {dimension_numbers = #tpu.dot_dimension_numbers<[1], [0], [0], [1], [0, 0, 1, 1], [], []>, transpose_lhs_hint = false} : vector<1000x256xf32>, vector<256x32xf32>, vector<1000x32xf32> -> vector<1000x32xf32>
    %swap3A = arith.constant 0 : index
    %swap3A_6 = arith.constant 0 : index
    %swap3A_7 = vector.load %arg3[%swap3A, %swap3A_6] : memref<1000x32xf32, #tpu.memory_space<vmem>>, vector<1000x32xf32>
    tpu.vector_store %arg3[%swap3A, %swap3A_6], %dot_general3A_5 {strides = array<i32>} : memref<1000x32xf32, #tpu.memory_space<vmem>>, vector<1000x32xf32>,
    return
  }
  func.func @transform_0(%arg0: i32) -> (i32, i32) {
    %c0_i32 = arith.constant 0 : i32
    %c0_i32_0 = arith.constant 0 : i32
    return %arg0, %c0_i32 : i32, i32
  }
  func.func @transform_1(%arg0: i32) -> (i32, i32) {
    %c0_i32 = arith.constant 0 : i32
    %c0_i32_0 = arith.constant 0 : i32
    %c0_i32_1 = arith.constant 0 : i32
    return %c0_i32, %c0_i32_0 : i32, i32
  }
  func.func @transform_2(%arg0: i32) -> (i32, i32) {
    %c0_i32 = arith.constant 0 : i32
    %c0_i32_0 = arith.constant 0 : i32
    return %arg0, %c0_i32 : i32, i32
  }
}

module attributes {stable_mosaic.version = 14 : i64} {
  func.func @_tc_b1_body(%arg0: memref<10240x32xf32, #tpu.memory_space<vmem>>, %arg1: memref<2x10240xf32, #tpu.memory_space<vmem>>, %arg2: memref<10240xf32, #tpu.memory_space<vmem>>, %arg3: memref<10240x32xf32, #tpu.memory_space<vmem>>, %arg4: memref<10240xf32, #tpu.memory_space<vmem>>) attributes {dimension_semantics = [], scalar_prefetch = 0 : i64, scratch_operands = 0 : i64, tpu.core_type = #tpu.core_type<tc>} {
    %get3A = arith.constant 0 : index
    %get3A_0 = arith.constant 0 : index
    %get3A_1 = vector.load %arg1[%get3A, %get3A_0] : memref<2x10240xf32, #tpu.memory_space<vmem>>, vector<1x10240xf32>
    %get3A_2 = vector.shape_cast %get3A_1 : vector<1x10240xf32> to vector<10240xf32>
    %get3A_3 = arith.constant 1 : index
    %get3A_4 = arith.constant 0 : index
    %get3A_5 = vector.load %arg1[%get3A_3, %get3A_4] : memref<2x10240xf32, #tpu.memory_space<vmem>>, vector<1x10240xf32>
    %get3A_6 = vector.shape_cast %get3A_5 : vector<1x10240xf32> to vector<10240xf32>
    %add3A = arith.addf %get3A_2, %get3A_6 : vector<10240xf32>
    %gt3A = arith.constant 0.000000e+00 : f32
    %gt3A_7 = vector.broadcast %gt3A : f32 to vector<10240xf32>
    %gt3A_8 = arith.cmpf ogt, %add3A, %gt3A_7 : vector<10240xf32>
    %rsqrt3A = math.rsqrt %add3A : vector<10240xf32>
    %jit3A = arith.constant 0.000000e+00 : f32
    %broadcast_in_dim3A = vector.broadcast %jit3A : f32 to vector<10240xf32>
    %select_n3A = arith.select %gt3A_8, %rsqrt3A, %broadcast_in_dim3A : vector<10240xi1>, vector<10240xf32>
    %get3A_9 = arith.constant 0 : index
    %get3A_10 = vector.load %arg2[%get3A_9] : memref<10240xf32, #tpu.memory_space<vmem>>, vector<10240xf32>
    %mul3A = arith.mulf %select_n3A, %get3A_10 : vector<10240xf32>
    %get3A_11 = arith.constant 0 : index
    %get3A_12 = arith.constant 0 : index
    %get3A_13 = vector.load %arg0[%get3A_11, %get3A_12] : memref<10240x32xf32, #tpu.memory_space<vmem>>, vector<10240x32xf32>
    %broadcast_in_dim3A_14 = vector.shape_cast %mul3A : vector<10240xf32> to vector<10240x1xf32>
    %mul3A_15 = vector.broadcast %broadcast_in_dim3A_14 : vector<10240x1xf32> to vector<10240x32xf32>
    %mul3A_16 = arith.mulf %get3A_13, %mul3A_15 : vector<10240x32xf32>
    %swap3A = arith.constant 0 : index
    %swap3A_17 = arith.constant 0 : index
    %swap3A_18 = vector.load %arg3[%swap3A, %swap3A_17] : memref<10240x32xf32, #tpu.memory_space<vmem>>, vector<10240x32xf32>
    tpu.vector_store %arg3[%swap3A, %swap3A_17], %mul3A_16 {strides = array<i32>} : memref<10240x32xf32, #tpu.memory_space<vmem>>, vector<10240x32xf32>,
    %swap3A_19 = arith.constant 0 : index
    %swap3A_20 = vector.load %arg4[%swap3A_19] : memref<10240xf32, #tpu.memory_space<vmem>>, vector<10240xf32>
    tpu.vector_store %arg4[%swap3A_19], %mul3A {strides = array<i32>} : memref<10240xf32, #tpu.memory_space<vmem>>, vector<10240xf32>,
    return
  }
}

module attributes {stable_mosaic.version = 14 : i64} {
  func.func @_tc_d_body(%arg0: memref<2x10240x32xf32, #tpu.memory_space<vmem>>, %arg1: memref<10240xf32, #tpu.memory_space<vmem>>, %arg2: memref<1x32xf32, #tpu.memory_space<vmem>>, %arg3: memref<1x32xf32, #tpu.memory_space<vmem>>, %arg4: memref<10240xf32, #tpu.memory_space<vmem>>) attributes {dimension_semantics = [], scalar_prefetch = 0 : i64, scratch_operands = 0 : i64, tpu.core_type = #tpu.core_type<tc>} {
    %get3A = arith.constant 0 : index
    %get3A_0 = arith.constant 0 : index
    %get3A_1 = arith.constant 0 : index
    %get3A_2 = vector.load %arg0[%get3A, %get3A_0, %get3A_1] : memref<2x10240x32xf32, #tpu.memory_space<vmem>>, vector<1x10240x32xf32>
    %get3A_3 = vector.shape_cast %get3A_2 : vector<1x10240x32xf32> to vector<10240x32xf32>
    %get3A_4 = arith.constant 1 : index
    %get3A_5 = arith.constant 0 : index
    %get3A_6 = arith.constant 0 : index
    %get3A_7 = vector.load %arg0[%get3A_4, %get3A_5, %get3A_6] : memref<2x10240x32xf32, #tpu.memory_space<vmem>>, vector<1x10240x32xf32>
    %get3A_8 = vector.shape_cast %get3A_7 : vector<1x10240x32xf32> to vector<10240x32xf32>
    %add3A = arith.addf %get3A_3, %get3A_8 : vector<10240x32xf32>
    %get3A_9 = arith.constant 0 : index
    %get3A_10 = vector.load %arg1[%get3A_9] : memref<10240xf32, #tpu.memory_space<vmem>>, vector<10240xf32>
    %broadcast_in_dim3A = vector.shape_cast %get3A_10 : vector<10240xf32> to vector<10240x1xf32>
    %mul3A = vector.broadcast %broadcast_in_dim3A : vector<10240x1xf32> to vector<10240x32xf32>
    %mul3A_11 = arith.mulf %add3A, %mul3A : vector<10240x32xf32>
    %get3A_12 = arith.constant 0 : index
    %get3A_13 = arith.constant 0 : index
    %get3A_14 = vector.load %arg2[%get3A_12, %get3A_13] : memref<1x32xf32, #tpu.memory_space<vmem>>, vector<1x32xf32>
    %add3A_15 = vector.broadcast %get3A_14 : vector<1x32xf32> to vector<10240x32xf32>
    %add3A_16 = arith.addf %mul3A_11, %add3A_15 : vector<10240x32xf32>
    %max3A = arith.constant 0.000000e+00 : f32
    %max3A_17 = vector.broadcast %max3A : f32 to vector<10240x32xf32>
    %max3A_18 = arith.maximumf %add3A_16, %max3A_17 : vector<10240x32xf32>
    %get3A_19 = arith.constant 0 : index
    %get3A_20 = arith.constant 0 : index
    %get3A_21 = vector.load %arg3[%get3A_19, %get3A_20] : memref<1x32xf32, #tpu.memory_space<vmem>>, vector<1x32xf32>
    %mul3A_22 = vector.broadcast %get3A_21 : vector<1x32xf32> to vector<10240x32xf32>
    %mul3A_23 = arith.mulf %max3A_18, %mul3A_22 : vector<10240x32xf32>
    %reduce_sum3A = arith.constant dense<0.000000e+00> : vector<10240xf32>
    %reduce_sum3A_24 = vector.multi_reduction <add>, %mul3A_23, %reduce_sum3A [1] : vector<10240x32xf32> to vector<10240xf32>
    %mul3A_25 = arith.mulf %get3A_10, %reduce_sum3A_24 : vector<10240xf32>
    %swap3A = arith.constant 0 : index
    %swap3A_26 = vector.load %arg4[%swap3A] : memref<10240xf32, #tpu.memory_space<vmem>>, vector<10240xf32>
    tpu.vector_store %arg4[%swap3A], %mul3A_25 {strides = array<i32>} : memref<10240xf32, #tpu.memory_space<vmem>>, vector<10240xf32>,
    return
  }
}

module attributes {stable_mosaic.version = 14 : i64} {
  func.func @_tc_f_body(%arg0: memref<2x10240xf32, #tpu.memory_space<vmem>>, %arg1: memref<10240xf32, #tpu.memory_space<vmem>>, %arg2: memref<10240xf32, #tpu.memory_space<vmem>>, %arg3: memref<10240xf32, #tpu.memory_space<vmem>>) attributes {dimension_semantics = [], scalar_prefetch = 0 : i64, scratch_operands = 0 : i64, tpu.core_type = #tpu.core_type<tc>} {
    %get3A = arith.constant 0 : index
    %get3A_0 = vector.load %arg1[%get3A] : memref<10240xf32, #tpu.memory_space<vmem>>, vector<10240xf32>
    %get3A_1 = arith.constant 0 : index
    %get3A_2 = arith.constant 0 : index
    %get3A_3 = vector.load %arg0[%get3A_1, %get3A_2] : memref<2x10240xf32, #tpu.memory_space<vmem>>, vector<1x10240xf32>
    %get3A_4 = vector.shape_cast %get3A_3 : vector<1x10240xf32> to vector<10240xf32>
    %get3A_5 = arith.constant 1 : index
    %get3A_6 = arith.constant 0 : index
    %get3A_7 = vector.load %arg0[%get3A_5, %get3A_6] : memref<2x10240xf32, #tpu.memory_space<vmem>>, vector<1x10240xf32>
    %get3A_8 = vector.shape_cast %get3A_7 : vector<1x10240xf32> to vector<10240xf32>
    %add3A = arith.addf %get3A_4, %get3A_8 : vector<10240xf32>
    %mul3A = arith.mulf %get3A_0, %add3A : vector<10240xf32>
    %get3A_9 = arith.constant 0 : index
    %get3A_10 = vector.load %arg2[%get3A_9] : memref<10240xf32, #tpu.memory_space<vmem>>, vector<10240xf32>
    %add3A_11 = arith.addf %mul3A, %get3A_10 : vector<10240xf32>
    %swap3A = arith.constant 0 : index
    %swap3A_12 = vector.load %arg3[%swap3A] : memref<10240xf32, #tpu.memory_space<vmem>>, vector<10240xf32>
    tpu.vector_store %arg3[%swap3A], %add3A_11 {strides = array<i32>} : memref<10240xf32, #tpu.memory_space<vmem>>, vector<10240xf32>,
    return
  }
}

</mosaic_0001>

<sc_bundles>
// kernel: kernel.12.cloned.1.call-start
scs
__scs_entry_jumppad:
0x0: {  	(pc) =	sbr.rel $0x88, $3  }
0x1: {  	(tag) =	ssettag $0x0;
	lr =	simm.s32 $0x1  }
0x2: {  	[smem:$0x3F9B] =	sst lr;
	_ =	strace $0xD0000000  }
0x3: {  	_ = 	snop  }
0x4: {  	_ = 	snop  }
0x5: {  	_ = 	snop  }
0x6: {  	_ = 	snop  }
0x7: {  	_ = 	snop  }
__scs_overlays_trampoline_lowered:
0x8: {  	[smem:$0x3FAA] =	sst s0  }
0x9: {  	[smem:$0x3FAB] =	sst s1  }
0xa: {  	[smem:$0x3FAC] =	sst s2  }
0xb: {  	[smem:$0x3FAD] =	sst s3  }
0xc: {  	[smem:$0x3FAE] =	sst s4  }
0xd: {  	[smem:$0x3FAF] =	sst s5  }
0xe: {  	[smem:$0x3FB0] =	sst s6  }
0xf: {  	[smem:$0x3FB1] =	sst s7  }
0x10: {  	[smem:$0x3FB2] =	sst s8  }
0x11: {  	[smem:$0x3FB3] =	sst s9;
	s0 =	simm.s32 @!p0 $0x0  }
0x12: {  	s1 =	sld [smem:$0x3F99];
	s0 =	simm.s32 @p0 $0x1  }
0x13: {  	[smem:$0x3FB4] =	sst s0;
	s0 =	simm.s32 @!p1 $0x0  }
0x14: {  	s2 =	sld [smem:$0x3F98];
	s0 =	simm.s32 @p1 $0x1  }
0x15: {  	[smem:$0x3FB5] =	sst s0;
	s0 =	simm.s32 @!p2 $0x0  }
0x16: {  	s3 =	sld [smem:$0x3FDB];
	s0 =	simm.s32 @p2 $0x1  }
0x17: {  	s4 =	simm.s32 $0x1BF5;
	[smem:$0x3FB7] =	sst s0  }
0x18: {  	s0 =	sld [smem:$0x3F9A];
	_ =	swait.ge [sflag:s4], $0x0  }
0x19: {  	s7 =	sld [smem:$0x3F9B]  }
0x1a: {  	s8 =	sadd.s32 $0xFFFFE003, lr  }
0x1b: {  	s9 =	sadd.s32 $0xFFFFFEF7, lr;
	s5 =	simm.s32 $0xFFFFFFFF;
	p2 =	slt.u32 s8, $0xFFFFF086  }
0x1c: {  	p1 =	slt.u32 s9, $0xF7A;
	s5 =	simm.s32 @!p2 $0x0  }
0x1d: {  	s5 =	simm.s32 @p1 $0x1;
	p0 =	seq.s32 s7, s2  }
0x1e: {  	s7 =	smul.u32 @!p0 $0xF7A, s2;
	p2 =	seq.s32 @!p0 s5, $0x0  }
0x1f: {  	s9 =	smul.u32 $0xF7A, s1;
	s8 =	simm.s32 @!p0 $0x1BF5;
	p2 =	por !p2, p0  }
0x20: {  	[sflag:s8] =	ssyncset.s32 @!p0 $0xFFFFF086;
	s6 =	sadd.s32 @!p0 s3, s7;
	s7 =	simm.s32 @!p0 $0x108  }
0x21: {  	s3 =	sadd.s32 s3, s9;
	s6 =	sadd.s32 @!p0 $0x88, s6;
	s7 =	simm.s32 @p2 $0x1082  }
0x22: {  	[simem:s7], [sflag:s8] =	dma.local @!p0 [hbm:s6], $0xF7A  }
0x23: {  	s9 =	sor.u32 $0xD0000000, s2;
	s6 =	simm.s32 $0x108;
	_ =	swait.ge @!p0 [sflag:s8], $0x0  }
0x24: {  	s3 =	sadd.s32 $0x88, s3;
	s6 =	simm.s32 @!p1 $0x1082;
	[sflag:s4] =	ssyncset.s32 $0xFFFFF086  }
0x25: {  	[simem:s6], [sflag:s4] =	dma.local [hbm:s3], $0xF7A  }
0x26: {  	[smem:$0x3F9B] =	sst s1;
	(tag) =	ssettag s2;
	_ =	strace s9  }
0x27: {  	s1 =	sld [smem:$0x3FAB]  }
0x28: {  	s2 =	sld [smem:$0x3FAC]  }
0x29: {  	s4 =	sld [smem:$0x3FAE]  }
0x2a: {  	p0 =	seq.s32 s5, $0x0;
	s5 =	sld [smem:$0x3FAF]  }
0x2b: {  	s6 =	sld [smem:$0x3FB0]  }
0x2c: {  	s7 =	sld [smem:$0x3FB1]  }
0x2d: {  	s3 =	simm.s32 $0x108;
	s8 =	sld [smem:$0x3FB2]  }
0x2e: {  	s3 =	simm.s32 @!p0 $0x1082;
	s9 =	sld [smem:$0x3FB3]  }
0x2f: {  	lr =	sadd.s32 s0, s3;
	s0 =	sld [smem:$0x3FAA]  }
0x30: {  	s3 =	sld [smem:$0x3FAD]  }
0x31: {  	[smem:$0x3FB6] =	sst s10  }
0x32: {  	s10 =	sld [smem:$0x3FB4];
	_ =	sdelay $0x3  }
0x33: {  	p0 =	seq.s32 s10, $0x1;
	s10 =	sld [smem:$0x3FB6];
	_ =	sdelay $0x3  }
0x34: {  	[smem:$0x3FB6] =	sst s10  }
0x35: {  	s10 =	sld [smem:$0x3FB5];
	_ =	sdelay $0x3  }
0x36: {  	p1 =	seq.s32 s10, $0x1;
	s10 =	sld [smem:$0x3FB6];
	_ =	sdelay $0x3  }
0x37: {  	[smem:$0x3FB6] =	sst s10  }
0x38: {  	s10 =	sld [smem:$0x3FB7]  }
0x39: {  	_ = 	snop;
	(pc) =	sbr.ind lr, $3  }
0x3a: {  	_ = 	snop  }
0x3b: {  	_ = 	snop  }
0x3c: {  	p2 =	seq.s32 s10, $0x1;
	s10 =	sld [smem:$0x3FB6]  }
0x3d: {  	_ =	shalt  }
0x3e: {  	_ =	shalt  }
0x3f: {  	_ =	shalt  }
0x40: {  	_ =	shalt  }
0x41: {  	_ =	shalt  }
0x42: {  	_ =	shalt  }
0x43: {  	_ =	shalt  }
0x44: {  	_ =	shalt  }
0x45: {  	_ =	shalt  }
0x46: {  	_ =	shalt  }
0x47: {  	_ =	shalt  }
0x48: {  	_ =	shalt  }
0x49: {  	_ =	shalt  }
0x4a: {  	_ =	shalt  }
0x4b: {  	_ =	shalt  }
0x4c: {  	_ =	shalt  }
0x4d: {  	_ =	shalt  }
0x4e: {  	_ =	shalt  }
0x4f: {  	_ =	shalt  }
0x50: {  	_ =	shalt  }
0x51: {  	_ =	shalt  }
0x52: {  	_ =	shalt  }
0x53: {  	_ =	shalt  }
0x54: {  	_ =	shalt  }
0x55: {  	_ =	shalt  }
0x56: {  	_ =	shalt  }
0x57: {  	_ =	shalt  }
0x58: {  	_ =	shalt  }
0x59: {  	_ =	shalt  }
0x5a: {  	_ =	shalt  }
0x5b: {  	_ =	shalt  }
0x5c: {  	_ =	shalt  }
0x5d: {  	_ =	shalt  }
0x5e: {  	_ =	shalt  }
0x5f: {  	_ =	shalt  }
0x60: {  	_ =	shalt  }
0x61: {  	_ =	shalt  }
0x62: {  	_ =	shalt  }
0x63: {  	_ =	shalt  }
0x64: {  	_ =	shalt  }
0x65: {  	_ =	shalt  }
0x66: {  	_ =	shalt  }
0x67: {  	_ =	shalt  }
0x68: {  	_ =	shalt  }
0x69: {  	_ =	shalt  }
0x6a: {  	_ =	shalt  }
0x6b: {  	_ =	shalt  }
0x6c: {  	_ =	shalt  }
0x6d: {  	_ =	shalt  }
0x6e: {  	_ =	shalt  }
0x6f: {  	_ =	shalt  }
0x70: {  	_ =	shalt  }
0x71: {  	_ =	shalt  }
0x72: {  	_ =	shalt  }
0x73: {  	_ =	shalt  }
0x74: {  	_ =	shalt  }
0x75: {  	_ =	shalt  }
0x76: {  	_ =	shalt  }
0x77: {  	_ =	shalt  }
0x78: {  	_ =	shalt  }
0x79: {  	_ =	shalt  }
0x7a: {  	_ =	shalt  }
0x7b: {  	_ =	shalt  }
0x7c: {  	_ =	shalt  }
0x7d: {  	_ =	shalt  }
0x7e: {  	_ =	shalt  }
0x7f: {  	_ =	shalt  }
0x80: {  	_ =	shalt  }
0x81: {  	_ =	shalt  }
0x82: {  	_ =	shalt  }
0x83: {  	_ =	shalt  }
0x84: {  	_ =	shalt  }
0x85: {  	_ =	shalt  }
0x86: {  	_ =	shalt  }
0x87: {  	_ =	shalt  }
.Lfunc_end0:
.L_simem_size_0:
called_computation.1_lowered:
.L_overlay_start_0:
0x88: {  	s2 =	sld [smem:$0x3FD9]  }
0x89: {  	s3 =	sld [smem:$0x3FFE];
	_ =	sdelay $0x1  }
0x8a: {  	s1 =	srdreg.scid  }
0x8b: {  	s0 =	sand.u32 $0x1, s1  }
0x8c: {  	s16 =	sshll.u32 s0, $0xA;
	s2 =	sadd.s32 s3, s2  }
0x8d: {  	s2 =	sadd.s32 s2, s16  }
0x8e: {  	[smem:$0x3FC2] =	sst s2  }
0x8f: {  	_ = 	snop  }
0x90: {  	(tm) =	ssettm $0x1  }
0x91: {  	s17 =	sld [smem:$0x3FFB];
	_ =	sdelay $0x3  }
0x92: {  	_ =	strace s17  }
0x93: {  	s2 =	sld [smem:$0x3FFC];
	_ =	sdelay $0x3  }
0x94: {  	_ =	strace s2  }
0x95: {  	s2 =	sld [smem:$0x3FFD];
	_ =	sdelay $0x3  }
0x96: {  	_ =	strace s2  }
0x97: {  	_ =	strace $0x8FFFFFFF  }
0x98: {  	s18 =	sld [smem:$0x3FDB];
	_ =	sdelay $0x1  }
0x99: {  	s19 =	simm.s32 $_scs_section_size  }
0x9a: {  	s4 =	simm.s32 $_size__tile_overlayer_lowered;
	s5 =	simm.s32 $_tile_overlayer_lowered  }
0x9b: {  	s22 =	simm.s32 $0x1BFF;
	s21 =	sshll.u32 s5, $0x1;
	s2 =	sadd.s32 s19, s18  }
0x9c: {  	s6 =	simm.s32 $0x0;
	s20 =	sshll.u32 s4, $0x1;
	s4 =	sadd.s32 s21, s2  }
0x9d: {  	[timem:s6], [sflag:s22] =	dma.local [hbm:s4], s20  }
0x9e: {  	_ =	swait.ge [sflag:s22], s20  }
0x9f: {  	s3 =	ssub.s32 $0x0, s20;
	[sflag:s22] =	ssyncset.done $0x0  }
0xa0: {  	[sflag:s22] =	ssyncadd.s32 s3;
	_ =	sdelay $0x1  }
0xa1: {  	s23 =	simm.s32 $0x1B8B  }
0xa2: {  	_ =	swait.ge [sflag:s23], $0x1  }
0xa3: {  	[sflag:s23] =	ssyncset.done $0x0  }
0xa4: {  	s25 =	simm.s32 $0x1B8E;
	s24 =	sld [smem:$0x3FFE];
	[sflag:s23] =	ssyncadd.s32 $0xFFFFFFFF  }
0xa5: {  	s26 =	simm.s32 $execute0_lowered;
	[smem:$0x3FD2] =	sst s25  }
0xa6: {  	s4 =	sshll.u32 s26, $0x1;
	_ =	strace $0x80000049;
	[dreg:$0x1] =	wrdreg $0xFFFFFFFF  }
0xa7: {  	s28 =	simm.s32 $_size_execute0_lowered;
	s2 =	sadd.s32 s2, s4;
	[dreg:$0x0] =	wrdreg $0x0  }
0xa8: {  	s4 =	sshll.u32 s28, $0x1;
	[dreg:$0x2] =	wrdreg s2  }
0xa9: {  	[dreg:$0x3] =	wrdreg s4  }
0xaa: {  	[dreg:$0x4] =	wrdreg $0xC0  }
0xab: {  	_ =	task [dreg:s6], $0x5FFFF  }
0xac: {  	[dreg:$0x1] =	wrdreg $0xFFFFFFFF  }
0xad: {  	[dreg:$0x0] =	wrdreg $0x60  }
0xae: {  	[dreg:$0x2] =	wrdreg s24  }
0xaf: {  	[dreg:$0x3] =	wrdreg $0x168000  }
0xb0: {  	[dreg:$0x4] =	wrdreg $0x118000  }
0xb1: {  	[dreg:$0x5] =	wrdreg $0x9  }
0xb2: {  	_ =	task.clear_ibuf [dreg:s6], $0x6FFFF;
	_ =	strace $0x90000049  }
0xb3: {  	s29 =	simm.s32 $0x9;
	_ =	strace $0x8000004B  }
0xb4: {  	_ =	swait.ge [sflag:s29], $0x1  }
0xb5: {  	[sflag:s29] =	ssyncadd.s32 $0xFFFFFFFF  }
0xb6: {  	_ =	strace $0x9000004B  }
0xb7: {  	_ =	sfence  }
0xb8: {  	s30 =	sld [smem:$0x0];
	_ =	sdelay $0x2  }
0xb9: {  	s31 =	sshll.u32 s1, $0xD;
	s1 =	sshrl.u32 s1, $0x2  }
0xba: {  	s3 =	sand.u32 $0x4000, s31;
	s1 =	sadd.s32 s1, s30  }
0xbb: {  	s0 =	sor.u32 s3, s0;
	s1 =	sshll.u32 s1, $0x11  }
0xbc: {  	s0 =	sor.u32 s1, s0  }
0xbd: {  	s0 =	sadd.s32 $0x8F2B, s0  }
0xbe: {  	[sflag:s0] =	ssyncadd.remote.s32 $0x1  }
0xbf: {  	_ =	sfence.sel $0xFFFF  }
0xc0: {  	[dreg:$0x0] =	wrdreg $0xFFFFFFFF;
	(pc) =	sbr.abs _section_cstart, $3  }
0xc1: {  	[dreg:$0x1] =	wrdreg $0xFFFFFFFF  }
0xc2: {  	_ =	task.clear_ibuf [dreg:s6], $0x2FFFF;
	_ =	strace $0x9FFFFFFF  }
0xc3: {  	(tm) =	ssettm $0x7FFFFFFF  }
tec
execute0_lowered:
.L_overlay_start_1:
0x0: {  	(tag) =	ssettag $0x1  }
0x1: {  	s0 =	rddreg [dreg:$0x0]  }
0x2: {  	s2 =	rddreg [dreg:$0x1]  }
0x3: {  	s3 =	rddreg [dreg:$0x2];
	s4 =	simm.s32 $0x0  }
0x4: {  	s5 =	stileid.u32;
	s1 =	srdreg.scid;
	s13 =	simm.s32 $0x3  }
0x5: {  	s15 =	simm.s32 $0xC800;
	s16 =	simm.s32 $0x80;
	s17 =	simm.s32 $0x2800  }
0x6: {  	s18 =	simm.s32 $0x3800;
	s20 =	simm.s32 $0x4800;
	s28 =	simm.s32 $0x9800  }
0x7: {  	s29 =	simm.s32 $0xA800;
	s30 =	simm.s32 $0xB800;
	s31 =	simm.s32 $0x1  }
0x8: {  	s10 =	smul.u32 $0x5000, s5;
	s1 =	sand.u32 $0x1, s1;
	s5 =	sshll.u32 s5, $0x1  }
0x9: {  	[smem:$0x7FF] =	sst s4;
	s22 =	sadd.s32 $0x6200, s0;
	s5 =	sor.u32 s1, s5  }
0xa: {  	s6 =	smul.u32 $0x50000, s1;
	_ =	strace $0x8000004A;
	s1 =	ssub.s32 $0x2, s1  }
0xb: {  	[dreg:$0x4] =	wrdreg s22;
	s22 =	simm.s32 $0x5800;
	s7 =	sshrl.u32 s10, $0x3  }
0xc: {  	s5 =	smul.u32 $0x280, s5;
	s9 =	sshrl.u32 s1, $0x1;
	s26 =	sadd.s32 s10, s2  }
0xd: {  	s8 =	sadd.s32 s7, s0;
	s6 =	sadd.s32 s10, s6;
	s1 =	ssub.s32 s1, s9  }
0xe: {  	[dreg:$0x8] =	wrdreg s26;
	s10 =	sadd.s32 s10, s3;
	s26 =	simm.s32 $0x8800  }
0xf: {  	s21 =	sadd.s32 s5, s0;
	s6 =	sshrl.u32 s6, $0x3;
	s25 =	sadd.s32 $0xBC00, s8  }
0x10: {  	s12 =	smax.u32 s1, $0x1;
	s23 =	sadd.s32 $0x6C00, s21;
	[dreg:$0x7] =	wrdreg s25  }
0x11: {  	s1 =	simm.s32 $0x0;
	s24 =	sadd.s32 $0x1200, s21;
	[dreg:$0x5] =	wrdreg s23  }
0x12: {  	s0 =	sadd.s32 s6, s0;
	s25 =	simm.s32 $0x7800;
	[dreg:$0x6] =	wrdreg s24  }
0x13: {  	s11 =	sadd.s32 $0x15C00, s0;
	s24 =	simm.s32 $0x6800;
	s0 =	simm.s32 $0x2  }
.LBB2_1:
0x14: {  	s5 =	rddreg [dreg:$0x5]  }
0x15: {  	[tilespmem:s4], [sflag:$0x3] =	stream.linear.gather [hbm4b:s5+s4], $0x1400, $0x38;
	[tilespmem:$0x1B800] =	vst v63  }
0x16: {  	_ =	swait.ge [sflag:s13], $0x1400  }
0x17: {  	[sflag:s13] =	ssyncset.done $0x0  }
0x18: {  	s6 =	simm.s32 $0x1400;
	s8 =	rddreg [dreg:$0x6];
	[sflag:s13] =	ssyncadd.s32 $0xFFFFEC00  }
0x19: {  	[tilespmem:s6], [sflag:$0x3] =	stream.linear.gather [hbm4b:s8+s4], $0x1400, $0x38;
	[tilespmem:$0x1B800] =	vst v63  }
0x1a: {  	_ =	swait.ge [sflag:s13], $0x1400  }
0x1b: {  	[sflag:s13] =	ssyncset.done $0x0  }
0x1c: {  	s9 =	rddreg [dreg:$0x7];
	[sflag:s13] =	ssyncadd.s32 $0xFFFFEC00  }
0x1d: {  	[tilespmem:s15], [sflag:$0x3] =	stream.linear.gather [hbm4b:s9+s4], $0x5000, $0x38;
	[tilespmem:$0x1B800] =	vst v63  }
0x1e: {  	_ =	swait.ge [sflag:s13], $0x5000  }
0x1f: {  	[sflag:s13] =	ssyncset.done $0x0  }
0x20: {  	s14 =	rddreg [dreg:$0x8];
	[sflag:s13] =	ssyncadd.s32 $0xFFFFB000  }
0x21: {  	[spmem:s14] =	stream.linear.scatter [tilespmem:s15], [sflag:$0x3], $0x5000, $0x38;
	[tilespmem:$0x1B800] =	vst v63  }
0x22: {  	_ =	swait.ge [sflag:s13], $0x5000  }
0x23: {  	[sflag:s13] =	ssyncset.done $0x0  }
0x24: {  	s19 =	rddreg [dreg:$0x4];
	[sflag:s13] =	ssyncadd.s32 $0xFFFFB000  }
0x25: {  	[tilespmem:s15], [sflag:$0x3] =	stream.linear.gather [hbm4b:s19+s4], $0x5000, $0x38;
	[tilespmem:$0x1B800] =	vst v63  }
0x26: {  	_ =	swait.ge [sflag:s13], $0x5000  }
0x27: {  	[sflag:s13] =	ssyncset.done $0x0  }
0x28: {  	[sflag:s13] =	ssyncadd.s32 $0xFFFFB000  }
0x29: {  	[spmem:s10] =	stream.linear.scatter [tilespmem:s15], [sflag:$0x3], $0x5000, $0x38;
	[tilespmem:$0x1B800] =	vst v63  }
0x2a: {  	_ =	swait.ge [sflag:s13], $0x5000  }
0x2b: {  	[sflag:s13] =	ssyncset.done $0x0  }
0x2c: {  	[sflag:s13] =	ssyncadd.s32 $0xFFFFB000  }
0x2d: {  	[bflag:$0x0] =	sbarrier.arrive $0xFFFF  }
0x2e: {  	[tilespmem:s17], [sflag:$0x1] =	stream.indirect.gather [spmem:s2], $0x20, s4, s16, $0xb8;
	[tilespmem:$0x1B800] =	vst v63  }
0x2f: {  	_ = 	snop  }
0x30: {  	[tilespmem:s18], [sflag:$0x1] =	stream.indirect.gather [spmem:s2], $0x20, s16, s16, $0xb8;
	[tilespmem:$0x1B800] =	vst v63  }
0x31: {  	s21 =	simm.s32 $0x100  }
0x32: {  	[tilespmem:s20], [sflag:$0x1] =	stream.indirect.gather [spmem:s2], $0x20, s21, s16, $0xb8;
	[tilespmem:$0x1B800] =	vst v63  }
0x33: {  	s23 =	simm.s32 $0x180  }
0x34: {  	[tilespmem:s22], [sflag:$0x1] =	stream.indirect.gather [spmem:s2], $0x20, s23, s16, $0xb8;
	[tilespmem:$0x1B800] =	vst v63  }
0x35: {  	s6 =	simm.s32 $0x200  }
0x36: {  	[tilespmem:s24], [sflag:$0x1] =	stream.indirect.gather [spmem:s2], $0x20, s6, s16, $0xb8;
	[tilespmem:$0x1B800] =	vst v63  }
0x37: {  	s14 =	simm.s32 $0x280  }
0x38: {  	[tilespmem:s25], [sflag:$0x2] =	stream.indirect.gather [spmem:s2], $0x20, s14, s16, $0xb8;
	[tilespmem:$0x1B800] =	vst v63  }
0x39: {  	s7 =	simm.s32 $0x300  }
0x3a: {  	[tilespmem:s26], [sflag:$0x2] =	stream.indirect.gather [spmem:s2], $0x20, s7, s16, $0xb8;
	[tilespmem:$0x1B800] =	vst v63  }
0x3b: {  	s8 =	simm.s32 $0x380  }
0x3c: {  	[tilespmem:s28], [sflag:$0x2] =	stream.indirect.gather [spmem:s2], $0x20, s8, s16, $0xb8;
	[tilespmem:$0x1B800] =	vst v63  }
0x3d: {  	s9 =	simm.s32 $0x400  }
0x3e: {  	[tilespmem:s29], [sflag:$0x2] =	stream.indirect.gather [spmem:s2], $0x20, s9, s16, $0xb8;
	[tilespmem:$0x1B800] =	vst v63  }
0x3f: {  	s19 =	simm.s32 $0x480  }
0x40: {  	[tilespmem:s30], [sflag:$0x2] =	stream.indirect.gather [spmem:s2], $0x20, s19, s16, $0xb8;
	[tilespmem:$0x1B800] =	vst v63  }
0x41: {  	_ =	swait.ge [sflag:s31], $0x1000  }
0x42: {  	[sflag:s31] =	ssyncset.done $0x0  }
0x43: {  	[sflag:s31] =	ssyncadd.s32 $0xFFFFF000  }
0x44: {  	_ =	swait.ge [sflag:s31], $0x1000  }
0x45: {  	[sflag:s31] =	ssyncset.done $0x0  }
0x46: {  	[sflag:s31] =	ssyncadd.s32 $0xFFFFF000  }
0x47: {  	_ =	swait.ge [sflag:s31], $0x1000  }
0x48: {  	[sflag:s31] =	ssyncset.done $0x0  }
0x49: {  	[sflag:s31] =	ssyncadd.s32 $0xFFFFF000  }
0x4a: {  	_ =	swait.ge [sflag:s31], $0x1000  }
0x4b: {  	[sflag:s31] =	ssyncset.done $0x0  }
0x4c: {  	[sflag:s31] =	ssyncadd.s32 $0xFFFFF000  }
0x4d: {  	_ =	swait.ge [sflag:s31], $0x1000  }
0x4e: {  	[sflag:s31] =	ssyncset.done $0x0  }
0x4f: {  	s21 =	simm.s32 $0x1400;
	[sflag:s31] =	ssyncadd.s32 $0xFFFFF000  }
0x50: {  	[spmem:s3] =	stream.indirect.scatter.add.f32 [tilespmem:s17], [sflag:$0x3], $0x20, s21, s16, $0xb8;
	[tilespmem:$0x1B800] =	vst v63  }
0x51: {  	_ =	swait.ge [sflag:s13], $0x1000  }
0x52: {  	[sflag:s13] =	ssyncset.done $0x0  }
0x53: {  	s23 =	simm.s32 $0x1480;
	[sflag:s13] =	ssyncadd.s32 $0xFFFFF000  }
0x54: {  	[spmem:s3] =	stream.indirect.scatter.add.f32 [tilespmem:s18], [sflag:$0x3], $0x20, s23, s16, $0xb8;
	[tilespmem:$0x1B800] =	vst v63  }
0x55: {  	_ =	swait.ge [sflag:s13], $0x1000  }
0x56: {  	[sflag:s13] =	ssyncset.done $0x0  }
0x57: {  	s5 =	simm.s32 $0x1500;
	[sflag:s13] =	ssyncadd.s32 $0xFFFFF000  }
0x58: {  	[spmem:s3] =	stream.indirect.scatter.add.f32 [tilespmem:s20], [sflag:$0x3], $0x20, s5, s16, $0xb8;
	[tilespmem:$0x1B800] =	vst v63  }
0x59: {  	_ =	swait.ge [sflag:s13], $0x1000  }
0x5a: {  	[sflag:s13] =	ssyncset.done $0x0  }
0x5b: {  	s6 =	simm.s32 $0x1580;
	[sflag:s13] =	ssyncadd.s32 $0xFFFFF000  }
0x5c: {  	[spmem:s3] =	stream.indirect.scatter.add.f32 [tilespmem:s22], [sflag:$0x3], $0x20, s6, s16, $0xb8;
	[tilespmem:$0x1B800] =	vst v63  }
0x5d: {  	_ =	swait.ge [sflag:s13], $0x1000  }
0x5e: {  	[sflag:s13] =	ssyncset.done $0x0  }
0x5f: {  	s7 =	simm.s32 $0x1600;
	[sflag:s13] =	ssyncadd.s32 $0xFFFFF000  }
0x60: {  	[spmem:s3] =	stream.indirect.scatter.add.f32 [tilespmem:s24], [sflag:$0x3], $0x20, s7, s16, $0xb8;
	[tilespmem:$0x1B800] =	vst v63  }
0x61: {  	p0 =	por $0x0, $0x0;
	_ =	swait.ge [sflag:s13], $0x1000  }
0x62: {  	s14 =	simm.s32 @!p0 $0x2800;
	[sflag:s13] =	ssyncset.done $0x0  }
0x63: {  	s19 =	simm.s32 @!p0 $0x500;
	s21 =	simm.s32 @!p0 $0x80;
	[sflag:s13] =	ssyncadd.s32 $0xFFFFF000  }
0x64: {  	[tilespmem:s14], [sflag:$0x1] =	stream.indirect.gather @!p0 [spmem:s2], $0x20, s19, s21, $0xb8;
	[tilespmem:$0x1B800] =	vst v63  }
0x65: {  	s14 =	simm.s32 @!p0 $0x580;
	s19 =	simm.s32 @!p0 $0x3800  }
0x66: {  	[tilespmem:s19], [sflag:$0x1] =	stream.indirect.gather @!p0 [spmem:s2], $0x20, s14, s21, $0xb8;
	[tilespmem:$0x1B800] =	vst v63  }
0x67: {  	s14 =	simm.s32 @!p0 $0x600;
	s19 =	simm.s32 @!p0 $0x4800  }
0x68: {  	[tilespmem:s19], [sflag:$0x1] =	stream.indirect.gather @!p0 [spmem:s2], $0x20, s14, s21, $0xb8;
	[tilespmem:$0x1B800] =	vst v63  }
0x69: {  	s14 =	simm.s32 @!p0 $0x680;
	s19 =	simm.s32 @!p0 $0x5800  }
0x6a: {  	[tilespmem:s19], [sflag:$0x1] =	stream.indirect.gather @!p0 [spmem:s2], $0x20, s14, s21, $0xb8;
	[tilespmem:$0x1B800] =	vst v63  }
0x6b: {  	s14 =	simm.s32 @!p0 $0x700;
	s19 =	simm.s32 @!p0 $0x6800  }
0x6c: {  	[tilespmem:s19], [sflag:$0x1] =	stream.indirect.gather @!p0 [spmem:s2], $0x20, s14, s21, $0xb8;
	[tilespmem:$0x1B800] =	vst v63  }
0x6d: {  	_ =	swait.ge [sflag:s0], $0x1000  }
0x6e: {  	[sflag:s0] =	ssyncset.done $0x0  }
0x6f: {  	[sflag:s0] =	ssyncadd.s32 $0xFFFFF000  }
0x70: {  	_ =	swait.ge [sflag:s0], $0x1000  }
0x71: {  	[sflag:s0] =	ssyncset.done $0x0  }
0x72: {  	[sflag:s0] =	ssyncadd.s32 $0xFFFFF000  }
0x73: {  	_ =	swait.ge [sflag:s0], $0x1000  }
0x74: {  	[sflag:s0] =	ssyncset.done $0x0  }
0x75: {  	[sflag:s0] =	ssyncadd.s32 $0xFFFFF000  }
0x76: {  	_ =	swait.ge [sflag:s0], $0x1000  }
0x77: {  	[sflag:s0] =	ssyncset.done $0x0  }
0x78: {  	[sflag:s0] =	ssyncadd.s32 $0xFFFFF000  }
0x79: {  	_ =	swait.ge [sflag:s0], $0x1000  }
0x7a: {  	[sflag:s0] =	ssyncset.done $0x0  }
0x7b: {  	s8 =	simm.s32 $0x1680;
	[sflag:s0] =	ssyncadd.s32 $0xFFFFF000  }
0x7c: {  	[spmem:s3] =	stream.indirect.scatter.add.f32 [tilespmem:s25], [sflag:$0x3], $0x20, s8, s16, $0xb8;
	[tilespmem:$0x1B800] =	vst v63  }
0x7d: {  	_ =	swait.ge [sflag:s13], $0x1000  }
0x7e: {  	[sflag:s13] =	ssyncset.done $0x0  }
0x7f: {  	s9 =	simm.s32 $0x1700;
	[sflag:s13] =	ssyncadd.s32 $0xFFFFF000  }
0x80: {  	[spmem:s3] =	stream.indirect.scatter.add.f32 [tilespmem:s26], [sflag:$0x3], $0x20, s9, s16, $0xb8;
	[tilespmem:$0x1B800] =	vst v63  }
0x81: {  	_ =	swait.ge [sflag:s13], $0x1000  }
0x82: {  	[sflag:s13] =	ssyncset.done $0x0  }
0x83: {  	s19 =	simm.s32 $0x1780;
	[sflag:s13] =	ssyncadd.s32 $0xFFFFF000  }
0x84: {  	[spmem:s3] =	stream.indirect.scatter.add.f32 [tilespmem:s28], [sflag:$0x3], $0x20, s19, s16, $0xb8;
	[tilespmem:$0x1B800] =	vst v63  }
0x85: {  	_ =	swait.ge [sflag:s13], $0x1000  }
0x86: {  	[sflag:s13] =	ssyncset.done $0x0  }
0x87: {  	s21 =	simm.s32 $0x1800;
	[sflag:s13] =	ssyncadd.s32 $0xFFFFF000  }
0x88: {  	[spmem:s3] =	stream.indirect.scatter.add.f32 [tilespmem:s29], [sflag:$0x3], $0x20, s21, s16, $0xb8;
	[tilespmem:$0x1B800] =	vst v63  }
0x89: {  	_ =	swait.ge [sflag:s13], $0x1000  }
0x8a: {  	[sflag:s13] =	ssyncset.done $0x0  }
0x8b: {  	s23 =	simm.s32 $0x1880;
	[sflag:s13] =	ssyncadd.s32 $0xFFFFF000  }
0x8c: {  	[spmem:s3] =	stream.indirect.scatter.add.f32 [tilespmem:s30], [sflag:$0x3], $0x20, s23, s16, $0xb8;
	[tilespmem:$0x1B800] =	vst v63  }
0x8d: {  	s14 =	simm.s32 $0x500;
	_ =	swait.ge [sflag:s13], $0x1000  }
0x8e: {  	s19 =	simm.s32 $0x1400;
	s21 =	simm.s32 $0x2800;
	[sflag:s13] =	ssyncset.done $0x0  }
.LBB2_2:
0x8f: {  	s5 =	sadd.s32 $0x280, s14  }
0x90: {  	[sflag:s13] =	ssyncadd.s32 $0xFFFFF000;
	s23 =	smov.u32 s21;
	s21 =	sadd.s32 $0x1400, s21  }
0x91: {  	[tilespmem:s25], [sflag:$0x2] =	stream.indirect.gather [spmem:s2], $0x20, s5, s16, $0xb8;
	[tilespmem:$0x1B800] =	vst v63  }
0x92: {  	p0 =	sne.s32 s21, $0x5000;
	s5 =	sadd.s32 $0x300, s14  }
0x93: {  	[tilespmem:s26], [sflag:$0x2] =	stream.indirect.gather [spmem:s2], $0x20, s5, s16, $0xb8;
	[tilespmem:$0x1B800] =	vst v63  }
0x94: {  	s5 =	sadd.s32 $0x380, s14  }
0x95: {  	[tilespmem:s28], [sflag:$0x2] =	stream.indirect.gather [spmem:s2], $0x20, s5, s16, $0xb8;
	[tilespmem:$0x1B800] =	vst v63  }
0x96: {  	s5 =	sadd.s32 $0x400, s14  }
0x97: {  	[tilespmem:s29], [sflag:$0x2] =	stream.indirect.gather [spmem:s2], $0x20, s5, s16, $0xb8;
	[tilespmem:$0x1B800] =	vst v63  }
0x98: {  	s5 =	sadd.s32 $0x480, s14  }
0x99: {  	[tilespmem:s30], [sflag:$0x2] =	stream.indirect.gather [spmem:s2], $0x20, s5, s16, $0xb8;
	[tilespmem:$0x1B800] =	vst v63  }
0x9a: {  	_ =	swait.ge [sflag:s31], $0x1000  }
0x9b: {  	[sflag:s31] =	ssyncset.done $0x0  }
0x9c: {  	[sflag:s31] =	ssyncadd.s32 $0xFFFFF000  }
0x9d: {  	_ =	swait.ge [sflag:s31], $0x1000  }
0x9e: {  	[sflag:s31] =	ssyncset.done $0x0  }
0x9f: {  	[sflag:s31] =	ssyncadd.s32 $0xFFFFF000  }
0xa0: {  	_ =	swait.ge [sflag:s31], $0x1000  }
0xa1: {  	[sflag:s31] =	ssyncset.done $0x0  }
0xa2: {  	[sflag:s31] =	ssyncadd.s32 $0xFFFFF000  }
0xa3: {  	_ =	swait.ge [sflag:s31], $0x1000  }
0xa4: {  	[sflag:s31] =	ssyncset.done $0x0  }
0xa5: {  	[sflag:s31] =	ssyncadd.s32 $0xFFFFF000  }
0xa6: {  	_ =	swait.ge [sflag:s31], $0x1000  }
0xa7: {  	[sflag:s31] =	ssyncset.done $0x0  }
0xa8: {  	s5 =	sadd.s32 $0x1400, s14;
	[sflag:s31] =	ssyncadd.s32 $0xFFFFF000  }
0xa9: {  	[spmem:s3] =	stream.indirect.scatter.add.f32 [tilespmem:s17], [sflag:$0x3], $0x20, s5, s16, $0xb8;
	[tilespmem:$0x1B800] =	vst v63  }
0xaa: {  	_ =	swait.ge [sflag:s13], $0x1000  }
0xab: {  	[sflag:s13] =	ssyncset.done $0x0  }
0xac: {  	s5 =	sadd.s32 $0x1480, s14;
	[sflag:s13] =	ssyncadd.s32 $0xFFFFF000  }
0xad: {  	[spmem:s3] =	stream.indirect.scatter.add.f32 [tilespmem:s18], [sflag:$0x3], $0x20, s5, s16, $0xb8;
	[tilespmem:$0x1B800] =	vst v63  }
0xae: {  	_ =	swait.ge [sflag:s13], $0x1000  }
0xaf: {  	[sflag:s13] =	ssyncset.done $0x0  }
0xb0: {  	s5 =	sadd.s32 $0x1500, s14;
	[sflag:s13] =	ssyncadd.s32 $0xFFFFF000  }
0xb1: {  	[spmem:s3] =	stream.indirect.scatter.add.f32 [tilespmem:s20], [sflag:$0x3], $0x20, s5, s16, $0xb8;
	[tilespmem:$0x1B800] =	vst v63  }
0xb2: {  	_ =	swait.ge [sflag:s13], $0x1000  }
0xb3: {  	[sflag:s13] =	ssyncset.done $0x0  }
0xb4: {  	s5 =	sadd.s32 $0x1580, s14;
	[sflag:s13] =	ssyncadd.s32 $0xFFFFF000  }
0xb5: {  	[spmem:s3] =	stream.indirect.scatter.add.f32 [tilespmem:s22], [sflag:$0x3], $0x20, s5, s16, $0xb8;
	[tilespmem:$0x1B800] =	vst v63  }
0xb6: {  	_ =	swait.ge [sflag:s13], $0x1000  }
0xb7: {  	[sflag:s13] =	ssyncset.done $0x0  }
0xb8: {  	s5 =	sadd.s32 $0x1600, s14;
	[sflag:s13] =	ssyncadd.s32 $0xFFFFF000  }
0xb9: {  	[spmem:s3] =	stream.indirect.scatter.add.f32 [tilespmem:s24], [sflag:$0x3], $0x20, s5, s16, $0xb8;
	[tilespmem:$0x1B800] =	vst v63  }
0xba: {  	p1 =	seq.s32 s19, $0x3C00;
	_ =	swait.ge [sflag:s13], $0x1000  }
0xbb: {  	s5 =	sshra.s32 @!p1 s19, $0x2;
	s19 =	simm.s32 @!p1 $0x2800;
	[sflag:s13] =	ssyncset.done $0x0  }
0xbc: {  	s7 =	simm.s32 @!p1 $0x80;
	s6 =	sadd.s32 @!p1 $0x500, s5;
	[sflag:s13] =	ssyncadd.s32 $0xFFFFF000  }
0xbd: {  	[tilespmem:s19], [sflag:$0x1] =	stream.indirect.gather @!p1 [spmem:s2], $0x20, s6, s7, $0xb8;
	[tilespmem:$0x1B800] =	vst v63  }
0xbe: {  	s8 =	sadd.s32 @!p1 $0x600, s5;
	s6 =	sadd.s32 @!p1 $0x580, s5;
	s19 =	simm.s32 @!p1 $0x3800  }
0xbf: {  	[tilespmem:s19], [sflag:$0x1] =	stream.indirect.gather @!p1 [spmem:s2], $0x20, s6, s7, $0xb8;
	[tilespmem:$0x1B800] =	vst v63  }
0xc0: {  	s9 =	sadd.s32 @!p1 $0x680, s5;
	s5 =	sadd.s32 @!p1 $0x700, s5;
	s6 =	simm.s32 @!p1 $0x4800  }
0xc1: {  	[tilespmem:s6], [sflag:$0x1] =	stream.indirect.gather @!p1 [spmem:s2], $0x20, s8, s7, $0xb8;
	[tilespmem:$0x1B800] =	vst v63  }
0xc2: {  	s19 =	smov.u32 s23;
	s6 =	simm.s32 @!p1 $0x5800  }
0xc3: {  	[tilespmem:s6], [sflag:$0x1] =	stream.indirect.gather @!p1 [spmem:s2], $0x20, s9, s7, $0xb8;
	[tilespmem:$0x1B800] =	vst v63  }
0xc4: {  	s6 =	simm.s32 @!p1 $0x6800  }
0xc5: {  	[tilespmem:s6], [sflag:$0x1] =	stream.indirect.gather @!p1 [spmem:s2], $0x20, s5, s7, $0xb8;
	[tilespmem:$0x1B800] =	vst v63  }
0xc6: {  	_ =	swait.ge [sflag:s0], $0x1000  }
0xc7: {  	[sflag:s0] =	ssyncset.done $0x0  }
0xc8: {  	[sflag:s0] =	ssyncadd.s32 $0xFFFFF000  }
0xc9: {  	_ =	swait.ge [sflag:s0], $0x1000  }
0xca: {  	[sflag:s0] =	ssyncset.done $0x0  }
0xcb: {  	[sflag:s0] =	ssyncadd.s32 $0xFFFFF000  }
0xcc: {  	_ =	swait.ge [sflag:s0], $0x1000  }
0xcd: {  	[sflag:s0] =	ssyncset.done $0x0  }
0xce: {  	[sflag:s0] =	ssyncadd.s32 $0xFFFFF000  }
0xcf: {  	_ =	swait.ge [sflag:s0], $0x1000  }
0xd0: {  	[sflag:s0] =	ssyncset.done $0x0  }
0xd1: {  	[sflag:s0] =	ssyncadd.s32 $0xFFFFF000  }
0xd2: {  	_ =	swait.ge [sflag:s0], $0x1000  }
0xd3: {  	[sflag:s0] =	ssyncset.done $0x0  }
0xd4: {  	s5 =	sadd.s32 $0x1680, s14;
	[sflag:s0] =	ssyncadd.s32 $0xFFFFF000  }
0xd5: {  	[spmem:s3] =	stream.indirect.scatter.add.f32 [tilespmem:s25], [sflag:$0x3], $0x20, s5, s16, $0xb8;
	[tilespmem:$0x1B800] =	vst v63  }
0xd6: {  	_ =	swait.ge [sflag:s13], $0x1000  }
0xd7: {  	[sflag:s13] =	ssyncset.done $0x0  }
0xd8: {  	s5 =	sadd.s32 $0x1700, s14;
	[sflag:s13] =	ssyncadd.s32 $0xFFFFF000  }
0xd9: {  	[spmem:s3] =	stream.indirect.scatter.add.f32 [tilespmem:s26], [sflag:$0x3], $0x20, s5, s16, $0xb8;
	[tilespmem:$0x1B800] =	vst v63  }
0xda: {  	_ =	swait.ge [sflag:s13], $0x1000  }
0xdb: {  	[sflag:s13] =	ssyncset.done $0x0  }
0xdc: {  	s5 =	sadd.s32 $0x1780, s14;
	[sflag:s13] =	ssyncadd.s32 $0xFFFFF000  }
0xdd: {  	[spmem:s3] =	stream.indirect.scatter.add.f32 [tilespmem:s28], [sflag:$0x3], $0x20, s5, s16, $0xb8;
	[tilespmem:$0x1B800] =	vst v63  }
0xde: {  	_ =	swait.ge [sflag:s13], $0x1000  }
0xdf: {  	[sflag:s13] =	ssyncset.done $0x0  }
0xe0: {  	s5 =	sadd.s32 $0x1800, s14;
	[sflag:s13] =	ssyncadd.s32 $0xFFFFF000  }
0xe1: {  	[spmem:s3] =	stream.indirect.scatter.add.f32 [tilespmem:s29], [sflag:$0x3], $0x20, s5, s16, $0xb8;
	[tilespmem:$0x1B800] =	vst v63  }
0xe2: {  	_ =	swait.ge [sflag:s13], $0x1000  }
.Ltmp0:
0xe3: {  	[sflag:s13] =	ssyncset.done $0x0;
	(pc) =	sbr.rel @p0 .LBB2_2-.Ltmp0, $4  }
0xe4: {  	s5 =	sadd.s32 $0x1880, s14;
	[sflag:s13] =	ssyncadd.s32 $0xFFFFF000  }
0xe5: {  	[spmem:s3] =	stream.indirect.scatter.add.f32 [tilespmem:s30], [sflag:$0x3], $0x20, s5, s16, $0xb8;
	[tilespmem:$0x1B800] =	vst v63  }
0xe6: {  	_ =	swait.ge [sflag:s13], $0x1000  }
0xe7: {  	s14 =	sshra.s32 s19, $0x2;
	[sflag:s13] =	ssyncset.done $0x0  }
0xe8: {  	s5 =	sadd.s32 $0x280, s14;
	[sflag:s13] =	ssyncadd.s32 $0xFFFFF000  }
0xe9: {  	[tilespmem:s25], [sflag:$0x2] =	stream.indirect.gather [spmem:s2], $0x20, s5, s16, $0xb8;
	[tilespmem:$0x1B800] =	vst v63  }
0xea: {  	s23 =	sadd.s32 $0x300, s14  }
0xeb: {  	[tilespmem:s26], [sflag:$0x2] =	stream.indirect.gather [spmem:s2], $0x20, s23, s16, $0xb8;
	[tilespmem:$0x1B800] =	vst v63  }
0xec: {  	s6 =	sadd.s32 $0x380, s14  }
0xed: {  	[tilespmem:s28], [sflag:$0x2] =	stream.indirect.gather [spmem:s2], $0x20, s6, s16, $0xb8;
	[tilespmem:$0x1B800] =	vst v63  }
0xee: {  	s7 =	sadd.s32 $0x400, s14  }
0xef: {  	[tilespmem:s29], [sflag:$0x2] =	stream.indirect.gather [spmem:s2], $0x20, s7, s16, $0xb8;
	[tilespmem:$0x1B800] =	vst v63  }
0xf0: {  	s8 =	sadd.s32 $0x480, s14  }
0xf1: {  	[tilespmem:s30], [sflag:$0x2] =	stream.indirect.gather [spmem:s2], $0x20, s8, s16, $0xb8;
	[tilespmem:$0x1B800] =	vst v63  }
0xf2: {  	_ =	swait.ge [sflag:s31], $0x1000  }
0xf3: {  	[sflag:s31] =	ssyncset.done $0x0  }
0xf4: {  	[sflag:s31] =	ssyncadd.s32 $0xFFFFF000  }
0xf5: {  	_ =	swait.ge [sflag:s31], $0x1000  }
0xf6: {  	[sflag:s31] =	ssyncset.done $0x0  }
0xf7: {  	[sflag:s31] =	ssyncadd.s32 $0xFFFFF000  }
0xf8: {  	_ =	swait.ge [sflag:s31], $0x1000  }
0xf9: {  	[sflag:s31] =	ssyncset.done $0x0  }
0xfa: {  	[sflag:s31] =	ssyncadd.s32 $0xFFFFF000  }
0xfb: {  	_ =	swait.ge [sflag:s31], $0x1000  }
0xfc: {  	[sflag:s31] =	ssyncset.done $0x0  }
0xfd: {  	[sflag:s31] =	ssyncadd.s32 $0xFFFFF000  }
0xfe: {  	_ =	swait.ge [sflag:s31], $0x1000  }
0xff: {  	[sflag:s31] =	ssyncset.done $0x0  }
0x100: {  	s9 =	sadd.s32 $0x1400, s14;
	[sflag:s31] =	ssyncadd.s32 $0xFFFFF000  }
0x101: {  	[spmem:s3] =	stream.indirect.scatter.add.f32 [tilespmem:s17], [sflag:$0x3], $0x20, s9, s16, $0xb8;
	[tilespmem:$0x1B800] =	vst v63  }
0x102: {  	_ =	swait.ge [sflag:s13], $0x1000  }
0x103: {  	[sflag:s13] =	ssyncset.done $0x0  }
0x104: {  	s21 =	sadd.s32 $0x1480, s14;
	[sflag:s13] =	ssyncadd.s32 $0xFFFFF000  }
0x105: {  	[spmem:s3] =	stream.indirect.scatter.add.f32 [tilespmem:s18], [sflag:$0x3], $0x20, s21, s16, $0xb8;
	[tilespmem:$0x1B800] =	vst v63  }
0x106: {  	_ =	swait.ge [sflag:s13], $0x1000  }
0x107: {  	[sflag:s13] =	ssyncset.done $0x0  }
0x108: {  	s23 =	sadd.s32 $0x1500, s14;
	[sflag:s13] =	ssyncadd.s32 $0xFFFFF000  }
0x109: {  	[spmem:s3] =	stream.indirect.scatter.add.f32 [tilespmem:s20], [sflag:$0x3], $0x20, s23, s16, $0xb8;
	[tilespmem:$0x1B800] =	vst v63  }
0x10a: {  	_ =	swait.ge [sflag:s13], $0x1000  }
0x10b: {  	[sflag:s13] =	ssyncset.done $0x0  }
0x10c: {  	s6 =	sadd.s32 $0x1580, s14;
	[sflag:s13] =	ssyncadd.s32 $0xFFFFF000  }
0x10d: {  	[spmem:s3] =	stream.indirect.scatter.add.f32 [tilespmem:s22], [sflag:$0x3], $0x20, s6, s16, $0xb8;
	[tilespmem:$0x1B800] =	vst v63  }
0x10e: {  	_ =	swait.ge [sflag:s13], $0x1000  }
0x10f: {  	[sflag:s13] =	ssyncset.done $0x0  }
0x110: {  	s7 =	sadd.s32 $0x1600, s14;
	[sflag:s13] =	ssyncadd.s32 $0xFFFFF000  }
0x111: {  	[spmem:s3] =	stream.indirect.scatter.add.f32 [tilespmem:s24], [sflag:$0x3], $0x20, s7, s16, $0xb8;
	[tilespmem:$0x1B800] =	vst v63  }
0x112: {  	p0 =	seq.s32 s19, $0x3C00;
	_ =	swait.ge [sflag:s13], $0x1000  }
0x113: {  	s5 =	sshra.s32 @!p0 s19, $0x2;
	s8 =	simm.s32 @!p0 $0x80;
	[sflag:s13] =	ssyncset.done $0x0  }
0x114: {  	s6 =	simm.s32 @!p0 $0x2800;
	s7 =	sadd.s32 @!p0 $0x500, s5;
	[sflag:s13] =	ssyncadd.s32 $0xFFFFF000  }
0x115: {  	[tilespmem:s6], [sflag:$0x1] =	stream.indirect.gather @!p0 [spmem:s2], $0x20, s7, s8, $0xb8;
	[tilespmem:$0x1B800] =	vst v63  }
0x116: {  	s6 =	sadd.s32 @!p0 $0x580, s5;
	s7 =	simm.s32 @!p0 $0x3800  }
0x117: {  	[tilespmem:s7], [sflag:$0x1] =	stream.indirect.gather @!p0 [spmem:s2], $0x20, s6, s8, $0xb8;
	[tilespmem:$0x1B800] =	vst v63  }
0x118: {  	s6 =	sadd.s32 @!p0 $0x600, s5;
	s7 =	simm.s32 @!p0 $0x4800  }
0x119: {  	[tilespmem:s7], [sflag:$0x1] =	stream.indirect.gather @!p0 [spmem:s2], $0x20, s6, s8, $0xb8;
	[tilespmem:$0x1B800] =	vst v63  }
0x11a: {  	s6 =	sadd.s32 @!p0 $0x680, s5;
	s7 =	simm.s32 @!p0 $0x5800  }
0x11b: {  	[tilespmem:s7], [sflag:$0x1] =	stream.indirect.gather @!p0 [spmem:s2], $0x20, s6, s8, $0xb8;
	[tilespmem:$0x1B800] =	vst v63  }
0x11c: {  	s5 =	sadd.s32 @!p0 $0x700, s5;
	s6 =	simm.s32 @!p0 $0x6800  }
0x11d: {  	[tilespmem:s6], [sflag:$0x1] =	stream.indirect.gather @!p0 [spmem:s2], $0x20, s5, s8, $0xb8;
	[tilespmem:$0x1B800] =	vst v63  }
0x11e: {  	_ =	swait.ge [sflag:s0], $0x1000  }
0x11f: {  	[sflag:s0] =	ssyncset.done $0x0  }
0x120: {  	[sflag:s0] =	ssyncadd.s32 $0xFFFFF000  }
0x121: {  	_ =	swait.ge [sflag:s0], $0x1000  }
0x122: {  	[sflag:s0] =	ssyncset.done $0x0  }
0x123: {  	[sflag:s0] =	ssyncadd.s32 $0xFFFFF000  }
0x124: {  	_ =	swait.ge [sflag:s0], $0x1000  }
0x125: {  	[sflag:s0] =	ssyncset.done $0x0  }
0x126: {  	[sflag:s0] =	ssyncadd.s32 $0xFFFFF000  }
0x127: {  	_ =	swait.ge [sflag:s0], $0x1000  }
0x128: {  	[sflag:s0] =	ssyncset.done $0x0  }
0x129: {  	[sflag:s0] =	ssyncadd.s32 $0xFFFFF000  }
0x12a: {  	_ =	swait.ge [sflag:s0], $0x1000  }
0x12b: {  	[sflag:s0] =	ssyncset.done $0x0  }
0x12c: {  	s8 =	sadd.s32 $0x1680, s14;
	[sflag:s0] =	ssyncadd.s32 $0xFFFFF000  }
0x12d: {  	[spmem:s3] =	stream.indirect.scatter.add.f32 [tilespmem:s25], [sflag:$0x3], $0x20, s8, s16, $0xb8;
	[tilespmem:$0x1B800] =	vst v63  }
0x12e: {  	_ =	swait.ge [sflag:s13], $0x1000  }
0x12f: {  	[sflag:s13] =	ssyncset.done $0x0  }
0x130: {  	s9 =	sadd.s32 $0x1700, s14;
	[sflag:s13] =	ssyncadd.s32 $0xFFFFF000  }
0x131: {  	[spmem:s3] =	stream.indirect.scatter.add.f32 [tilespmem:s26], [sflag:$0x3], $0x20, s9, s16, $0xb8;
	[tilespmem:$0x1B800] =	vst v63  }
0x132: {  	_ =	swait.ge [sflag:s13], $0x1000  }
0x133: {  	[sflag:s13] =	ssyncset.done $0x0  }
0x134: {  	s19 =	sadd.s32 $0x1780, s14;
	[sflag:s13] =	ssyncadd.s32 $0xFFFFF000  }
0x135: {  	[spmem:s3] =	stream.indirect.scatter.add.f32 [tilespmem:s28], [sflag:$0x3], $0x20, s19, s16, $0xb8;
	[tilespmem:$0x1B800] =	vst v63  }
0x136: {  	_ =	swait.ge [sflag:s13], $0x1000  }
0x137: {  	[sflag:s13] =	ssyncset.done $0x0  }
0x138: {  	s21 =	sadd.s32 $0x1800, s14;
	[sflag:s13] =	ssyncadd.s32 $0xFFFFF000  }
0x139: {  	[spmem:s3] =	stream.indirect.scatter.add.f32 [tilespmem:s29], [sflag:$0x3], $0x20, s21, s16, $0xb8;
	[tilespmem:$0x1B800] =	vst v63  }
0x13a: {  	_ =	swait.ge [sflag:s13], $0x1000  }
0x13b: {  	[sflag:s13] =	ssyncset.done $0x0  }
0x13c: {  	s23 =	sadd.s32 $0x1880, s14;
	[sflag:s13] =	ssyncadd.s32 $0xFFFFF000  }
0x13d: {  	[spmem:s3] =	stream.indirect.scatter.add.f32 [tilespmem:s30], [sflag:$0x3], $0x20, s23, s16, $0xb8;
	[tilespmem:$0x1B800] =	vst v63  }
0x13e: {  	_ =	swait.ge [sflag:s13], $0x1000  }
0x13f: {  	[sflag:s13] =	ssyncset.done $0x0  }
0x140: {  	[sflag:s13] =	ssyncadd.s32 $0xFFFFF000  }
0x141: {  	[bflag:$0x0] =	sbarrier.arrive $0xFFFF  }
0x142: {  	[tilespmem:s15], [sflag:$0x3] =	stream.linear.gather [spmem:s10], $0x5000, $0x38;
	[tilespmem:$0x1B800] =	vst v63  }
0x143: {  	s1 =	sadd.s32 $0x1, s1;
	_ =	swait.ge [sflag:s13], $0x5000  }
0x144: {  	p0 =	sne.s32 s1, s12;
	[sflag:s13] =	ssyncset.done $0x0  }
.Ltmp1:
0x145: {  	[sflag:s13] =	ssyncadd.s32 $0xFFFFB000;
	(pc) =	sbr.rel @p0 .LBB2_1-.Ltmp1, $4  }
0x146: {  	[hbm4b:s11+s4] =	stream.linear.scatter [tilespmem:s15], [sflag:$0x3], $0x5000, $0x38;
	[tilespmem:$0x1B800] =	vst v63  }
0x147: {  	_ =	swait.ge [sflag:s13], $0x5000  }
0x148: {  	[sflag:s13] =	ssyncset.done $0x0  }
0x149: {  	[sflag:s13] =	ssyncadd.s32 $0xFFFFB000  }
0x14a: {  	_ =	sfence.sel $0x180000  }
0x14b: {  	[bflag:$0x0] =	sbarrier.arrive $0xFFFF  }
0x14c: {  	_ =	strace $0x9000004A  }
0x14d: {  	s0 =	stileid.u32;
	[bflag:$0x2] =	sbarrier.arrive $0xFFFF  }
0x14e: {  	p0 =	sne.s32 s0, $0x0;
	s0 =	rddreg [dreg:$0x3]  }
0x14f: {  	s0 =	sadd.s32 @!p0 $0x100000, s0  }
0x150: {  	[sflag:s0] =	ssyncadd.tile.s32 @!p0 $0x1;
	_ =	shalt  }
.Lfunc_end2:
_tile_overlayer_lowered:
.L_overlay_start_2:
0x151: {  	(tag) =	ssettag $0x2  }
0x152: {  	s0 =	rddreg [dreg:$0x0];
	s2 =	stileid.u32  }
0x153: {  	s1 =	rddreg [dreg:$0x1];
	p0 =	sne.s32 s2, $0x0  }
0x154: {  	s3 =	rddreg [dreg:$0x2];
	[bflag:$0x3] =	sbarrier.arrive $0xFFFF;
	s2 =	simm.s32 @!p0 $0x1C03  }
0x155: {  	[timem:s3], [sflag:s2] =	dma.local @!p0 [hbm:s0], s1  }
0x156: {  	s0 =	simm.s32 @!p0 $0x3  }
0x157: {  	_ =	swait.ge @!p0 [sflag:s0], s1  }
0x158: {  	s1 =	ssub.s32 @!p0 $0x0, s1;
	[sflag:s0] =	ssyncset.done @!p0 $0x0  }
0x159: {  	[sflag:s0] =	ssyncadd.s32 @!p0 s1  }
0x15a: {  	[bflag:$0x3] =	sbarrier.arrive $0xFFFF  }
0x15b: {  	_ =	shalt  }

// kernel: kernel.15.cloned.1.call-start
scs
__scs_entry_jumppad:
0x0: {  	(pc) =	sbr.rel $0x88, $3  }
0x1: {  	(tag) =	ssettag $0x0;
	lr =	simm.s32 $0x1  }
0x2: {  	[smem:$0x3F9B] =	sst lr;
	_ =	strace $0xD0000000  }
0x3: {  	_ = 	snop  }
0x4: {  	_ = 	snop  }
0x5: {  	_ = 	snop  }
0x6: {  	_ = 	snop  }
0x7: {  	_ = 	snop  }
__scs_overlays_trampoline_lowered:
0x8: {  	[smem:$0x3FAA] =	sst s0  }
0x9: {  	[smem:$0x3FAB] =	sst s1  }
0xa: {  	[smem:$0x3FAC] =	sst s2  }
0xb: {  	[smem:$0x3FAD] =	sst s3  }
0xc: {  	[smem:$0x3FAE] =	sst s4  }
0xd: {  	[smem:$0x3FAF] =	sst s5  }
0xe: {  	[smem:$0x3FB0] =	sst s6  }
0xf: {  	[smem:$0x3FB1] =	sst s7  }
0x10: {  	[smem:$0x3FB2] =	sst s8  }
0x11: {  	[smem:$0x3FB3] =	sst s9;
	s0 =	simm.s32 @!p0 $0x0  }
0x12: {  	s1 =	sld [smem:$0x3F99];
	s0 =	simm.s32 @p0 $0x1  }
0x13: {  	[smem:$0x3FB4] =	sst s0;
	s0 =	simm.s32 @!p1 $0x0  }
0x14: {  	s2 =	sld [smem:$0x3F98];
	s0 =	simm.s32 @p1 $0x1  }
0x15: {  	[smem:$0x3FB5] =	sst s0;
	s0 =	simm.s32 @!p2 $0x0  }
0x16: {  	s3 =	sld [smem:$0x3FDB];
	s0 =	simm.s32 @p2 $0x1  }
0x17: {  	s4 =	simm.s32 $0x1BF5;
	[smem:$0x3FB7] =	sst s0  }
0x18: {  	s0 =	sld [smem:$0x3F9A];
	_ =	swait.ge [sflag:s4], $0x0  }
0x19: {  	s7 =	sld [smem:$0x3F9B]  }
0x1a: {  	s8 =	sadd.s32 $0xFFFFE003, lr  }
0x1b: {  	s9 =	sadd.s32 $0xFFFFFEF7, lr;
	s5 =	simm.s32 $0xFFFFFFFF;
	p2 =	slt.u32 s8, $0xFFFFF086  }
0x1c: {  	p1 =	slt.u32 s9, $0xF7A;
	s5 =	simm.s32 @!p2 $0x0  }
0x1d: {  	s5 =	simm.s32 @p1 $0x1;
	p0 =	seq.s32 s7, s2  }
0x1e: {  	s7 =	smul.u32 @!p0 $0xF7A, s2;
	p2 =	seq.s32 @!p0 s5, $0x0  }
0x1f: {  	s9 =	smul.u32 $0xF7A, s1;
	s8 =	simm.s32 @!p0 $0x1BF5;
	p2 =	por !p2, p0  }
0x20: {  	[sflag:s8] =	ssyncset.s32 @!p0 $0xFFFFF086;
	s6 =	sadd.s32 @!p0 s3, s7;
	s7 =	simm.s32 @!p0 $0x108  }
0x21: {  	s3 =	sadd.s32 s3, s9;
	s6 =	sadd.s32 @!p0 $0x88, s6;
	s7 =	simm.s32 @p2 $0x1082  }
0x22: {  	[simem:s7], [sflag:s8] =	dma.local @!p0 [hbm:s6], $0xF7A  }
0x23: {  	s9 =	sor.u32 $0xD0000000, s2;
	s6 =	simm.s32 $0x108;
	_ =	swait.ge @!p0 [sflag:s8], $0x0  }
0x24: {  	s3 =	sadd.s32 $0x88, s3;
	s6 =	simm.s32 @!p1 $0x1082;
	[sflag:s4] =	ssyncset.s32 $0xFFFFF086  }
0x25: {  	[simem:s6], [sflag:s4] =	dma.local [hbm:s3], $0xF7A  }
0x26: {  	[smem:$0x3F9B] =	sst s1;
	(tag) =	ssettag s2;
	_ =	strace s9  }
0x27: {  	s1 =	sld [smem:$0x3FAB]  }
0x28: {  	s2 =	sld [smem:$0x3FAC]  }
0x29: {  	s4 =	sld [smem:$0x3FAE]  }
0x2a: {  	p0 =	seq.s32 s5, $0x0;
	s5 =	sld [smem:$0x3FAF]  }
0x2b: {  	s6 =	sld [smem:$0x3FB0]  }
0x2c: {  	s7 =	sld [smem:$0x3FB1]  }
0x2d: {  	s3 =	simm.s32 $0x108;
	s8 =	sld [smem:$0x3FB2]  }
0x2e: {  	s3 =	simm.s32 @!p0 $0x1082;
	s9 =	sld [smem:$0x3FB3]  }
0x2f: {  	lr =	sadd.s32 s0, s3;
	s0 =	sld [smem:$0x3FAA]  }
0x30: {  	s3 =	sld [smem:$0x3FAD]  }
0x31: {  	[smem:$0x3FB6] =	sst s10  }
0x32: {  	s10 =	sld [smem:$0x3FB4];
	_ =	sdelay $0x3  }
0x33: {  	p0 =	seq.s32 s10, $0x1;
	s10 =	sld [smem:$0x3FB6];
	_ =	sdelay $0x3  }
0x34: {  	[smem:$0x3FB6] =	sst s10  }
0x35: {  	s10 =	sld [smem:$0x3FB5];
	_ =	sdelay $0x3  }
0x36: {  	p1 =	seq.s32 s10, $0x1;
	s10 =	sld [smem:$0x3FB6];
	_ =	sdelay $0x3  }
0x37: {  	[smem:$0x3FB6] =	sst s10  }
0x38: {  	s10 =	sld [smem:$0x3FB7]  }
0x39: {  	_ = 	snop;
	(pc) =	sbr.ind lr, $3  }
0x3a: {  	_ = 	snop  }
0x3b: {  	_ = 	snop  }
0x3c: {  	p2 =	seq.s32 s10, $0x1;
	s10 =	sld [smem:$0x3FB6]  }
0x3d: {  	_ =	shalt  }
0x3e: {  	_ =	shalt  }
0x3f: {  	_ =	shalt  }
0x40: {  	_ =	shalt  }
0x41: {  	_ =	shalt  }
0x42: {  	_ =	shalt  }
0x43: {  	_ =	shalt  }
0x44: {  	_ =	shalt  }
0x45: {  	_ =	shalt  }
0x46: {  	_ =	shalt  }
0x47: {  	_ =	shalt  }
0x48: {  	_ =	shalt  }
0x49: {  	_ =	shalt  }
0x4a: {  	_ =	shalt  }
0x4b: {  	_ =	shalt  }
0x4c: {  	_ =	shalt  }
0x4d: {  	_ =	shalt  }
0x4e: {  	_ =	shalt  }
0x4f: {  	_ =	shalt  }
0x50: {  	_ =	shalt  }
0x51: {  	_ =	shalt  }
0x52: {  	_ =	shalt  }
0x53: {  	_ =	shalt  }
0x54: {  	_ =	shalt  }
0x55: {  	_ =	shalt  }
0x56: {  	_ =	shalt  }
0x57: {  	_ =	shalt  }
0x58: {  	_ =	shalt  }
0x59: {  	_ =	shalt  }
0x5a: {  	_ =	shalt  }
0x5b: {  	_ =	shalt  }
0x5c: {  	_ =	shalt  }
0x5d: {  	_ =	shalt  }
0x5e: {  	_ =	shalt  }
0x5f: {  	_ =	shalt  }
0x60: {  	_ =	shalt  }
0x61: {  	_ =	shalt  }
0x62: {  	_ =	shalt  }
0x63: {  	_ =	shalt  }
0x64: {  	_ =	shalt  }
0x65: {  	_ =	shalt  }
0x66: {  	_ =	shalt  }
0x67: {  	_ =	shalt  }
0x68: {  	_ =	shalt  }
0x69: {  	_ =	shalt  }
0x6a: {  	_ =	shalt  }
0x6b: {  	_ =	shalt  }
0x6c: {  	_ =	shalt  }
0x6d: {  	_ =	shalt  }
0x6e: {  	_ =	shalt  }
0x6f: {  	_ =	shalt  }
0x70: {  	_ =	shalt  }
0x71: {  	_ =	shalt  }
0x72: {  	_ =	shalt  }
0x73: {  	_ =	shalt  }
0x74: {  	_ =	shalt  }
0x75: {  	_ =	shalt  }
0x76: {  	_ =	shalt  }
0x77: {  	_ =	shalt  }
0x78: {  	_ =	shalt  }
0x79: {  	_ =	shalt  }
0x7a: {  	_ =	shalt  }
0x7b: {  	_ =	shalt  }
0x7c: {  	_ =	shalt  }
0x7d: {  	_ =	shalt  }
0x7e: {  	_ =	shalt  }
0x7f: {  	_ =	shalt  }
0x80: {  	_ =	shalt  }
0x81: {  	_ =	shalt  }
0x82: {  	_ =	shalt  }
0x83: {  	_ =	shalt  }
0x84: {  	_ =	shalt  }
0x85: {  	_ =	shalt  }
0x86: {  	_ =	shalt  }
0x87: {  	_ =	shalt  }
.Lfunc_end0:
.L_simem_size_0:
called_computation.2_lowered:
.L_overlay_start_0:
0x88: {  	s2 =	sld [smem:$0x3FD9]  }
0x89: {  	s3 =	sld [smem:$0x3FFE];
	_ =	sdelay $0x1  }
0x8a: {  	s1 =	srdreg.scid  }
0x8b: {  	s0 =	sand.u32 $0x1, s1  }
0x8c: {  	s17 =	sshll.u32 s0, $0xA;
	s2 =	sadd.s32 s3, s2  }
0x8d: {  	s2 =	sadd.s32 s2, s17  }
0x8e: {  	[smem:$0x3FC2] =	sst s2  }
0x8f: {  	_ = 	snop  }
0x90: {  	s2 =	sld [smem:$0x3FD0];
	(tm) =	ssettm $0x1  }
0x91: {  	s18 =	sld [smem:$0x3FFB];
	_ =	sdelay $0x3  }
0x92: {  	_ =	strace s18  }
0x93: {  	s3 =	sld [smem:$0x3FFC];
	_ =	sdelay $0x3  }
0x94: {  	_ =	strace s3  }
0x95: {  	s3 =	sld [smem:$0x3FFD];
	_ =	sdelay $0x3  }
0x96: {  	_ =	strace s3  }
0x97: {  	_ =	strace $0x8FFFFFFF  }
0x98: {  	s19 =	sld [smem:$0x3FDB];
	_ =	sdelay $0x1  }
0x99: {  	s4 =	simm.s32 $_scs_section_size  }
0x9a: {  	s5 =	simm.s32 $_size__tile_overlayer_lowered;
	s6 =	simm.s32 $_tile_overlayer_lowered  }
0x9b: {  	s22 =	simm.s32 $0x1BFF;
	s21 =	sshll.u32 s6, $0x1;
	s3 =	sadd.s32 s4, s19  }
0x9c: {  	s7 =	simm.s32 $0x0;
	s20 =	sshll.u32 s5, $0x1;
	s5 =	sadd.s32 s21, s3  }
0x9d: {  	[timem:s7], [sflag:s22] =	dma.local [hbm:s5], s20  }
0x9e: {  	_ =	swait.ge [sflag:s22], s20  }
0x9f: {  	s4 =	ssub.s32 $0x0, s20;
	[sflag:s22] =	ssyncset.done $0x0  }
0xa0: {  	[sflag:s22] =	ssyncadd.s32 s4;
	_ =	sdelay $0x1  }
0xa1: {  	s23 =	simm.s32 $0x1B8B  }
0xa2: {  	_ =	swait.ge [sflag:s23], $0x1  }
0xa3: {  	[sflag:s23] =	ssyncset.done $0x0  }
0xa4: {  	s25 =	simm.s32 $0x1B8E;
	s24 =	sld [smem:$0x3FFE];
	[sflag:s23] =	ssyncadd.s32 $0xFFFFFFFF  }
0xa5: {  	s26 =	simm.s32 $execute0_lowered;
	[smem:$0x3FD2] =	sst s25  }
0xa6: {  	s5 =	sshll.u32 s26, $0x1;
	_ =	strace $0x8000004C;
	[dreg:$0x1] =	wrdreg $0xFFFFFFFF  }
0xa7: {  	s28 =	simm.s32 $_size_execute0_lowered;
	s3 =	sadd.s32 s3, s5;
	[dreg:$0x0] =	wrdreg $0x0  }
0xa8: {  	s5 =	sshll.u32 s28, $0x1;
	[dreg:$0x2] =	wrdreg s3  }
0xa9: {  	[dreg:$0x3] =	wrdreg s5  }
0xaa: {  	[dreg:$0x4] =	wrdreg $0xC0  }
0xab: {  	_ =	task [dreg:s7], $0x5FFFF  }
0xac: {  	[dreg:$0x1] =	wrdreg $0xFFFFFFFF  }
0xad: {  	[dreg:$0x0] =	wrdreg $0x60  }
0xae: {  	[dreg:$0x2] =	wrdreg s24  }
0xaf: {  	[dreg:$0x3] =	wrdreg s2  }
0xb0: {  	[dreg:$0x4] =	wrdreg $0xA0000  }
0xb1: {  	[dreg:$0x5] =	wrdreg $0x9  }
0xb2: {  	_ =	task.clear_ibuf [dreg:s7], $0x6FFFF;
	_ =	strace $0x9000004C  }
0xb3: {  	s29 =	simm.s32 $0x9;
	_ =	strace $0x8000004E  }
0xb4: {  	_ =	swait.ge [sflag:s29], $0x1  }
0xb5: {  	[sflag:s29] =	ssyncadd.s32 $0xFFFFFFFF  }
0xb6: {  	_ =	strace $0x9000004E  }
0xb7: {  	_ =	sfence  }
0xb8: {  	s30 =	sld [smem:$0x0];
	_ =	sdelay $0x2  }
0xb9: {  	s31 =	sshll.u32 s1, $0xD;
	s1 =	sshrl.u32 s1, $0x2  }
0xba: {  	s3 =	sand.u32 $0x4000, s31;
	s1 =	sadd.s32 s1, s30  }
0xbb: {  	s0 =	sor.u32 s3, s0;
	s1 =	sshll.u32 s1, $0x11  }
0xbc: {  	s0 =	sor.u32 s1, s0  }
0xbd: {  	s0 =	sadd.s32 $0x8F2B, s0  }
0xbe: {  	[sflag:s0] =	ssyncadd.remote.s32 $0x1  }
0xbf: {  	_ =	sfence.sel $0xFFFF  }
0xc0: {  	[dreg:$0x0] =	wrdreg $0xFFFFFFFF;
	(pc) =	sbr.abs _section_cstart, $3  }
0xc1: {  	[dreg:$0x1] =	wrdreg $0xFFFFFFFF  }
0xc2: {  	_ =	task.clear_ibuf [dreg:s7], $0x2FFFF;
	_ =	strace $0x9FFFFFFF  }
0xc3: {  	(tm) =	ssettm $0x7FFFFFFF  }
tec
execute0_lowered:
.L_overlay_start_1:
0x0: {  	(tag) =	ssettag $0x1  }
0x1: {  	s0 =	srdreg.scid  }
0x2: {  	s9 =	stileid.u32;
	s1 =	rddreg [dreg:$0x0]  }
0x3: {  	s8 =	rddreg [dreg:$0x2];
	s3 =	simm.s32 $0x0;
	s26 =	simm.s32 $0x1  }
0x4: {  	s29 =	simm.s32 $0x2800;
	s30 =	simm.s32 $0x5000;
	s0 =	sand.u32 $0x1, s0  }
0x5: {  	s2 =	sshll.u32 s9, $0x1;
	s7 =	smul.u32 $0x280, s9;
	[smem:$0x7FF] =	sst s3  }
0x6: {  	s4 =	sadd.s32 $0x6200, s1;
	s9 =	smul.u32 $0xA000, s9;
	s2 =	sor.u32 s0, s2  }
0x7: {  	s5 =	smul.u32 $0x2800, s0;
	_ =	strace $0x8000004D;
	s0 =	ssub.s32 $0x2, s0  }
0x8: {  	s2 =	smul.u32 $0x280, s2;
	s6 =	sshrl.u32 s0, $0x1;
	s31 =	sshrl.u32 s9, $0x2  }
0x9: {  	s5 =	sadd.s32 s7, s5;
	s0 =	ssub.s32 s0, s6;
	s7 =	sadd.s32 s7, s8  }
0xa: {  	s8 =	sadd.s32 s31, s8;
	s2 =	sadd.s32 s2, s1;
	s5 =	sshrl.u32 s5, $0x3  }
0xb: {  	s9 =	sadd.s32 $0x2800, s7;
	s10 =	sadd.s32 $0x5000, s7;
	s11 =	sadd.s32 $0x7800, s7  }
0xc: {  	s12 =	sadd.s32 $0xA000, s7;
	s13 =	sadd.s32 $0xC800, s7;
	s14 =	sadd.s32 $0xF000, s7  }
0xd: {  	s15 =	sadd.s32 $0x11800, s7;
	s16 =	sadd.s32 $0x14000, s7;
	s17 =	sadd.s32 $0x16800, s7  }
0xe: {  	s18 =	sadd.s32 $0x19000, s7;
	s19 =	sadd.s32 $0x1B800, s7;
	s20 =	sadd.s32 $0x1E000, s7  }
0xf: {  	s21 =	sadd.s32 $0x20800, s7;
	s22 =	sadd.s32 $0x23000, s7;
	s23 =	sadd.s32 $0x25800, s7  }
0x10: {  	s25 =	smax.u32 s0, $0x1;
	s1 =	sadd.s32 s5, s1;
	s5 =	sadd.s32 $0x6C00, s2  }
0x11: {  	s6 =	sadd.s32 $0x1200, s2;
	s24 =	sadd.s32 $0xBC00, s1;
	s1 =	simm.s32 $0x0  }
.LBB2_1:
0x12: {  	[tilespmem:s3], [sflag:$0x1] =	stream.linear.gather [hbm4b:s5+s3], $0x1400, $0x38;
	[tilespmem:$0xC800] =	vst v63  }
0x13: {  	_ =	swait.ge [sflag:s26], $0x1400  }
0x14: {  	[sflag:s26] =	ssyncset.done $0x0  }
0x15: {  	s0 =	simm.s32 $0x1400;
	[sflag:s26] =	ssyncadd.s32 $0xFFFFEC00  }
0x16: {  	[tilespmem:s0], [sflag:$0x1] =	stream.linear.gather [hbm4b:s6+s3], $0x1400, $0x38;
	[tilespmem:$0xC800] =	vst v63  }
0x17: {  	_ =	swait.ge [sflag:s26], $0x1400  }
0x18: {  	[sflag:s26] =	ssyncset.done $0x0  }
0x19: {  	[sflag:s26] =	ssyncadd.s32 $0xFFFFEC00  }
0x1a: {  	[tilespmem:s29], [sflag:$0x1] =	stream.linear.gather [hbm4b:s4+s3], $0x2800, $0x38;
	[tilespmem:$0xC800] =	vst v63  }
0x1b: {  	_ =	swait.ge [sflag:s26], $0x2800  }
0x1c: {  	[sflag:s26] =	ssyncset.done $0x0  }
0x1d: {  	[sflag:s26] =	ssyncadd.s32 $0xFFFFD800  }
0x1e: {  	s31 =	rddreg [dreg:$0x1]  }
0x1f: {  	[tilespmem:s30], [sflag:$0x1] =	stream.linear.gather [hbm4b:s31+s3], $0x2800, $0x38;
	[tilespmem:$0xC800] =	vst v63  }
0x20: {  	_ =	swait.ge [sflag:s26], $0x2800  }
0x21: {  	[sflag:s26] =	ssyncset.done $0x0  }
0x22: {  	s2 =	simm.s32 $0x0;
	s0 =	simm.s32 $0x40;
	[sflag:s26] =	ssyncadd.s32 $0xFFFFD800  }
.LBB2_2:
0x23: {  	p0 =	sne.s32 s0, $0x4FC0;
	v0 =	vld [tilespmem:s2+$0x0];
	_ =	sdelay $0x5  }
0x24: {  	v1 =	vld [tilespmem:s2+$0x1400];
	_ =	sdelay $0x1  }
0x25: {  	v0 =	vld.idx.msk [tilespmem:v0+s29+$0x0], $0xffff;
	_ =	sdelay $0x1  }
.Ltmp0:
0x26: {  	(pc) =	sbr.rel @p0 .LBB2_2-.Ltmp0, $2  }
0x27: {  	_ =	sdelay $0x2  }
0x28: {  	s2 =	sshra.s32 s0, $0x2;
	s0 =	sadd.s32 $0x40, s0;
	[tilespmem:v1+s30+$0x0] =	vst.idx.add.f32.msk $0xffff, v0  }
0x29: {  	v0 =	vld [tilespmem:s2+$0x0];
	_ =	sdelay $0x4  }
0x2a: {  	v1 =	vld [tilespmem:s2+$0x1400];
	_ =	sdelay $0x2  }
0x2b: {  	v0 =	vld.idx.msk [tilespmem:v0+s29+$0x0], $0xffff;
	_ =	sdelay $0x4  }
0x2c: {  	[tilespmem:v1+s30+$0x0] =	vst.idx.add.f32.msk $0xffff, v0  }
0x2d: {  	[spmem:s8] =	stream.linear.scatter [tilespmem:s30], [sflag:$0x1], $0x2800, $0x38;
	[tilespmem:$0xC800] =	vst v63  }
0x2e: {  	_ =	swait.ge [sflag:s26], $0x2800  }
0x2f: {  	[sflag:s26] =	ssyncset.done $0x0  }
0x30: {  	[sflag:s26] =	ssyncadd.s32 $0xFFFFD800  }
0x31: {  	s0 =	simm.s32 $0x7800;
	[bflag:$0x0] =	sbarrier.arrive $0xFFFF  }
0x32: {  	[tilespmem:s0], [sflag:$0x1] =	stream.linear.gather [spmem:s7], $0x280, $0x38;
	[tilespmem:$0xC800] =	vst v63  }
0x33: {  	_ =	swait.ge [sflag:s26], $0x280  }
0x34: {  	[sflag:s26] =	ssyncset.done $0x0  }
0x35: {  	s2 =	simm.s32 $0x7A80;
	[sflag:s26] =	ssyncadd.s32 $0xFFFFFD80  }
0x36: {  	[tilespmem:s2], [sflag:$0x1] =	stream.linear.gather [spmem:s9], $0x280, $0x38;
	[tilespmem:$0xC800] =	vst v63  }
0x37: {  	_ =	swait.ge [sflag:s26], $0x280  }
0x38: {  	[sflag:s26] =	ssyncset.done $0x0  }
0x39: {  	s2 =	simm.s32 $0x7D00;
	[sflag:s26] =	ssyncadd.s32 $0xFFFFFD80  }
0x3a: {  	[tilespmem:s2], [sflag:$0x1] =	stream.linear.gather [spmem:s10], $0x280, $0x38;
	[tilespmem:$0xC800] =	vst v63  }
0x3b: {  	_ =	swait.ge [sflag:s26], $0x280  }
0x3c: {  	[sflag:s26] =	ssyncset.done $0x0  }
0x3d: {  	s2 =	simm.s32 $0x7F80;
	[sflag:s26] =	ssyncadd.s32 $0xFFFFFD80  }
0x3e: {  	[tilespmem:s2], [sflag:$0x1] =	stream.linear.gather [spmem:s11], $0x280, $0x38;
	[tilespmem:$0xC800] =	vst v63  }
0x3f: {  	_ =	swait.ge [sflag:s26], $0x280  }
0x40: {  	[sflag:s26] =	ssyncset.done $0x0  }
0x41: {  	s2 =	simm.s32 $0x8200;
	[sflag:s26] =	ssyncadd.s32 $0xFFFFFD80  }
0x42: {  	[tilespmem:s2], [sflag:$0x1] =	stream.linear.gather [spmem:s12], $0x280, $0x38;
	[tilespmem:$0xC800] =	vst v63  }
0x43: {  	_ =	swait.ge [sflag:s26], $0x280  }
0x44: {  	[sflag:s26] =	ssyncset.done $0x0  }
0x45: {  	s2 =	simm.s32 $0x8480;
	[sflag:s26] =	ssyncadd.s32 $0xFFFFFD80  }
0x46: {  	[tilespmem:s2], [sflag:$0x1] =	stream.linear.gather [spmem:s13], $0x280, $0x38;
	[tilespmem:$0xC800] =	vst v63  }
0x47: {  	_ =	swait.ge [sflag:s26], $0x280  }
0x48: {  	[sflag:s26] =	ssyncset.done $0x0  }
0x49: {  	s2 =	simm.s32 $0x8700;
	[sflag:s26] =	ssyncadd.s32 $0xFFFFFD80  }
0x4a: {  	[tilespmem:s2], [sflag:$0x1] =	stream.linear.gather [spmem:s14], $0x280, $0x38;
	[tilespmem:$0xC800] =	vst v63  }
0x4b: {  	_ =	swait.ge [sflag:s26], $0x280  }
0x4c: {  	[sflag:s26] =	ssyncset.done $0x0  }
0x4d: {  	s2 =	simm.s32 $0x8980;
	[sflag:s26] =	ssyncadd.s32 $0xFFFFFD80  }
0x4e: {  	[tilespmem:s2], [sflag:$0x1] =	stream.linear.gather [spmem:s15], $0x280, $0x38;
	[tilespmem:$0xC800] =	vst v63  }
0x4f: {  	_ =	swait.ge [sflag:s26], $0x280  }
0x50: {  	[sflag:s26] =	ssyncset.done $0x0  }
0x51: {  	s2 =	simm.s32 $0x8C00;
	[sflag:s26] =	ssyncadd.s32 $0xFFFFFD80  }
0x52: {  	[tilespmem:s2], [sflag:$0x1] =	stream.linear.gather [spmem:s16], $0x280, $0x38;
	[tilespmem:$0xC800] =	vst v63  }
0x53: {  	_ =	swait.ge [sflag:s26], $0x280  }
0x54: {  	[sflag:s26] =	ssyncset.done $0x0  }
0x55: {  	s2 =	simm.s32 $0x8E80;
	[sflag:s26] =	ssyncadd.s32 $0xFFFFFD80  }
0x56: {  	[tilespmem:s2], [sflag:$0x1] =	stream.linear.gather [spmem:s17], $0x280, $0x38;
	[tilespmem:$0xC800] =	vst v63  }
0x57: {  	_ =	swait.ge [sflag:s26], $0x280  }
0x58: {  	[sflag:s26] =	ssyncset.done $0x0  }
0x59: {  	s2 =	simm.s32 $0x9100;
	[sflag:s26] =	ssyncadd.s32 $0xFFFFFD80  }
0x5a: {  	[tilespmem:s2], [sflag:$0x1] =	stream.linear.gather [spmem:s18], $0x280, $0x38;
	[tilespmem:$0xC800] =	vst v63  }
0x5b: {  	_ =	swait.ge [sflag:s26], $0x280  }
0x5c: {  	[sflag:s26] =	ssyncset.done $0x0  }
0x5d: {  	s2 =	simm.s32 $0x9380;
	[sflag:s26] =	ssyncadd.s32 $0xFFFFFD80  }
0x5e: {  	[tilespmem:s2], [sflag:$0x1] =	stream.linear.gather [spmem:s19], $0x280, $0x38;
	[tilespmem:$0xC800] =	vst v63  }
0x5f: {  	_ =	swait.ge [sflag:s26], $0x280  }
0x60: {  	[sflag:s26] =	ssyncset.done $0x0  }
0x61: {  	s2 =	simm.s32 $0x9600;
	[sflag:s26] =	ssyncadd.s32 $0xFFFFFD80  }
0x62: {  	[tilespmem:s2], [sflag:$0x1] =	stream.linear.gather [spmem:s20], $0x280, $0x38;
	[tilespmem:$0xC800] =	vst v63  }
0x63: {  	_ =	swait.ge [sflag:s26], $0x280  }
0x64: {  	[sflag:s26] =	ssyncset.done $0x0  }
0x65: {  	s2 =	simm.s32 $0x9880;
	[sflag:s26] =	ssyncadd.s32 $0xFFFFFD80  }
0x66: {  	[tilespmem:s2], [sflag:$0x1] =	stream.linear.gather [spmem:s21], $0x280, $0x38;
	[tilespmem:$0xC800] =	vst v63  }
0x67: {  	_ =	swait.ge [sflag:s26], $0x280  }
0x68: {  	[sflag:s26] =	ssyncset.done $0x0  }
0x69: {  	s2 =	simm.s32 $0x9B00;
	[sflag:s26] =	ssyncadd.s32 $0xFFFFFD80  }
0x6a: {  	[tilespmem:s2], [sflag:$0x1] =	stream.linear.gather [spmem:s22], $0x280, $0x38;
	[tilespmem:$0xC800] =	vst v63  }
0x6b: {  	_ =	swait.ge [sflag:s26], $0x280  }
0x6c: {  	[sflag:s26] =	ssyncset.done $0x0  }
0x6d: {  	s2 =	simm.s32 $0x9D80;
	[sflag:s26] =	ssyncadd.s32 $0xFFFFFD80  }
0x6e: {  	[tilespmem:s2], [sflag:$0x1] =	stream.linear.gather [spmem:s23], $0x280, $0x38;
	[tilespmem:$0xC800] =	vst v63  }
0x6f: {  	_ =	swait.ge [sflag:s26], $0x280  }
0x70: {  	[sflag:s26] =	ssyncset.done $0x0  }
0x71: {  	s2 =	simm.s32 $0x0;
	[sflag:s26] =	ssyncadd.s32 $0xFFFFFD80  }
0x72: {  	v0 =	vld [tilespmem:s2+$0x7800]  }
0x73: {  	v1 =	vld [tilespmem:s2+$0x7A80];
	_ =	sdelay $0x1  }
0x74: {  	v2 =	vld [tilespmem:s2+$0x7D00];
	_ =	sdelay $0x1  }
0x75: {  	v3 =	vld [tilespmem:s2+$0x7F80]  }
0x76: {  	v0 =	vadd.f32 v1, v0  }
0x77: {  	v1 =	vld [tilespmem:s2+$0x8200]  }
0x78: {  	v0 =	vadd.f32 v2, v0  }
0x79: {  	v2 =	vld [tilespmem:s2+$0x8480]  }
0x7a: {  	v0 =	vadd.f32 v3, v0  }
0x7b: {  	v3 =	vld [tilespmem:s2+$0x8700]  }
0x7c: {  	v0 =	vadd.f32 v1, v0  }
0x7d: {  	v1 =	vld [tilespmem:s2+$0x8980]  }
0x7e: {  	s0 =	simm.s32 $0x10;
	v4 =	vld [tilespmem:s2+$0x8C00];
	v0 =	vadd.f32 v2, v0  }
0x7f: {  	v5 =	vld [tilespmem:s0+$0x7800]  }
0x80: {  	v2 =	vld [tilespmem:s2+$0x8E80];
	v0 =	vadd.f32 v3, v0  }
0x81: {  	v3 =	vld [tilespmem:s0+$0x7A80]  }
0x82: {  	v6 =	vld [tilespmem:s0+$0x7D00];
	v0 =	vadd.f32 v1, v0  }
0x83: {  	v1 =	vld [tilespmem:s2+$0x9100]  }
0x84: {  	v7 =	vld [tilespmem:s0+$0x7F80];
	v0 =	vadd.f32 v4, v0  }
0x85: {  	v4 =	vld [tilespmem:s2+$0x9380]  }
0x86: {  	v3 =	vadd.f32 v3, v5;
	v5 =	vld [tilespmem:s0+$0x8200];
	v0 =	vadd.f32 v2, v0  }
0x87: {  	v2 =	vld [tilespmem:s2+$0x9600]  }
0x88: {  	v3 =	vadd.f32 v6, v3;
	v6 =	vld [tilespmem:s0+$0x8480];
	v0 =	vadd.f32 v1, v0  }
0x89: {  	v1 =	vld [tilespmem:s2+$0x9880]  }
0x8a: {  	v8 =	vld [tilespmem:s0+$0x8700];
	v3 =	vadd.f32 v7, v3;
	v0 =	vadd.f32 v4, v0  }
0x8b: {  	v7 =	vld [tilespmem:s2+$0x9B00]  }
0x8c: {  	v4 =	vadd.f32 v5, v3;
	v3 =	vld [tilespmem:s0+$0x8980];
	v5 =	vadd.f32 v2, v0  }
0x8d: {  	v2 =	vld [tilespmem:s2+$0x9D80]  }
0x8e: {  	v0 =	vld [tilespmem:s0+$0x8E80];
	v6 =	vadd.f32 v6, v4;
	v9 =	vadd.f32 v1, v5  }
0x8f: {  	s28 =	simm.s32 $0x20;
	v4 =	vld [tilespmem:s0+$0x8C00]  }
0x90: {  	s31 =	simm.s32 $0xC0;
	v1 =	vld [tilespmem:s28+$0x7800];
	v5 =	vadd.f32 v8, v6;
	v6 =	vadd.f32 v7, v9  }
.LBB2_4:
0x91: {  	p0 =	sne.s32 s31, $0x9C0;
	v7 =	vld [tilespmem:s28+$0x7A80]  }
0x92: {  	v3 =	vadd.f32 v3, v5;
	v5 =	vld [tilespmem:s0+$0x9100];
	v2 =	vadd.f32 v2, v6  }
0x93: {  	v6 =	vld [tilespmem:s28+$0x7D00]  }
0x94: {  	v3 =	vadd.f32 v4, v3;
	v4 =	vld [tilespmem:s0+$0x9380];
	[tilespmem:s2+$0x5000] =	vst v2;
	s2 =	smov.u32 s0;
	s0 =	smov.u32 s28  }
0x95: {  	v2 =	vld [tilespmem:s0+$0x7F80]  }
0x96: {  	v1 =	vadd.f32 v7, v1;
	v0 =	vadd.f32 v0, v3;
	v3 =	vld [tilespmem:s2+$0x9600]  }
0x97: {  	v7 =	vld [tilespmem:s0+$0x8200]  }
0x98: {  	v1 =	vadd.f32 v6, v1;
	v0 =	vadd.f32 v5, v0;
	v5 =	vld [tilespmem:s2+$0x9880]  }
0x99: {  	v6 =	vld [tilespmem:s0+$0x8480]  }
0x9a: {  	v1 =	vadd.f32 v2, v1;
	v0 =	vadd.f32 v4, v0;
	v8 =	vld [tilespmem:s2+$0x9B00]  }
0x9b: {  	v9 =	vld [tilespmem:s0+$0x8700]  }
.Ltmp1:
0x9c: {  	v1 =	vadd.f32 v7, v1;
	v4 =	vadd.f32 v3, v0;
	v2 =	vld [tilespmem:s2+$0x9D80];
	(pc) =	sbr.rel @p0 .LBB2_4-.Ltmp1, $4  }
0x9d: {  	v3 =	vld [tilespmem:s0+$0x8980]  }
0x9e: {  	v6 =	vadd.f32 v6, v1;
	v0 =	vld [tilespmem:s0+$0x8E80];
	v7 =	vadd.f32 v5, v4  }
0x9f: {  	s28 =	sshra.s32 s31, $0x2;
	v4 =	vld [tilespmem:s0+$0x8C00]  }
0xa0: {  	s31 =	sadd.s32 $0x40, s31;
	v1 =	vld [tilespmem:s28+$0x7800];
	v5 =	vadd.f32 v9, v6;
	v6 =	vadd.f32 v8, v7  }
0xa1: {  	v7 =	vld [tilespmem:s28+$0x7A80]  }
0xa2: {  	v8 =	vld [tilespmem:s0+$0x9100];
	v2 =	vadd.f32 v2, v6  }
0xa3: {  	v46 =	vld [tilespmem:s28+$0x7D00]  }
0xa4: {  	v9 =	vld [tilespmem:s0+$0x9380];
	v3 =	vadd.f32 v3, v5;
	[tilespmem:s2+$0x5000] =	vst v2  }
0xa5: {  	v2 =	vld [tilespmem:s28+$0x7F80]  }
0xa6: {  	v3 =	vadd.f32 v4, v3;
	v1 =	vadd.f32 v7, v1  }
0xa7: {  	v47 =	vld [tilespmem:s28+$0x8200]  }
0xa8: {  	v48 =	vld [tilespmem:s0+$0x9600];
	v0 =	vadd.f32 v0, v3;
	v1 =	vadd.f32 v46, v1  }
0xa9: {  	v49 =	vld [tilespmem:s28+$0x8480]  }
0xaa: {  	v50 =	vld [tilespmem:s0+$0x9880];
	v0 =	vadd.f32 v8, v0;
	v1 =	vadd.f32 v2, v1  }
0xab: {  	v51 =	vld [tilespmem:s28+$0x8700]  }
0xac: {  	v52 =	vld [tilespmem:s0+$0x9B00];
	v0 =	vadd.f32 v9, v0;
	v1 =	vadd.f32 v47, v1  }
0xad: {  	v53 =	vld [tilespmem:s28+$0x8980]  }
0xae: {  	v54 =	vld [tilespmem:s0+$0x9D80];
	v0 =	vadd.f32 v48, v0;
	v1 =	vadd.f32 v49, v1  }
0xaf: {  	v55 =	vld [tilespmem:s28+$0x8C00]  }
0xb0: {  	v0 =	vadd.f32 v50, v0;
	v1 =	vadd.f32 v51, v1  }
0xb1: {  	v56 =	vld [tilespmem:s28+$0x8E80]  }
0xb2: {  	v0 =	vadd.f32 v52, v0;
	v1 =	vadd.f32 v53, v1  }
0xb3: {  	v57 =	vld [tilespmem:s28+$0x9100]  }
0xb4: {  	v0 =	vadd.f32 v54, v0;
	v1 =	vadd.f32 v55, v1  }
0xb5: {  	v58 =	vld [tilespmem:s28+$0x9380]  }
0xb6: {  	[tilespmem:s0+$0x5000] =	vst v0;
	v59 =	vadd.f32 v56, v1  }
0xb7: {  	v60 =	vld [tilespmem:s28+$0x9600]  }
0xb8: {  	v0 =	vadd.f32 v57, v59  }
0xb9: {  	v61 =	vld [tilespmem:s28+$0x9880]  }
0xba: {  	v0 =	vadd.f32 v58, v0  }
0xbb: {  	v62 =	vld [tilespmem:s28+$0x9B00]  }
0xbc: {  	v0 =	vadd.f32 v60, v0  }
0xbd: {  	v63 =	vld [tilespmem:s28+$0x9D80]  }
0xbe: {  	v0 =	vadd.f32 v61, v0;
	_ =	sdelay $0x1  }
0xbf: {  	v0 =	vadd.f32 v62, v0;
	_ =	sdelay $0x1  }
0xc0: {  	s1 =	sadd.s32 $0x1, s1;
	v0 =	vadd.f32 v63, v0  }
0xc1: {  	p0 =	sne.s32 s1, s25  }
.Ltmp2:
0xc2: {  	[tilespmem:s28+$0x5000] =	vst v0;
	(pc) =	sbr.rel @p0 .LBB2_1-.Ltmp2, $4  }
0xc3: {  	[hbm4b:s24+s3] =	stream.linear.scatter [tilespmem:s30], [sflag:$0x1], $0x280, $0x38;
	[tilespmem:$0xC800] =	vst v63  }
0xc4: {  	_ =	swait.ge [sflag:s26], $0x280  }
0xc5: {  	[sflag:s26] =	ssyncset.done $0x0  }
0xc6: {  	[sflag:s26] =	ssyncadd.s32 $0xFFFFFD80  }
0xc7: {  	_ =	sfence.sel $0x180000  }
0xc8: {  	[bflag:$0x0] =	sbarrier.arrive $0xFFFF  }
0xc9: {  	_ =	strace $0x9000004D  }
0xca: {  	s0 =	stileid.u32;
	[bflag:$0x2] =	sbarrier.arrive $0xFFFF  }
0xcb: {  	p0 =	sne.s32 s0, $0x0;
	s0 =	rddreg [dreg:$0x3]  }
0xcc: {  	s0 =	sadd.s32 @!p0 $0x100000, s0  }
0xcd: {  	[sflag:s0] =	ssyncadd.tile.s32 @!p0 $0x1;
	_ =	shalt  }
.Lfunc_end2:
_tile_overlayer_lowered:
.L_overlay_start_2:
0xce: {  	(tag) =	ssettag $0x2  }
0xcf: {  	s0 =	rddreg [dreg:$0x0];
	s2 =	stileid.u32  }
0xd0: {  	s1 =	rddreg [dreg:$0x1];
	p0 =	sne.s32 s2, $0x0  }
0xd1: {  	s3 =	rddreg [dreg:$0x2];
	[bflag:$0x3] =	sbarrier.arrive $0xFFFF;
	s2 =	simm.s32 @!p0 $0x1C01  }
0xd2: {  	[timem:s3], [sflag:s2] =	dma.local @!p0 [hbm:s0], s1  }
0xd3: {  	s0 =	simm.s32 @!p0 $0x1  }
0xd4: {  	_ =	swait.ge @!p0 [sflag:s0], s1  }
0xd5: {  	s1 =	ssub.s32 @!p0 $0x0, s1;
	[sflag:s0] =	ssyncset.done @!p0 $0x0  }
0xd6: {  	[sflag:s0] =	ssyncadd.s32 @!p0 s1  }
0xd7: {  	[bflag:$0x3] =	sbarrier.arrive $0xFFFF  }
0xd8: {  	_ =	shalt  }

// kernel: kernel.9.cloned.1.call-start
scs
__scs_entry_jumppad:
0x0: {  	(pc) =	sbr.rel $0x88, $3  }
0x1: {  	(tag) =	ssettag $0x0;
	lr =	simm.s32 $0x1  }
0x2: {  	[smem:$0x3F9B] =	sst lr;
	_ =	strace $0xD0000000  }
0x3: {  	_ = 	snop  }
0x4: {  	_ = 	snop  }
0x5: {  	_ = 	snop  }
0x6: {  	_ = 	snop  }
0x7: {  	_ = 	snop  }
__scs_overlays_trampoline_lowered:
0x8: {  	[smem:$0x3FAA] =	sst s0  }
0x9: {  	[smem:$0x3FAB] =	sst s1  }
0xa: {  	[smem:$0x3FAC] =	sst s2  }
0xb: {  	[smem:$0x3FAD] =	sst s3  }
0xc: {  	[smem:$0x3FAE] =	sst s4  }
0xd: {  	[smem:$0x3FAF] =	sst s5  }
0xe: {  	[smem:$0x3FB0] =	sst s6  }
0xf: {  	[smem:$0x3FB1] =	sst s7  }
0x10: {  	[smem:$0x3FB2] =	sst s8  }
0x11: {  	[smem:$0x3FB3] =	sst s9;
	s0 =	simm.s32 @!p0 $0x0  }
0x12: {  	s1 =	sld [smem:$0x3F99];
	s0 =	simm.s32 @p0 $0x1  }
0x13: {  	[smem:$0x3FB4] =	sst s0;
	s0 =	simm.s32 @!p1 $0x0  }
0x14: {  	s2 =	sld [smem:$0x3F98];
	s0 =	simm.s32 @p1 $0x1  }
0x15: {  	[smem:$0x3FB5] =	sst s0;
	s0 =	simm.s32 @!p2 $0x0  }
0x16: {  	s3 =	sld [smem:$0x3FDB];
	s0 =	simm.s32 @p2 $0x1  }
0x17: {  	s4 =	simm.s32 $0x1BF5;
	[smem:$0x3FB7] =	sst s0  }
0x18: {  	s0 =	sld [smem:$0x3F9A];
	_ =	swait.ge [sflag:s4], $0x0  }
0x19: {  	s7 =	sld [smem:$0x3F9B]  }
0x1a: {  	s8 =	sadd.s32 $0xFFFFE003, lr  }
0x1b: {  	s9 =	sadd.s32 $0xFFFFFEF7, lr;
	s5 =	simm.s32 $0xFFFFFFFF;
	p2 =	slt.u32 s8, $0xFFFFF086  }
0x1c: {  	p1 =	slt.u32 s9, $0xF7A;
	s5 =	simm.s32 @!p2 $0x0  }
0x1d: {  	s5 =	simm.s32 @p1 $0x1;
	p0 =	seq.s32 s7, s2  }
0x1e: {  	s7 =	smul.u32 @!p0 $0xF7A, s2;
	p2 =	seq.s32 @!p0 s5, $0x0  }
0x1f: {  	s9 =	smul.u32 $0xF7A, s1;
	s8 =	simm.s32 @!p0 $0x1BF5;
	p2 =	por !p2, p0  }
0x20: {  	[sflag:s8] =	ssyncset.s32 @!p0 $0xFFFFF086;
	s6 =	sadd.s32 @!p0 s3, s7;
	s7 =	simm.s32 @!p0 $0x108  }
0x21: {  	s3 =	sadd.s32 s3, s9;
	s6 =	sadd.s32 @!p0 $0x88, s6;
	s7 =	simm.s32 @p2 $0x1082  }
0x22: {  	[simem:s7], [sflag:s8] =	dma.local @!p0 [hbm:s6], $0xF7A  }
0x23: {  	s9 =	sor.u32 $0xD0000000, s2;
	s6 =	simm.s32 $0x108;
	_ =	swait.ge @!p0 [sflag:s8], $0x0  }
0x24: {  	s3 =	sadd.s32 $0x88, s3;
	s6 =	simm.s32 @!p1 $0x1082;
	[sflag:s4] =	ssyncset.s32 $0xFFFFF086  }
0x25: {  	[simem:s6], [sflag:s4] =	dma.local [hbm:s3], $0xF7A  }
0x26: {  	[smem:$0x3F9B] =	sst s1;
	(tag) =	ssettag s2;
	_ =	strace s9  }
0x27: {  	s1 =	sld [smem:$0x3FAB]  }
0x28: {  	s2 =	sld [smem:$0x3FAC]  }
0x29: {  	s4 =	sld [smem:$0x3FAE]  }
0x2a: {  	p0 =	seq.s32 s5, $0x0;
	s5 =	sld [smem:$0x3FAF]  }
0x2b: {  	s6 =	sld [smem:$0x3FB0]  }
0x2c: {  	s7 =	sld [smem:$0x3FB1]  }
0x2d: {  	s3 =	simm.s32 $0x108;
	s8 =	sld [smem:$0x3FB2]  }
0x2e: {  	s3 =	simm.s32 @!p0 $0x1082;
	s9 =	sld [smem:$0x3FB3]  }
0x2f: {  	lr =	sadd.s32 s0, s3;
	s0 =	sld [smem:$0x3FAA]  }
0x30: {  	s3 =	sld [smem:$0x3FAD]  }
0x31: {  	[smem:$0x3FB6] =	sst s10  }
0x32: {  	s10 =	sld [smem:$0x3FB4];
	_ =	sdelay $0x3  }
0x33: {  	p0 =	seq.s32 s10, $0x1;
	s10 =	sld [smem:$0x3FB6];
	_ =	sdelay $0x3  }
0x34: {  	[smem:$0x3FB6] =	sst s10  }
0x35: {  	s10 =	sld [smem:$0x3FB5];
	_ =	sdelay $0x3  }
0x36: {  	p1 =	seq.s32 s10, $0x1;
	s10 =	sld [smem:$0x3FB6];
	_ =	sdelay $0x3  }
0x37: {  	[smem:$0x3FB6] =	sst s10  }
0x38: {  	s10 =	sld [smem:$0x3FB7]  }
0x39: {  	_ = 	snop;
	(pc) =	sbr.ind lr, $3  }
0x3a: {  	_ = 	snop  }
0x3b: {  	_ = 	snop  }
0x3c: {  	p2 =	seq.s32 s10, $0x1;
	s10 =	sld [smem:$0x3FB6]  }
0x3d: {  	_ =	shalt  }
0x3e: {  	_ =	shalt  }
0x3f: {  	_ =	shalt  }
0x40: {  	_ =	shalt  }
0x41: {  	_ =	shalt  }
0x42: {  	_ =	shalt  }
0x43: {  	_ =	shalt  }
0x44: {  	_ =	shalt  }
0x45: {  	_ =	shalt  }
0x46: {  	_ =	shalt  }
0x47: {  	_ =	shalt  }
0x48: {  	_ =	shalt  }
0x49: {  	_ =	shalt  }
0x4a: {  	_ =	shalt  }
0x4b: {  	_ =	shalt  }
0x4c: {  	_ =	shalt  }
0x4d: {  	_ =	shalt  }
0x4e: {  	_ =	shalt  }
0x4f: {  	_ =	shalt  }
0x50: {  	_ =	shalt  }
0x51: {  	_ =	shalt  }
0x52: {  	_ =	shalt  }
0x53: {  	_ =	shalt  }
0x54: {  	_ =	shalt  }
0x55: {  	_ =	shalt  }
0x56: {  	_ =	shalt  }
0x57: {  	_ =	shalt  }
0x58: {  	_ =	shalt  }
0x59: {  	_ =	shalt  }
0x5a: {  	_ =	shalt  }
0x5b: {  	_ =	shalt  }
0x5c: {  	_ =	shalt  }
0x5d: {  	_ =	shalt  }
0x5e: {  	_ =	shalt  }
0x5f: {  	_ =	shalt  }
0x60: {  	_ =	shalt  }
0x61: {  	_ =	shalt  }
0x62: {  	_ =	shalt  }
0x63: {  	_ =	shalt  }
0x64: {  	_ =	shalt  }
0x65: {  	_ =	shalt  }
0x66: {  	_ =	shalt  }
0x67: {  	_ =	shalt  }
0x68: {  	_ =	shalt  }
0x69: {  	_ =	shalt  }
0x6a: {  	_ =	shalt  }
0x6b: {  	_ =	shalt  }
0x6c: {  	_ =	shalt  }
0x6d: {  	_ =	shalt  }
0x6e: {  	_ =	shalt  }
0x6f: {  	_ =	shalt  }
0x70: {  	_ =	shalt  }
0x71: {  	_ =	shalt  }
0x72: {  	_ =	shalt  }
0x73: {  	_ =	shalt  }
0x74: {  	_ =	shalt  }
0x75: {  	_ =	shalt  }
0x76: {  	_ =	shalt  }
0x77: {  	_ =	shalt  }
0x78: {  	_ =	shalt  }
0x79: {  	_ =	shalt  }
0x7a: {  	_ =	shalt  }
0x7b: {  	_ =	shalt  }
0x7c: {  	_ =	shalt  }
0x7d: {  	_ =	shalt  }
0x7e: {  	_ =	shalt  }
0x7f: {  	_ =	shalt  }
0x80: {  	_ =	shalt  }
0x81: {  	_ =	shalt  }
0x82: {  	_ =	shalt  }
0x83: {  	_ =	shalt  }
0x84: {  	_ =	shalt  }
0x85: {  	_ =	shalt  }
0x86: {  	_ =	shalt  }
0x87: {  	_ =	shalt  }
.Lfunc_end0:
.L_simem_size_0:
called_computation_lowered:
.L_overlay_start_0:
0x88: {  	s2 =	sld [smem:$0x3FD9]  }
0x89: {  	s3 =	sld [smem:$0x3FFE];
	_ =	sdelay $0x1  }
0x8a: {  	s1 =	srdreg.scid  }
0x8b: {  	s0 =	sand.u32 $0x1, s1  }
0x8c: {  	s17 =	sshll.u32 s0, $0xA;
	s2 =	sadd.s32 s3, s2  }
0x8d: {  	s2 =	sadd.s32 s2, s17  }
0x8e: {  	[smem:$0x3FC2] =	sst s2  }
0x8f: {  	_ = 	snop  }
0x90: {  	s2 =	sld [smem:$0x3FD0];
	(tm) =	ssettm $0x1  }
0x91: {  	s18 =	sld [smem:$0x3FFB];
	_ =	sdelay $0x3  }
0x92: {  	_ =	strace s18  }
0x93: {  	s3 =	sld [smem:$0x3FFC];
	_ =	sdelay $0x3  }
0x94: {  	_ =	strace s3  }
0x95: {  	s3 =	sld [smem:$0x3FFD];
	_ =	sdelay $0x3  }
0x96: {  	_ =	strace s3  }
0x97: {  	_ =	strace $0x8FFFFFFF  }
0x98: {  	s19 =	sld [smem:$0x3FDB];
	_ =	sdelay $0x1  }
0x99: {  	s4 =	simm.s32 $_scs_section_size  }
0x9a: {  	s5 =	simm.s32 $_size__tile_overlayer_lowered;
	s6 =	simm.s32 $_tile_overlayer_lowered  }
0x9b: {  	s22 =	simm.s32 $0x1BFF;
	s21 =	sshll.u32 s6, $0x1;
	s3 =	sadd.s32 s4, s19  }
0x9c: {  	s7 =	simm.s32 $0x0;
	s20 =	sshll.u32 s5, $0x1;
	s5 =	sadd.s32 s21, s3  }
0x9d: {  	[timem:s7], [sflag:s22] =	dma.local [hbm:s5], s20  }
0x9e: {  	_ =	swait.ge [sflag:s22], s20  }
0x9f: {  	s4 =	ssub.s32 $0x0, s20;
	[sflag:s22] =	ssyncset.done $0x0  }
0xa0: {  	[sflag:s22] =	ssyncadd.s32 s4;
	_ =	sdelay $0x1  }
0xa1: {  	s23 =	simm.s32 $0x1B8B  }
0xa2: {  	_ =	swait.ge [sflag:s23], $0x1  }
0xa3: {  	[sflag:s23] =	ssyncset.done $0x0  }
0xa4: {  	s25 =	simm.s32 $0x1B8E;
	s24 =	sld [smem:$0x3FFE];
	[sflag:s23] =	ssyncadd.s32 $0xFFFFFFFF  }
0xa5: {  	s26 =	simm.s32 $execute0_lowered;
	[smem:$0x3FD2] =	sst s25  }
0xa6: {  	s5 =	sshll.u32 s26, $0x1;
	_ =	strace $0x80000046;
	[dreg:$0x1] =	wrdreg $0xFFFFFFFF  }
0xa7: {  	s28 =	simm.s32 $_size_execute0_lowered;
	s3 =	sadd.s32 s3, s5;
	[dreg:$0x0] =	wrdreg $0x0  }
0xa8: {  	s5 =	sshll.u32 s28, $0x1;
	[dreg:$0x2] =	wrdreg s3  }
0xa9: {  	[dreg:$0x3] =	wrdreg s5  }
0xaa: {  	[dreg:$0x4] =	wrdreg $0xC0  }
0xab: {  	_ =	task [dreg:s7], $0x5FFFF  }
0xac: {  	[dreg:$0x1] =	wrdreg $0xFFFFFFFF  }
0xad: {  	[dreg:$0x0] =	wrdreg $0x60  }
0xae: {  	[dreg:$0x2] =	wrdreg s24  }
0xaf: {  	[dreg:$0x3] =	wrdreg s2  }
0xb0: {  	[dreg:$0x4] =	wrdreg $0x64000  }
0xb1: {  	[dreg:$0x5] =	wrdreg $0x9  }
0xb2: {  	_ =	task.clear_ibuf [dreg:s7], $0x6FFFF;
	_ =	strace $0x90000046  }
0xb3: {  	s29 =	simm.s32 $0x9;
	_ =	strace $0x80000048  }
0xb4: {  	_ =	swait.ge [sflag:s29], $0x1  }
0xb5: {  	[sflag:s29] =	ssyncadd.s32 $0xFFFFFFFF  }
0xb6: {  	_ =	strace $0x90000048  }
0xb7: {  	_ =	sfence  }
0xb8: {  	s30 =	sld [smem:$0x0];
	_ =	sdelay $0x2  }
0xb9: {  	s31 =	sshll.u32 s1, $0xD;
	s1 =	sshrl.u32 s1, $0x2  }
0xba: {  	s3 =	sand.u32 $0x4000, s31;
	s1 =	sadd.s32 s1, s30  }
0xbb: {  	s0 =	sor.u32 s3, s0;
	s1 =	sshll.u32 s1, $0x11  }
0xbc: {  	s0 =	sor.u32 s1, s0  }
0xbd: {  	s0 =	sadd.s32 $0x8F2B, s0  }
0xbe: {  	[sflag:s0] =	ssyncadd.remote.s32 $0x1  }
0xbf: {  	_ =	sfence.sel $0xFFFF  }
0xc0: {  	[dreg:$0x0] =	wrdreg $0xFFFFFFFF;
	(pc) =	sbr.abs _section_cstart, $3  }
0xc1: {  	[dreg:$0x1] =	wrdreg $0xFFFFFFFF  }
0xc2: {  	_ =	task.clear_ibuf [dreg:s7], $0x2FFFF;
	_ =	strace $0x9FFFFFFF  }
0xc3: {  	(tm) =	ssettm $0x7FFFFFFF  }
tec
execute0_lowered:
.L_overlay_start_1:
0x0: {  	(tag) =	ssettag $0x1  }
0x1: {  	s0 =	rddreg [dreg:$0x0]  }
0x2: {  	s1 =	rddreg [dreg:$0x2];
	s3 =	simm.s32 $0x0  }
0x3: {  	s2 =	srdreg.scid;
	s7 =	stileid.u32;
	s24 =	simm.s32 $0x1  }
0x4: {  	s25 =	simm.s32 $0x1400;
	s26 =	simm.s32 $0x0;
	s6 =	smul.u32 $0x280, s7  }
0x5: {  	s2 =	sand.u32 $0x1, s2;
	s4 =	sshll.u32 s7, $0x1;
	s7 =	smul.u32 $0xA000, s7  }
0x6: {  	[smem:$0x7FF] =	sst s3;
	s4 =	sor.u32 s2, s4;
	s5 =	smul.u32 $0x2800, s2  }
0x7: {  	_ =	strace $0x80000047;
	s2 =	ssub.s32 $0x2, s2;
	s4 =	smul.u32 $0x280, s4  }
0x8: {  	s8 =	sshrl.u32 s2, $0x1;
	s31 =	sshrl.u32 s7, $0x2;
	s5 =	sadd.s32 s6, s5  }
0x9: {  	s2 =	ssub.s32 s2, s8;
	s6 =	sadd.s32 s6, s1;
	s4 =	sadd.s32 s4, s0  }
0xa: {  	s5 =	sshrl.u32 s5, $0x3;
	s7 =	sadd.s32 $0x2800, s6;
	s8 =	sadd.s32 $0x5000, s6  }
0xb: {  	s9 =	sadd.s32 $0x7800, s6;
	s10 =	sadd.s32 $0xA000, s6;
	s11 =	sadd.s32 $0xC800, s6  }
0xc: {  	s12 =	sadd.s32 $0xF000, s6;
	s13 =	sadd.s32 $0x11800, s6;
	s14 =	sadd.s32 $0x14000, s6  }
0xd: {  	s15 =	sadd.s32 $0x16800, s6;
	s16 =	sadd.s32 $0x19000, s6;
	s17 =	sadd.s32 $0x1B800, s6  }
0xe: {  	s18 =	sadd.s32 $0x1E000, s6;
	s19 =	sadd.s32 $0x20800, s6;
	s20 =	sadd.s32 $0x23000, s6  }
0xf: {  	s21 =	sadd.s32 $0x25800, s6;
	s23 =	smax.u32 s2, $0x1;
	s2 =	simm.s32 $0x5F00  }
0x10: {  	s0 =	sadd.s32 s5, s0;
	s4 =	sadd.s32 $0x1200, s4;
	s5 =	sadd.s32 s31, s1  }
0x11: {  	v0 =	vimm.f32 $1.000000000e+00;
	s1 =	simm.s32 $0x6180;
	s22 =	sadd.s32 $0x6200, s0;
	s0 =	simm.s32 $0x5C80  }
.LBB2_1:
0x12: {  	[tilespmem:s3], [sflag:$0x1] =	stream.linear.gather [hbm4b:s4+s3], $0x1400, $0x38;
	[tilespmem:$0x8C00] =	vst v63  }
0x13: {  	_ =	swait.ge [sflag:s24], $0x1400  }
0x14: {  	[sflag:s24] =	ssyncset.done $0x0  }
0x15: {  	[sflag:s24] =	ssyncadd.s32 $0xFFFFEC00  }
0x16: {  	s28 =	rddreg [dreg:$0x1]  }
0x17: {  	[tilespmem:s25], [sflag:$0x1] =	stream.linear.gather [hbm4b:s28+s3], $0x2800, $0x38;
	[tilespmem:$0x8C00] =	vst v63  }
0x18: {  	_ =	swait.ge [sflag:s24], $0x2800  }
0x19: {  	[sflag:s24] =	ssyncset.done $0x0  }
0x1a: {  	s29 =	simm.s32 $0x0;
	s28 =	simm.s32 $0x40;
	[sflag:s24] =	ssyncadd.s32 $0xFFFFD800  }
.LBB2_2:
0x1b: {  	p0 =	sne.s32 s28, $0x4FC0;
	v1 =	vld [tilespmem:s29+$0x0];
	_ =	sdelay $0x3  }
.Ltmp0:
0x1c: {  	(pc) =	sbr.rel @p0 .LBB2_2-.Ltmp0, $2  }
0x1d: {  	_ =	sdelay $0x2  }
0x1e: {  	s29 =	sshra.s32 s28, $0x2;
	s28 =	sadd.s32 $0x40, s28;
	[tilespmem:v1+s25+$0x0] =	vst.idx.add.f32.msk $0xffff, v0  }
0x1f: {  	v1 =	vld [tilespmem:s29+$0x0];
	_ =	sdelay $0x7  }
0x20: {  	[tilespmem:v1+s25+$0x0] =	vst.idx.add.f32.msk $0xffff, v0  }
0x21: {  	[spmem:s5] =	stream.linear.scatter [tilespmem:s25], [sflag:$0x1], $0x2800, $0x38;
	[tilespmem:$0x8C00] =	vst v63  }
0x22: {  	_ =	swait.ge [sflag:s24], $0x2800  }
0x23: {  	[sflag:s24] =	ssyncset.done $0x0  }
0x24: {  	[sflag:s24] =	ssyncadd.s32 $0xFFFFD800  }
0x25: {  	s28 =	simm.s32 $0x3C00;
	[bflag:$0x0] =	sbarrier.arrive $0xFFFF  }
0x26: {  	[tilespmem:s28], [sflag:$0x1] =	stream.linear.gather [spmem:s6], $0x280, $0x38;
	[tilespmem:$0x8C00] =	vst v63  }
0x27: {  	_ =	swait.ge [sflag:s24], $0x280  }
0x28: {  	[sflag:s24] =	ssyncset.done $0x0  }
0x29: {  	s28 =	simm.s32 $0x3E80;
	[sflag:s24] =	ssyncadd.s32 $0xFFFFFD80  }
0x2a: {  	[tilespmem:s28], [sflag:$0x1] =	stream.linear.gather [spmem:s7], $0x280, $0x38;
	[tilespmem:$0x8C00] =	vst v63  }
0x2b: {  	_ =	swait.ge [sflag:s24], $0x280  }
0x2c: {  	[sflag:s24] =	ssyncset.done $0x0  }
0x2d: {  	s28 =	simm.s32 $0x4100;
	[sflag:s24] =	ssyncadd.s32 $0xFFFFFD80  }
0x2e: {  	[tilespmem:s28], [sflag:$0x1] =	stream.linear.gather [spmem:s8], $0x280, $0x38;
	[tilespmem:$0x8C00] =	vst v63  }
0x2f: {  	_ =	swait.ge [sflag:s24], $0x280  }
0x30: {  	[sflag:s24] =	ssyncset.done $0x0  }
0x31: {  	s28 =	simm.s32 $0x4380;
	[sflag:s24] =	ssyncadd.s32 $0xFFFFFD80  }
0x32: {  	[tilespmem:s28], [sflag:$0x1] =	stream.linear.gather [spmem:s9], $0x280, $0x38;
	[tilespmem:$0x8C00] =	vst v63  }
0x33: {  	_ =	swait.ge [sflag:s24], $0x280  }
0x34: {  	[sflag:s24] =	ssyncset.done $0x0  }
0x35: {  	s28 =	simm.s32 $0x4600;
	[sflag:s24] =	ssyncadd.s32 $0xFFFFFD80  }
0x36: {  	[tilespmem:s28], [sflag:$0x1] =	stream.linear.gather [spmem:s10], $0x280, $0x38;
	[tilespmem:$0x8C00] =	vst v63  }
0x37: {  	_ =	swait.ge [sflag:s24], $0x280  }
0x38: {  	[sflag:s24] =	ssyncset.done $0x0  }
0x39: {  	s28 =	simm.s32 $0x4880;
	[sflag:s24] =	ssyncadd.s32 $0xFFFFFD80  }
0x3a: {  	[tilespmem:s28], [sflag:$0x1] =	stream.linear.gather [spmem:s11], $0x280, $0x38;
	[tilespmem:$0x8C00] =	vst v63  }
0x3b: {  	_ =	swait.ge [sflag:s24], $0x280  }
0x3c: {  	[sflag:s24] =	ssyncset.done $0x0  }
0x3d: {  	s28 =	simm.s32 $0x4B00;
	[sflag:s24] =	ssyncadd.s32 $0xFFFFFD80  }
0x3e: {  	[tilespmem:s28], [sflag:$0x1] =	stream.linear.gather [spmem:s12], $0x280, $0x38;
	[tilespmem:$0x8C00] =	vst v63  }
0x3f: {  	_ =	swait.ge [sflag:s24], $0x280  }
0x40: {  	[sflag:s24] =	ssyncset.done $0x0  }
0x41: {  	s28 =	simm.s32 $0x4D80;
	[sflag:s24] =	ssyncadd.s32 $0xFFFFFD80  }
0x42: {  	[tilespmem:s28], [sflag:$0x1] =	stream.linear.gather [spmem:s13], $0x280, $0x38;
	[tilespmem:$0x8C00] =	vst v63  }
0x43: {  	_ =	swait.ge [sflag:s24], $0x280  }
0x44: {  	[sflag:s24] =	ssyncset.done $0x0  }
0x45: {  	s28 =	simm.s32 $0x5000;
	[sflag:s24] =	ssyncadd.s32 $0xFFFFFD80  }
0x46: {  	[tilespmem:s28], [sflag:$0x1] =	stream.linear.gather [spmem:s14], $0x280, $0x38;
	[tilespmem:$0x8C00] =	vst v63  }
0x47: {  	_ =	swait.ge [sflag:s24], $0x280  }
0x48: {  	[sflag:s24] =	ssyncset.done $0x0  }
0x49: {  	s28 =	simm.s32 $0x5280;
	[sflag:s24] =	ssyncadd.s32 $0xFFFFFD80  }
0x4a: {  	[tilespmem:s28], [sflag:$0x1] =	stream.linear.gather [spmem:s15], $0x280, $0x38;
	[tilespmem:$0x8C00] =	vst v63  }
0x4b: {  	_ =	swait.ge [sflag:s24], $0x280  }
0x4c: {  	[sflag:s24] =	ssyncset.done $0x0  }
0x4d: {  	s28 =	simm.s32 $0x5500;
	[sflag:s24] =	ssyncadd.s32 $0xFFFFFD80  }
0x4e: {  	[tilespmem:s28], [sflag:$0x1] =	stream.linear.gather [spmem:s16], $0x280, $0x38;
	[tilespmem:$0x8C00] =	vst v63  }
0x4f: {  	_ =	swait.ge [sflag:s24], $0x280  }
0x50: {  	[sflag:s24] =	ssyncset.done $0x0  }
0x51: {  	s28 =	simm.s32 $0x5780;
	[sflag:s24] =	ssyncadd.s32 $0xFFFFFD80  }
0x52: {  	[tilespmem:s28], [sflag:$0x1] =	stream.linear.gather [spmem:s17], $0x280, $0x38;
	[tilespmem:$0x8C00] =	vst v63  }
0x53: {  	_ =	swait.ge [sflag:s24], $0x280  }
0x54: {  	[sflag:s24] =	ssyncset.done $0x0  }
0x55: {  	s28 =	simm.s32 $0x5A00;
	[sflag:s24] =	ssyncadd.s32 $0xFFFFFD80  }
0x56: {  	[tilespmem:s28], [sflag:$0x1] =	stream.linear.gather [spmem:s18], $0x280, $0x38;
	[tilespmem:$0x8C00] =	vst v63  }
0x57: {  	_ =	swait.ge [sflag:s24], $0x280  }
0x58: {  	[sflag:s24] =	ssyncset.done $0x0  }
0x59: {  	[sflag:s24] =	ssyncadd.s32 $0xFFFFFD80  }
0x5a: {  	[tilespmem:s0], [sflag:$0x1] =	stream.linear.gather [spmem:s19], $0x280, $0x38;
	[tilespmem:$0x8C00] =	vst v63  }
0x5b: {  	_ =	swait.ge [sflag:s24], $0x280  }
0x5c: {  	[sflag:s24] =	ssyncset.done $0x0  }
0x5d: {  	[sflag:s24] =	ssyncadd.s32 $0xFFFFFD80  }
0x5e: {  	[tilespmem:s2], [sflag:$0x1] =	stream.linear.gather [spmem:s20], $0x280, $0x38;
	[tilespmem:$0x8C00] =	vst v63  }
0x5f: {  	_ =	swait.ge [sflag:s24], $0x280  }
0x60: {  	[sflag:s24] =	ssyncset.done $0x0  }
0x61: {  	[sflag:s24] =	ssyncadd.s32 $0xFFFFFD80  }
0x62: {  	[tilespmem:s1], [sflag:$0x1] =	stream.linear.gather [spmem:s21], $0x280, $0x38;
	[tilespmem:$0x8C00] =	vst v63  }
0x63: {  	_ =	swait.ge [sflag:s24], $0x280  }
0x64: {  	[sflag:s24] =	ssyncset.done $0x0  }
0x65: {  	s29 =	simm.s32 $0x0;
	[sflag:s24] =	ssyncadd.s32 $0xFFFFFD80  }
0x66: {  	v1 =	vld [tilespmem:s29+$0x3C00]  }
0x67: {  	v2 =	vld [tilespmem:s29+$0x3E80];
	_ =	sdelay $0x1  }
0x68: {  	v3 =	vld [tilespmem:s29+$0x4100];
	_ =	sdelay $0x1  }
0x69: {  	v4 =	vld [tilespmem:s29+$0x4380]  }
0x6a: {  	v1 =	vadd.f32 v2, v1  }
0x6b: {  	v2 =	vld [tilespmem:s29+$0x4600]  }
0x6c: {  	v1 =	vadd.f32 v3, v1  }
0x6d: {  	v3 =	vld [tilespmem:s29+$0x4880]  }
0x6e: {  	v1 =	vadd.f32 v4, v1  }
0x6f: {  	v4 =	vld [tilespmem:s29+$0x4B00]  }
0x70: {  	v1 =	vadd.f32 v2, v1  }
0x71: {  	v2 =	vld [tilespmem:s29+$0x4D80]  }
0x72: {  	s28 =	simm.s32 $0x10;
	v5 =	vld [tilespmem:s29+$0x5000];
	v1 =	vadd.f32 v3, v1  }
0x73: {  	v6 =	vld [tilespmem:s28+$0x3C00]  }
0x74: {  	v3 =	vld [tilespmem:s29+$0x5280];
	v1 =	vadd.f32 v4, v1  }
0x75: {  	v4 =	vld [tilespmem:s28+$0x3E80]  }
0x76: {  	v7 =	vld [tilespmem:s28+$0x4100];
	v1 =	vadd.f32 v2, v1  }
0x77: {  	v2 =	vld [tilespmem:s29+$0x5500]  }
0x78: {  	v8 =	vld [tilespmem:s28+$0x4380];
	v1 =	vadd.f32 v5, v1  }
0x79: {  	v5 =	vld [tilespmem:s29+$0x5780]  }
0x7a: {  	v4 =	vadd.f32 v4, v6;
	v6 =	vld [tilespmem:s28+$0x4600];
	v1 =	vadd.f32 v3, v1  }
0x7b: {  	v3 =	vld [tilespmem:s29+$0x5A00]  }
0x7c: {  	v4 =	vadd.f32 v7, v4;
	v7 =	vld [tilespmem:s28+$0x4880];
	v1 =	vadd.f32 v2, v1  }
0x7d: {  	v2 =	vld [tilespmem:s29+$0x5C80]  }
0x7e: {  	v9 =	vld [tilespmem:s28+$0x4B00];
	v4 =	vadd.f32 v8, v4;
	v1 =	vadd.f32 v5, v1  }
0x7f: {  	v8 =	vld [tilespmem:s29+$0x5F00]  }
0x80: {  	v5 =	vadd.f32 v6, v4;
	v4 =	vld [tilespmem:s28+$0x4D80];
	v6 =	vadd.f32 v3, v1  }
0x81: {  	v3 =	vld [tilespmem:s29+$0x6180]  }
0x82: {  	v1 =	vld [tilespmem:s28+$0x5280];
	v7 =	vadd.f32 v7, v5;
	v10 =	vadd.f32 v2, v6  }
0x83: {  	s30 =	simm.s32 $0x20;
	v5 =	vld [tilespmem:s28+$0x5000]  }
0x84: {  	s31 =	simm.s32 $0xC0;
	v2 =	vld [tilespmem:s30+$0x3C00];
	v6 =	vadd.f32 v9, v7;
	v7 =	vadd.f32 v8, v10  }
.LBB2_4:
0x85: {  	p0 =	sne.s32 s31, $0x9C0;
	v8 =	vld [tilespmem:s30+$0x3E80]  }
0x86: {  	v4 =	vadd.f32 v4, v6;
	v6 =	vld [tilespmem:s28+$0x5500];
	v3 =	vadd.f32 v3, v7  }
0x87: {  	v7 =	vld [tilespmem:s30+$0x4100]  }
0x88: {  	v4 =	vadd.f32 v5, v4;
	v5 =	vld [tilespmem:s28+$0x5780];
	[tilespmem:s29+$0x1400] =	vst v3;
	s29 =	smov.u32 s28;
	s28 =	smov.u32 s30  }
0x89: {  	v3 =	vld [tilespmem:s28+$0x4380]  }
0x8a: {  	v2 =	vadd.f32 v8, v2;
	v1 =	vadd.f32 v1, v4;
	v4 =	vld [tilespmem:s29+$0x5A00]  }
0x8b: {  	v8 =	vld [tilespmem:s28+$0x4600]  }
0x8c: {  	v2 =	vadd.f32 v7, v2;
	v1 =	vadd.f32 v6, v1;
	v6 =	vld [tilespmem:s29+$0x5C80]  }
0x8d: {  	v7 =	vld [tilespmem:s28+$0x4880]  }
0x8e: {  	v2 =	vadd.f32 v3, v2;
	v1 =	vadd.f32 v5, v1;
	v9 =	vld [tilespmem:s29+$0x5F00]  }
0x8f: {  	v10 =	vld [tilespmem:s28+$0x4B00]  }
.Ltmp1:
0x90: {  	v2 =	vadd.f32 v8, v2;
	v5 =	vadd.f32 v4, v1;
	v3 =	vld [tilespmem:s29+$0x6180];
	(pc) =	sbr.rel @p0 .LBB2_4-.Ltmp1, $4  }
0x91: {  	v4 =	vld [tilespmem:s28+$0x4D80]  }
0x92: {  	v7 =	vadd.f32 v7, v2;
	v1 =	vld [tilespmem:s28+$0x5280];
	v8 =	vadd.f32 v6, v5  }
0x93: {  	s30 =	sshra.s32 s31, $0x2;
	v5 =	vld [tilespmem:s28+$0x5000]  }
0x94: {  	s31 =	sadd.s32 $0x40, s31;
	v2 =	vld [tilespmem:s30+$0x3C00];
	v6 =	vadd.f32 v10, v7;
	v7 =	vadd.f32 v9, v8  }
0x95: {  	v8 =	vld [tilespmem:s30+$0x3E80]  }
0x96: {  	v9 =	vld [tilespmem:s28+$0x5500];
	v3 =	vadd.f32 v3, v7  }
0x97: {  	v52 =	vld [tilespmem:s30+$0x4100]  }
0x98: {  	v10 =	vld [tilespmem:s28+$0x5780];
	v4 =	vadd.f32 v4, v6;
	[tilespmem:s29+$0x1400] =	vst v3  }
0x99: {  	v3 =	vld [tilespmem:s30+$0x4380]  }
0x9a: {  	v4 =	vadd.f32 v5, v4;
	v2 =	vadd.f32 v8, v2  }
0x9b: {  	v53 =	vld [tilespmem:s30+$0x4600]  }
0x9c: {  	v54 =	vld [tilespmem:s28+$0x5A00];
	v1 =	vadd.f32 v1, v4;
	v2 =	vadd.f32 v52, v2  }
0x9d: {  	v55 =	vld [tilespmem:s30+$0x4880]  }
0x9e: {  	v56 =	vld [tilespmem:s28+$0x5C80];
	v1 =	vadd.f32 v9, v1;
	v2 =	vadd.f32 v3, v2  }
0x9f: {  	v3 =	vld [tilespmem:s30+$0x4B00]  }
0xa0: {  	v57 =	vld [tilespmem:s28+$0x5F00];
	v1 =	vadd.f32 v10, v1;
	v2 =	vadd.f32 v53, v2  }
0xa1: {  	v58 =	vld [tilespmem:s30+$0x4D80]  }
0xa2: {  	v59 =	vld [tilespmem:s28+$0x6180];
	v1 =	vadd.f32 v54, v1;
	v2 =	vadd.f32 v55, v2  }
0xa3: {  	v60 =	vld [tilespmem:s30+$0x5000]  }
0xa4: {  	v1 =	vadd.f32 v56, v1;
	v2 =	vadd.f32 v3, v2  }
0xa5: {  	v3 =	vld [tilespmem:s30+$0x5280]  }
0xa6: {  	v1 =	vadd.f32 v57, v1;
	v2 =	vadd.f32 v58, v2  }
0xa7: {  	v61 =	vld [tilespmem:s30+$0x5500]  }
0xa8: {  	v1 =	vadd.f32 v59, v1;
	v2 =	vadd.f32 v60, v2  }
0xa9: {  	v62 =	vld [tilespmem:s30+$0x5780]  }
0xaa: {  	[tilespmem:s28+$0x1400] =	vst v1;
	v1 =	vadd.f32 v3, v2  }
0xab: {  	v2 =	vld [tilespmem:s30+$0x5A00]  }
0xac: {  	v1 =	vadd.f32 v61, v1  }
0xad: {  	v3 =	vld [tilespmem:s30+$0x5C80]  }
0xae: {  	v1 =	vadd.f32 v62, v1  }
0xaf: {  	v63 =	vld [tilespmem:s30+$0x5F00]  }
0xb0: {  	v1 =	vadd.f32 v2, v1  }
0xb1: {  	v2 =	vld [tilespmem:s30+$0x6180]  }
0xb2: {  	v1 =	vadd.f32 v3, v1;
	_ =	sdelay $0x1  }
0xb3: {  	v1 =	vadd.f32 v63, v1;
	_ =	sdelay $0x1  }
0xb4: {  	s26 =	sadd.s32 $0x1, s26;
	v1 =	vadd.f32 v2, v1  }
0xb5: {  	p0 =	sne.s32 s26, s23  }
.Ltmp2:
0xb6: {  	[tilespmem:s30+$0x1400] =	vst v1;
	(pc) =	sbr.rel @p0 .LBB2_1-.Ltmp2, $4  }
0xb7: {  	[hbm4b:s22+s3] =	stream.linear.scatter [tilespmem:s25], [sflag:$0x1], $0x280, $0x38;
	[tilespmem:$0x8C00] =	vst v63  }
0xb8: {  	_ =	swait.ge [sflag:s24], $0x280  }
0xb9: {  	[sflag:s24] =	ssyncset.done $0x0  }
0xba: {  	[sflag:s24] =	ssyncadd.s32 $0xFFFFFD80  }
0xbb: {  	_ =	sfence.sel $0x180000  }
0xbc: {  	[bflag:$0x0] =	sbarrier.arrive $0xFFFF  }
0xbd: {  	_ =	strace $0x90000047  }
0xbe: {  	s0 =	stileid.u32;
	[bflag:$0x2] =	sbarrier.arrive $0xFFFF  }
0xbf: {  	p0 =	sne.s32 s0, $0x0;
	s0 =	rddreg [dreg:$0x3]  }
0xc0: {  	s0 =	sadd.s32 @!p0 $0x100000, s0  }
0xc1: {  	[sflag:s0] =	ssyncadd.tile.s32 @!p0 $0x1;
	_ =	shalt  }
.Lfunc_end2:
_tile_overlayer_lowered:
.L_overlay_start_2:
0xc2: {  	(tag) =	ssettag $0x2  }
0xc3: {  	s0 =	rddreg [dreg:$0x0];
	s2 =	stileid.u32  }
0xc4: {  	s1 =	rddreg [dreg:$0x1];
	p0 =	sne.s32 s2, $0x0  }
0xc5: {  	s3 =	rddreg [dreg:$0x2];
	[bflag:$0x3] =	sbarrier.arrive $0xFFFF;
	s2 =	simm.s32 @!p0 $0x1C01  }
0xc6: {  	[timem:s3], [sflag:s2] =	dma.local @!p0 [hbm:s0], s1  }
0xc7: {  	s0 =	simm.s32 @!p0 $0x1  }
0xc8: {  	_ =	swait.ge @!p0 [sflag:s0], s1  }
0xc9: {  	s1 =	ssub.s32 @!p0 $0x0, s1;
	[sflag:s0] =	ssyncset.done @!p0 $0x0  }
0xca: {  	[sflag:s0] =	ssyncadd.s32 @!p0 s1  }
0xcb: {  	[bflag:$0x3] =	sbarrier.arrive $0xFFFF  }
0xcc: {  	_ =	shalt  }

</sc_bundles>
